<compile_context>
chip_gen: v7x
topology: tpu7x:2x2x1
jax: 0.10.2.dev20260603
libtpu: 0.0.44.dev20260713+nightly
codegen_flags: <defaults>
</compile_context>

<pallas_src>
import jax
import jax.numpy as jnp
from jax import lax
from jax.experimental import pallas as pl
from jax.experimental.pallas import tpu as pltpu
from jax.experimental.pallas import tpu_sc as plsc

_K = 256
_R = 64
_N = 8192
_L = 16
_NV = _N // _L
_M31 = 0x7FFFFFFF


def _keys(b):
    return b ^ ((b >> 31) & _M31)


def _scan256(hist, rank):

    def ssb(i, carry):
        found, sbv, above_sel, above = carry
        sb = 15 - i
        t = hist[pl.ds(sb * 256, _L)]
        for j in range(1, _L):
            t = t + hist[pl.ds(sb * 256 + j * _L, _L)]
        s = jnp.sum(t)
        hit = (found == 0) & (above + s >= rank)
        sbv = jnp.where(hit, sb, sbv)
        above_sel = jnp.where(hit, above, above_sel)
        found = jnp.where(hit, jnp.int32(1), found)
        above = above + jnp.where(found == 0, s, 0)
        return found, sbv, above_sel, above

    z = jnp.int32(0)
    _, sbv, above_sel, _ = lax.fori_loop(0, 16, ssb, (z, z, z, z))

    def sj(i, carry):
        found, bv, cnt = carry
        b = sbv * _L + (15 - i)
        t = jnp.sum(hist[pl.ds(b * _L, _L)])
        hit = (found == 0) & (cnt + t >= rank)
        bv = jnp.where(hit, b, bv)
        found = jnp.where(hit, jnp.int32(1), found)
        cnt = cnt + jnp.where(found == 0, t, 0)
        return found, bv, cnt

    _, bv, cnt = lax.fori_loop(0, 16, sj, (z, z, above_sel))
    return bv, cnt


def _sc_body(x_hbm, o_hbm, krow0, krow1, orow0, orow1, hist, cc, ck2, cc2,
             sem0, sem1, sem2):
    wid = lax.axis_index("s") * 2 + lax.axis_index("c")
    lane = lax.iota(jnp.int32, _L)
    ones16 = jnp.ones((_L,), jnp.int32)
    zeros16 = jnp.zeros((_L,), jnp.int32)

    def zero_hist():
        def zh(i, c):
            hist[pl.ds(i * _L, _L)] = zeros16
            return c

        lax.fori_loop(0, 256, zh, 0, unroll=8)

    def process(krow, orow):
        zero_hist()

        @plsc.parallel_loop(0, _NV, unroll=8)
        def pa(v):
            k = _keys(plsc.bitcast(krow[pl.ds(v * _L, _L)], jnp.int32))
            krow[pl.ds(v * _L, _L)] = plsc.bitcast(k, jnp.float32)
            b8 = (k >> 24) + 128
            plsc.addupdate_scatter(hist, [b8 * _L + lane], ones16)

        bb, cnt_gt = _scan256(hist, _K)
        need = _K - cnt_gt
        zero_hist()

        @plsc.parallel_loop(0, _NV, unroll=4, carry=zeros16)
        def pe(v, off):
            k = plsc.bitcast(krow[pl.ds(v * _L, _L)], jnp.int32)
            b8 = (k >> 24) + 128
            orow[pl.ds(v * _L, _L)] = plsc.bitcast(
                jnp.where(b8 > bb, jnp.maximum(k, 0), 0), jnp.float32)
            meq = b8 == bb
            idx = off + plsc.cumsum(meq.astype(jnp.int32)) - 1
            plsc.store_scatter(cc, [idx], v * _L + lane, mask=meq)
            return off + plsc.all_reduce_population_count(meq)

        ncand = pe
        nv_c = (jnp.max(ncand) + _L - 1) // _L

        @plsc.parallel_loop(0, nv_c, unroll=4)
        def p25(i):
            cv = cc[pl.ds(i * _L, _L)]
            valid = (i * _L + lane) < ncand
            kv = plsc.bitcast(plsc.load_gather(krow, [cv], mask=valid),
                              jnp.int32)
            byte2 = (kv >> 16) & 0xFF
            plsc.addupdate_scatter(hist, [byte2 * _L + lane], ones16,
                                   mask=valid)

        b2, cnt_gt2 = _scan256(hist, need)
        need2 = need - cnt_gt2

        @plsc.parallel_loop(0, nv_c, unroll=4, carry=zeros16)
        def pl2(i, off2):
            cv = cc[pl.ds(i * _L, _L)]
            valid = (i * _L + lane) < ncand
            kv = plsc.bitcast(plsc.load_gather(krow, [cv], mask=valid),
                              jnp.int32)
            byte2 = (kv >> 16) & 0xFF
            plsc.store_scatter(orow, [cv],
                               plsc.bitcast(jnp.maximum(kv, 0),
                                            jnp.float32),
                               mask=(byte2 > b2) & valid)
            m2 = (byte2 == b2) & valid
            idx = off2 + plsc.cumsum(m2.astype(jnp.int32)) - 1
            plsc.store_scatter(ck2, [idx], kv, mask=m2)
            plsc.store_scatter(cc2, [idx], cv, mask=m2)
            return off2 + plsc.all_reduce_population_count(m2)

        ncand2 = pl2
        nv2 = (jnp.max(ncand2) + _L - 1) // _L

        def count_cmp(c, strict):
            def inner(i, acc):
                kv = ck2[pl.ds(i * _L, _L)]
                valid = (i * _L + lane) < ncand2
                m = ((kv > c) if strict else (kv >= c)) & valid
                return acc + m.astype(jnp.int32)

            return jnp.sum(lax.fori_loop(0, nv2, inner, zeros16))

        def pd(j, p):
            c = p | (jnp.int32(1) << (15 - j))
            return jnp.where(count_cmp(c, False) >= need2, c, p)

        tkey = lax.fori_loop(0, 16, pd, ((bb - 128) << 24) | (b2 << 16))
        n_eq = need2 - count_cmp(tkey, True)

        def pf(i, racc):
            kv = ck2[pl.ds(i * _L, _L)]
            cv = cc2[pl.ds(i * _L, _L)]
            valid = (i * _L + lane) < ncand2
            meq = (kv == tkey) & valid
            inc_eq = meq & ((racc + plsc.cumsum(meq.astype(jnp.int32)))
                            <= n_eq)
            mwin = ((kv > tkey) & valid) | inc_eq
            plsc.store_scatter(orow, [cv],
                               plsc.bitcast(jnp.maximum(kv, 0),
                                            jnp.float32), mask=mwin)
            return racc + plsc.all_reduce_population_count(meq)

        lax.fori_loop(0, nv2, pf, zeros16)

    row0 = wid * 2
    row1 = row0 + 1
    cp0 = pltpu.async_copy(x_hbm.at[row0], krow0, sem0)
    cp1 = pltpu.async_copy(x_hbm.at[row1], krow1, sem1)
    cp0.wait()
    process(krow0, orow0)
    co0 = pltpu.async_copy(orow0, o_hbm.at[row0], sem2)
    cp1.wait()
    process(krow1, orow1)
    co0.wait()
    pltpu.sync_copy(orow1, o_hbm.at[row1])


def _build():
    mesh = plsc.VectorSubcoreMesh(
        core_axis_name="c", subcore_axis_name="s",
        num_cores=2, num_subcores=16)
    return pl.kernel(
        _sc_body,
        out_type=jax.ShapeDtypeStruct((_R, _N), jnp.float32),
        mesh=mesh,
        scratch_types=[
            pltpu.VMEM((_N,), jnp.float32),
            pltpu.VMEM((_N,), jnp.float32),
            pltpu.VMEM((_N,), jnp.float32),
            pltpu.VMEM((_N,), jnp.float32),
            pltpu.VMEM((16 * 256,), jnp.int32),
            pltpu.VMEM((_N,), jnp.int32),
            pltpu.VMEM((_N,), jnp.int32),
            pltpu.VMEM((_N,), jnp.int32),
            pltpu.SemaphoreType.DMA,
            pltpu.SemaphoreType.DMA,
            pltpu.SemaphoreType.DMA,
        ],
        compiler_params=pltpu.CompilerParams(needs_layout_passes=False),
    )


@jax.jit
def kernel(x):
    return _build()(x)

# --- scband reference (transcript-rebuilt; emitter-appended) ---
"""Pipeline reference for scband-top-kactivation-64647847740070 (READ-ONLY COPY).

The authoritative reference and input builder live on the scoring server;
editing this copy changes nothing except your own understanding.
"""

import jax, jax.numpy as jnp
import numpy as np

K = 256

def setup_inputs(seed: int = 0) -> dict:
    key = jax.random.key(seed)
    x = jax.random.normal(key, (64, 8192), dtype=jnp.float32)
    return {"x": x}

def reference(x):
    # topk over last dim
    topk_vals, topk_inds = jax.lax.top_k(x, K)
    # scatter relu(topk_vals) into zeros along last dim
    rows = jnp.arange(x.shape[0])[:, None]
    hard = jnp.zeros_like(x).at[rows, topk_inds].set(jax.nn.relu(topk_vals))
    # straight-through estimator: hard + (x - stop_gradient(x))
    return hard + (x - jax.lax.stop_gradient(x))

if __name__ == "__main__":
    import jax
    _d = setup_inputs()
    print(jax.jit(kernel)(*tuple(_d.values())))

</pallas_src>

<mosaic_0001>
#map = affine_map<(d0, d1) -> (0, 0)>
module attributes {stable_mosaic.version = 14 : i64} {
  func.func @_sc_body(%arg0: i32, %arg1: i32, %arg2: memref<64x8192xf32, #tpu.memory_space<hbm>>, %arg3: memref<64x8192xf32, #tpu.memory_space<hbm>>, %arg4: memref<8192xf32, #tpu.memory_space<vmem>>, %arg5: memref<8192xf32, #tpu.memory_space<vmem>>, %arg6: memref<8192xf32, #tpu.memory_space<vmem>>, %arg7: memref<8192xf32, #tpu.memory_space<vmem>>, %arg8: memref<4096xi32, #tpu.memory_space<vmem>>, %arg9: memref<8192xi32, #tpu.memory_space<vmem>>, %arg10: memref<8192xi32, #tpu.memory_space<vmem>>, %arg11: memref<8192xi32, #tpu.memory_space<vmem>>, %arg12: memref<!tpu.dma_semaphore, #tpu.memory_space<semaphore_mem>>, %arg13: memref<!tpu.dma_semaphore, #tpu.memory_space<semaphore_mem>>, %arg14: memref<!tpu.dma_semaphore, #tpu.memory_space<semaphore_mem>>) attributes {dimension_semantics = [#tpu.dimension_semantics<core_parallel>, #tpu.dimension_semantics<subcore_parallel>], iteration_bounds = array<i64: 2, 16>, scalar_prefetch = 0 : i64, scratch_operands = 11 : i64, tpu.core_type = #tpu.core_type<sc_vector_subcore>, window_params = [{transform_indices = #map}, {transform_indices = #map}]} {
    %mul3A = arith.constant 2 : i32
    %mul3A_0 = arith.muli %arg1, %mul3A : i32
    %add3A = arith.addi %mul3A_0, %arg0 : i32
    %iota3A = tpu.iota {dimensions = array<i32: 0>} : vector<16xi32>
    %broadcast_in_dim3A = arith.constant 1 : i32
    %broadcast_in_dim3A_1 = vector.broadcast %broadcast_in_dim3A : i32 to vector<16xi32>
    %broadcast_in_dim3A_2 = arith.constant 0 : i32
    %broadcast_in_dim3A_3 = vector.broadcast %broadcast_in_dim3A_2 : i32 to vector<16xi32>
    %mul3A_4 = arith.constant 2 : i32
    %mul3A_5 = arith.muli %add3A, %mul3A_4 : i32
    %add3A_6 = arith.constant 1 : i32
    %add3A_7 = arith.addi %mul3A_5, %add3A_6 : i32
    %dma_start3A = arith.constant 0 : i32
    %dma_start3A_8 = tpu.memref_slice %arg2[%mul3A_5, %dma_start3A] : memref<64x8192xf32, #tpu.memory_space<hbm>> -> memref<1x8192xf32, #tpu.memory_space<hbm>>
    %dma_start3A_9 = tpu.memref_squeeze %dma_start3A_8 : memref<1x8192xf32, #tpu.memory_space<hbm>> -> memref<8192xf32, #tpu.memory_space<hbm>>
    %dma_start3A_10 = arith.constant 0 : i32
    %dma_start3A_11 = tpu.memref_slice %arg2[%mul3A_5, %dma_start3A_10] : memref<64x8192xf32, #tpu.memory_space<hbm>> -> memref<1x8192xf32, #tpu.memory_space<hbm>>
    %dma_start3A_12 = tpu.memref_squeeze %dma_start3A_11 : memref<1x8192xf32, #tpu.memory_space<hbm>> -> memref<8192xf32, #tpu.memory_space<hbm>>
    tpu.enqueue_dma source(%dma_start3A_12 : memref<8192xf32, #tpu.memory_space<hbm>>) target(%arg4 : memref<8192xf32, #tpu.memory_space<vmem>>) target_semaphore(%arg12 : memref<!tpu.dma_semaphore, #tpu.memory_space<semaphore_mem>>)
    %dma_start3A_13 = arith.constant 0 : i32
    %dma_start3A_14 = tpu.memref_slice %arg2[%add3A_7, %dma_start3A_13] : memref<64x8192xf32, #tpu.memory_space<hbm>> -> memref<1x8192xf32, #tpu.memory_space<hbm>>
    %dma_start3A_15 = tpu.memref_squeeze %dma_start3A_14 : memref<1x8192xf32, #tpu.memory_space<hbm>> -> memref<8192xf32, #tpu.memory_space<hbm>>
    %dma_start3A_16 = arith.constant 0 : i32
    %dma_start3A_17 = tpu.memref_slice %arg2[%add3A_7, %dma_start3A_16] : memref<64x8192xf32, #tpu.memory_space<hbm>> -> memref<1x8192xf32, #tpu.memory_space<hbm>>
    %dma_start3A_18 = tpu.memref_squeeze %dma_start3A_17 : memref<1x8192xf32, #tpu.memory_space<hbm>> -> memref<8192xf32, #tpu.memory_space<hbm>>
    tpu.enqueue_dma source(%dma_start3A_18 : memref<8192xf32, #tpu.memory_space<hbm>>) target(%arg5 : memref<8192xf32, #tpu.memory_space<vmem>>) target_semaphore(%arg13 : memref<!tpu.dma_semaphore, #tpu.memory_space<semaphore_mem>>)
    %dma_wait3A = arith.constant 0 : i32
    %dma_wait3A_19 = tpu.memref_slice %arg2[%mul3A_5, %dma_wait3A] : memref<64x8192xf32, #tpu.memory_space<hbm>> -> memref<1x8192xf32, #tpu.memory_space<hbm>>
    %dma_wait3A_20 = tpu.memref_squeeze %dma_wait3A_19 : memref<1x8192xf32, #tpu.memory_space<hbm>> -> memref<8192xf32, #tpu.memory_space<hbm>>
    %dma_wait3A_21 = arith.constant 0 : i32
    %dma_wait3A_22 = tpu.memref_slice %arg2[%mul3A_5, %dma_wait3A_21] : memref<64x8192xf32, #tpu.memory_space<hbm>> -> memref<1x8192xf32, #tpu.memory_space<hbm>>
    %dma_wait3A_23 = tpu.memref_squeeze %dma_wait3A_22 : memref<1x8192xf32, #tpu.memory_space<hbm>> -> memref<8192xf32, #tpu.memory_space<hbm>>
    tpu.wait_dma2 semaphore(%arg12 : memref<!tpu.dma_semaphore, #tpu.memory_space<semaphore_mem>>) src(%dma_wait3A_23 : memref<8192xf32, #tpu.memory_space<hbm>>) dst(%arg4 : memref<8192xf32, #tpu.memory_space<vmem>>)
    %scan3A = arith.constant 0 : i32
    %scan3A_24 = arith.constant 0 : i32
    %scan3A_25 = arith.constant 256 : i32
    %scan3A_26 = arith.addi %scan3A_24, %scan3A_25 : i32
    %scan3A_27 = arith.constant 8 : i32
    scf.for %scan3A_377 = %scan3A_24 to %scan3A_26 step %scan3A_27  : i32 {
      %mul3A_378 = arith.constant 16 : i32
      %mul3A_379 = arith.muli %scan3A_377, %mul3A_378 : i32
      %swap3A = arith.index_cast %mul3A_379 : i32 to index
      %swap3A_380 = tpu.vector_load %arg8[%swap3A] {strides = array<i32>} : memref<4096xi32, #tpu.memory_space<vmem>>, vector<16xi32>,
      tpu.vector_store %arg8[%swap3A], %broadcast_in_dim3A_3 {strides = array<i32>} : memref<4096xi32, #tpu.memory_space<vmem>>, vector<16xi32>,
      %scan3A_381 = arith.constant 1 : i32
      %scan3A_382 = arith.addi %scan3A_377, %scan3A_381 : i32
      %mul3A_383 = arith.constant 16 : i32
      %mul3A_384 = arith.muli %scan3A_382, %mul3A_383 : i32
      %swap3A_385 = arith.index_cast %mul3A_384 : i32 to index
      %swap3A_386 = tpu.vector_load %arg8[%swap3A_385] {strides = array<i32>} : memref<4096xi32, #tpu.memory_space<vmem>>, vector<16xi32>,
      tpu.vector_store %arg8[%swap3A_385], %broadcast_in_dim3A_3 {strides = array<i32>} : memref<4096xi32, #tpu.memory_space<vmem>>, vector<16xi32>,
      %scan3A_387 = arith.constant 2 : i32
      %scan3A_388 = arith.addi %scan3A_377, %scan3A_387 : i32
      %mul3A_389 = arith.constant 16 : i32
      %mul3A_390 = arith.muli %scan3A_388, %mul3A_389 : i32
      %swap3A_391 = arith.index_cast %mul3A_390 : i32 to index
      %swap3A_392 = tpu.vector_load %arg8[%swap3A_391] {strides = array<i32>} : memref<4096xi32, #tpu.memory_space<vmem>>, vector<16xi32>,
      tpu.vector_store %arg8[%swap3A_391], %broadcast_in_dim3A_3 {strides = array<i32>} : memref<4096xi32, #tpu.memory_space<vmem>>, vector<16xi32>,
      %scan3A_393 = arith.constant 3 : i32
      %scan3A_394 = arith.addi %scan3A_377, %scan3A_393 : i32
      %mul3A_395 = arith.constant 16 : i32
      %mul3A_396 = arith.muli %scan3A_394, %mul3A_395 : i32
      %swap3A_397 = arith.index_cast %mul3A_396 : i32 to index
      %swap3A_398 = tpu.vector_load %arg8[%swap3A_397] {strides = array<i32>} : memref<4096xi32, #tpu.memory_space<vmem>>, vector<16xi32>,
      tpu.vector_store %arg8[%swap3A_397], %broadcast_in_dim3A_3 {strides = array<i32>} : memref<4096xi32, #tpu.memory_space<vmem>>, vector<16xi32>,
      %scan3A_399 = arith.constant 4 : i32
      %scan3A_400 = arith.addi %scan3A_377, %scan3A_399 : i32
      %mul3A_401 = arith.constant 16 : i32
      %mul3A_402 = arith.muli %scan3A_400, %mul3A_401 : i32
      %swap3A_403 = arith.index_cast %mul3A_402 : i32 to index
      %swap3A_404 = tpu.vector_load %arg8[%swap3A_403] {strides = array<i32>} : memref<4096xi32, #tpu.memory_space<vmem>>, vector<16xi32>,
      tpu.vector_store %arg8[%swap3A_403], %broadcast_in_dim3A_3 {strides = array<i32>} : memref<4096xi32, #tpu.memory_space<vmem>>, vector<16xi32>,
      %scan3A_405 = arith.constant 5 : i32
      %scan3A_406 = arith.addi %scan3A_377, %scan3A_405 : i32
      %mul3A_407 = arith.constant 16 : i32
      %mul3A_408 = arith.muli %scan3A_406, %mul3A_407 : i32
      %swap3A_409 = arith.index_cast %mul3A_408 : i32 to index
      %swap3A_410 = tpu.vector_load %arg8[%swap3A_409] {strides = array<i32>} : memref<4096xi32, #tpu.memory_space<vmem>>, vector<16xi32>,
      tpu.vector_store %arg8[%swap3A_409], %broadcast_in_dim3A_3 {strides = array<i32>} : memref<4096xi32, #tpu.memory_space<vmem>>, vector<16xi32>,
      %scan3A_411 = arith.constant 6 : i32
      %scan3A_412 = arith.addi %scan3A_377, %scan3A_411 : i32
      %mul3A_413 = arith.constant 16 : i32
      %mul3A_414 = arith.muli %scan3A_412, %mul3A_413 : i32
      %swap3A_415 = arith.index_cast %mul3A_414 : i32 to index
      %swap3A_416 = tpu.vector_load %arg8[%swap3A_415] {strides = array<i32>} : memref<4096xi32, #tpu.memory_space<vmem>>, vector<16xi32>,
      tpu.vector_store %arg8[%swap3A_415], %broadcast_in_dim3A_3 {strides = array<i32>} : memref<4096xi32, #tpu.memory_space<vmem>>, vector<16xi32>,
      %scan3A_417 = arith.constant 7 : i32
      %scan3A_418 = arith.addi %scan3A_377, %scan3A_417 : i32
      %mul3A_419 = arith.constant 16 : i32
      %mul3A_420 = arith.muli %scan3A_418, %mul3A_419 : i32
      %swap3A_421 = arith.index_cast %mul3A_420 : i32 to index
      %swap3A_422 = tpu.vector_load %arg8[%swap3A_421] {strides = array<i32>} : memref<4096xi32, #tpu.memory_space<vmem>>, vector<16xi32>,
      tpu.vector_store %arg8[%swap3A_421], %broadcast_in_dim3A_3 {strides = array<i32>} : memref<4096xi32, #tpu.memory_space<vmem>>, vector<16xi32>,
    }
    %scan3A_28 = arith.constant 256 : i32
    %parallel_loop3A = arith.constant 0 : i32
    %parallel_loop3A_29 = arith.constant 512 : i32
    %parallel_loop3A_30 = arith.constant 1 : i32
    scf.for %parallel_loop3A_377 = %parallel_loop3A to %parallel_loop3A_29 step %parallel_loop3A_30  : i32 {
      %parallel_loop3A_378 = arith.constant 16 : i32
      %parallel_loop3A_379 = arith.muli %parallel_loop3A_377, %parallel_loop3A_378 : i32
      %parallel_loop3A_380 = arith.index_cast %parallel_loop3A_379 : i32 to index
      %parallel_loop3A_381 = tpu.vector_load %arg4[%parallel_loop3A_380] {strides = array<i32>} : memref<8192xf32, #tpu.memory_space<vmem>>, vector<16xf32>,
      %parallel_loop3A_382 = vector.bitcast %parallel_loop3A_381 : vector<16xf32> to vector<16xi32>
      %parallel_loop3A_383 = arith.constant 31 : i32
      %parallel_loop3A_384 = vector.broadcast %parallel_loop3A_383 : i32 to vector<16xi32>
      %parallel_loop3A_385 = arith.shrsi %parallel_loop3A_382, %parallel_loop3A_384 : vector<16xi32>
      %parallel_loop3A_386 = arith.constant 2147483647 : i32
      %parallel_loop3A_387 = vector.broadcast %parallel_loop3A_386 : i32 to vector<16xi32>
      %parallel_loop3A_388 = arith.andi %parallel_loop3A_385, %parallel_loop3A_387 : vector<16xi32>
      %parallel_loop3A_389 = arith.xori %parallel_loop3A_382, %parallel_loop3A_388 : vector<16xi32>
      %parallel_loop3A_390 = vector.bitcast %parallel_loop3A_389 : vector<16xi32> to vector<16xf32>
      %parallel_loop3A_391 = arith.constant 16 : i32
      %parallel_loop3A_392 = arith.muli %parallel_loop3A_377, %parallel_loop3A_391 : i32
      %parallel_loop3A_393 = arith.index_cast %parallel_loop3A_392 : i32 to index
      %parallel_loop3A_394 = tpu.vector_load %arg4[%parallel_loop3A_393] {strides = array<i32>} : memref<8192xf32, #tpu.memory_space<vmem>>, vector<16xf32>,
      tpu.vector_store %arg4[%parallel_loop3A_393], %parallel_loop3A_390 {strides = array<i32>} : memref<8192xf32, #tpu.memory_space<vmem>>, vector<16xf32>,
      %parallel_loop3A_395 = arith.constant 24 : i32
      %parallel_loop3A_396 = vector.broadcast %parallel_loop3A_395 : i32 to vector<16xi32>
      %parallel_loop3A_397 = arith.shrsi %parallel_loop3A_389, %parallel_loop3A_396 : vector<16xi32>
      %parallel_loop3A_398 = arith.constant 128 : i32
      %parallel_loop3A_399 = vector.broadcast %parallel_loop3A_398 : i32 to vector<16xi32>
      %parallel_loop3A_400 = arith.addi %parallel_loop3A_397, %parallel_loop3A_399 : vector<16xi32>
      %parallel_loop3A_401 = arith.constant 16 : i32
      %parallel_loop3A_402 = vector.broadcast %parallel_loop3A_401 : i32 to vector<16xi32>
      %parallel_loop3A_403 = arith.muli %parallel_loop3A_400, %parallel_loop3A_402 : vector<16xi32>
      %parallel_loop3A_404 = arith.addi %parallel_loop3A_403, %iota3A : vector<16xi32>
      tpu.vector_store_idx %arg8[%parallel_loop3A_404], %broadcast_in_dim3A_1 {add = true} : memref<4096xi32, #tpu.memory_space<vmem>>[vector<16xi32>], vector<16xi32>,
    } {sc.loop_unroll_factor = 8 : i64, sc.parallel_access}
    %scan3A_31 = arith.constant 0 : i32
    %scan3A_32 = arith.constant 0 : i32
    %scan3A_33 = arith.constant 0 : i32
    %scan3A_34 = arith.constant 0 : i32
    %scan3A_35 = arith.constant 0 : i32
    %scan3A_36 = arith.constant 16 : i32
    %scan3A_37 = arith.addi %scan3A_35, %scan3A_36 : i32
    %scan3A_38 = arith.constant 1 : i32
    %scan3A_39:4 = scf.for %scan3A_377 = %scan3A_35 to %scan3A_37 step %scan3A_38 iter_args(%scan3A_378 = %scan3A_31, %scan3A_379 = %scan3A_32, %scan3A_380 = %scan3A_33, %scan3A_381 = %scan3A_34) -> (i32, i32, i32, i32)  : i32 {
      %sub3A_382 = arith.constant 15 : i32
      %sub3A_383 = arith.subi %sub3A_382, %scan3A_377 : i32
      %mul3A_384 = arith.constant 256 : i32
      %mul3A_385 = arith.muli %sub3A_383, %mul3A_384 : i32
      %get3A = arith.index_cast %mul3A_385 : i32 to index
      %get3A_386 = tpu.vector_load %arg8[%get3A] {strides = array<i32>} : memref<4096xi32, #tpu.memory_space<vmem>>, vector<16xi32>,
      %mul3A_387 = arith.constant 256 : i32
      %mul3A_388 = arith.muli %sub3A_383, %mul3A_387 : i32
      %add3A_389 = arith.constant 16 : i32
      %add3A_390 = arith.addi %mul3A_388, %add3A_389 : i32
      %get3A_391 = arith.index_cast %add3A_390 : i32 to index
      %get3A_392 = tpu.vector_load %arg8[%get3A_391] {strides = array<i32>} : memref<4096xi32, #tpu.memory_space<vmem>>, vector<16xi32>,
      %add3A_393 = arith.addi %get3A_386, %get3A_392 : vector<16xi32>
      %mul3A_394 = arith.constant 256 : i32
      %mul3A_395 = arith.muli %sub3A_383, %mul3A_394 : i32
      %add3A_396 = arith.constant 32 : i32
      %add3A_397 = arith.addi %mul3A_395, %add3A_396 : i32
      %get3A_398 = arith.index_cast %add3A_397 : i32 to index
      %get3A_399 = tpu.vector_load %arg8[%get3A_398] {strides = array<i32>} : memref<4096xi32, #tpu.memory_space<vmem>>, vector<16xi32>,
      %add3A_400 = arith.addi %add3A_393, %get3A_399 : vector<16xi32>
      %mul3A_401 = arith.constant 256 : i32
      %mul3A_402 = arith.muli %sub3A_383, %mul3A_401 : i32
      %add3A_403 = arith.constant 48 : i32
      %add3A_404 = arith.addi %mul3A_402, %add3A_403 : i32
      %get3A_405 = arith.index_cast %add3A_404 : i32 to index
      %get3A_406 = tpu.vector_load %arg8[%get3A_405] {strides = array<i32>} : memref<4096xi32, #tpu.memory_space<vmem>>, vector<16xi32>,
      %add3A_407 = arith.addi %add3A_400, %get3A_406 : vector<16xi32>
      %mul3A_408 = arith.constant 256 : i32
      %mul3A_409 = arith.muli %sub3A_383, %mul3A_408 : i32
      %add3A_410 = arith.constant 64 : i32
      %add3A_411 = arith.addi %mul3A_409, %add3A_410 : i32
      %get3A_412 = arith.index_cast %add3A_411 : i32 to index
      %get3A_413 = tpu.vector_load %arg8[%get3A_412] {strides = array<i32>} : memref<4096xi32, #tpu.memory_space<vmem>>, vector<16xi32>,
      %add3A_414 = arith.addi %add3A_407, %get3A_413 : vector<16xi32>
      %mul3A_415 = arith.constant 256 : i32
      %mul3A_416 = arith.muli %sub3A_383, %mul3A_415 : i32
      %add3A_417 = arith.constant 80 : i32
      %add3A_418 = arith.addi %mul3A_416, %add3A_417 : i32
      %get3A_419 = arith.index_cast %add3A_418 : i32 to index
      %get3A_420 = tpu.vector_load %arg8[%get3A_419] {strides = array<i32>} : memref<4096xi32, #tpu.memory_space<vmem>>, vector<16xi32>,
      %add3A_421 = arith.addi %add3A_414, %get3A_420 : vector<16xi32>
      %mul3A_422 = arith.constant 256 : i32
      %mul3A_423 = arith.muli %sub3A_383, %mul3A_422 : i32
      %add3A_424 = arith.constant 96 : i32
      %add3A_425 = arith.addi %mul3A_423, %add3A_424 : i32
      %get3A_426 = arith.index_cast %add3A_425 : i32 to index
      %get3A_427 = tpu.vector_load %arg8[%get3A_426] {strides = array<i32>} : memref<4096xi32, #tpu.memory_space<vmem>>, vector<16xi32>,
      %add3A_428 = arith.addi %add3A_421, %get3A_427 : vector<16xi32>
      %mul3A_429 = arith.constant 256 : i32
      %mul3A_430 = arith.muli %sub3A_383, %mul3A_429 : i32
      %add3A_431 = arith.constant 112 : i32
      %add3A_432 = arith.addi %mul3A_430, %add3A_431 : i32
      %get3A_433 = arith.index_cast %add3A_432 : i32 to index
      %get3A_434 = tpu.vector_load %arg8[%get3A_433] {strides = array<i32>} : memref<4096xi32, #tpu.memory_space<vmem>>, vector<16xi32>,
      %add3A_435 = arith.addi %add3A_428, %get3A_434 : vector<16xi32>
      %mul3A_436 = arith.constant 256 : i32
      %mul3A_437 = arith.muli %sub3A_383, %mul3A_436 : i32
      %add3A_438 = arith.constant 128 : i32
      %add3A_439 = arith.addi %mul3A_437, %add3A_438 : i32
      %get3A_440 = arith.index_cast %add3A_439 : i32 to index
      %get3A_441 = tpu.vector_load %arg8[%get3A_440] {strides = array<i32>} : memref<4096xi32, #tpu.memory_space<vmem>>, vector<16xi32>,
      %add3A_442 = arith.addi %add3A_435, %get3A_441 : vector<16xi32>
      %mul3A_443 = arith.constant 256 : i32
      %mul3A_444 = arith.muli %sub3A_383, %mul3A_443 : i32
      %add3A_445 = arith.constant 144 : i32
      %add3A_446 = arith.addi %mul3A_444, %add3A_445 : i32
      %get3A_447 = arith.index_cast %add3A_446 : i32 to index
      %get3A_448 = tpu.vector_load %arg8[%get3A_447] {strides = array<i32>} : memref<4096xi32, #tpu.memory_space<vmem>>, vector<16xi32>,
      %add3A_449 = arith.addi %add3A_442, %get3A_448 : vector<16xi32>
      %mul3A_450 = arith.constant 256 : i32
      %mul3A_451 = arith.muli %sub3A_383, %mul3A_450 : i32
      %add3A_452 = arith.constant 160 : i32
      %add3A_453 = arith.addi %mul3A_451, %add3A_452 : i32
      %get3A_454 = arith.index_cast %add3A_453 : i32 to index
      %get3A_455 = tpu.vector_load %arg8[%get3A_454] {strides = array<i32>} : memref<4096xi32, #tpu.memory_space<vmem>>, vector<16xi32>,
      %add3A_456 = arith.addi %add3A_449, %get3A_455 : vector<16xi32>
      %mul3A_457 = arith.constant 256 : i32
      %mul3A_458 = arith.muli %sub3A_383, %mul3A_457 : i32
      %add3A_459 = arith.constant 176 : i32
      %add3A_460 = arith.addi %mul3A_458, %add3A_459 : i32
      %get3A_461 = arith.index_cast %add3A_460 : i32 to index
      %get3A_462 = tpu.vector_load %arg8[%get3A_461] {strides = array<i32>} : memref<4096xi32, #tpu.memory_space<vmem>>, vector<16xi32>,
      %add3A_463 = arith.addi %add3A_456, %get3A_462 : vector<16xi32>
      %mul3A_464 = arith.constant 256 : i32
      %mul3A_465 = arith.muli %sub3A_383, %mul3A_464 : i32
      %add3A_466 = arith.constant 192 : i32
      %add3A_467 = arith.addi %mul3A_465, %add3A_466 : i32
      %get3A_468 = arith.index_cast %add3A_467 : i32 to index
      %get3A_469 = tpu.vector_load %arg8[%get3A_468] {strides = array<i32>} : memref<4096xi32, #tpu.memory_space<vmem>>, vector<16xi32>,
      %add3A_470 = arith.addi %add3A_463, %get3A_469 : vector<16xi32>
      %mul3A_471 = arith.constant 256 : i32
      %mul3A_472 = arith.muli %sub3A_383, %mul3A_471 : i32
      %add3A_473 = arith.constant 208 : i32
      %add3A_474 = arith.addi %mul3A_472, %add3A_473 : i32
      %get3A_475 = arith.index_cast %add3A_474 : i32 to index
      %get3A_476 = tpu.vector_load %arg8[%get3A_475] {strides = array<i32>} : memref<4096xi32, #tpu.memory_space<vmem>>, vector<16xi32>,
      %add3A_477 = arith.addi %add3A_470, %get3A_476 : vector<16xi32>
      %mul3A_478 = arith.constant 256 : i32
      %mul3A_479 = arith.muli %sub3A_383, %mul3A_478 : i32
      %add3A_480 = arith.constant 224 : i32
      %add3A_481 = arith.addi %mul3A_479, %add3A_480 : i32
      %get3A_482 = arith.index_cast %add3A_481 : i32 to index
      %get3A_483 = tpu.vector_load %arg8[%get3A_482] {strides = array<i32>} : memref<4096xi32, #tpu.memory_space<vmem>>, vector<16xi32>,
      %add3A_484 = arith.addi %add3A_477, %get3A_483 : vector<16xi32>
      %mul3A_485 = arith.constant 256 : i32
      %mul3A_486 = arith.muli %sub3A_383, %mul3A_485 : i32
      %add3A_487 = arith.constant 240 : i32
      %add3A_488 = arith.addi %mul3A_486, %add3A_487 : i32
      %get3A_489 = arith.index_cast %add3A_488 : i32 to index
      %get3A_490 = tpu.vector_load %arg8[%get3A_489] {strides = array<i32>} : memref<4096xi32, #tpu.memory_space<vmem>>, vector<16xi32>,
      %add3A_491 = arith.addi %add3A_484, %get3A_490 : vector<16xi32>
      %reduce_sum3A_492 = arith.constant true
      %reduce_sum3A_493 = vector.broadcast %reduce_sum3A_492 : i1 to vector<16xi1>
      %reduce_sum3A_494 = tpu.scan <sum>, %add3A_491 masked %reduce_sum3A_493 : vector<16xi32>, vector<16xi1> -> vector<16xi32>
      %reduce_sum3A_495 = vector.extract %reduce_sum3A_494[15] : i32 from vector<16xi32>
      %eq3A = arith.constant 0 : i32
      %eq3A_496 = arith.cmpi eq, %scan3A_378, %eq3A : i32
      %add3A_497 = arith.addi %scan3A_381, %reduce_sum3A_495 : i32
      %ge3A = arith.constant 256 : i32
      %ge3A_498 = arith.cmpi sge, %add3A_497, %ge3A : i32
      %and3A_499 = arith.andi %eq3A_496, %ge3A_498 : i1
      %select_n3A_500 = arith.select %and3A_499, %sub3A_383, %scan3A_379 : i32
      %select_n3A_501 = arith.select %and3A_499, %scan3A_381, %scan3A_380 : i32
      %jit3A_502 = arith.constant 1 : i32
      %select_n3A_503 = arith.select %and3A_499, %jit3A_502, %scan3A_378 : i32
      %eq3A_504 = arith.constant 0 : i32
      %eq3A_505 = arith.cmpi eq, %select_n3A_503, %eq3A_504 : i32
      %jit3A_506 = arith.constant 0 : i32
      %select_n3A_507 = arith.select %eq3A_505, %reduce_sum3A_495, %jit3A_506 : i32
      %add3A_508 = arith.addi %scan3A_381, %select_n3A_507 : i32
      scf.yield %select_n3A_503, %select_n3A_500, %select_n3A_501, %add3A_508 : i32, i32, i32, i32
    }
    %scan3A_40 = arith.constant 16 : i32
    %scan3A_41 = arith.constant 0 : i32
    %scan3A_42 = arith.constant 0 : i32
    %scan3A_43 = arith.constant 0 : i32
    %scan3A_44 = arith.constant 16 : i32
    %scan3A_45 = arith.addi %scan3A_43, %scan3A_44 : i32
    %scan3A_46 = arith.constant 1 : i32
    %scan3A_47:3 = scf.for %scan3A_377 = %scan3A_43 to %scan3A_45 step %scan3A_46 iter_args(%scan3A_378 = %scan3A_41, %scan3A_379 = %scan3A_42, %scan3A_380 = %scan3A_39#2) -> (i32, i32, i32)  : i32 {
      %mul3A_381 = arith.constant 16 : i32
      %mul3A_382 = arith.muli %scan3A_39#1, %mul3A_381 : i32
      %sub3A_383 = arith.constant 15 : i32
      %sub3A_384 = arith.subi %sub3A_383, %scan3A_377 : i32
      %add3A_385 = arith.addi %mul3A_382, %sub3A_384 : i32
      %mul3A_386 = arith.constant 16 : i32
      %mul3A_387 = arith.muli %add3A_385, %mul3A_386 : i32
      %get3A = arith.index_cast %mul3A_387 : i32 to index
      %get3A_388 = tpu.vector_load %arg8[%get3A] {strides = array<i32>} : memref<4096xi32, #tpu.memory_space<vmem>>, vector<16xi32>,
      %reduce_sum3A_389 = arith.constant true
      %reduce_sum3A_390 = vector.broadcast %reduce_sum3A_389 : i1 to vector<16xi1>
      %reduce_sum3A_391 = tpu.scan <sum>, %get3A_388 masked %reduce_sum3A_390 : vector<16xi32>, vector<16xi1> -> vector<16xi32>
      %reduce_sum3A_392 = vector.extract %reduce_sum3A_391[15] : i32 from vector<16xi32>
      %eq3A = arith.constant 0 : i32
      %eq3A_393 = arith.cmpi eq, %scan3A_378, %eq3A : i32
      %add3A_394 = arith.addi %scan3A_380, %reduce_sum3A_392 : i32
      %ge3A = arith.constant 256 : i32
      %ge3A_395 = arith.cmpi sge, %add3A_394, %ge3A : i32
      %and3A_396 = arith.andi %eq3A_393, %ge3A_395 : i1
      %select_n3A_397 = arith.select %and3A_396, %add3A_385, %scan3A_379 : i32
      %jit3A_398 = arith.constant 1 : i32
      %select_n3A_399 = arith.select %and3A_396, %jit3A_398, %scan3A_378 : i32
      %eq3A_400 = arith.constant 0 : i32
      %eq3A_401 = arith.cmpi eq, %select_n3A_399, %eq3A_400 : i32
      %jit3A_402 = arith.constant 0 : i32
      %select_n3A_403 = arith.select %eq3A_401, %reduce_sum3A_392, %jit3A_402 : i32
      %add3A_404 = arith.addi %scan3A_380, %select_n3A_403 : i32
      scf.yield %select_n3A_399, %select_n3A_397, %add3A_404 : i32, i32, i32
    }
    %scan3A_48 = arith.constant 16 : i32
    %sub3A = arith.constant 256 : i32
    %sub3A_49 = arith.subi %sub3A, %scan3A_47#2 : i32
    %scan3A_50 = arith.constant 0 : i32
    %scan3A_51 = arith.constant 0 : i32
    %scan3A_52 = arith.constant 256 : i32
    %scan3A_53 = arith.addi %scan3A_51, %scan3A_52 : i32
    %scan3A_54 = arith.constant 8 : i32
    scf.for %scan3A_377 = %scan3A_51 to %scan3A_53 step %scan3A_54  : i32 {
      %mul3A_378 = arith.constant 16 : i32
      %mul3A_379 = arith.muli %scan3A_377, %mul3A_378 : i32
      %swap3A = arith.index_cast %mul3A_379 : i32 to index
      %swap3A_380 = tpu.vector_load %arg8[%swap3A] {strides = array<i32>} : memref<4096xi32, #tpu.memory_space<vmem>>, vector<16xi32>,
      tpu.vector_store %arg8[%swap3A], %broadcast_in_dim3A_3 {strides = array<i32>} : memref<4096xi32, #tpu.memory_space<vmem>>, vector<16xi32>,
      %scan3A_381 = arith.constant 1 : i32
      %scan3A_382 = arith.addi %scan3A_377, %scan3A_381 : i32
      %mul3A_383 = arith.constant 16 : i32
      %mul3A_384 = arith.muli %scan3A_382, %mul3A_383 : i32
      %swap3A_385 = arith.index_cast %mul3A_384 : i32 to index
      %swap3A_386 = tpu.vector_load %arg8[%swap3A_385] {strides = array<i32>} : memref<4096xi32, #tpu.memory_space<vmem>>, vector<16xi32>,
      tpu.vector_store %arg8[%swap3A_385], %broadcast_in_dim3A_3 {strides = array<i32>} : memref<4096xi32, #tpu.memory_space<vmem>>, vector<16xi32>,
      %scan3A_387 = arith.constant 2 : i32
      %scan3A_388 = arith.addi %scan3A_377, %scan3A_387 : i32
      %mul3A_389 = arith.constant 16 : i32
      %mul3A_390 = arith.muli %scan3A_388, %mul3A_389 : i32
      %swap3A_391 = arith.index_cast %mul3A_390 : i32 to index
      %swap3A_392 = tpu.vector_load %arg8[%swap3A_391] {strides = array<i32>} : memref<4096xi32, #tpu.memory_space<vmem>>, vector<16xi32>,
      tpu.vector_store %arg8[%swap3A_391], %broadcast_in_dim3A_3 {strides = array<i32>} : memref<4096xi32, #tpu.memory_space<vmem>>, vector<16xi32>,
      %scan3A_393 = arith.constant 3 : i32
      %scan3A_394 = arith.addi %scan3A_377, %scan3A_393 : i32
      %mul3A_395 = arith.constant 16 : i32
      %mul3A_396 = arith.muli %scan3A_394, %mul3A_395 : i32
      %swap3A_397 = arith.index_cast %mul3A_396 : i32 to index
      %swap3A_398 = tpu.vector_load %arg8[%swap3A_397] {strides = array<i32>} : memref<4096xi32, #tpu.memory_space<vmem>>, vector<16xi32>,
      tpu.vector_store %arg8[%swap3A_397], %broadcast_in_dim3A_3 {strides = array<i32>} : memref<4096xi32, #tpu.memory_space<vmem>>, vector<16xi32>,
      %scan3A_399 = arith.constant 4 : i32
      %scan3A_400 = arith.addi %scan3A_377, %scan3A_399 : i32
      %mul3A_401 = arith.constant 16 : i32
      %mul3A_402 = arith.muli %scan3A_400, %mul3A_401 : i32
      %swap3A_403 = arith.index_cast %mul3A_402 : i32 to index
      %swap3A_404 = tpu.vector_load %arg8[%swap3A_403] {strides = array<i32>} : memref<4096xi32, #tpu.memory_space<vmem>>, vector<16xi32>,
      tpu.vector_store %arg8[%swap3A_403], %broadcast_in_dim3A_3 {strides = array<i32>} : memref<4096xi32, #tpu.memory_space<vmem>>, vector<16xi32>,
      %scan3A_405 = arith.constant 5 : i32
      %scan3A_406 = arith.addi %scan3A_377, %scan3A_405 : i32
      %mul3A_407 = arith.constant 16 : i32
      %mul3A_408 = arith.muli %scan3A_406, %mul3A_407 : i32
      %swap3A_409 = arith.index_cast %mul3A_408 : i32 to index
      %swap3A_410 = tpu.vector_load %arg8[%swap3A_409] {strides = array<i32>} : memref<4096xi32, #tpu.memory_space<vmem>>, vector<16xi32>,
      tpu.vector_store %arg8[%swap3A_409], %broadcast_in_dim3A_3 {strides = array<i32>} : memref<4096xi32, #tpu.memory_space<vmem>>, vector<16xi32>,
      %scan3A_411 = arith.constant 6 : i32
      %scan3A_412 = arith.addi %scan3A_377, %scan3A_411 : i32
      %mul3A_413 = arith.constant 16 : i32
      %mul3A_414 = arith.muli %scan3A_412, %mul3A_413 : i32
      %swap3A_415 = arith.index_cast %mul3A_414 : i32 to index
      %swap3A_416 = tpu.vector_load %arg8[%swap3A_415] {strides = array<i32>} : memref<4096xi32, #tpu.memory_space<vmem>>, vector<16xi32>,
      tpu.vector_store %arg8[%swap3A_415], %broadcast_in_dim3A_3 {strides = array<i32>} : memref<4096xi32, #tpu.memory_space<vmem>>, vector<16xi32>,
      %scan3A_417 = arith.constant 7 : i32
      %scan3A_418 = arith.addi %scan3A_377, %scan3A_417 : i32
      %mul3A_419 = arith.constant 16 : i32
      %mul3A_420 = arith.muli %scan3A_418, %mul3A_419 : i32
      %swap3A_421 = arith.index_cast %mul3A_420 : i32 to index
      %swap3A_422 = tpu.vector_load %arg8[%swap3A_421] {strides = array<i32>} : memref<4096xi32, #tpu.memory_space<vmem>>, vector<16xi32>,
      tpu.vector_store %arg8[%swap3A_421], %broadcast_in_dim3A_3 {strides = array<i32>} : memref<4096xi32, #tpu.memory_space<vmem>>, vector<16xi32>,
    }
    %scan3A_55 = arith.constant 256 : i32
    %parallel_loop3A_56 = arith.constant 0 : i32
    %parallel_loop3A_57 = arith.constant 512 : i32
    %parallel_loop3A_58 = arith.constant 1 : i32
    %parallel_loop3A_59 = scf.for %parallel_loop3A_377 = %parallel_loop3A_56 to %parallel_loop3A_57 step %parallel_loop3A_58 iter_args(%parallel_loop3A_378 = %broadcast_in_dim3A_3) -> (vector<16xi32>)  : i32 {
      %parallel_loop3A_379 = arith.constant 16 : i32
      %parallel_loop3A_380 = arith.muli %parallel_loop3A_377, %parallel_loop3A_379 : i32
      %parallel_loop3A_381 = arith.index_cast %parallel_loop3A_380 : i32 to index
      %parallel_loop3A_382 = tpu.vector_load %arg4[%parallel_loop3A_381] {strides = array<i32>} : memref<8192xf32, #tpu.memory_space<vmem>>, vector<16xf32>,
      %parallel_loop3A_383 = vector.bitcast %parallel_loop3A_382 : vector<16xf32> to vector<16xi32>
      %parallel_loop3A_384 = arith.constant 24 : i32
      %parallel_loop3A_385 = vector.broadcast %parallel_loop3A_384 : i32 to vector<16xi32>
      %parallel_loop3A_386 = arith.shrsi %parallel_loop3A_383, %parallel_loop3A_385 : vector<16xi32>
      %parallel_loop3A_387 = arith.constant 128 : i32
      %parallel_loop3A_388 = vector.broadcast %parallel_loop3A_387 : i32 to vector<16xi32>
      %parallel_loop3A_389 = arith.addi %parallel_loop3A_386, %parallel_loop3A_388 : vector<16xi32>
      %parallel_loop3A_390 = vector.broadcast %scan3A_47#1 : i32 to vector<16xi32>
      %parallel_loop3A_391 = arith.cmpi sgt, %parallel_loop3A_389, %parallel_loop3A_390 : vector<16xi32>
      %parallel_loop3A_392 = arith.constant 0 : i32
      %parallel_loop3A_393 = vector.broadcast %parallel_loop3A_392 : i32 to vector<16xi32>
      %parallel_loop3A_394 = arith.maxsi %parallel_loop3A_383, %parallel_loop3A_393 : vector<16xi32>
      %parallel_loop3A_395 = arith.constant 0 : i32
      %parallel_loop3A_396 = vector.broadcast %parallel_loop3A_395 : i32 to vector<16xi32>
      %parallel_loop3A_397 = arith.select %parallel_loop3A_391, %parallel_loop3A_394, %parallel_loop3A_396 : vector<16xi1>, vector<16xi32>
      %parallel_loop3A_398 = vector.bitcast %parallel_loop3A_397 : vector<16xi32> to vector<16xf32>
      %parallel_loop3A_399 = arith.constant 16 : i32
      %parallel_loop3A_400 = arith.muli %parallel_loop3A_377, %parallel_loop3A_399 : i32
      %parallel_loop3A_401 = arith.index_cast %parallel_loop3A_400 : i32 to index
      %parallel_loop3A_402 = tpu.vector_load %arg6[%parallel_loop3A_401] {strides = array<i32>} : memref<8192xf32, #tpu.memory_space<vmem>>, vector<16xf32>,
      tpu.vector_store %arg6[%parallel_loop3A_401], %parallel_loop3A_398 {strides = array<i32>} : memref<8192xf32, #tpu.memory_space<vmem>>, vector<16xf32>,
      %parallel_loop3A_403 = vector.broadcast %scan3A_47#1 : i32 to vector<16xi32>
      %parallel_loop3A_404 = arith.cmpi eq, %parallel_loop3A_389, %parallel_loop3A_403 : vector<16xi32>
      %parallel_loop3A_405 = arith.extui %parallel_loop3A_404 : vector<16xi1> to vector<16xi32>
      %parallel_loop3A_406 = arith.constant true
      %parallel_loop3A_407 = vector.broadcast %parallel_loop3A_406 : i1 to vector<16xi1>
      %parallel_loop3A_408 = tpu.scan <sum>, %parallel_loop3A_405 masked %parallel_loop3A_407 : vector<16xi32>, vector<16xi1> -> vector<16xi32>
      %parallel_loop3A_409 = arith.addi %parallel_loop3A_378, %parallel_loop3A_408 : vector<16xi32>
      %parallel_loop3A_410 = arith.constant 1 : i32
      %parallel_loop3A_411 = vector.broadcast %parallel_loop3A_410 : i32 to vector<16xi32>
      %parallel_loop3A_412 = arith.subi %parallel_loop3A_409, %parallel_loop3A_411 : vector<16xi32>
      %parallel_loop3A_413 = arith.constant 16 : i32
      %parallel_loop3A_414 = arith.muli %parallel_loop3A_377, %parallel_loop3A_413 : i32
      %parallel_loop3A_415 = vector.broadcast %parallel_loop3A_414 : i32 to vector<16xi32>
      %parallel_loop3A_416 = arith.addi %parallel_loop3A_415, %iota3A : vector<16xi32>
      tpu.vector_store_idx %arg9[%parallel_loop3A_412], %parallel_loop3A_416 masked %parallel_loop3A_404 : memref<8192xi32, #tpu.memory_space<vmem>>[vector<16xi32>], vector<16xi32>, vector<16xi1>
      %parallel_loop3A_417 = tpu.all_reduce %parallel_loop3A_404 {dim = 0 : i64, kind = #tpu.reduction_kind<sum>} : vector<16xi1> -> vector<16xi32>
      %parallel_loop3A_418 = arith.addi %parallel_loop3A_378, %parallel_loop3A_417 : vector<16xi32>
      scf.yield %parallel_loop3A_418 : vector<16xi32>
    } {sc.loop_unroll_factor = 4 : i64, sc.parallel_access}
    %reduce_max3A = arith.constant true
    %reduce_max3A_60 = vector.broadcast %reduce_max3A : i1 to vector<16xi1>
    %reduce_max3A_61 = arith.constant -2147483648 : i32
    %reduce_max3A_62 = vector.broadcast %reduce_max3A_61 : i32 to vector<16xi32>
    %reduce_max3A_63 = arith.xori %parallel_loop3A_59, %reduce_max3A_62 : vector<16xi32>
    %reduce_max3A_64 = tpu.scan <max>, %reduce_max3A_63 masked %reduce_max3A_60 : vector<16xi32>, vector<16xi1> -> vector<16xi32>
    %reduce_max3A_65 = arith.xori %reduce_max3A_64, %reduce_max3A_62 : vector<16xi32>
    %reduce_max3A_66 = vector.extract %reduce_max3A_65[15] : i32 from vector<16xi32>
    %add3A_67 = arith.constant 16 : i32
    %add3A_68 = arith.addi %reduce_max3A_66, %add3A_67 : i32
    %sub3A_69 = arith.constant 1 : i32
    %sub3A_70 = arith.subi %add3A_68, %sub3A_69 : i32
    %jit3A = arith.constant 16 : i32
    %div3A = arith.divsi %sub3A_70, %jit3A : i32
    %sign3A = arith.constant 0 : i32
    %sign3A_71 = arith.cmpi sgt, %sub3A_70, %sign3A : i32
    %sign3A_72 = arith.extui %sign3A_71 : i1 to i32
    %sign3A_73 = arith.constant 0 : i32
    %sign3A_74 = arith.cmpi slt, %sub3A_70, %sign3A_73 : i32
    %sign3A_75 = arith.extui %sign3A_74 : i1 to i32
    %sign3A_76 = arith.subi %sign3A_72, %sign3A_75 : i32
    %sign3A_77 = arith.constant 0 : i32
    %sign3A_78 = arith.cmpi sgt, %jit3A, %sign3A_77 : i32
    %sign3A_79 = arith.extui %sign3A_78 : i1 to i32
    %sign3A_80 = arith.constant 0 : i32
    %sign3A_81 = arith.cmpi slt, %jit3A, %sign3A_80 : i32
    %sign3A_82 = arith.extui %sign3A_81 : i1 to i32
    %sign3A_83 = arith.subi %sign3A_79, %sign3A_82 : i32
    %ne3A = arith.cmpi ne, %sign3A_76, %sign3A_83 : i32
    %rem3A = arith.remsi %sub3A_70, %jit3A : i32
    %ne3A_84 = arith.constant 0 : i32
    %ne3A_85 = arith.cmpi ne, %rem3A, %ne3A_84 : i32
    %and3A = arith.andi %ne3A, %ne3A_85 : i1
    %sub3A_86 = arith.constant 1 : i32
    %sub3A_87 = arith.subi %div3A, %sub3A_86 : i32
    %select_n3A = arith.select %and3A, %sub3A_87, %div3A : i32
    %parallel_loop3A_88 = arith.constant 0 : i32
    %parallel_loop3A_89 = arith.constant 1 : i32
    scf.for %parallel_loop3A_377 = %parallel_loop3A_88 to %select_n3A step %parallel_loop3A_89  : i32 {
      %parallel_loop3A_378 = arith.constant 16 : i32
      %parallel_loop3A_379 = arith.muli %parallel_loop3A_377, %parallel_loop3A_378 : i32
      %parallel_loop3A_380 = arith.index_cast %parallel_loop3A_379 : i32 to index
      %parallel_loop3A_381 = tpu.vector_load %arg9[%parallel_loop3A_380] {strides = array<i32>} : memref<8192xi32, #tpu.memory_space<vmem>>, vector<16xi32>,
      %parallel_loop3A_382 = arith.constant 16 : i32
      %parallel_loop3A_383 = arith.muli %parallel_loop3A_377, %parallel_loop3A_382 : i32
      %parallel_loop3A_384 = vector.broadcast %parallel_loop3A_383 : i32 to vector<16xi32>
      %parallel_loop3A_385 = arith.addi %parallel_loop3A_384, %iota3A : vector<16xi32>
      %parallel_loop3A_386 = arith.cmpi slt, %parallel_loop3A_385, %parallel_loop3A_59 : vector<16xi32>
      %parallel_loop3A_387 = tpu.vector_load_idx %arg4[%parallel_loop3A_381] masked %parallel_loop3A_386 : memref<8192xf32, #tpu.memory_space<vmem>>[vector<16xi32>], vector<16xf32>, vector<16xi1>
      %parallel_loop3A_388 = vector.bitcast %parallel_loop3A_387 : vector<16xf32> to vector<16xi32>
      %parallel_loop3A_389 = arith.constant 16 : i32
      %parallel_loop3A_390 = vector.broadcast %parallel_loop3A_389 : i32 to vector<16xi32>
      %parallel_loop3A_391 = arith.shrsi %parallel_loop3A_388, %parallel_loop3A_390 : vector<16xi32>
      %parallel_loop3A_392 = arith.constant 255 : i32
      %parallel_loop3A_393 = vector.broadcast %parallel_loop3A_392 : i32 to vector<16xi32>
      %parallel_loop3A_394 = arith.andi %parallel_loop3A_391, %parallel_loop3A_393 : vector<16xi32>
      %parallel_loop3A_395 = arith.constant 16 : i32
      %parallel_loop3A_396 = vector.broadcast %parallel_loop3A_395 : i32 to vector<16xi32>
      %parallel_loop3A_397 = arith.muli %parallel_loop3A_394, %parallel_loop3A_396 : vector<16xi32>
      %parallel_loop3A_398 = arith.addi %parallel_loop3A_397, %iota3A : vector<16xi32>
      tpu.vector_store_idx %arg8[%parallel_loop3A_398], %broadcast_in_dim3A_1 masked %parallel_loop3A_386 {add = true} : memref<4096xi32, #tpu.memory_space<vmem>>[vector<16xi32>], vector<16xi32>, vector<16xi1>
    } {sc.loop_unroll_factor = 4 : i64, sc.parallel_access}
    %scan3A_90 = arith.constant 0 : i32
    %scan3A_91 = arith.constant 0 : i32
    %scan3A_92 = arith.constant 0 : i32
    %scan3A_93 = arith.constant 0 : i32
    %scan3A_94 = arith.constant 0 : i32
    %scan3A_95 = arith.constant 16 : i32
    %scan3A_96 = arith.addi %scan3A_94, %scan3A_95 : i32
    %scan3A_97 = arith.constant 1 : i32
    %scan3A_98:4 = scf.for %scan3A_377 = %scan3A_94 to %scan3A_96 step %scan3A_97 iter_args(%scan3A_378 = %scan3A_90, %scan3A_379 = %scan3A_91, %scan3A_380 = %scan3A_92, %scan3A_381 = %scan3A_93) -> (i32, i32, i32, i32)  : i32 {
      %sub3A_382 = arith.constant 15 : i32
      %sub3A_383 = arith.subi %sub3A_382, %scan3A_377 : i32
      %mul3A_384 = arith.constant 256 : i32
      %mul3A_385 = arith.muli %sub3A_383, %mul3A_384 : i32
      %get3A = arith.index_cast %mul3A_385 : i32 to index
      %get3A_386 = tpu.vector_load %arg8[%get3A] {strides = array<i32>} : memref<4096xi32, #tpu.memory_space<vmem>>, vector<16xi32>,
      %mul3A_387 = arith.constant 256 : i32
      %mul3A_388 = arith.muli %sub3A_383, %mul3A_387 : i32
      %add3A_389 = arith.constant 16 : i32
      %add3A_390 = arith.addi %mul3A_388, %add3A_389 : i32
      %get3A_391 = arith.index_cast %add3A_390 : i32 to index
      %get3A_392 = tpu.vector_load %arg8[%get3A_391] {strides = array<i32>} : memref<4096xi32, #tpu.memory_space<vmem>>, vector<16xi32>,
      %add3A_393 = arith.addi %get3A_386, %get3A_392 : vector<16xi32>
      %mul3A_394 = arith.constant 256 : i32
      %mul3A_395 = arith.muli %sub3A_383, %mul3A_394 : i32
      %add3A_396 = arith.constant 32 : i32
      %add3A_397 = arith.addi %mul3A_395, %add3A_396 : i32
      %get3A_398 = arith.index_cast %add3A_397 : i32 to index
      %get3A_399 = tpu.vector_load %arg8[%get3A_398] {strides = array<i32>} : memref<4096xi32, #tpu.memory_space<vmem>>, vector<16xi32>,
      %add3A_400 = arith.addi %add3A_393, %get3A_399 : vector<16xi32>
      %mul3A_401 = arith.constant 256 : i32
      %mul3A_402 = arith.muli %sub3A_383, %mul3A_401 : i32
      %add3A_403 = arith.constant 48 : i32
      %add3A_404 = arith.addi %mul3A_402, %add3A_403 : i32
      %get3A_405 = arith.index_cast %add3A_404 : i32 to index
      %get3A_406 = tpu.vector_load %arg8[%get3A_405] {strides = array<i32>} : memref<4096xi32, #tpu.memory_space<vmem>>, vector<16xi32>,
      %add3A_407 = arith.addi %add3A_400, %get3A_406 : vector<16xi32>
      %mul3A_408 = arith.constant 256 : i32
      %mul3A_409 = arith.muli %sub3A_383, %mul3A_408 : i32
      %add3A_410 = arith.constant 64 : i32
      %add3A_411 = arith.addi %mul3A_409, %add3A_410 : i32
      %get3A_412 = arith.index_cast %add3A_411 : i32 to index
      %get3A_413 = tpu.vector_load %arg8[%get3A_412] {strides = array<i32>} : memref<4096xi32, #tpu.memory_space<vmem>>, vector<16xi32>,
      %add3A_414 = arith.addi %add3A_407, %get3A_413 : vector<16xi32>
      %mul3A_415 = arith.constant 256 : i32
      %mul3A_416 = arith.muli %sub3A_383, %mul3A_415 : i32
      %add3A_417 = arith.constant 80 : i32
      %add3A_418 = arith.addi %mul3A_416, %add3A_417 : i32
      %get3A_419 = arith.index_cast %add3A_418 : i32 to index
      %get3A_420 = tpu.vector_load %arg8[%get3A_419] {strides = array<i32>} : memref<4096xi32, #tpu.memory_space<vmem>>, vector<16xi32>,
      %add3A_421 = arith.addi %add3A_414, %get3A_420 : vector<16xi32>
      %mul3A_422 = arith.constant 256 : i32
      %mul3A_423 = arith.muli %sub3A_383, %mul3A_422 : i32
      %add3A_424 = arith.constant 96 : i32
      %add3A_425 = arith.addi %mul3A_423, %add3A_424 : i32
      %get3A_426 = arith.index_cast %add3A_425 : i32 to index
      %get3A_427 = tpu.vector_load %arg8[%get3A_426] {strides = array<i32>} : memref<4096xi32, #tpu.memory_space<vmem>>, vector<16xi32>,
      %add3A_428 = arith.addi %add3A_421, %get3A_427 : vector<16xi32>
      %mul3A_429 = arith.constant 256 : i32
      %mul3A_430 = arith.muli %sub3A_383, %mul3A_429 : i32
      %add3A_431 = arith.constant 112 : i32
      %add3A_432 = arith.addi %mul3A_430, %add3A_431 : i32
      %get3A_433 = arith.index_cast %add3A_432 : i32 to index
      %get3A_434 = tpu.vector_load %arg8[%get3A_433] {strides = array<i32>} : memref<4096xi32, #tpu.memory_space<vmem>>, vector<16xi32>,
      %add3A_435 = arith.addi %add3A_428, %get3A_434 : vector<16xi32>
      %mul3A_436 = arith.constant 256 : i32
      %mul3A_437 = arith.muli %sub3A_383, %mul3A_436 : i32
      %add3A_438 = arith.constant 128 : i32
      %add3A_439 = arith.addi %mul3A_437, %add3A_438 : i32
      %get3A_440 = arith.index_cast %add3A_439 : i32 to index
      %get3A_441 = tpu.vector_load %arg8[%get3A_440] {strides = array<i32>} : memref<4096xi32, #tpu.memory_space<vmem>>, vector<16xi32>,
      %add3A_442 = arith.addi %add3A_435, %get3A_441 : vector<16xi32>
      %mul3A_443 = arith.constant 256 : i32
      %mul3A_444 = arith.muli %sub3A_383, %mul3A_443 : i32
      %add3A_445 = arith.constant 144 : i32
      %add3A_446 = arith.addi %mul3A_444, %add3A_445 : i32
      %get3A_447 = arith.index_cast %add3A_446 : i32 to index
      %get3A_448 = tpu.vector_load %arg8[%get3A_447] {strides = array<i32>} : memref<4096xi32, #tpu.memory_space<vmem>>, vector<16xi32>,
      %add3A_449 = arith.addi %add3A_442, %get3A_448 : vector<16xi32>
      %mul3A_450 = arith.constant 256 : i32
      %mul3A_451 = arith.muli %sub3A_383, %mul3A_450 : i32
      %add3A_452 = arith.constant 160 : i32
      %add3A_453 = arith.addi %mul3A_451, %add3A_452 : i32
      %get3A_454 = arith.index_cast %add3A_453 : i32 to index
      %get3A_455 = tpu.vector_load %arg8[%get3A_454] {strides = array<i32>} : memref<4096xi32, #tpu.memory_space<vmem>>, vector<16xi32>,
      %add3A_456 = arith.addi %add3A_449, %get3A_455 : vector<16xi32>
      %mul3A_457 = arith.constant 256 : i32
      %mul3A_458 = arith.muli %sub3A_383, %mul3A_457 : i32
      %add3A_459 = arith.constant 176 : i32
      %add3A_460 = arith.addi %mul3A_458, %add3A_459 : i32
      %get3A_461 = arith.index_cast %add3A_460 : i32 to index
      %get3A_462 = tpu.vector_load %arg8[%get3A_461] {strides = array<i32>} : memref<4096xi32, #tpu.memory_space<vmem>>, vector<16xi32>,
      %add3A_463 = arith.addi %add3A_456, %get3A_462 : vector<16xi32>
      %mul3A_464 = arith.constant 256 : i32
      %mul3A_465 = arith.muli %sub3A_383, %mul3A_464 : i32
      %add3A_466 = arith.constant 192 : i32
      %add3A_467 = arith.addi %mul3A_465, %add3A_466 : i32
      %get3A_468 = arith.index_cast %add3A_467 : i32 to index
      %get3A_469 = tpu.vector_load %arg8[%get3A_468] {strides = array<i32>} : memref<4096xi32, #tpu.memory_space<vmem>>, vector<16xi32>,
      %add3A_470 = arith.addi %add3A_463, %get3A_469 : vector<16xi32>
      %mul3A_471 = arith.constant 256 : i32
      %mul3A_472 = arith.muli %sub3A_383, %mul3A_471 : i32
      %add3A_473 = arith.constant 208 : i32
      %add3A_474 = arith.addi %mul3A_472, %add3A_473 : i32
      %get3A_475 = arith.index_cast %add3A_474 : i32 to index
      %get3A_476 = tpu.vector_load %arg8[%get3A_475] {strides = array<i32>} : memref<4096xi32, #tpu.memory_space<vmem>>, vector<16xi32>,
      %add3A_477 = arith.addi %add3A_470, %get3A_476 : vector<16xi32>
      %mul3A_478 = arith.constant 256 : i32
      %mul3A_479 = arith.muli %sub3A_383, %mul3A_478 : i32
      %add3A_480 = arith.constant 224 : i32
      %add3A_481 = arith.addi %mul3A_479, %add3A_480 : i32
      %get3A_482 = arith.index_cast %add3A_481 : i32 to index
      %get3A_483 = tpu.vector_load %arg8[%get3A_482] {strides = array<i32>} : memref<4096xi32, #tpu.memory_space<vmem>>, vector<16xi32>,
      %add3A_484 = arith.addi %add3A_477, %get3A_483 : vector<16xi32>
      %mul3A_485 = arith.constant 256 : i32
      %mul3A_486 = arith.muli %sub3A_383, %mul3A_485 : i32
      %add3A_487 = arith.constant 240 : i32
      %add3A_488 = arith.addi %mul3A_486, %add3A_487 : i32
      %get3A_489 = arith.index_cast %add3A_488 : i32 to index
      %get3A_490 = tpu.vector_load %arg8[%get3A_489] {strides = array<i32>} : memref<4096xi32, #tpu.memory_space<vmem>>, vector<16xi32>,
      %add3A_491 = arith.addi %add3A_484, %get3A_490 : vector<16xi32>
      %reduce_sum3A_492 = arith.constant true
      %reduce_sum3A_493 = vector.broadcast %reduce_sum3A_492 : i1 to vector<16xi1>
      %reduce_sum3A_494 = tpu.scan <sum>, %add3A_491 masked %reduce_sum3A_493 : vector<16xi32>, vector<16xi1> -> vector<16xi32>
      %reduce_sum3A_495 = vector.extract %reduce_sum3A_494[15] : i32 from vector<16xi32>
      %eq3A = arith.constant 0 : i32
      %eq3A_496 = arith.cmpi eq, %scan3A_378, %eq3A : i32
      %add3A_497 = arith.addi %scan3A_381, %reduce_sum3A_495 : i32
      %ge3A = arith.cmpi sge, %add3A_497, %sub3A_49 : i32
      %and3A_498 = arith.andi %eq3A_496, %ge3A : i1
      %select_n3A_499 = arith.select %and3A_498, %sub3A_383, %scan3A_379 : i32
      %select_n3A_500 = arith.select %and3A_498, %scan3A_381, %scan3A_380 : i32
      %jit3A_501 = arith.constant 1 : i32
      %select_n3A_502 = arith.select %and3A_498, %jit3A_501, %scan3A_378 : i32
      %eq3A_503 = arith.constant 0 : i32
      %eq3A_504 = arith.cmpi eq, %select_n3A_502, %eq3A_503 : i32
      %jit3A_505 = arith.constant 0 : i32
      %select_n3A_506 = arith.select %eq3A_504, %reduce_sum3A_495, %jit3A_505 : i32
      %add3A_507 = arith.addi %scan3A_381, %select_n3A_506 : i32
      scf.yield %select_n3A_502, %select_n3A_499, %select_n3A_500, %add3A_507 : i32, i32, i32, i32
    }
    %scan3A_99 = arith.constant 16 : i32
    %scan3A_100 = arith.constant 0 : i32
    %scan3A_101 = arith.constant 0 : i32
    %scan3A_102 = arith.constant 0 : i32
    %scan3A_103 = arith.constant 16 : i32
    %scan3A_104 = arith.addi %scan3A_102, %scan3A_103 : i32
    %scan3A_105 = arith.constant 1 : i32
    %scan3A_106:3 = scf.for %scan3A_377 = %scan3A_102 to %scan3A_104 step %scan3A_105 iter_args(%scan3A_378 = %scan3A_100, %scan3A_379 = %scan3A_101, %scan3A_380 = %scan3A_98#2) -> (i32, i32, i32)  : i32 {
      %mul3A_381 = arith.constant 16 : i32
      %mul3A_382 = arith.muli %scan3A_98#1, %mul3A_381 : i32
      %sub3A_383 = arith.constant 15 : i32
      %sub3A_384 = arith.subi %sub3A_383, %scan3A_377 : i32
      %add3A_385 = arith.addi %mul3A_382, %sub3A_384 : i32
      %mul3A_386 = arith.constant 16 : i32
      %mul3A_387 = arith.muli %add3A_385, %mul3A_386 : i32
      %get3A = arith.index_cast %mul3A_387 : i32 to index
      %get3A_388 = tpu.vector_load %arg8[%get3A] {strides = array<i32>} : memref<4096xi32, #tpu.memory_space<vmem>>, vector<16xi32>,
      %reduce_sum3A_389 = arith.constant true
      %reduce_sum3A_390 = vector.broadcast %reduce_sum3A_389 : i1 to vector<16xi1>
      %reduce_sum3A_391 = tpu.scan <sum>, %get3A_388 masked %reduce_sum3A_390 : vector<16xi32>, vector<16xi1> -> vector<16xi32>
      %reduce_sum3A_392 = vector.extract %reduce_sum3A_391[15] : i32 from vector<16xi32>
      %eq3A = arith.constant 0 : i32
      %eq3A_393 = arith.cmpi eq, %scan3A_378, %eq3A : i32
      %add3A_394 = arith.addi %scan3A_380, %reduce_sum3A_392 : i32
      %ge3A = arith.cmpi sge, %add3A_394, %sub3A_49 : i32
      %and3A_395 = arith.andi %eq3A_393, %ge3A : i1
      %select_n3A_396 = arith.select %and3A_395, %add3A_385, %scan3A_379 : i32
      %jit3A_397 = arith.constant 1 : i32
      %select_n3A_398 = arith.select %and3A_395, %jit3A_397, %scan3A_378 : i32
      %eq3A_399 = arith.constant 0 : i32
      %eq3A_400 = arith.cmpi eq, %select_n3A_398, %eq3A_399 : i32
      %jit3A_401 = arith.constant 0 : i32
      %select_n3A_402 = arith.select %eq3A_400, %reduce_sum3A_392, %jit3A_401 : i32
      %add3A_403 = arith.addi %scan3A_380, %select_n3A_402 : i32
      scf.yield %select_n3A_398, %select_n3A_396, %add3A_403 : i32, i32, i32
    }
    %scan3A_107 = arith.constant 16 : i32
    %sub3A_108 = arith.subi %sub3A_49, %scan3A_106#2 : i32
    %parallel_loop3A_109 = arith.constant 0 : i32
    %parallel_loop3A_110 = arith.constant 1 : i32
    %parallel_loop3A_111 = scf.for %parallel_loop3A_377 = %parallel_loop3A_109 to %select_n3A step %parallel_loop3A_110 iter_args(%parallel_loop3A_378 = %broadcast_in_dim3A_3) -> (vector<16xi32>)  : i32 {
      %parallel_loop3A_379 = arith.constant 16 : i32
      %parallel_loop3A_380 = arith.muli %parallel_loop3A_377, %parallel_loop3A_379 : i32
      %parallel_loop3A_381 = arith.index_cast %parallel_loop3A_380 : i32 to index
      %parallel_loop3A_382 = tpu.vector_load %arg9[%parallel_loop3A_381] {strides = array<i32>} : memref<8192xi32, #tpu.memory_space<vmem>>, vector<16xi32>,
      %parallel_loop3A_383 = arith.constant 16 : i32
      %parallel_loop3A_384 = arith.muli %parallel_loop3A_377, %parallel_loop3A_383 : i32
      %parallel_loop3A_385 = vector.broadcast %parallel_loop3A_384 : i32 to vector<16xi32>
      %parallel_loop3A_386 = arith.addi %parallel_loop3A_385, %iota3A : vector<16xi32>
      %parallel_loop3A_387 = arith.cmpi slt, %parallel_loop3A_386, %parallel_loop3A_59 : vector<16xi32>
      %parallel_loop3A_388 = tpu.vector_load_idx %arg4[%parallel_loop3A_382] masked %parallel_loop3A_387 : memref<8192xf32, #tpu.memory_space<vmem>>[vector<16xi32>], vector<16xf32>, vector<16xi1>
      %parallel_loop3A_389 = vector.bitcast %parallel_loop3A_388 : vector<16xf32> to vector<16xi32>
      %parallel_loop3A_390 = arith.constant 16 : i32
      %parallel_loop3A_391 = vector.broadcast %parallel_loop3A_390 : i32 to vector<16xi32>
      %parallel_loop3A_392 = arith.shrsi %parallel_loop3A_389, %parallel_loop3A_391 : vector<16xi32>
      %parallel_loop3A_393 = arith.constant 255 : i32
      %parallel_loop3A_394 = vector.broadcast %parallel_loop3A_393 : i32 to vector<16xi32>
      %parallel_loop3A_395 = arith.andi %parallel_loop3A_392, %parallel_loop3A_394 : vector<16xi32>
      %parallel_loop3A_396 = arith.constant 0 : i32
      %parallel_loop3A_397 = vector.broadcast %parallel_loop3A_396 : i32 to vector<16xi32>
      %parallel_loop3A_398 = arith.maxsi %parallel_loop3A_389, %parallel_loop3A_397 : vector<16xi32>
      %parallel_loop3A_399 = vector.bitcast %parallel_loop3A_398 : vector<16xi32> to vector<16xf32>
      %parallel_loop3A_400 = vector.broadcast %scan3A_106#1 : i32 to vector<16xi32>
      %parallel_loop3A_401 = arith.cmpi sgt, %parallel_loop3A_395, %parallel_loop3A_400 : vector<16xi32>
      %parallel_loop3A_402 = arith.andi %parallel_loop3A_401, %parallel_loop3A_387 : vector<16xi1>
      tpu.vector_store_idx %arg6[%parallel_loop3A_382], %parallel_loop3A_399 masked %parallel_loop3A_402 : memref<8192xf32, #tpu.memory_space<vmem>>[vector<16xi32>], vector<16xf32>, vector<16xi1>
      %parallel_loop3A_403 = vector.broadcast %scan3A_106#1 : i32 to vector<16xi32>
      %parallel_loop3A_404 = arith.cmpi eq, %parallel_loop3A_395, %parallel_loop3A_403 : vector<16xi32>
      %parallel_loop3A_405 = arith.andi %parallel_loop3A_404, %parallel_loop3A_387 : vector<16xi1>
      %parallel_loop3A_406 = arith.extui %parallel_loop3A_405 : vector<16xi1> to vector<16xi32>
      %parallel_loop3A_407 = arith.constant true
      %parallel_loop3A_408 = vector.broadcast %parallel_loop3A_407 : i1 to vector<16xi1>
      %parallel_loop3A_409 = tpu.scan <sum>, %parallel_loop3A_406 masked %parallel_loop3A_408 : vector<16xi32>, vector<16xi1> -> vector<16xi32>
      %parallel_loop3A_410 = arith.addi %parallel_loop3A_378, %parallel_loop3A_409 : vector<16xi32>
      %parallel_loop3A_411 = arith.constant 1 : i32
      %parallel_loop3A_412 = vector.broadcast %parallel_loop3A_411 : i32 to vector<16xi32>
      %parallel_loop3A_413 = arith.subi %parallel_loop3A_410, %parallel_loop3A_412 : vector<16xi32>
      tpu.vector_store_idx %arg10[%parallel_loop3A_413], %parallel_loop3A_389 masked %parallel_loop3A_405 : memref<8192xi32, #tpu.memory_space<vmem>>[vector<16xi32>], vector<16xi32>, vector<16xi1>
      tpu.vector_store_idx %arg11[%parallel_loop3A_413], %parallel_loop3A_382 masked %parallel_loop3A_405 : memref<8192xi32, #tpu.memory_space<vmem>>[vector<16xi32>], vector<16xi32>, vector<16xi1>
      %parallel_loop3A_414 = tpu.all_reduce %parallel_loop3A_405 {dim = 0 : i64, kind = #tpu.reduction_kind<sum>} : vector<16xi1> -> vector<16xi32>
      %parallel_loop3A_415 = arith.addi %parallel_loop3A_378, %parallel_loop3A_414 : vector<16xi32>
      scf.yield %parallel_loop3A_415 : vector<16xi32>
    } {sc.loop_unroll_factor = 4 : i64, sc.parallel_access}
    %reduce_max3A_112 = arith.constant true
    %reduce_max3A_113 = vector.broadcast %reduce_max3A_112 : i1 to vector<16xi1>
    %reduce_max3A_114 = arith.constant -2147483648 : i32
    %reduce_max3A_115 = vector.broadcast %reduce_max3A_114 : i32 to vector<16xi32>
    %reduce_max3A_116 = arith.xori %parallel_loop3A_111, %reduce_max3A_115 : vector<16xi32>
    %reduce_max3A_117 = tpu.scan <max>, %reduce_max3A_116 masked %reduce_max3A_113 : vector<16xi32>, vector<16xi1> -> vector<16xi32>
    %reduce_max3A_118 = arith.xori %reduce_max3A_117, %reduce_max3A_115 : vector<16xi32>
    %reduce_max3A_119 = vector.extract %reduce_max3A_118[15] : i32 from vector<16xi32>
    %add3A_120 = arith.constant 16 : i32
    %add3A_121 = arith.addi %reduce_max3A_119, %add3A_120 : i32
    %sub3A_122 = arith.constant 1 : i32
    %sub3A_123 = arith.subi %add3A_121, %sub3A_122 : i32
    %jit3A_124 = arith.constant 16 : i32
    %div3A_125 = arith.divsi %sub3A_123, %jit3A_124 : i32
    %sign3A_126 = arith.constant 0 : i32
    %sign3A_127 = arith.cmpi sgt, %sub3A_123, %sign3A_126 : i32
    %sign3A_128 = arith.extui %sign3A_127 : i1 to i32
    %sign3A_129 = arith.constant 0 : i32
    %sign3A_130 = arith.cmpi slt, %sub3A_123, %sign3A_129 : i32
    %sign3A_131 = arith.extui %sign3A_130 : i1 to i32
    %sign3A_132 = arith.subi %sign3A_128, %sign3A_131 : i32
    %sign3A_133 = arith.constant 0 : i32
    %sign3A_134 = arith.cmpi sgt, %jit3A_124, %sign3A_133 : i32
    %sign3A_135 = arith.extui %sign3A_134 : i1 to i32
    %sign3A_136 = arith.constant 0 : i32
    %sign3A_137 = arith.cmpi slt, %jit3A_124, %sign3A_136 : i32
    %sign3A_138 = arith.extui %sign3A_137 : i1 to i32
    %sign3A_139 = arith.subi %sign3A_135, %sign3A_138 : i32
    %ne3A_140 = arith.cmpi ne, %sign3A_132, %sign3A_139 : i32
    %rem3A_141 = arith.remsi %sub3A_123, %jit3A_124 : i32
    %ne3A_142 = arith.constant 0 : i32
    %ne3A_143 = arith.cmpi ne, %rem3A_141, %ne3A_142 : i32
    %and3A_144 = arith.andi %ne3A_140, %ne3A_143 : i1
    %sub3A_145 = arith.constant 1 : i32
    %sub3A_146 = arith.subi %div3A_125, %sub3A_145 : i32
    %select_n3A_147 = arith.select %and3A_144, %sub3A_146, %div3A_125 : i32
    %sub3A_148 = arith.constant 128 : i32
    %sub3A_149 = arith.subi %scan3A_47#1, %sub3A_148 : i32
    %shift_left3A = arith.constant 24 : i32
    %shift_left3A_150 = arith.shli %sub3A_149, %shift_left3A : i32
    %shift_left3A_151 = arith.constant 16 : i32
    %shift_left3A_152 = arith.shli %scan3A_106#1, %shift_left3A_151 : i32
    %or3A = arith.ori %shift_left3A_150, %shift_left3A_152 : i32
    %scan3A_153 = arith.constant 0 : i32
    %scan3A_154 = arith.constant 16 : i32
    %scan3A_155 = arith.addi %scan3A_153, %scan3A_154 : i32
    %scan3A_156 = arith.constant 1 : i32
    %scan3A_157 = scf.for %scan3A_377 = %scan3A_153 to %scan3A_155 step %scan3A_156 iter_args(%scan3A_378 = %or3A) -> (i32)  : i32 {
      %sub3A_379 = arith.constant 15 : i32
      %sub3A_380 = arith.subi %sub3A_379, %scan3A_377 : i32
      %shift_left3A_381 = arith.constant 1 : i32
      %shift_left3A_382 = arith.shli %shift_left3A_381, %sub3A_380 : i32
      %or3A_383 = arith.ori %scan3A_378, %shift_left3A_382 : i32
      %while3A_384 = arith.constant 0 : i32
      %while3A_385 = arith.subi %select_n3A_147, %while3A_384 : i32
      %while3A_386 = arith.addi %while3A_384, %while3A_385 : i32
      %while3A_387 = arith.constant 1 : i32
      %while3A_388 = arith.divsi %while3A_385, %while3A_387 : i32
      %while3A_389 = arith.muli %while3A_388, %while3A_387 : i32
      %while3A_390 = arith.addi %while3A_384, %while3A_389 : i32
      %while3A_391 = arith.constant 1 : i32
      %while3A_392 = scf.for %while3A_400 = %while3A_384 to %while3A_390 step %while3A_391 iter_args(%while3A_401 = %broadcast_in_dim3A_3) -> (vector<16xi32>)  : i32 {
        %mul3A_402 = arith.constant 16 : i32
        %mul3A_403 = arith.muli %while3A_400, %mul3A_402 : i32
        %get3A = arith.index_cast %mul3A_403 : i32 to index
        %get3A_404 = tpu.vector_load %arg10[%get3A] {strides = array<i32>} : memref<8192xi32, #tpu.memory_space<vmem>>, vector<16xi32>,
        %mul3A_405 = arith.constant 16 : i32
        %mul3A_406 = arith.muli %while3A_400, %mul3A_405 : i32
        %add3A_407 = vector.broadcast %mul3A_406 : i32 to vector<16xi32>
        %add3A_408 = arith.addi %add3A_407, %iota3A : vector<16xi32>
        %lt3A = arith.cmpi slt, %add3A_408, %parallel_loop3A_111 : vector<16xi32>
        %ge3A_409 = vector.broadcast %or3A_383 : i32 to vector<16xi32>
        %ge3A_410 = arith.cmpi sge, %get3A_404, %ge3A_409 : vector<16xi32>
        %and3A_411 = arith.andi %ge3A_410, %lt3A : vector<16xi1>
        %convert_element_type3A = arith.extui %and3A_411 : vector<16xi1> to vector<16xi32>
        %add3A_412 = arith.addi %while3A_401, %convert_element_type3A : vector<16xi32>
        scf.yield %add3A_412 : vector<16xi32>
      }
      %while3A_393 = arith.constant 1 : i32
      %while3A_394 = scf.for %while3A_400 = %while3A_390 to %while3A_386 step %while3A_393 iter_args(%while3A_401 = %while3A_392) -> (vector<16xi32>)  : i32 {
        %mul3A_402 = arith.constant 16 : i32
        %mul3A_403 = arith.muli %while3A_400, %mul3A_402 : i32
        %get3A = arith.index_cast %mul3A_403 : i32 to index
        %get3A_404 = tpu.vector_load %arg10[%get3A] {strides = array<i32>} : memref<8192xi32, #tpu.memory_space<vmem>>, vector<16xi32>,
        %mul3A_405 = arith.constant 16 : i32
        %mul3A_406 = arith.muli %while3A_400, %mul3A_405 : i32
        %add3A_407 = vector.broadcast %mul3A_406 : i32 to vector<16xi32>
        %add3A_408 = arith.addi %add3A_407, %iota3A : vector<16xi32>
        %lt3A = arith.cmpi slt, %add3A_408, %parallel_loop3A_111 : vector<16xi32>
        %ge3A_409 = vector.broadcast %or3A_383 : i32 to vector<16xi32>
        %ge3A_410 = arith.cmpi sge, %get3A_404, %ge3A_409 : vector<16xi32>
        %and3A_411 = arith.andi %ge3A_410, %lt3A : vector<16xi1>
        %convert_element_type3A = arith.extui %and3A_411 : vector<16xi1> to vector<16xi32>
        %add3A_412 = arith.addi %while3A_401, %convert_element_type3A : vector<16xi32>
        scf.yield %add3A_412 : vector<16xi32>
      }
      %reduce_sum3A_395 = arith.constant true
      %reduce_sum3A_396 = vector.broadcast %reduce_sum3A_395 : i1 to vector<16xi1>
      %reduce_sum3A_397 = tpu.scan <sum>, %while3A_394 masked %reduce_sum3A_396 : vector<16xi32>, vector<16xi1> -> vector<16xi32>
      %reduce_sum3A_398 = vector.extract %reduce_sum3A_397[15] : i32 from vector<16xi32>
      %ge3A = arith.cmpi sge, %reduce_sum3A_398, %sub3A_108 : i32
      %select_n3A_399 = arith.select %ge3A, %or3A_383, %scan3A_378 : i32
      scf.yield %select_n3A_399 : i32
    }
    %scan3A_158 = arith.constant 16 : i32
    %while3A = arith.constant 0 : i32
    %while3A_159 = arith.subi %select_n3A_147, %while3A : i32
    %while3A_160 = arith.addi %while3A, %while3A_159 : i32
    %while3A_161 = arith.constant 1 : i32
    %while3A_162 = arith.divsi %while3A_159, %while3A_161 : i32
    %while3A_163 = arith.muli %while3A_162, %while3A_161 : i32
    %while3A_164 = arith.addi %while3A, %while3A_163 : i32
    %while3A_165 = arith.constant 1 : i32
    %while3A_166 = scf.for %while3A_377 = %while3A to %while3A_164 step %while3A_165 iter_args(%while3A_378 = %broadcast_in_dim3A_3) -> (vector<16xi32>)  : i32 {
      %mul3A_379 = arith.constant 16 : i32
      %mul3A_380 = arith.muli %while3A_377, %mul3A_379 : i32
      %get3A = arith.index_cast %mul3A_380 : i32 to index
      %get3A_381 = tpu.vector_load %arg10[%get3A] {strides = array<i32>} : memref<8192xi32, #tpu.memory_space<vmem>>, vector<16xi32>,
      %mul3A_382 = arith.constant 16 : i32
      %mul3A_383 = arith.muli %while3A_377, %mul3A_382 : i32
      %add3A_384 = vector.broadcast %mul3A_383 : i32 to vector<16xi32>
      %add3A_385 = arith.addi %add3A_384, %iota3A : vector<16xi32>
      %lt3A = arith.cmpi slt, %add3A_385, %parallel_loop3A_111 : vector<16xi32>
      %gt3A = vector.broadcast %scan3A_157 : i32 to vector<16xi32>
      %gt3A_386 = arith.cmpi sgt, %get3A_381, %gt3A : vector<16xi32>
      %and3A_387 = arith.andi %gt3A_386, %lt3A : vector<16xi1>
      %convert_element_type3A = arith.extui %and3A_387 : vector<16xi1> to vector<16xi32>
      %add3A_388 = arith.addi %while3A_378, %convert_element_type3A : vector<16xi32>
      scf.yield %add3A_388 : vector<16xi32>
    }
    %while3A_167 = arith.constant 1 : i32
    %while3A_168 = scf.for %while3A_377 = %while3A_164 to %while3A_160 step %while3A_167 iter_args(%while3A_378 = %while3A_166) -> (vector<16xi32>)  : i32 {
      %mul3A_379 = arith.constant 16 : i32
      %mul3A_380 = arith.muli %while3A_377, %mul3A_379 : i32
      %get3A = arith.index_cast %mul3A_380 : i32 to index
      %get3A_381 = tpu.vector_load %arg10[%get3A] {strides = array<i32>} : memref<8192xi32, #tpu.memory_space<vmem>>, vector<16xi32>,
      %mul3A_382 = arith.constant 16 : i32
      %mul3A_383 = arith.muli %while3A_377, %mul3A_382 : i32
      %add3A_384 = vector.broadcast %mul3A_383 : i32 to vector<16xi32>
      %add3A_385 = arith.addi %add3A_384, %iota3A : vector<16xi32>
      %lt3A = arith.cmpi slt, %add3A_385, %parallel_loop3A_111 : vector<16xi32>
      %gt3A = vector.broadcast %scan3A_157 : i32 to vector<16xi32>
      %gt3A_386 = arith.cmpi sgt, %get3A_381, %gt3A : vector<16xi32>
      %and3A_387 = arith.andi %gt3A_386, %lt3A : vector<16xi1>
      %convert_element_type3A = arith.extui %and3A_387 : vector<16xi1> to vector<16xi32>
      %add3A_388 = arith.addi %while3A_378, %convert_element_type3A : vector<16xi32>
      scf.yield %add3A_388 : vector<16xi32>
    }
    %reduce_sum3A = arith.constant true
    %reduce_sum3A_169 = vector.broadcast %reduce_sum3A : i1 to vector<16xi1>
    %reduce_sum3A_170 = tpu.scan <sum>, %while3A_168 masked %reduce_sum3A_169 : vector<16xi32>, vector<16xi1> -> vector<16xi32>
    %reduce_sum3A_171 = vector.extract %reduce_sum3A_170[15] : i32 from vector<16xi32>
    %sub3A_172 = arith.subi %sub3A_108, %reduce_sum3A_171 : i32
    %while3A_173 = arith.constant 0 : i32
    %while3A_174 = arith.subi %select_n3A_147, %while3A_173 : i32
    %while3A_175 = arith.addi %while3A_173, %while3A_174 : i32
    %while3A_176 = arith.constant 1 : i32
    %while3A_177 = arith.divsi %while3A_174, %while3A_176 : i32
    %while3A_178 = arith.muli %while3A_177, %while3A_176 : i32
    %while3A_179 = arith.addi %while3A_173, %while3A_178 : i32
    %while3A_180 = arith.constant 1 : i32
    %while3A_181 = scf.for %while3A_377 = %while3A_173 to %while3A_179 step %while3A_180 iter_args(%while3A_378 = %broadcast_in_dim3A_3) -> (vector<16xi32>)  : i32 {
      %mul3A_379 = arith.constant 16 : i32
      %mul3A_380 = arith.muli %while3A_377, %mul3A_379 : i32
      %get3A = arith.index_cast %mul3A_380 : i32 to index
      %get3A_381 = tpu.vector_load %arg10[%get3A] {strides = array<i32>} : memref<8192xi32, #tpu.memory_space<vmem>>, vector<16xi32>,
      %mul3A_382 = arith.constant 16 : i32
      %mul3A_383 = arith.muli %while3A_377, %mul3A_382 : i32
      %get3A_384 = arith.index_cast %mul3A_383 : i32 to index
      %get3A_385 = tpu.vector_load %arg11[%get3A_384] {strides = array<i32>} : memref<8192xi32, #tpu.memory_space<vmem>>, vector<16xi32>,
      %mul3A_386 = arith.constant 16 : i32
      %mul3A_387 = arith.muli %while3A_377, %mul3A_386 : i32
      %add3A_388 = vector.broadcast %mul3A_387 : i32 to vector<16xi32>
      %add3A_389 = arith.addi %add3A_388, %iota3A : vector<16xi32>
      %lt3A = arith.cmpi slt, %add3A_389, %parallel_loop3A_111 : vector<16xi32>
      %eq3A = vector.broadcast %scan3A_157 : i32 to vector<16xi32>
      %eq3A_390 = arith.cmpi eq, %get3A_381, %eq3A : vector<16xi32>
      %and3A_391 = arith.andi %eq3A_390, %lt3A : vector<16xi1>
      %convert_element_type3A = arith.extui %and3A_391 : vector<16xi1> to vector<16xi32>
      %broadcast_in_dim3A_392 = arith.constant true
      %broadcast_in_dim3A_393 = vector.broadcast %broadcast_in_dim3A_392 : i1 to vector<16xi1>
      %masked_cumsum3A = tpu.scan <sum>, %convert_element_type3A masked %broadcast_in_dim3A_393 : vector<16xi32>, vector<16xi1> -> vector<16xi32>
      %add3A_394 = arith.addi %while3A_378, %masked_cumsum3A : vector<16xi32>
      %le3A = vector.broadcast %sub3A_172 : i32 to vector<16xi32>
      %le3A_395 = arith.cmpi sle, %add3A_394, %le3A : vector<16xi32>
      %and3A_396 = arith.andi %and3A_391, %le3A_395 : vector<16xi1>
      %gt3A = vector.broadcast %scan3A_157 : i32 to vector<16xi32>
      %gt3A_397 = arith.cmpi sgt, %get3A_381, %gt3A : vector<16xi32>
      %and3A_398 = arith.andi %gt3A_397, %lt3A : vector<16xi1>
      %or3A_399 = arith.ori %and3A_398, %and3A_396 : vector<16xi1>
      %max3A = arith.constant 0 : i32
      %max3A_400 = vector.broadcast %max3A : i32 to vector<16xi32>
      %max3A_401 = arith.maxsi %get3A_381, %max3A_400 : vector<16xi32>
      %bitcast3A = vector.bitcast %max3A_401 : vector<16xi32> to vector<16xf32>
      tpu.vector_store_idx %arg6[%get3A_385], %bitcast3A masked %or3A_399 : memref<8192xf32, #tpu.memory_space<vmem>>[vector<16xi32>], vector<16xf32>, vector<16xi1>
      %all_reduce_population_count3A = tpu.all_reduce %and3A_391 {dim = 0 : i64, kind = #tpu.reduction_kind<sum>} : vector<16xi1> -> vector<16xi32>
      %add3A_402 = arith.addi %while3A_378, %all_reduce_population_count3A : vector<16xi32>
      scf.yield %add3A_402 : vector<16xi32>
    }
    %while3A_182 = arith.constant 1 : i32
    %while3A_183 = scf.for %while3A_377 = %while3A_179 to %while3A_175 step %while3A_182 iter_args(%while3A_378 = %while3A_181) -> (vector<16xi32>)  : i32 {
      %mul3A_379 = arith.constant 16 : i32
      %mul3A_380 = arith.muli %while3A_377, %mul3A_379 : i32
      %get3A = arith.index_cast %mul3A_380 : i32 to index
      %get3A_381 = tpu.vector_load %arg10[%get3A] {strides = array<i32>} : memref<8192xi32, #tpu.memory_space<vmem>>, vector<16xi32>,
      %mul3A_382 = arith.constant 16 : i32
      %mul3A_383 = arith.muli %while3A_377, %mul3A_382 : i32
      %get3A_384 = arith.index_cast %mul3A_383 : i32 to index
      %get3A_385 = tpu.vector_load %arg11[%get3A_384] {strides = array<i32>} : memref<8192xi32, #tpu.memory_space<vmem>>, vector<16xi32>,
      %mul3A_386 = arith.constant 16 : i32
      %mul3A_387 = arith.muli %while3A_377, %mul3A_386 : i32
      %add3A_388 = vector.broadcast %mul3A_387 : i32 to vector<16xi32>
      %add3A_389 = arith.addi %add3A_388, %iota3A : vector<16xi32>
      %lt3A = arith.cmpi slt, %add3A_389, %parallel_loop3A_111 : vector<16xi32>
      %eq3A = vector.broadcast %scan3A_157 : i32 to vector<16xi32>
      %eq3A_390 = arith.cmpi eq, %get3A_381, %eq3A : vector<16xi32>
      %and3A_391 = arith.andi %eq3A_390, %lt3A : vector<16xi1>
      %convert_element_type3A = arith.extui %and3A_391 : vector<16xi1> to vector<16xi32>
      %broadcast_in_dim3A_392 = arith.constant true
      %broadcast_in_dim3A_393 = vector.broadcast %broadcast_in_dim3A_392 : i1 to vector<16xi1>
      %masked_cumsum3A = tpu.scan <sum>, %convert_element_type3A masked %broadcast_in_dim3A_393 : vector<16xi32>, vector<16xi1> -> vector<16xi32>
      %add3A_394 = arith.addi %while3A_378, %masked_cumsum3A : vector<16xi32>
      %le3A = vector.broadcast %sub3A_172 : i32 to vector<16xi32>
      %le3A_395 = arith.cmpi sle, %add3A_394, %le3A : vector<16xi32>
      %and3A_396 = arith.andi %and3A_391, %le3A_395 : vector<16xi1>
      %gt3A = vector.broadcast %scan3A_157 : i32 to vector<16xi32>
      %gt3A_397 = arith.cmpi sgt, %get3A_381, %gt3A : vector<16xi32>
      %and3A_398 = arith.andi %gt3A_397, %lt3A : vector<16xi1>
      %or3A_399 = arith.ori %and3A_398, %and3A_396 : vector<16xi1>
      %max3A = arith.constant 0 : i32
      %max3A_400 = vector.broadcast %max3A : i32 to vector<16xi32>
      %max3A_401 = arith.maxsi %get3A_381, %max3A_400 : vector<16xi32>
      %bitcast3A = vector.bitcast %max3A_401 : vector<16xi32> to vector<16xf32>
      tpu.vector_store_idx %arg6[%get3A_385], %bitcast3A masked %or3A_399 : memref<8192xf32, #tpu.memory_space<vmem>>[vector<16xi32>], vector<16xf32>, vector<16xi1>
      %all_reduce_population_count3A = tpu.all_reduce %and3A_391 {dim = 0 : i64, kind = #tpu.reduction_kind<sum>} : vector<16xi1> -> vector<16xi32>
      %add3A_402 = arith.addi %while3A_378, %all_reduce_population_count3A : vector<16xi32>
      scf.yield %add3A_402 : vector<16xi32>
    }
    %dma_start3A_184 = arith.constant 0 : i32
    %dma_start3A_185 = tpu.memref_slice %arg3[%mul3A_5, %dma_start3A_184] : memref<64x8192xf32, #tpu.memory_space<hbm>> -> memref<1x8192xf32, #tpu.memory_space<hbm>>
    %dma_start3A_186 = tpu.memref_squeeze %dma_start3A_185 : memref<1x8192xf32, #tpu.memory_space<hbm>> -> memref<8192xf32, #tpu.memory_space<hbm>>
    %dma_start3A_187 = arith.constant 0 : i32
    %dma_start3A_188 = tpu.memref_slice %arg3[%mul3A_5, %dma_start3A_187] : memref<64x8192xf32, #tpu.memory_space<hbm>> -> memref<1x8192xf32, #tpu.memory_space<hbm>>
    %dma_start3A_189 = tpu.memref_squeeze %dma_start3A_188 : memref<1x8192xf32, #tpu.memory_space<hbm>> -> memref<8192xf32, #tpu.memory_space<hbm>>
    tpu.enqueue_dma source(%arg6 : memref<8192xf32, #tpu.memory_space<vmem>>) target(%dma_start3A_189 : memref<8192xf32, #tpu.memory_space<hbm>>) target_semaphore(%arg14 : memref<!tpu.dma_semaphore, #tpu.memory_space<semaphore_mem>>)
    %dma_wait3A_190 = arith.constant 0 : i32
    %dma_wait3A_191 = tpu.memref_slice %arg2[%add3A_7, %dma_wait3A_190] : memref<64x8192xf32, #tpu.memory_space<hbm>> -> memref<1x8192xf32, #tpu.memory_space<hbm>>
    %dma_wait3A_192 = tpu.memref_squeeze %dma_wait3A_191 : memref<1x8192xf32, #tpu.memory_space<hbm>> -> memref<8192xf32, #tpu.memory_space<hbm>>
    %dma_wait3A_193 = arith.constant 0 : i32
    %dma_wait3A_194 = tpu.memref_slice %arg2[%add3A_7, %dma_wait3A_193] : memref<64x8192xf32, #tpu.memory_space<hbm>> -> memref<1x8192xf32, #tpu.memory_space<hbm>>
    %dma_wait3A_195 = tpu.memref_squeeze %dma_wait3A_194 : memref<1x8192xf32, #tpu.memory_space<hbm>> -> memref<8192xf32, #tpu.memory_space<hbm>>
    tpu.wait_dma2 semaphore(%arg13 : memref<!tpu.dma_semaphore, #tpu.memory_space<semaphore_mem>>) src(%dma_wait3A_195 : memref<8192xf32, #tpu.memory_space<hbm>>) dst(%arg5 : memref<8192xf32, #tpu.memory_space<vmem>>)
    %scan3A_196 = arith.constant 0 : i32
    %scan3A_197 = arith.constant 0 : i32
    %scan3A_198 = arith.constant 256 : i32
    %scan3A_199 = arith.addi %scan3A_197, %scan3A_198 : i32
    %scan3A_200 = arith.constant 8 : i32
    scf.for %scan3A_377 = %scan3A_197 to %scan3A_199 step %scan3A_200  : i32 {
      %mul3A_378 = arith.constant 16 : i32
      %mul3A_379 = arith.muli %scan3A_377, %mul3A_378 : i32
      %swap3A = arith.index_cast %mul3A_379 : i32 to index
      %swap3A_380 = tpu.vector_load %arg8[%swap3A] {strides = array<i32>} : memref<4096xi32, #tpu.memory_space<vmem>>, vector<16xi32>,
      tpu.vector_store %arg8[%swap3A], %broadcast_in_dim3A_3 {strides = array<i32>} : memref<4096xi32, #tpu.memory_space<vmem>>, vector<16xi32>,
      %scan3A_381 = arith.constant 1 : i32
      %scan3A_382 = arith.addi %scan3A_377, %scan3A_381 : i32
      %mul3A_383 = arith.constant 16 : i32
      %mul3A_384 = arith.muli %scan3A_382, %mul3A_383 : i32
      %swap3A_385 = arith.index_cast %mul3A_384 : i32 to index
      %swap3A_386 = tpu.vector_load %arg8[%swap3A_385] {strides = array<i32>} : memref<4096xi32, #tpu.memory_space<vmem>>, vector<16xi32>,
      tpu.vector_store %arg8[%swap3A_385], %broadcast_in_dim3A_3 {strides = array<i32>} : memref<4096xi32, #tpu.memory_space<vmem>>, vector<16xi32>,
      %scan3A_387 = arith.constant 2 : i32
      %scan3A_388 = arith.addi %scan3A_377, %scan3A_387 : i32
      %mul3A_389 = arith.constant 16 : i32
      %mul3A_390 = arith.muli %scan3A_388, %mul3A_389 : i32
      %swap3A_391 = arith.index_cast %mul3A_390 : i32 to index
      %swap3A_392 = tpu.vector_load %arg8[%swap3A_391] {strides = array<i32>} : memref<4096xi32, #tpu.memory_space<vmem>>, vector<16xi32>,
      tpu.vector_store %arg8[%swap3A_391], %broadcast_in_dim3A_3 {strides = array<i32>} : memref<4096xi32, #tpu.memory_space<vmem>>, vector<16xi32>,
      %scan3A_393 = arith.constant 3 : i32
      %scan3A_394 = arith.addi %scan3A_377, %scan3A_393 : i32
      %mul3A_395 = arith.constant 16 : i32
      %mul3A_396 = arith.muli %scan3A_394, %mul3A_395 : i32
      %swap3A_397 = arith.index_cast %mul3A_396 : i32 to index
      %swap3A_398 = tpu.vector_load %arg8[%swap3A_397] {strides = array<i32>} : memref<4096xi32, #tpu.memory_space<vmem>>, vector<16xi32>,
      tpu.vector_store %arg8[%swap3A_397], %broadcast_in_dim3A_3 {strides = array<i32>} : memref<4096xi32, #tpu.memory_space<vmem>>, vector<16xi32>,
      %scan3A_399 = arith.constant 4 : i32
      %scan3A_400 = arith.addi %scan3A_377, %scan3A_399 : i32
      %mul3A_401 = arith.constant 16 : i32
      %mul3A_402 = arith.muli %scan3A_400, %mul3A_401 : i32
      %swap3A_403 = arith.index_cast %mul3A_402 : i32 to index
      %swap3A_404 = tpu.vector_load %arg8[%swap3A_403] {strides = array<i32>} : memref<4096xi32, #tpu.memory_space<vmem>>, vector<16xi32>,
      tpu.vector_store %arg8[%swap3A_403], %broadcast_in_dim3A_3 {strides = array<i32>} : memref<4096xi32, #tpu.memory_space<vmem>>, vector<16xi32>,
      %scan3A_405 = arith.constant 5 : i32
      %scan3A_406 = arith.addi %scan3A_377, %scan3A_405 : i32
      %mul3A_407 = arith.constant 16 : i32
      %mul3A_408 = arith.muli %scan3A_406, %mul3A_407 : i32
      %swap3A_409 = arith.index_cast %mul3A_408 : i32 to index
      %swap3A_410 = tpu.vector_load %arg8[%swap3A_409] {strides = array<i32>} : memref<4096xi32, #tpu.memory_space<vmem>>, vector<16xi32>,
      tpu.vector_store %arg8[%swap3A_409], %broadcast_in_dim3A_3 {strides = array<i32>} : memref<4096xi32, #tpu.memory_space<vmem>>, vector<16xi32>,
      %scan3A_411 = arith.constant 6 : i32
      %scan3A_412 = arith.addi %scan3A_377, %scan3A_411 : i32
      %mul3A_413 = arith.constant 16 : i32
      %mul3A_414 = arith.muli %scan3A_412, %mul3A_413 : i32
      %swap3A_415 = arith.index_cast %mul3A_414 : i32 to index
      %swap3A_416 = tpu.vector_load %arg8[%swap3A_415] {strides = array<i32>} : memref<4096xi32, #tpu.memory_space<vmem>>, vector<16xi32>,
      tpu.vector_store %arg8[%swap3A_415], %broadcast_in_dim3A_3 {strides = array<i32>} : memref<4096xi32, #tpu.memory_space<vmem>>, vector<16xi32>,
      %scan3A_417 = arith.constant 7 : i32
      %scan3A_418 = arith.addi %scan3A_377, %scan3A_417 : i32
      %mul3A_419 = arith.constant 16 : i32
      %mul3A_420 = arith.muli %scan3A_418, %mul3A_419 : i32
      %swap3A_421 = arith.index_cast %mul3A_420 : i32 to index
      %swap3A_422 = tpu.vector_load %arg8[%swap3A_421] {strides = array<i32>} : memref<4096xi32, #tpu.memory_space<vmem>>, vector<16xi32>,
      tpu.vector_store %arg8[%swap3A_421], %broadcast_in_dim3A_3 {strides = array<i32>} : memref<4096xi32, #tpu.memory_space<vmem>>, vector<16xi32>,
    }
    %scan3A_201 = arith.constant 256 : i32
    %parallel_loop3A_202 = arith.constant 0 : i32
    %parallel_loop3A_203 = arith.constant 512 : i32
    %parallel_loop3A_204 = arith.constant 1 : i32
    scf.for %parallel_loop3A_377 = %parallel_loop3A_202 to %parallel_loop3A_203 step %parallel_loop3A_204  : i32 {
      %parallel_loop3A_378 = arith.constant 16 : i32
      %parallel_loop3A_379 = arith.muli %parallel_loop3A_377, %parallel_loop3A_378 : i32
      %parallel_loop3A_380 = arith.index_cast %parallel_loop3A_379 : i32 to index
      %parallel_loop3A_381 = tpu.vector_load %arg5[%parallel_loop3A_380] {strides = array<i32>} : memref<8192xf32, #tpu.memory_space<vmem>>, vector<16xf32>,
      %parallel_loop3A_382 = vector.bitcast %parallel_loop3A_381 : vector<16xf32> to vector<16xi32>
      %parallel_loop3A_383 = arith.constant 31 : i32
      %parallel_loop3A_384 = vector.broadcast %parallel_loop3A_383 : i32 to vector<16xi32>
      %parallel_loop3A_385 = arith.shrsi %parallel_loop3A_382, %parallel_loop3A_384 : vector<16xi32>
      %parallel_loop3A_386 = arith.constant 2147483647 : i32
      %parallel_loop3A_387 = vector.broadcast %parallel_loop3A_386 : i32 to vector<16xi32>
      %parallel_loop3A_388 = arith.andi %parallel_loop3A_385, %parallel_loop3A_387 : vector<16xi32>
      %parallel_loop3A_389 = arith.xori %parallel_loop3A_382, %parallel_loop3A_388 : vector<16xi32>
      %parallel_loop3A_390 = vector.bitcast %parallel_loop3A_389 : vector<16xi32> to vector<16xf32>
      %parallel_loop3A_391 = arith.constant 16 : i32
      %parallel_loop3A_392 = arith.muli %parallel_loop3A_377, %parallel_loop3A_391 : i32
      %parallel_loop3A_393 = arith.index_cast %parallel_loop3A_392 : i32 to index
      %parallel_loop3A_394 = tpu.vector_load %arg5[%parallel_loop3A_393] {strides = array<i32>} : memref<8192xf32, #tpu.memory_space<vmem>>, vector<16xf32>,
      tpu.vector_store %arg5[%parallel_loop3A_393], %parallel_loop3A_390 {strides = array<i32>} : memref<8192xf32, #tpu.memory_space<vmem>>, vector<16xf32>,
      %parallel_loop3A_395 = arith.constant 24 : i32
      %parallel_loop3A_396 = vector.broadcast %parallel_loop3A_395 : i32 to vector<16xi32>
      %parallel_loop3A_397 = arith.shrsi %parallel_loop3A_389, %parallel_loop3A_396 : vector<16xi32>
      %parallel_loop3A_398 = arith.constant 128 : i32
      %parallel_loop3A_399 = vector.broadcast %parallel_loop3A_398 : i32 to vector<16xi32>
      %parallel_loop3A_400 = arith.addi %parallel_loop3A_397, %parallel_loop3A_399 : vector<16xi32>
      %parallel_loop3A_401 = arith.constant 16 : i32
      %parallel_loop3A_402 = vector.broadcast %parallel_loop3A_401 : i32 to vector<16xi32>
      %parallel_loop3A_403 = arith.muli %parallel_loop3A_400, %parallel_loop3A_402 : vector<16xi32>
      %parallel_loop3A_404 = arith.addi %parallel_loop3A_403, %iota3A : vector<16xi32>
      tpu.vector_store_idx %arg8[%parallel_loop3A_404], %broadcast_in_dim3A_1 {add = true} : memref<4096xi32, #tpu.memory_space<vmem>>[vector<16xi32>], vector<16xi32>,
    } {sc.loop_unroll_factor = 8 : i64, sc.parallel_access}
    %scan3A_205 = arith.constant 0 : i32
    %scan3A_206 = arith.constant 0 : i32
    %scan3A_207 = arith.constant 0 : i32
    %scan3A_208 = arith.constant 0 : i32
    %scan3A_209 = arith.constant 0 : i32
    %scan3A_210 = arith.constant 16 : i32
    %scan3A_211 = arith.addi %scan3A_209, %scan3A_210 : i32
    %scan3A_212 = arith.constant 1 : i32
    %scan3A_213:4 = scf.for %scan3A_377 = %scan3A_209 to %scan3A_211 step %scan3A_212 iter_args(%scan3A_378 = %scan3A_205, %scan3A_379 = %scan3A_206, %scan3A_380 = %scan3A_207, %scan3A_381 = %scan3A_208) -> (i32, i32, i32, i32)  : i32 {
      %sub3A_382 = arith.constant 15 : i32
      %sub3A_383 = arith.subi %sub3A_382, %scan3A_377 : i32
      %mul3A_384 = arith.constant 256 : i32
      %mul3A_385 = arith.muli %sub3A_383, %mul3A_384 : i32
      %get3A = arith.index_cast %mul3A_385 : i32 to index
      %get3A_386 = tpu.vector_load %arg8[%get3A] {strides = array<i32>} : memref<4096xi32, #tpu.memory_space<vmem>>, vector<16xi32>,
      %mul3A_387 = arith.constant 256 : i32
      %mul3A_388 = arith.muli %sub3A_383, %mul3A_387 : i32
      %add3A_389 = arith.constant 16 : i32
      %add3A_390 = arith.addi %mul3A_388, %add3A_389 : i32
      %get3A_391 = arith.index_cast %add3A_390 : i32 to index
      %get3A_392 = tpu.vector_load %arg8[%get3A_391] {strides = array<i32>} : memref<4096xi32, #tpu.memory_space<vmem>>, vector<16xi32>,
      %add3A_393 = arith.addi %get3A_386, %get3A_392 : vector<16xi32>
      %mul3A_394 = arith.constant 256 : i32
      %mul3A_395 = arith.muli %sub3A_383, %mul3A_394 : i32
      %add3A_396 = arith.constant 32 : i32
      %add3A_397 = arith.addi %mul3A_395, %add3A_396 : i32
      %get3A_398 = arith.index_cast %add3A_397 : i32 to index
      %get3A_399 = tpu.vector_load %arg8[%get3A_398] {strides = array<i32>} : memref<4096xi32, #tpu.memory_space<vmem>>, vector<16xi32>,
      %add3A_400 = arith.addi %add3A_393, %get3A_399 : vector<16xi32>
      %mul3A_401 = arith.constant 256 : i32
      %mul3A_402 = arith.muli %sub3A_383, %mul3A_401 : i32
      %add3A_403 = arith.constant 48 : i32
      %add3A_404 = arith.addi %mul3A_402, %add3A_403 : i32
      %get3A_405 = arith.index_cast %add3A_404 : i32 to index
      %get3A_406 = tpu.vector_load %arg8[%get3A_405] {strides = array<i32>} : memref<4096xi32, #tpu.memory_space<vmem>>, vector<16xi32>,
      %add3A_407 = arith.addi %add3A_400, %get3A_406 : vector<16xi32>
      %mul3A_408 = arith.constant 256 : i32
      %mul3A_409 = arith.muli %sub3A_383, %mul3A_408 : i32
      %add3A_410 = arith.constant 64 : i32
      %add3A_411 = arith.addi %mul3A_409, %add3A_410 : i32
      %get3A_412 = arith.index_cast %add3A_411 : i32 to index
      %get3A_413 = tpu.vector_load %arg8[%get3A_412] {strides = array<i32>} : memref<4096xi32, #tpu.memory_space<vmem>>, vector<16xi32>,
      %add3A_414 = arith.addi %add3A_407, %get3A_413 : vector<16xi32>
      %mul3A_415 = arith.constant 256 : i32
      %mul3A_416 = arith.muli %sub3A_383, %mul3A_415 : i32
      %add3A_417 = arith.constant 80 : i32
      %add3A_418 = arith.addi %mul3A_416, %add3A_417 : i32
      %get3A_419 = arith.index_cast %add3A_418 : i32 to index
      %get3A_420 = tpu.vector_load %arg8[%get3A_419] {strides = array<i32>} : memref<4096xi32, #tpu.memory_space<vmem>>, vector<16xi32>,
      %add3A_421 = arith.addi %add3A_414, %get3A_420 : vector<16xi32>
      %mul3A_422 = arith.constant 256 : i32
      %mul3A_423 = arith.muli %sub3A_383, %mul3A_422 : i32
      %add3A_424 = arith.constant 96 : i32
      %add3A_425 = arith.addi %mul3A_423, %add3A_424 : i32
      %get3A_426 = arith.index_cast %add3A_425 : i32 to index
      %get3A_427 = tpu.vector_load %arg8[%get3A_426] {strides = array<i32>} : memref<4096xi32, #tpu.memory_space<vmem>>, vector<16xi32>,
      %add3A_428 = arith.addi %add3A_421, %get3A_427 : vector<16xi32>
      %mul3A_429 = arith.constant 256 : i32
      %mul3A_430 = arith.muli %sub3A_383, %mul3A_429 : i32
      %add3A_431 = arith.constant 112 : i32
      %add3A_432 = arith.addi %mul3A_430, %add3A_431 : i32
      %get3A_433 = arith.index_cast %add3A_432 : i32 to index
      %get3A_434 = tpu.vector_load %arg8[%get3A_433] {strides = array<i32>} : memref<4096xi32, #tpu.memory_space<vmem>>, vector<16xi32>,
      %add3A_435 = arith.addi %add3A_428, %get3A_434 : vector<16xi32>
      %mul3A_436 = arith.constant 256 : i32
      %mul3A_437 = arith.muli %sub3A_383, %mul3A_436 : i32
      %add3A_438 = arith.constant 128 : i32
      %add3A_439 = arith.addi %mul3A_437, %add3A_438 : i32
      %get3A_440 = arith.index_cast %add3A_439 : i32 to index
      %get3A_441 = tpu.vector_load %arg8[%get3A_440] {strides = array<i32>} : memref<4096xi32, #tpu.memory_space<vmem>>, vector<16xi32>,
      %add3A_442 = arith.addi %add3A_435, %get3A_441 : vector<16xi32>
      %mul3A_443 = arith.constant 256 : i32
      %mul3A_444 = arith.muli %sub3A_383, %mul3A_443 : i32
      %add3A_445 = arith.constant 144 : i32
      %add3A_446 = arith.addi %mul3A_444, %add3A_445 : i32
      %get3A_447 = arith.index_cast %add3A_446 : i32 to index
      %get3A_448 = tpu.vector_load %arg8[%get3A_447] {strides = array<i32>} : memref<4096xi32, #tpu.memory_space<vmem>>, vector<16xi32>,
      %add3A_449 = arith.addi %add3A_442, %get3A_448 : vector<16xi32>
      %mul3A_450 = arith.constant 256 : i32
      %mul3A_451 = arith.muli %sub3A_383, %mul3A_450 : i32
      %add3A_452 = arith.constant 160 : i32
      %add3A_453 = arith.addi %mul3A_451, %add3A_452 : i32
      %get3A_454 = arith.index_cast %add3A_453 : i32 to index
      %get3A_455 = tpu.vector_load %arg8[%get3A_454] {strides = array<i32>} : memref<4096xi32, #tpu.memory_space<vmem>>, vector<16xi32>,
      %add3A_456 = arith.addi %add3A_449, %get3A_455 : vector<16xi32>
      %mul3A_457 = arith.constant 256 : i32
      %mul3A_458 = arith.muli %sub3A_383, %mul3A_457 : i32
      %add3A_459 = arith.constant 176 : i32
      %add3A_460 = arith.addi %mul3A_458, %add3A_459 : i32
      %get3A_461 = arith.index_cast %add3A_460 : i32 to index
      %get3A_462 = tpu.vector_load %arg8[%get3A_461] {strides = array<i32>} : memref<4096xi32, #tpu.memory_space<vmem>>, vector<16xi32>,
      %add3A_463 = arith.addi %add3A_456, %get3A_462 : vector<16xi32>
      %mul3A_464 = arith.constant 256 : i32
      %mul3A_465 = arith.muli %sub3A_383, %mul3A_464 : i32
      %add3A_466 = arith.constant 192 : i32
      %add3A_467 = arith.addi %mul3A_465, %add3A_466 : i32
      %get3A_468 = arith.index_cast %add3A_467 : i32 to index
      %get3A_469 = tpu.vector_load %arg8[%get3A_468] {strides = array<i32>} : memref<4096xi32, #tpu.memory_space<vmem>>, vector<16xi32>,
      %add3A_470 = arith.addi %add3A_463, %get3A_469 : vector<16xi32>
      %mul3A_471 = arith.constant 256 : i32
      %mul3A_472 = arith.muli %sub3A_383, %mul3A_471 : i32
      %add3A_473 = arith.constant 208 : i32
      %add3A_474 = arith.addi %mul3A_472, %add3A_473 : i32
      %get3A_475 = arith.index_cast %add3A_474 : i32 to index
      %get3A_476 = tpu.vector_load %arg8[%get3A_475] {strides = array<i32>} : memref<4096xi32, #tpu.memory_space<vmem>>, vector<16xi32>,
      %add3A_477 = arith.addi %add3A_470, %get3A_476 : vector<16xi32>
      %mul3A_478 = arith.constant 256 : i32
      %mul3A_479 = arith.muli %sub3A_383, %mul3A_478 : i32
      %add3A_480 = arith.constant 224 : i32
      %add3A_481 = arith.addi %mul3A_479, %add3A_480 : i32
      %get3A_482 = arith.index_cast %add3A_481 : i32 to index
      %get3A_483 = tpu.vector_load %arg8[%get3A_482] {strides = array<i32>} : memref<4096xi32, #tpu.memory_space<vmem>>, vector<16xi32>,
      %add3A_484 = arith.addi %add3A_477, %get3A_483 : vector<16xi32>
      %mul3A_485 = arith.constant 256 : i32
      %mul3A_486 = arith.muli %sub3A_383, %mul3A_485 : i32
      %add3A_487 = arith.constant 240 : i32
      %add3A_488 = arith.addi %mul3A_486, %add3A_487 : i32
      %get3A_489 = arith.index_cast %add3A_488 : i32 to index
      %get3A_490 = tpu.vector_load %arg8[%get3A_489] {strides = array<i32>} : memref<4096xi32, #tpu.memory_space<vmem>>, vector<16xi32>,
      %add3A_491 = arith.addi %add3A_484, %get3A_490 : vector<16xi32>
      %reduce_sum3A_492 = arith.constant true
      %reduce_sum3A_493 = vector.broadcast %reduce_sum3A_492 : i1 to vector<16xi1>
      %reduce_sum3A_494 = tpu.scan <sum>, %add3A_491 masked %reduce_sum3A_493 : vector<16xi32>, vector<16xi1> -> vector<16xi32>
      %reduce_sum3A_495 = vector.extract %reduce_sum3A_494[15] : i32 from vector<16xi32>
      %eq3A = arith.constant 0 : i32
      %eq3A_496 = arith.cmpi eq, %scan3A_378, %eq3A : i32
      %add3A_497 = arith.addi %scan3A_381, %reduce_sum3A_495 : i32
      %ge3A = arith.constant 256 : i32
      %ge3A_498 = arith.cmpi sge, %add3A_497, %ge3A : i32
      %and3A_499 = arith.andi %eq3A_496, %ge3A_498 : i1
      %select_n3A_500 = arith.select %and3A_499, %sub3A_383, %scan3A_379 : i32
      %select_n3A_501 = arith.select %and3A_499, %scan3A_381, %scan3A_380 : i32
      %jit3A_502 = arith.constant 1 : i32
      %select_n3A_503 = arith.select %and3A_499, %jit3A_502, %scan3A_378 : i32
      %eq3A_504 = arith.constant 0 : i32
      %eq3A_505 = arith.cmpi eq, %select_n3A_503, %eq3A_504 : i32
      %jit3A_506 = arith.constant 0 : i32
      %select_n3A_507 = arith.select %eq3A_505, %reduce_sum3A_495, %jit3A_506 : i32
      %add3A_508 = arith.addi %scan3A_381, %select_n3A_507 : i32
      scf.yield %select_n3A_503, %select_n3A_500, %select_n3A_501, %add3A_508 : i32, i32, i32, i32
    }
    %scan3A_214 = arith.constant 16 : i32
    %scan3A_215 = arith.constant 0 : i32
    %scan3A_216 = arith.constant 0 : i32
    %scan3A_217 = arith.constant 0 : i32
    %scan3A_218 = arith.constant 16 : i32
    %scan3A_219 = arith.addi %scan3A_217, %scan3A_218 : i32
    %scan3A_220 = arith.constant 1 : i32
    %scan3A_221:3 = scf.for %scan3A_377 = %scan3A_217 to %scan3A_219 step %scan3A_220 iter_args(%scan3A_378 = %scan3A_215, %scan3A_379 = %scan3A_216, %scan3A_380 = %scan3A_213#2) -> (i32, i32, i32)  : i32 {
      %mul3A_381 = arith.constant 16 : i32
      %mul3A_382 = arith.muli %scan3A_213#1, %mul3A_381 : i32
      %sub3A_383 = arith.constant 15 : i32
      %sub3A_384 = arith.subi %sub3A_383, %scan3A_377 : i32
      %add3A_385 = arith.addi %mul3A_382, %sub3A_384 : i32
      %mul3A_386 = arith.constant 16 : i32
      %mul3A_387 = arith.muli %add3A_385, %mul3A_386 : i32
      %get3A = arith.index_cast %mul3A_387 : i32 to index
      %get3A_388 = tpu.vector_load %arg8[%get3A] {strides = array<i32>} : memref<4096xi32, #tpu.memory_space<vmem>>, vector<16xi32>,
      %reduce_sum3A_389 = arith.constant true
      %reduce_sum3A_390 = vector.broadcast %reduce_sum3A_389 : i1 to vector<16xi1>
      %reduce_sum3A_391 = tpu.scan <sum>, %get3A_388 masked %reduce_sum3A_390 : vector<16xi32>, vector<16xi1> -> vector<16xi32>
      %reduce_sum3A_392 = vector.extract %reduce_sum3A_391[15] : i32 from vector<16xi32>
      %eq3A = arith.constant 0 : i32
      %eq3A_393 = arith.cmpi eq, %scan3A_378, %eq3A : i32
      %add3A_394 = arith.addi %scan3A_380, %reduce_sum3A_392 : i32
      %ge3A = arith.constant 256 : i32
      %ge3A_395 = arith.cmpi sge, %add3A_394, %ge3A : i32
      %and3A_396 = arith.andi %eq3A_393, %ge3A_395 : i1
      %select_n3A_397 = arith.select %and3A_396, %add3A_385, %scan3A_379 : i32
      %jit3A_398 = arith.constant 1 : i32
      %select_n3A_399 = arith.select %and3A_396, %jit3A_398, %scan3A_378 : i32
      %eq3A_400 = arith.constant 0 : i32
      %eq3A_401 = arith.cmpi eq, %select_n3A_399, %eq3A_400 : i32
      %jit3A_402 = arith.constant 0 : i32
      %select_n3A_403 = arith.select %eq3A_401, %reduce_sum3A_392, %jit3A_402 : i32
      %add3A_404 = arith.addi %scan3A_380, %select_n3A_403 : i32
      scf.yield %select_n3A_399, %select_n3A_397, %add3A_404 : i32, i32, i32
    }
    %scan3A_222 = arith.constant 16 : i32
    %sub3A_223 = arith.constant 256 : i32
    %sub3A_224 = arith.subi %sub3A_223, %scan3A_221#2 : i32
    %scan3A_225 = arith.constant 0 : i32
    %scan3A_226 = arith.constant 0 : i32
    %scan3A_227 = arith.constant 256 : i32
    %scan3A_228 = arith.addi %scan3A_226, %scan3A_227 : i32
    %scan3A_229 = arith.constant 8 : i32
    scf.for %scan3A_377 = %scan3A_226 to %scan3A_228 step %scan3A_229  : i32 {
      %mul3A_378 = arith.constant 16 : i32
      %mul3A_379 = arith.muli %scan3A_377, %mul3A_378 : i32
      %swap3A = arith.index_cast %mul3A_379 : i32 to index
      %swap3A_380 = tpu.vector_load %arg8[%swap3A] {strides = array<i32>} : memref<4096xi32, #tpu.memory_space<vmem>>, vector<16xi32>,
      tpu.vector_store %arg8[%swap3A], %broadcast_in_dim3A_3 {strides = array<i32>} : memref<4096xi32, #tpu.memory_space<vmem>>, vector<16xi32>,
      %scan3A_381 = arith.constant 1 : i32
      %scan3A_382 = arith.addi %scan3A_377, %scan3A_381 : i32
      %mul3A_383 = arith.constant 16 : i32
      %mul3A_384 = arith.muli %scan3A_382, %mul3A_383 : i32
      %swap3A_385 = arith.index_cast %mul3A_384 : i32 to index
      %swap3A_386 = tpu.vector_load %arg8[%swap3A_385] {strides = array<i32>} : memref<4096xi32, #tpu.memory_space<vmem>>, vector<16xi32>,
      tpu.vector_store %arg8[%swap3A_385], %broadcast_in_dim3A_3 {strides = array<i32>} : memref<4096xi32, #tpu.memory_space<vmem>>, vector<16xi32>,
      %scan3A_387 = arith.constant 2 : i32
      %scan3A_388 = arith.addi %scan3A_377, %scan3A_387 : i32
      %mul3A_389 = arith.constant 16 : i32
      %mul3A_390 = arith.muli %scan3A_388, %mul3A_389 : i32
      %swap3A_391 = arith.index_cast %mul3A_390 : i32 to index
      %swap3A_392 = tpu.vector_load %arg8[%swap3A_391] {strides = array<i32>} : memref<4096xi32, #tpu.memory_space<vmem>>, vector<16xi32>,
      tpu.vector_store %arg8[%swap3A_391], %broadcast_in_dim3A_3 {strides = array<i32>} : memref<4096xi32, #tpu.memory_space<vmem>>, vector<16xi32>,
      %scan3A_393 = arith.constant 3 : i32
      %scan3A_394 = arith.addi %scan3A_377, %scan3A_393 : i32
      %mul3A_395 = arith.constant 16 : i32
      %mul3A_396 = arith.muli %scan3A_394, %mul3A_395 : i32
      %swap3A_397 = arith.index_cast %mul3A_396 : i32 to index
      %swap3A_398 = tpu.vector_load %arg8[%swap3A_397] {strides = array<i32>} : memref<4096xi32, #tpu.memory_space<vmem>>, vector<16xi32>,
      tpu.vector_store %arg8[%swap3A_397], %broadcast_in_dim3A_3 {strides = array<i32>} : memref<4096xi32, #tpu.memory_space<vmem>>, vector<16xi32>,
      %scan3A_399 = arith.constant 4 : i32
      %scan3A_400 = arith.addi %scan3A_377, %scan3A_399 : i32
      %mul3A_401 = arith.constant 16 : i32
      %mul3A_402 = arith.muli %scan3A_400, %mul3A_401 : i32
      %swap3A_403 = arith.index_cast %mul3A_402 : i32 to index
      %swap3A_404 = tpu.vector_load %arg8[%swap3A_403] {strides = array<i32>} : memref<4096xi32, #tpu.memory_space<vmem>>, vector<16xi32>,
      tpu.vector_store %arg8[%swap3A_403], %broadcast_in_dim3A_3 {strides = array<i32>} : memref<4096xi32, #tpu.memory_space<vmem>>, vector<16xi32>,
      %scan3A_405 = arith.constant 5 : i32
      %scan3A_406 = arith.addi %scan3A_377, %scan3A_405 : i32
      %mul3A_407 = arith.constant 16 : i32
      %mul3A_408 = arith.muli %scan3A_406, %mul3A_407 : i32
      %swap3A_409 = arith.index_cast %mul3A_408 : i32 to index
      %swap3A_410 = tpu.vector_load %arg8[%swap3A_409] {strides = array<i32>} : memref<4096xi32, #tpu.memory_space<vmem>>, vector<16xi32>,
      tpu.vector_store %arg8[%swap3A_409], %broadcast_in_dim3A_3 {strides = array<i32>} : memref<4096xi32, #tpu.memory_space<vmem>>, vector<16xi32>,
      %scan3A_411 = arith.constant 6 : i32
      %scan3A_412 = arith.addi %scan3A_377, %scan3A_411 : i32
      %mul3A_413 = arith.constant 16 : i32
      %mul3A_414 = arith.muli %scan3A_412, %mul3A_413 : i32
      %swap3A_415 = arith.index_cast %mul3A_414 : i32 to index
      %swap3A_416 = tpu.vector_load %arg8[%swap3A_415] {strides = array<i32>} : memref<4096xi32, #tpu.memory_space<vmem>>, vector<16xi32>,
      tpu.vector_store %arg8[%swap3A_415], %broadcast_in_dim3A_3 {strides = array<i32>} : memref<4096xi32, #tpu.memory_space<vmem>>, vector<16xi32>,
      %scan3A_417 = arith.constant 7 : i32
      %scan3A_418 = arith.addi %scan3A_377, %scan3A_417 : i32
      %mul3A_419 = arith.constant 16 : i32
      %mul3A_420 = arith.muli %scan3A_418, %mul3A_419 : i32
      %swap3A_421 = arith.index_cast %mul3A_420 : i32 to index
      %swap3A_422 = tpu.vector_load %arg8[%swap3A_421] {strides = array<i32>} : memref<4096xi32, #tpu.memory_space<vmem>>, vector<16xi32>,
      tpu.vector_store %arg8[%swap3A_421], %broadcast_in_dim3A_3 {strides = array<i32>} : memref<4096xi32, #tpu.memory_space<vmem>>, vector<16xi32>,
    }
    %scan3A_230 = arith.constant 256 : i32
    %parallel_loop3A_231 = arith.constant 0 : i32
    %parallel_loop3A_232 = arith.constant 512 : i32
    %parallel_loop3A_233 = arith.constant 1 : i32
    %parallel_loop3A_234 = scf.for %parallel_loop3A_377 = %parallel_loop3A_231 to %parallel_loop3A_232 step %parallel_loop3A_233 iter_args(%parallel_loop3A_378 = %broadcast_in_dim3A_3) -> (vector<16xi32>)  : i32 {
      %parallel_loop3A_379 = arith.constant 16 : i32
      %parallel_loop3A_380 = arith.muli %parallel_loop3A_377, %parallel_loop3A_379 : i32
      %parallel_loop3A_381 = arith.index_cast %parallel_loop3A_380 : i32 to index
      %parallel_loop3A_382 = tpu.vector_load %arg5[%parallel_loop3A_381] {strides = array<i32>} : memref<8192xf32, #tpu.memory_space<vmem>>, vector<16xf32>,
      %parallel_loop3A_383 = vector.bitcast %parallel_loop3A_382 : vector<16xf32> to vector<16xi32>
      %parallel_loop3A_384 = arith.constant 24 : i32
      %parallel_loop3A_385 = vector.broadcast %parallel_loop3A_384 : i32 to vector<16xi32>
      %parallel_loop3A_386 = arith.shrsi %parallel_loop3A_383, %parallel_loop3A_385 : vector<16xi32>
      %parallel_loop3A_387 = arith.constant 128 : i32
      %parallel_loop3A_388 = vector.broadcast %parallel_loop3A_387 : i32 to vector<16xi32>
      %parallel_loop3A_389 = arith.addi %parallel_loop3A_386, %parallel_loop3A_388 : vector<16xi32>
      %parallel_loop3A_390 = vector.broadcast %scan3A_221#1 : i32 to vector<16xi32>
      %parallel_loop3A_391 = arith.cmpi sgt, %parallel_loop3A_389, %parallel_loop3A_390 : vector<16xi32>
      %parallel_loop3A_392 = arith.constant 0 : i32
      %parallel_loop3A_393 = vector.broadcast %parallel_loop3A_392 : i32 to vector<16xi32>
      %parallel_loop3A_394 = arith.maxsi %parallel_loop3A_383, %parallel_loop3A_393 : vector<16xi32>
      %parallel_loop3A_395 = arith.constant 0 : i32
      %parallel_loop3A_396 = vector.broadcast %parallel_loop3A_395 : i32 to vector<16xi32>
      %parallel_loop3A_397 = arith.select %parallel_loop3A_391, %parallel_loop3A_394, %parallel_loop3A_396 : vector<16xi1>, vector<16xi32>
      %parallel_loop3A_398 = vector.bitcast %parallel_loop3A_397 : vector<16xi32> to vector<16xf32>
      %parallel_loop3A_399 = arith.constant 16 : i32
      %parallel_loop3A_400 = arith.muli %parallel_loop3A_377, %parallel_loop3A_399 : i32
      %parallel_loop3A_401 = arith.index_cast %parallel_loop3A_400 : i32 to index
      %parallel_loop3A_402 = tpu.vector_load %arg7[%parallel_loop3A_401] {strides = array<i32>} : memref<8192xf32, #tpu.memory_space<vmem>>, vector<16xf32>,
      tpu.vector_store %arg7[%parallel_loop3A_401], %parallel_loop3A_398 {strides = array<i32>} : memref<8192xf32, #tpu.memory_space<vmem>>, vector<16xf32>,
      %parallel_loop3A_403 = vector.broadcast %scan3A_221#1 : i32 to vector<16xi32>
      %parallel_loop3A_404 = arith.cmpi eq, %parallel_loop3A_389, %parallel_loop3A_403 : vector<16xi32>
      %parallel_loop3A_405 = arith.extui %parallel_loop3A_404 : vector<16xi1> to vector<16xi32>
      %parallel_loop3A_406 = arith.constant true
      %parallel_loop3A_407 = vector.broadcast %parallel_loop3A_406 : i1 to vector<16xi1>
      %parallel_loop3A_408 = tpu.scan <sum>, %parallel_loop3A_405 masked %parallel_loop3A_407 : vector<16xi32>, vector<16xi1> -> vector<16xi32>
      %parallel_loop3A_409 = arith.addi %parallel_loop3A_378, %parallel_loop3A_408 : vector<16xi32>
      %parallel_loop3A_410 = arith.constant 1 : i32
      %parallel_loop3A_411 = vector.broadcast %parallel_loop3A_410 : i32 to vector<16xi32>
      %parallel_loop3A_412 = arith.subi %parallel_loop3A_409, %parallel_loop3A_411 : vector<16xi32>
      %parallel_loop3A_413 = arith.constant 16 : i32
      %parallel_loop3A_414 = arith.muli %parallel_loop3A_377, %parallel_loop3A_413 : i32
      %parallel_loop3A_415 = vector.broadcast %parallel_loop3A_414 : i32 to vector<16xi32>
      %parallel_loop3A_416 = arith.addi %parallel_loop3A_415, %iota3A : vector<16xi32>
      tpu.vector_store_idx %arg9[%parallel_loop3A_412], %parallel_loop3A_416 masked %parallel_loop3A_404 : memref<8192xi32, #tpu.memory_space<vmem>>[vector<16xi32>], vector<16xi32>, vector<16xi1>
      %parallel_loop3A_417 = tpu.all_reduce %parallel_loop3A_404 {dim = 0 : i64, kind = #tpu.reduction_kind<sum>} : vector<16xi1> -> vector<16xi32>
      %parallel_loop3A_418 = arith.addi %parallel_loop3A_378, %parallel_loop3A_417 : vector<16xi32>
      scf.yield %parallel_loop3A_418 : vector<16xi32>
    } {sc.loop_unroll_factor = 4 : i64, sc.parallel_access}
    %reduce_max3A_235 = arith.constant true
    %reduce_max3A_236 = vector.broadcast %reduce_max3A_235 : i1 to vector<16xi1>
    %reduce_max3A_237 = arith.constant -2147483648 : i32
    %reduce_max3A_238 = vector.broadcast %reduce_max3A_237 : i32 to vector<16xi32>
    %reduce_max3A_239 = arith.xori %parallel_loop3A_234, %reduce_max3A_238 : vector<16xi32>
    %reduce_max3A_240 = tpu.scan <max>, %reduce_max3A_239 masked %reduce_max3A_236 : vector<16xi32>, vector<16xi1> -> vector<16xi32>
    %reduce_max3A_241 = arith.xori %reduce_max3A_240, %reduce_max3A_238 : vector<16xi32>
    %reduce_max3A_242 = vector.extract %reduce_max3A_241[15] : i32 from vector<16xi32>
    %add3A_243 = arith.constant 16 : i32
    %add3A_244 = arith.addi %reduce_max3A_242, %add3A_243 : i32
    %sub3A_245 = arith.constant 1 : i32
    %sub3A_246 = arith.subi %add3A_244, %sub3A_245 : i32
    %jit3A_247 = arith.constant 16 : i32
    %div3A_248 = arith.divsi %sub3A_246, %jit3A_247 : i32
    %sign3A_249 = arith.constant 0 : i32
    %sign3A_250 = arith.cmpi sgt, %sub3A_246, %sign3A_249 : i32
    %sign3A_251 = arith.extui %sign3A_250 : i1 to i32
    %sign3A_252 = arith.constant 0 : i32
    %sign3A_253 = arith.cmpi slt, %sub3A_246, %sign3A_252 : i32
    %sign3A_254 = arith.extui %sign3A_253 : i1 to i32
    %sign3A_255 = arith.subi %sign3A_251, %sign3A_254 : i32
    %sign3A_256 = arith.constant 0 : i32
    %sign3A_257 = arith.cmpi sgt, %jit3A_247, %sign3A_256 : i32
    %sign3A_258 = arith.extui %sign3A_257 : i1 to i32
    %sign3A_259 = arith.constant 0 : i32
    %sign3A_260 = arith.cmpi slt, %jit3A_247, %sign3A_259 : i32
    %sign3A_261 = arith.extui %sign3A_260 : i1 to i32
    %sign3A_262 = arith.subi %sign3A_258, %sign3A_261 : i32
    %ne3A_263 = arith.cmpi ne, %sign3A_255, %sign3A_262 : i32
    %rem3A_264 = arith.remsi %sub3A_246, %jit3A_247 : i32
    %ne3A_265 = arith.constant 0 : i32
    %ne3A_266 = arith.cmpi ne, %rem3A_264, %ne3A_265 : i32
    %and3A_267 = arith.andi %ne3A_263, %ne3A_266 : i1
    %sub3A_268 = arith.constant 1 : i32
    %sub3A_269 = arith.subi %div3A_248, %sub3A_268 : i32
    %select_n3A_270 = arith.select %and3A_267, %sub3A_269, %div3A_248 : i32
    %parallel_loop3A_271 = arith.constant 0 : i32
    %parallel_loop3A_272 = arith.constant 1 : i32
    scf.for %parallel_loop3A_377 = %parallel_loop3A_271 to %select_n3A_270 step %parallel_loop3A_272  : i32 {
      %parallel_loop3A_378 = arith.constant 16 : i32
      %parallel_loop3A_379 = arith.muli %parallel_loop3A_377, %parallel_loop3A_378 : i32
      %parallel_loop3A_380 = arith.index_cast %parallel_loop3A_379 : i32 to index
      %parallel_loop3A_381 = tpu.vector_load %arg9[%parallel_loop3A_380] {strides = array<i32>} : memref<8192xi32, #tpu.memory_space<vmem>>, vector<16xi32>,
      %parallel_loop3A_382 = arith.constant 16 : i32
      %parallel_loop3A_383 = arith.muli %parallel_loop3A_377, %parallel_loop3A_382 : i32
      %parallel_loop3A_384 = vector.broadcast %parallel_loop3A_383 : i32 to vector<16xi32>
      %parallel_loop3A_385 = arith.addi %parallel_loop3A_384, %iota3A : vector<16xi32>
      %parallel_loop3A_386 = arith.cmpi slt, %parallel_loop3A_385, %parallel_loop3A_234 : vector<16xi32>
      %parallel_loop3A_387 = tpu.vector_load_idx %arg5[%parallel_loop3A_381] masked %parallel_loop3A_386 : memref<8192xf32, #tpu.memory_space<vmem>>[vector<16xi32>], vector<16xf32>, vector<16xi1>
      %parallel_loop3A_388 = vector.bitcast %parallel_loop3A_387 : vector<16xf32> to vector<16xi32>
      %parallel_loop3A_389 = arith.constant 16 : i32
      %parallel_loop3A_390 = vector.broadcast %parallel_loop3A_389 : i32 to vector<16xi32>
      %parallel_loop3A_391 = arith.shrsi %parallel_loop3A_388, %parallel_loop3A_390 : vector<16xi32>
      %parallel_loop3A_392 = arith.constant 255 : i32
      %parallel_loop3A_393 = vector.broadcast %parallel_loop3A_392 : i32 to vector<16xi32>
      %parallel_loop3A_394 = arith.andi %parallel_loop3A_391, %parallel_loop3A_393 : vector<16xi32>
      %parallel_loop3A_395 = arith.constant 16 : i32
      %parallel_loop3A_396 = vector.broadcast %parallel_loop3A_395 : i32 to vector<16xi32>
      %parallel_loop3A_397 = arith.muli %parallel_loop3A_394, %parallel_loop3A_396 : vector<16xi32>
      %parallel_loop3A_398 = arith.addi %parallel_loop3A_397, %iota3A : vector<16xi32>
      tpu.vector_store_idx %arg8[%parallel_loop3A_398], %broadcast_in_dim3A_1 masked %parallel_loop3A_386 {add = true} : memref<4096xi32, #tpu.memory_space<vmem>>[vector<16xi32>], vector<16xi32>, vector<16xi1>
    } {sc.loop_unroll_factor = 4 : i64, sc.parallel_access}
    %scan3A_273 = arith.constant 0 : i32
    %scan3A_274 = arith.constant 0 : i32
    %scan3A_275 = arith.constant 0 : i32
    %scan3A_276 = arith.constant 0 : i32
    %scan3A_277 = arith.constant 0 : i32
    %scan3A_278 = arith.constant 16 : i32
    %scan3A_279 = arith.addi %scan3A_277, %scan3A_278 : i32
    %scan3A_280 = arith.constant 1 : i32
    %scan3A_281:4 = scf.for %scan3A_377 = %scan3A_277 to %scan3A_279 step %scan3A_280 iter_args(%scan3A_378 = %scan3A_273, %scan3A_379 = %scan3A_274, %scan3A_380 = %scan3A_275, %scan3A_381 = %scan3A_276) -> (i32, i32, i32, i32)  : i32 {
      %sub3A_382 = arith.constant 15 : i32
      %sub3A_383 = arith.subi %sub3A_382, %scan3A_377 : i32
      %mul3A_384 = arith.constant 256 : i32
      %mul3A_385 = arith.muli %sub3A_383, %mul3A_384 : i32
      %get3A = arith.index_cast %mul3A_385 : i32 to index
      %get3A_386 = tpu.vector_load %arg8[%get3A] {strides = array<i32>} : memref<4096xi32, #tpu.memory_space<vmem>>, vector<16xi32>,
      %mul3A_387 = arith.constant 256 : i32
      %mul3A_388 = arith.muli %sub3A_383, %mul3A_387 : i32
      %add3A_389 = arith.constant 16 : i32
      %add3A_390 = arith.addi %mul3A_388, %add3A_389 : i32
      %get3A_391 = arith.index_cast %add3A_390 : i32 to index
      %get3A_392 = tpu.vector_load %arg8[%get3A_391] {strides = array<i32>} : memref<4096xi32, #tpu.memory_space<vmem>>, vector<16xi32>,
      %add3A_393 = arith.addi %get3A_386, %get3A_392 : vector<16xi32>
      %mul3A_394 = arith.constant 256 : i32
      %mul3A_395 = arith.muli %sub3A_383, %mul3A_394 : i32
      %add3A_396 = arith.constant 32 : i32
      %add3A_397 = arith.addi %mul3A_395, %add3A_396 : i32
      %get3A_398 = arith.index_cast %add3A_397 : i32 to index
      %get3A_399 = tpu.vector_load %arg8[%get3A_398] {strides = array<i32>} : memref<4096xi32, #tpu.memory_space<vmem>>, vector<16xi32>,
      %add3A_400 = arith.addi %add3A_393, %get3A_399 : vector<16xi32>
      %mul3A_401 = arith.constant 256 : i32
      %mul3A_402 = arith.muli %sub3A_383, %mul3A_401 : i32
      %add3A_403 = arith.constant 48 : i32
      %add3A_404 = arith.addi %mul3A_402, %add3A_403 : i32
      %get3A_405 = arith.index_cast %add3A_404 : i32 to index
      %get3A_406 = tpu.vector_load %arg8[%get3A_405] {strides = array<i32>} : memref<4096xi32, #tpu.memory_space<vmem>>, vector<16xi32>,
      %add3A_407 = arith.addi %add3A_400, %get3A_406 : vector<16xi32>
      %mul3A_408 = arith.constant 256 : i32
      %mul3A_409 = arith.muli %sub3A_383, %mul3A_408 : i32
      %add3A_410 = arith.constant 64 : i32
      %add3A_411 = arith.addi %mul3A_409, %add3A_410 : i32
      %get3A_412 = arith.index_cast %add3A_411 : i32 to index
      %get3A_413 = tpu.vector_load %arg8[%get3A_412] {strides = array<i32>} : memref<4096xi32, #tpu.memory_space<vmem>>, vector<16xi32>,
      %add3A_414 = arith.addi %add3A_407, %get3A_413 : vector<16xi32>
      %mul3A_415 = arith.constant 256 : i32
      %mul3A_416 = arith.muli %sub3A_383, %mul3A_415 : i32
      %add3A_417 = arith.constant 80 : i32
      %add3A_418 = arith.addi %mul3A_416, %add3A_417 : i32
      %get3A_419 = arith.index_cast %add3A_418 : i32 to index
      %get3A_420 = tpu.vector_load %arg8[%get3A_419] {strides = array<i32>} : memref<4096xi32, #tpu.memory_space<vmem>>, vector<16xi32>,
      %add3A_421 = arith.addi %add3A_414, %get3A_420 : vector<16xi32>
      %mul3A_422 = arith.constant 256 : i32
      %mul3A_423 = arith.muli %sub3A_383, %mul3A_422 : i32
      %add3A_424 = arith.constant 96 : i32
      %add3A_425 = arith.addi %mul3A_423, %add3A_424 : i32
      %get3A_426 = arith.index_cast %add3A_425 : i32 to index
      %get3A_427 = tpu.vector_load %arg8[%get3A_426] {strides = array<i32>} : memref<4096xi32, #tpu.memory_space<vmem>>, vector<16xi32>,
      %add3A_428 = arith.addi %add3A_421, %get3A_427 : vector<16xi32>
      %mul3A_429 = arith.constant 256 : i32
      %mul3A_430 = arith.muli %sub3A_383, %mul3A_429 : i32
      %add3A_431 = arith.constant 112 : i32
      %add3A_432 = arith.addi %mul3A_430, %add3A_431 : i32
      %get3A_433 = arith.index_cast %add3A_432 : i32 to index
      %get3A_434 = tpu.vector_load %arg8[%get3A_433] {strides = array<i32>} : memref<4096xi32, #tpu.memory_space<vmem>>, vector<16xi32>,
      %add3A_435 = arith.addi %add3A_428, %get3A_434 : vector<16xi32>
      %mul3A_436 = arith.constant 256 : i32
      %mul3A_437 = arith.muli %sub3A_383, %mul3A_436 : i32
      %add3A_438 = arith.constant 128 : i32
      %add3A_439 = arith.addi %mul3A_437, %add3A_438 : i32
      %get3A_440 = arith.index_cast %add3A_439 : i32 to index
      %get3A_441 = tpu.vector_load %arg8[%get3A_440] {strides = array<i32>} : memref<4096xi32, #tpu.memory_space<vmem>>, vector<16xi32>,
      %add3A_442 = arith.addi %add3A_435, %get3A_441 : vector<16xi32>
      %mul3A_443 = arith.constant 256 : i32
      %mul3A_444 = arith.muli %sub3A_383, %mul3A_443 : i32
      %add3A_445 = arith.constant 144 : i32
      %add3A_446 = arith.addi %mul3A_444, %add3A_445 : i32
      %get3A_447 = arith.index_cast %add3A_446 : i32 to index
      %get3A_448 = tpu.vector_load %arg8[%get3A_447] {strides = array<i32>} : memref<4096xi32, #tpu.memory_space<vmem>>, vector<16xi32>,
      %add3A_449 = arith.addi %add3A_442, %get3A_448 : vector<16xi32>
      %mul3A_450 = arith.constant 256 : i32
      %mul3A_451 = arith.muli %sub3A_383, %mul3A_450 : i32
      %add3A_452 = arith.constant 160 : i32
      %add3A_453 = arith.addi %mul3A_451, %add3A_452 : i32
      %get3A_454 = arith.index_cast %add3A_453 : i32 to index
      %get3A_455 = tpu.vector_load %arg8[%get3A_454] {strides = array<i32>} : memref<4096xi32, #tpu.memory_space<vmem>>, vector<16xi32>,
      %add3A_456 = arith.addi %add3A_449, %get3A_455 : vector<16xi32>
      %mul3A_457 = arith.constant 256 : i32
      %mul3A_458 = arith.muli %sub3A_383, %mul3A_457 : i32
      %add3A_459 = arith.constant 176 : i32
      %add3A_460 = arith.addi %mul3A_458, %add3A_459 : i32
      %get3A_461 = arith.index_cast %add3A_460 : i32 to index
      %get3A_462 = tpu.vector_load %arg8[%get3A_461] {strides = array<i32>} : memref<4096xi32, #tpu.memory_space<vmem>>, vector<16xi32>,
      %add3A_463 = arith.addi %add3A_456, %get3A_462 : vector<16xi32>
      %mul3A_464 = arith.constant 256 : i32
      %mul3A_465 = arith.muli %sub3A_383, %mul3A_464 : i32
      %add3A_466 = arith.constant 192 : i32
      %add3A_467 = arith.addi %mul3A_465, %add3A_466 : i32
      %get3A_468 = arith.index_cast %add3A_467 : i32 to index
      %get3A_469 = tpu.vector_load %arg8[%get3A_468] {strides = array<i32>} : memref<4096xi32, #tpu.memory_space<vmem>>, vector<16xi32>,
      %add3A_470 = arith.addi %add3A_463, %get3A_469 : vector<16xi32>
      %mul3A_471 = arith.constant 256 : i32
      %mul3A_472 = arith.muli %sub3A_383, %mul3A_471 : i32
      %add3A_473 = arith.constant 208 : i32
      %add3A_474 = arith.addi %mul3A_472, %add3A_473 : i32
      %get3A_475 = arith.index_cast %add3A_474 : i32 to index
      %get3A_476 = tpu.vector_load %arg8[%get3A_475] {strides = array<i32>} : memref<4096xi32, #tpu.memory_space<vmem>>, vector<16xi32>,
      %add3A_477 = arith.addi %add3A_470, %get3A_476 : vector<16xi32>
      %mul3A_478 = arith.constant 256 : i32
      %mul3A_479 = arith.muli %sub3A_383, %mul3A_478 : i32
      %add3A_480 = arith.constant 224 : i32
      %add3A_481 = arith.addi %mul3A_479, %add3A_480 : i32
      %get3A_482 = arith.index_cast %add3A_481 : i32 to index
      %get3A_483 = tpu.vector_load %arg8[%get3A_482] {strides = array<i32>} : memref<4096xi32, #tpu.memory_space<vmem>>, vector<16xi32>,
      %add3A_484 = arith.addi %add3A_477, %get3A_483 : vector<16xi32>
      %mul3A_485 = arith.constant 256 : i32
      %mul3A_486 = arith.muli %sub3A_383, %mul3A_485 : i32
      %add3A_487 = arith.constant 240 : i32
      %add3A_488 = arith.addi %mul3A_486, %add3A_487 : i32
      %get3A_489 = arith.index_cast %add3A_488 : i32 to index
      %get3A_490 = tpu.vector_load %arg8[%get3A_489] {strides = array<i32>} : memref<4096xi32, #tpu.memory_space<vmem>>, vector<16xi32>,
      %add3A_491 = arith.addi %add3A_484, %get3A_490 : vector<16xi32>
      %reduce_sum3A_492 = arith.constant true
      %reduce_sum3A_493 = vector.broadcast %reduce_sum3A_492 : i1 to vector<16xi1>
      %reduce_sum3A_494 = tpu.scan <sum>, %add3A_491 masked %reduce_sum3A_493 : vector<16xi32>, vector<16xi1> -> vector<16xi32>
      %reduce_sum3A_495 = vector.extract %reduce_sum3A_494[15] : i32 from vector<16xi32>
      %eq3A = arith.constant 0 : i32
      %eq3A_496 = arith.cmpi eq, %scan3A_378, %eq3A : i32
      %add3A_497 = arith.addi %scan3A_381, %reduce_sum3A_495 : i32
      %ge3A = arith.cmpi sge, %add3A_497, %sub3A_224 : i32
      %and3A_498 = arith.andi %eq3A_496, %ge3A : i1
      %select_n3A_499 = arith.select %and3A_498, %sub3A_383, %scan3A_379 : i32
      %select_n3A_500 = arith.select %and3A_498, %scan3A_381, %scan3A_380 : i32
      %jit3A_501 = arith.constant 1 : i32
      %select_n3A_502 = arith.select %and3A_498, %jit3A_501, %scan3A_378 : i32
      %eq3A_503 = arith.constant 0 : i32
      %eq3A_504 = arith.cmpi eq, %select_n3A_502, %eq3A_503 : i32
      %jit3A_505 = arith.constant 0 : i32
      %select_n3A_506 = arith.select %eq3A_504, %reduce_sum3A_495, %jit3A_505 : i32
      %add3A_507 = arith.addi %scan3A_381, %select_n3A_506 : i32
      scf.yield %select_n3A_502, %select_n3A_499, %select_n3A_500, %add3A_507 : i32, i32, i32, i32
    }
    %scan3A_282 = arith.constant 16 : i32
    %scan3A_283 = arith.constant 0 : i32
    %scan3A_284 = arith.constant 0 : i32
    %scan3A_285 = arith.constant 0 : i32
    %scan3A_286 = arith.constant 16 : i32
    %scan3A_287 = arith.addi %scan3A_285, %scan3A_286 : i32
    %scan3A_288 = arith.constant 1 : i32
    %scan3A_289:3 = scf.for %scan3A_377 = %scan3A_285 to %scan3A_287 step %scan3A_288 iter_args(%scan3A_378 = %scan3A_283, %scan3A_379 = %scan3A_284, %scan3A_380 = %scan3A_281#2) -> (i32, i32, i32)  : i32 {
      %mul3A_381 = arith.constant 16 : i32
      %mul3A_382 = arith.muli %scan3A_281#1, %mul3A_381 : i32
      %sub3A_383 = arith.constant 15 : i32
      %sub3A_384 = arith.subi %sub3A_383, %scan3A_377 : i32
      %add3A_385 = arith.addi %mul3A_382, %sub3A_384 : i32
      %mul3A_386 = arith.constant 16 : i32
      %mul3A_387 = arith.muli %add3A_385, %mul3A_386 : i32
      %get3A = arith.index_cast %mul3A_387 : i32 to index
      %get3A_388 = tpu.vector_load %arg8[%get3A] {strides = array<i32>} : memref<4096xi32, #tpu.memory_space<vmem>>, vector<16xi32>,
      %reduce_sum3A_389 = arith.constant true
      %reduce_sum3A_390 = vector.broadcast %reduce_sum3A_389 : i1 to vector<16xi1>
      %reduce_sum3A_391 = tpu.scan <sum>, %get3A_388 masked %reduce_sum3A_390 : vector<16xi32>, vector<16xi1> -> vector<16xi32>
      %reduce_sum3A_392 = vector.extract %reduce_sum3A_391[15] : i32 from vector<16xi32>
      %eq3A = arith.constant 0 : i32
      %eq3A_393 = arith.cmpi eq, %scan3A_378, %eq3A : i32
      %add3A_394 = arith.addi %scan3A_380, %reduce_sum3A_392 : i32
      %ge3A = arith.cmpi sge, %add3A_394, %sub3A_224 : i32
      %and3A_395 = arith.andi %eq3A_393, %ge3A : i1
      %select_n3A_396 = arith.select %and3A_395, %add3A_385, %scan3A_379 : i32
      %jit3A_397 = arith.constant 1 : i32
      %select_n3A_398 = arith.select %and3A_395, %jit3A_397, %scan3A_378 : i32
      %eq3A_399 = arith.constant 0 : i32
      %eq3A_400 = arith.cmpi eq, %select_n3A_398, %eq3A_399 : i32
      %jit3A_401 = arith.constant 0 : i32
      %select_n3A_402 = arith.select %eq3A_400, %reduce_sum3A_392, %jit3A_401 : i32
      %add3A_403 = arith.addi %scan3A_380, %select_n3A_402 : i32
      scf.yield %select_n3A_398, %select_n3A_396, %add3A_403 : i32, i32, i32
    }
    %scan3A_290 = arith.constant 16 : i32
    %sub3A_291 = arith.subi %sub3A_224, %scan3A_289#2 : i32
    %parallel_loop3A_292 = arith.constant 0 : i32
    %parallel_loop3A_293 = arith.constant 1 : i32
    %parallel_loop3A_294 = scf.for %parallel_loop3A_377 = %parallel_loop3A_292 to %select_n3A_270 step %parallel_loop3A_293 iter_args(%parallel_loop3A_378 = %broadcast_in_dim3A_3) -> (vector<16xi32>)  : i32 {
      %parallel_loop3A_379 = arith.constant 16 : i32
      %parallel_loop3A_380 = arith.muli %parallel_loop3A_377, %parallel_loop3A_379 : i32
      %parallel_loop3A_381 = arith.index_cast %parallel_loop3A_380 : i32 to index
      %parallel_loop3A_382 = tpu.vector_load %arg9[%parallel_loop3A_381] {strides = array<i32>} : memref<8192xi32, #tpu.memory_space<vmem>>, vector<16xi32>,
      %parallel_loop3A_383 = arith.constant 16 : i32
      %parallel_loop3A_384 = arith.muli %parallel_loop3A_377, %parallel_loop3A_383 : i32
      %parallel_loop3A_385 = vector.broadcast %parallel_loop3A_384 : i32 to vector<16xi32>
      %parallel_loop3A_386 = arith.addi %parallel_loop3A_385, %iota3A : vector<16xi32>
      %parallel_loop3A_387 = arith.cmpi slt, %parallel_loop3A_386, %parallel_loop3A_234 : vector<16xi32>
      %parallel_loop3A_388 = tpu.vector_load_idx %arg5[%parallel_loop3A_382] masked %parallel_loop3A_387 : memref<8192xf32, #tpu.memory_space<vmem>>[vector<16xi32>], vector<16xf32>, vector<16xi1>
      %parallel_loop3A_389 = vector.bitcast %parallel_loop3A_388 : vector<16xf32> to vector<16xi32>
      %parallel_loop3A_390 = arith.constant 16 : i32
      %parallel_loop3A_391 = vector.broadcast %parallel_loop3A_390 : i32 to vector<16xi32>
      %parallel_loop3A_392 = arith.shrsi %parallel_loop3A_389, %parallel_loop3A_391 : vector<16xi32>
      %parallel_loop3A_393 = arith.constant 255 : i32
      %parallel_loop3A_394 = vector.broadcast %parallel_loop3A_393 : i32 to vector<16xi32>
      %parallel_loop3A_395 = arith.andi %parallel_loop3A_392, %parallel_loop3A_394 : vector<16xi32>
      %parallel_loop3A_396 = arith.constant 0 : i32
      %parallel_loop3A_397 = vector.broadcast %parallel_loop3A_396 : i32 to vector<16xi32>
      %parallel_loop3A_398 = arith.maxsi %parallel_loop3A_389, %parallel_loop3A_397 : vector<16xi32>
      %parallel_loop3A_399 = vector.bitcast %parallel_loop3A_398 : vector<16xi32> to vector<16xf32>
      %parallel_loop3A_400 = vector.broadcast %scan3A_289#1 : i32 to vector<16xi32>
      %parallel_loop3A_401 = arith.cmpi sgt, %parallel_loop3A_395, %parallel_loop3A_400 : vector<16xi32>
      %parallel_loop3A_402 = arith.andi %parallel_loop3A_401, %parallel_loop3A_387 : vector<16xi1>
      tpu.vector_store_idx %arg7[%parallel_loop3A_382], %parallel_loop3A_399 masked %parallel_loop3A_402 : memref<8192xf32, #tpu.memory_space<vmem>>[vector<16xi32>], vector<16xf32>, vector<16xi1>
      %parallel_loop3A_403 = vector.broadcast %scan3A_289#1 : i32 to vector<16xi32>
      %parallel_loop3A_404 = arith.cmpi eq, %parallel_loop3A_395, %parallel_loop3A_403 : vector<16xi32>
      %parallel_loop3A_405 = arith.andi %parallel_loop3A_404, %parallel_loop3A_387 : vector<16xi1>
      %parallel_loop3A_406 = arith.extui %parallel_loop3A_405 : vector<16xi1> to vector<16xi32>
      %parallel_loop3A_407 = arith.constant true
      %parallel_loop3A_408 = vector.broadcast %parallel_loop3A_407 : i1 to vector<16xi1>
      %parallel_loop3A_409 = tpu.scan <sum>, %parallel_loop3A_406 masked %parallel_loop3A_408 : vector<16xi32>, vector<16xi1> -> vector<16xi32>
      %parallel_loop3A_410 = arith.addi %parallel_loop3A_378, %parallel_loop3A_409 : vector<16xi32>
      %parallel_loop3A_411 = arith.constant 1 : i32
      %parallel_loop3A_412 = vector.broadcast %parallel_loop3A_411 : i32 to vector<16xi32>
      %parallel_loop3A_413 = arith.subi %parallel_loop3A_410, %parallel_loop3A_412 : vector<16xi32>
      tpu.vector_store_idx %arg10[%parallel_loop3A_413], %parallel_loop3A_389 masked %parallel_loop3A_405 : memref<8192xi32, #tpu.memory_space<vmem>>[vector<16xi32>], vector<16xi32>, vector<16xi1>
      tpu.vector_store_idx %arg11[%parallel_loop3A_413], %parallel_loop3A_382 masked %parallel_loop3A_405 : memref<8192xi32, #tpu.memory_space<vmem>>[vector<16xi32>], vector<16xi32>, vector<16xi1>
      %parallel_loop3A_414 = tpu.all_reduce %parallel_loop3A_405 {dim = 0 : i64, kind = #tpu.reduction_kind<sum>} : vector<16xi1> -> vector<16xi32>
      %parallel_loop3A_415 = arith.addi %parallel_loop3A_378, %parallel_loop3A_414 : vector<16xi32>
      scf.yield %parallel_loop3A_415 : vector<16xi32>
    } {sc.loop_unroll_factor = 4 : i64, sc.parallel_access}
    %reduce_max3A_295 = arith.constant true
    %reduce_max3A_296 = vector.broadcast %reduce_max3A_295 : i1 to vector<16xi1>
    %reduce_max3A_297 = arith.constant -2147483648 : i32
    %reduce_max3A_298 = vector.broadcast %reduce_max3A_297 : i32 to vector<16xi32>
    %reduce_max3A_299 = arith.xori %parallel_loop3A_294, %reduce_max3A_298 : vector<16xi32>
    %reduce_max3A_300 = tpu.scan <max>, %reduce_max3A_299 masked %reduce_max3A_296 : vector<16xi32>, vector<16xi1> -> vector<16xi32>
    %reduce_max3A_301 = arith.xori %reduce_max3A_300, %reduce_max3A_298 : vector<16xi32>
    %reduce_max3A_302 = vector.extract %reduce_max3A_301[15] : i32 from vector<16xi32>
    %add3A_303 = arith.constant 16 : i32
    %add3A_304 = arith.addi %reduce_max3A_302, %add3A_303 : i32
    %sub3A_305 = arith.constant 1 : i32
    %sub3A_306 = arith.subi %add3A_304, %sub3A_305 : i32
    %jit3A_307 = arith.constant 16 : i32
    %div3A_308 = arith.divsi %sub3A_306, %jit3A_307 : i32
    %sign3A_309 = arith.constant 0 : i32
    %sign3A_310 = arith.cmpi sgt, %sub3A_306, %sign3A_309 : i32
    %sign3A_311 = arith.extui %sign3A_310 : i1 to i32
    %sign3A_312 = arith.constant 0 : i32
    %sign3A_313 = arith.cmpi slt, %sub3A_306, %sign3A_312 : i32
    %sign3A_314 = arith.extui %sign3A_313 : i1 to i32
    %sign3A_315 = arith.subi %sign3A_311, %sign3A_314 : i32
    %sign3A_316 = arith.constant 0 : i32
    %sign3A_317 = arith.cmpi sgt, %jit3A_307, %sign3A_316 : i32
    %sign3A_318 = arith.extui %sign3A_317 : i1 to i32
    %sign3A_319 = arith.constant 0 : i32
    %sign3A_320 = arith.cmpi slt, %jit3A_307, %sign3A_319 : i32
    %sign3A_321 = arith.extui %sign3A_320 : i1 to i32
    %sign3A_322 = arith.subi %sign3A_318, %sign3A_321 : i32
    %ne3A_323 = arith.cmpi ne, %sign3A_315, %sign3A_322 : i32
    %rem3A_324 = arith.remsi %sub3A_306, %jit3A_307 : i32
    %ne3A_325 = arith.constant 0 : i32
    %ne3A_326 = arith.cmpi ne, %rem3A_324, %ne3A_325 : i32
    %and3A_327 = arith.andi %ne3A_323, %ne3A_326 : i1
    %sub3A_328 = arith.constant 1 : i32
    %sub3A_329 = arith.subi %div3A_308, %sub3A_328 : i32
    %select_n3A_330 = arith.select %and3A_327, %sub3A_329, %div3A_308 : i32
    %sub3A_331 = arith.constant 128 : i32
    %sub3A_332 = arith.subi %scan3A_221#1, %sub3A_331 : i32
    %shift_left3A_333 = arith.constant 24 : i32
    %shift_left3A_334 = arith.shli %sub3A_332, %shift_left3A_333 : i32
    %shift_left3A_335 = arith.constant 16 : i32
    %shift_left3A_336 = arith.shli %scan3A_289#1, %shift_left3A_335 : i32
    %or3A_337 = arith.ori %shift_left3A_334, %shift_left3A_336 : i32
    %scan3A_338 = arith.constant 0 : i32
    %scan3A_339 = arith.constant 16 : i32
    %scan3A_340 = arith.addi %scan3A_338, %scan3A_339 : i32
    %scan3A_341 = arith.constant 1 : i32
    %scan3A_342 = scf.for %scan3A_377 = %scan3A_338 to %scan3A_340 step %scan3A_341 iter_args(%scan3A_378 = %or3A_337) -> (i32)  : i32 {
      %sub3A_379 = arith.constant 15 : i32
      %sub3A_380 = arith.subi %sub3A_379, %scan3A_377 : i32
      %shift_left3A_381 = arith.constant 1 : i32
      %shift_left3A_382 = arith.shli %shift_left3A_381, %sub3A_380 : i32
      %or3A_383 = arith.ori %scan3A_378, %shift_left3A_382 : i32
      %while3A_384 = arith.constant 0 : i32
      %while3A_385 = arith.subi %select_n3A_330, %while3A_384 : i32
      %while3A_386 = arith.addi %while3A_384, %while3A_385 : i32
      %while3A_387 = arith.constant 1 : i32
      %while3A_388 = arith.divsi %while3A_385, %while3A_387 : i32
      %while3A_389 = arith.muli %while3A_388, %while3A_387 : i32
      %while3A_390 = arith.addi %while3A_384, %while3A_389 : i32
      %while3A_391 = arith.constant 1 : i32
      %while3A_392 = scf.for %while3A_400 = %while3A_384 to %while3A_390 step %while3A_391 iter_args(%while3A_401 = %broadcast_in_dim3A_3) -> (vector<16xi32>)  : i32 {
        %mul3A_402 = arith.constant 16 : i32
        %mul3A_403 = arith.muli %while3A_400, %mul3A_402 : i32
        %get3A = arith.index_cast %mul3A_403 : i32 to index
        %get3A_404 = tpu.vector_load %arg10[%get3A] {strides = array<i32>} : memref<8192xi32, #tpu.memory_space<vmem>>, vector<16xi32>,
        %mul3A_405 = arith.constant 16 : i32
        %mul3A_406 = arith.muli %while3A_400, %mul3A_405 : i32
        %add3A_407 = vector.broadcast %mul3A_406 : i32 to vector<16xi32>
        %add3A_408 = arith.addi %add3A_407, %iota3A : vector<16xi32>
        %lt3A = arith.cmpi slt, %add3A_408, %parallel_loop3A_294 : vector<16xi32>
        %ge3A_409 = vector.broadcast %or3A_383 : i32 to vector<16xi32>
        %ge3A_410 = arith.cmpi sge, %get3A_404, %ge3A_409 : vector<16xi32>
        %and3A_411 = arith.andi %ge3A_410, %lt3A : vector<16xi1>
        %convert_element_type3A = arith.extui %and3A_411 : vector<16xi1> to vector<16xi32>
        %add3A_412 = arith.addi %while3A_401, %convert_element_type3A : vector<16xi32>
        scf.yield %add3A_412 : vector<16xi32>
      }
      %while3A_393 = arith.constant 1 : i32
      %while3A_394 = scf.for %while3A_400 = %while3A_390 to %while3A_386 step %while3A_393 iter_args(%while3A_401 = %while3A_392) -> (vector<16xi32>)  : i32 {
        %mul3A_402 = arith.constant 16 : i32
        %mul3A_403 = arith.muli %while3A_400, %mul3A_402 : i32
        %get3A = arith.index_cast %mul3A_403 : i32 to index
        %get3A_404 = tpu.vector_load %arg10[%get3A] {strides = array<i32>} : memref<8192xi32, #tpu.memory_space<vmem>>, vector<16xi32>,
        %mul3A_405 = arith.constant 16 : i32
        %mul3A_406 = arith.muli %while3A_400, %mul3A_405 : i32
        %add3A_407 = vector.broadcast %mul3A_406 : i32 to vector<16xi32>
        %add3A_408 = arith.addi %add3A_407, %iota3A : vector<16xi32>
        %lt3A = arith.cmpi slt, %add3A_408, %parallel_loop3A_294 : vector<16xi32>
        %ge3A_409 = vector.broadcast %or3A_383 : i32 to vector<16xi32>
        %ge3A_410 = arith.cmpi sge, %get3A_404, %ge3A_409 : vector<16xi32>
        %and3A_411 = arith.andi %ge3A_410, %lt3A : vector<16xi1>
        %convert_element_type3A = arith.extui %and3A_411 : vector<16xi1> to vector<16xi32>
        %add3A_412 = arith.addi %while3A_401, %convert_element_type3A : vector<16xi32>
        scf.yield %add3A_412 : vector<16xi32>
      }
      %reduce_sum3A_395 = arith.constant true
      %reduce_sum3A_396 = vector.broadcast %reduce_sum3A_395 : i1 to vector<16xi1>
      %reduce_sum3A_397 = tpu.scan <sum>, %while3A_394 masked %reduce_sum3A_396 : vector<16xi32>, vector<16xi1> -> vector<16xi32>
      %reduce_sum3A_398 = vector.extract %reduce_sum3A_397[15] : i32 from vector<16xi32>
      %ge3A = arith.cmpi sge, %reduce_sum3A_398, %sub3A_291 : i32
      %select_n3A_399 = arith.select %ge3A, %or3A_383, %scan3A_378 : i32
      scf.yield %select_n3A_399 : i32
    }
    %scan3A_343 = arith.constant 16 : i32
    %while3A_344 = arith.constant 0 : i32
    %while3A_345 = arith.subi %select_n3A_330, %while3A_344 : i32
    %while3A_346 = arith.addi %while3A_344, %while3A_345 : i32
    %while3A_347 = arith.constant 1 : i32
    %while3A_348 = arith.divsi %while3A_345, %while3A_347 : i32
    %while3A_349 = arith.muli %while3A_348, %while3A_347 : i32
    %while3A_350 = arith.addi %while3A_344, %while3A_349 : i32
    %while3A_351 = arith.constant 1 : i32
    %while3A_352 = scf.for %while3A_377 = %while3A_344 to %while3A_350 step %while3A_351 iter_args(%while3A_378 = %broadcast_in_dim3A_3) -> (vector<16xi32>)  : i32 {
      %mul3A_379 = arith.constant 16 : i32
      %mul3A_380 = arith.muli %while3A_377, %mul3A_379 : i32
      %get3A = arith.index_cast %mul3A_380 : i32 to index
      %get3A_381 = tpu.vector_load %arg10[%get3A] {strides = array<i32>} : memref<8192xi32, #tpu.memory_space<vmem>>, vector<16xi32>,
      %mul3A_382 = arith.constant 16 : i32
      %mul3A_383 = arith.muli %while3A_377, %mul3A_382 : i32
      %add3A_384 = vector.broadcast %mul3A_383 : i32 to vector<16xi32>
      %add3A_385 = arith.addi %add3A_384, %iota3A : vector<16xi32>
      %lt3A = arith.cmpi slt, %add3A_385, %parallel_loop3A_294 : vector<16xi32>
      %gt3A = vector.broadcast %scan3A_342 : i32 to vector<16xi32>
      %gt3A_386 = arith.cmpi sgt, %get3A_381, %gt3A : vector<16xi32>
      %and3A_387 = arith.andi %gt3A_386, %lt3A : vector<16xi1>
      %convert_element_type3A = arith.extui %and3A_387 : vector<16xi1> to vector<16xi32>
      %add3A_388 = arith.addi %while3A_378, %convert_element_type3A : vector<16xi32>
      scf.yield %add3A_388 : vector<16xi32>
    }
    %while3A_353 = arith.constant 1 : i32
    %while3A_354 = scf.for %while3A_377 = %while3A_350 to %while3A_346 step %while3A_353 iter_args(%while3A_378 = %while3A_352) -> (vector<16xi32>)  : i32 {
      %mul3A_379 = arith.constant 16 : i32
      %mul3A_380 = arith.muli %while3A_377, %mul3A_379 : i32
      %get3A = arith.index_cast %mul3A_380 : i32 to index
      %get3A_381 = tpu.vector_load %arg10[%get3A] {strides = array<i32>} : memref<8192xi32, #tpu.memory_space<vmem>>, vector<16xi32>,
      %mul3A_382 = arith.constant 16 : i32
      %mul3A_383 = arith.muli %while3A_377, %mul3A_382 : i32
      %add3A_384 = vector.broadcast %mul3A_383 : i32 to vector<16xi32>
      %add3A_385 = arith.addi %add3A_384, %iota3A : vector<16xi32>
      %lt3A = arith.cmpi slt, %add3A_385, %parallel_loop3A_294 : vector<16xi32>
      %gt3A = vector.broadcast %scan3A_342 : i32 to vector<16xi32>
      %gt3A_386 = arith.cmpi sgt, %get3A_381, %gt3A : vector<16xi32>
      %and3A_387 = arith.andi %gt3A_386, %lt3A : vector<16xi1>
      %convert_element_type3A = arith.extui %and3A_387 : vector<16xi1> to vector<16xi32>
      %add3A_388 = arith.addi %while3A_378, %convert_element_type3A : vector<16xi32>
      scf.yield %add3A_388 : vector<16xi32>
    }
    %reduce_sum3A_355 = arith.constant true
    %reduce_sum3A_356 = vector.broadcast %reduce_sum3A_355 : i1 to vector<16xi1>
    %reduce_sum3A_357 = tpu.scan <sum>, %while3A_354 masked %reduce_sum3A_356 : vector<16xi32>, vector<16xi1> -> vector<16xi32>
    %reduce_sum3A_358 = vector.extract %reduce_sum3A_357[15] : i32 from vector<16xi32>
    %sub3A_359 = arith.subi %sub3A_291, %reduce_sum3A_358 : i32
    %while3A_360 = arith.constant 0 : i32
    %while3A_361 = arith.subi %select_n3A_330, %while3A_360 : i32
    %while3A_362 = arith.addi %while3A_360, %while3A_361 : i32
    %while3A_363 = arith.constant 1 : i32
    %while3A_364 = arith.divsi %while3A_361, %while3A_363 : i32
    %while3A_365 = arith.muli %while3A_364, %while3A_363 : i32
    %while3A_366 = arith.addi %while3A_360, %while3A_365 : i32
    %while3A_367 = arith.constant 1 : i32
    %while3A_368 = scf.for %while3A_377 = %while3A_360 to %while3A_366 step %while3A_367 iter_args(%while3A_378 = %broadcast_in_dim3A_3) -> (vector<16xi32>)  : i32 {
      %mul3A_379 = arith.constant 16 : i32
      %mul3A_380 = arith.muli %while3A_377, %mul3A_379 : i32
      %get3A = arith.index_cast %mul3A_380 : i32 to index
      %get3A_381 = tpu.vector_load %arg10[%get3A] {strides = array<i32>} : memref<8192xi32, #tpu.memory_space<vmem>>, vector<16xi32>,
      %mul3A_382 = arith.constant 16 : i32
      %mul3A_383 = arith.muli %while3A_377, %mul3A_382 : i32
      %get3A_384 = arith.index_cast %mul3A_383 : i32 to index
      %get3A_385 = tpu.vector_load %arg11[%get3A_384] {strides = array<i32>} : memref<8192xi32, #tpu.memory_space<vmem>>, vector<16xi32>,
      %mul3A_386 = arith.constant 16 : i32
      %mul3A_387 = arith.muli %while3A_377, %mul3A_386 : i32
      %add3A_388 = vector.broadcast %mul3A_387 : i32 to vector<16xi32>
      %add3A_389 = arith.addi %add3A_388, %iota3A : vector<16xi32>
      %lt3A = arith.cmpi slt, %add3A_389, %parallel_loop3A_294 : vector<16xi32>
      %eq3A = vector.broadcast %scan3A_342 : i32 to vector<16xi32>
      %eq3A_390 = arith.cmpi eq, %get3A_381, %eq3A : vector<16xi32>
      %and3A_391 = arith.andi %eq3A_390, %lt3A : vector<16xi1>
      %convert_element_type3A = arith.extui %and3A_391 : vector<16xi1> to vector<16xi32>
      %broadcast_in_dim3A_392 = arith.constant true
      %broadcast_in_dim3A_393 = vector.broadcast %broadcast_in_dim3A_392 : i1 to vector<16xi1>
      %masked_cumsum3A = tpu.scan <sum>, %convert_element_type3A masked %broadcast_in_dim3A_393 : vector<16xi32>, vector<16xi1> -> vector<16xi32>
      %add3A_394 = arith.addi %while3A_378, %masked_cumsum3A : vector<16xi32>
      %le3A = vector.broadcast %sub3A_359 : i32 to vector<16xi32>
      %le3A_395 = arith.cmpi sle, %add3A_394, %le3A : vector<16xi32>
      %and3A_396 = arith.andi %and3A_391, %le3A_395 : vector<16xi1>
      %gt3A = vector.broadcast %scan3A_342 : i32 to vector<16xi32>
      %gt3A_397 = arith.cmpi sgt, %get3A_381, %gt3A : vector<16xi32>
      %and3A_398 = arith.andi %gt3A_397, %lt3A : vector<16xi1>
      %or3A_399 = arith.ori %and3A_398, %and3A_396 : vector<16xi1>
      %max3A = arith.constant 0 : i32
      %max3A_400 = vector.broadcast %max3A : i32 to vector<16xi32>
      %max3A_401 = arith.maxsi %get3A_381, %max3A_400 : vector<16xi32>
      %bitcast3A = vector.bitcast %max3A_401 : vector<16xi32> to vector<16xf32>
      tpu.vector_store_idx %arg7[%get3A_385], %bitcast3A masked %or3A_399 : memref<8192xf32, #tpu.memory_space<vmem>>[vector<16xi32>], vector<16xf32>, vector<16xi1>
      %all_reduce_population_count3A = tpu.all_reduce %and3A_391 {dim = 0 : i64, kind = #tpu.reduction_kind<sum>} : vector<16xi1> -> vector<16xi32>
      %add3A_402 = arith.addi %while3A_378, %all_reduce_population_count3A : vector<16xi32>
      scf.yield %add3A_402 : vector<16xi32>
    }
    %while3A_369 = arith.constant 1 : i32
    %while3A_370 = scf.for %while3A_377 = %while3A_366 to %while3A_362 step %while3A_369 iter_args(%while3A_378 = %while3A_368) -> (vector<16xi32>)  : i32 {
      %mul3A_379 = arith.constant 16 : i32
      %mul3A_380 = arith.muli %while3A_377, %mul3A_379 : i32
      %get3A = arith.index_cast %mul3A_380 : i32 to index
      %get3A_381 = tpu.vector_load %arg10[%get3A] {strides = array<i32>} : memref<8192xi32, #tpu.memory_space<vmem>>, vector<16xi32>,
      %mul3A_382 = arith.constant 16 : i32
      %mul3A_383 = arith.muli %while3A_377, %mul3A_382 : i32
      %get3A_384 = arith.index_cast %mul3A_383 : i32 to index
      %get3A_385 = tpu.vector_load %arg11[%get3A_384] {strides = array<i32>} : memref<8192xi32, #tpu.memory_space<vmem>>, vector<16xi32>,
      %mul3A_386 = arith.constant 16 : i32
      %mul3A_387 = arith.muli %while3A_377, %mul3A_386 : i32
      %add3A_388 = vector.broadcast %mul3A_387 : i32 to vector<16xi32>
      %add3A_389 = arith.addi %add3A_388, %iota3A : vector<16xi32>
      %lt3A = arith.cmpi slt, %add3A_389, %parallel_loop3A_294 : vector<16xi32>
      %eq3A = vector.broadcast %scan3A_342 : i32 to vector<16xi32>
      %eq3A_390 = arith.cmpi eq, %get3A_381, %eq3A : vector<16xi32>
      %and3A_391 = arith.andi %eq3A_390, %lt3A : vector<16xi1>
      %convert_element_type3A = arith.extui %and3A_391 : vector<16xi1> to vector<16xi32>
      %broadcast_in_dim3A_392 = arith.constant true
      %broadcast_in_dim3A_393 = vector.broadcast %broadcast_in_dim3A_392 : i1 to vector<16xi1>
      %masked_cumsum3A = tpu.scan <sum>, %convert_element_type3A masked %broadcast_in_dim3A_393 : vector<16xi32>, vector<16xi1> -> vector<16xi32>
      %add3A_394 = arith.addi %while3A_378, %masked_cumsum3A : vector<16xi32>
      %le3A = vector.broadcast %sub3A_359 : i32 to vector<16xi32>
      %le3A_395 = arith.cmpi sle, %add3A_394, %le3A : vector<16xi32>
      %and3A_396 = arith.andi %and3A_391, %le3A_395 : vector<16xi1>
      %gt3A = vector.broadcast %scan3A_342 : i32 to vector<16xi32>
      %gt3A_397 = arith.cmpi sgt, %get3A_381, %gt3A : vector<16xi32>
      %and3A_398 = arith.andi %gt3A_397, %lt3A : vector<16xi1>
      %or3A_399 = arith.ori %and3A_398, %and3A_396 : vector<16xi1>
      %max3A = arith.constant 0 : i32
      %max3A_400 = vector.broadcast %max3A : i32 to vector<16xi32>
      %max3A_401 = arith.maxsi %get3A_381, %max3A_400 : vector<16xi32>
      %bitcast3A = vector.bitcast %max3A_401 : vector<16xi32> to vector<16xf32>
      tpu.vector_store_idx %arg7[%get3A_385], %bitcast3A masked %or3A_399 : memref<8192xf32, #tpu.memory_space<vmem>>[vector<16xi32>], vector<16xf32>, vector<16xi1>
      %all_reduce_population_count3A = tpu.all_reduce %and3A_391 {dim = 0 : i64, kind = #tpu.reduction_kind<sum>} : vector<16xi1> -> vector<16xi32>
      %add3A_402 = arith.addi %while3A_378, %all_reduce_population_count3A : vector<16xi32>
      scf.yield %add3A_402 : vector<16xi32>
    }
    %dma_wait3A_371 = arith.constant 0 : i32
    %dma_wait3A_372 = tpu.memref_slice %arg3[%mul3A_5, %dma_wait3A_371] : memref<64x8192xf32, #tpu.memory_space<hbm>> -> memref<1x8192xf32, #tpu.memory_space<hbm>>
    %dma_wait3A_373 = tpu.memref_squeeze %dma_wait3A_372 : memref<1x8192xf32, #tpu.memory_space<hbm>> -> memref<8192xf32, #tpu.memory_space<hbm>>
    %dma_wait3A_374 = arith.constant 0 : i32
    %dma_wait3A_375 = tpu.memref_slice %arg3[%mul3A_5, %dma_wait3A_374] : memref<64x8192xf32, #tpu.memory_space<hbm>> -> memref<1x8192xf32, #tpu.memory_space<hbm>>
    %dma_wait3A_376 = tpu.memref_squeeze %dma_wait3A_375 : memref<1x8192xf32, #tpu.memory_space<hbm>> -> memref<8192xf32, #tpu.memory_space<hbm>>
    tpu.wait_dma2 semaphore(%arg14 : memref<!tpu.dma_semaphore, #tpu.memory_space<semaphore_mem>>) src(%arg6 : memref<8192xf32, #tpu.memory_space<vmem>>) dst(%dma_wait3A_376 : memref<8192xf32, #tpu.memory_space<hbm>>)
    "tpu.region"() ({
      %run_scoped3A = tpu.sem_alloc : memref<!tpu.dma_semaphore, #tpu.memory_space<semaphore_mem>>
      %dma_start3A_377 = arith.constant 0 : i32
      %dma_start3A_378 = tpu.memref_slice %arg3[%add3A_7, %dma_start3A_377] : memref<64x8192xf32, #tpu.memory_space<hbm>> -> memref<1x8192xf32, #tpu.memory_space<hbm>>
      %dma_start3A_379 = tpu.memref_squeeze %dma_start3A_378 : memref<1x8192xf32, #tpu.memory_space<hbm>> -> memref<8192xf32, #tpu.memory_space<hbm>>
      %dma_start3A_380 = arith.constant 0 : i32
      %dma_start3A_381 = tpu.memref_slice %arg3[%add3A_7, %dma_start3A_380] : memref<64x8192xf32, #tpu.memory_space<hbm>> -> memref<1x8192xf32, #tpu.memory_space<hbm>>
      %dma_start3A_382 = tpu.memref_squeeze %dma_start3A_381 : memref<1x8192xf32, #tpu.memory_space<hbm>> -> memref<8192xf32, #tpu.memory_space<hbm>>
      tpu.enqueue_dma source(%arg7 : memref<8192xf32, #tpu.memory_space<vmem>>) target(%dma_start3A_382 : memref<8192xf32, #tpu.memory_space<hbm>>) target_semaphore(%run_scoped3A : memref<!tpu.dma_semaphore, #tpu.memory_space<semaphore_mem>>)
      %dma_wait3A_383 = arith.constant 0 : i32
      %dma_wait3A_384 = tpu.memref_slice %arg3[%add3A_7, %dma_wait3A_383] : memref<64x8192xf32, #tpu.memory_space<hbm>> -> memref<1x8192xf32, #tpu.memory_space<hbm>>
      %dma_wait3A_385 = tpu.memref_squeeze %dma_wait3A_384 : memref<1x8192xf32, #tpu.memory_space<hbm>> -> memref<8192xf32, #tpu.memory_space<hbm>>
      %dma_wait3A_386 = arith.constant 0 : i32
      %dma_wait3A_387 = tpu.memref_slice %arg3[%add3A_7, %dma_wait3A_386] : memref<64x8192xf32, #tpu.memory_space<hbm>> -> memref<1x8192xf32, #tpu.memory_space<hbm>>
      %dma_wait3A_388 = tpu.memref_squeeze %dma_wait3A_387 : memref<1x8192xf32, #tpu.memory_space<hbm>> -> memref<8192xf32, #tpu.memory_space<hbm>>
      tpu.wait_dma2 semaphore(%run_scoped3A : memref<!tpu.dma_semaphore, #tpu.memory_space<semaphore_mem>>) src(%arg7 : memref<8192xf32, #tpu.memory_space<vmem>>) dst(%dma_wait3A_388 : memref<8192xf32, #tpu.memory_space<hbm>>)
      tpu.yield
    }) : () -> ()
    return
  }
}

</mosaic_0001>

<sc_bundles>
// kernel: kernel.3.cloned.1.call-start
scs
__scs_entry_jumppad:
0x0: {  	(pc) =	sbr.rel $0x88, $3  }
0x1: {  	(tag) =	ssettag $0x0;
	lr =	simm.s32 $0x1  }
0x2: {  	[smem:$0x3FA0] =	sst lr;
	_ =	strace $0xD0000000  }
0x3: {  	_ = 	snop  }
0x4: {  	_ = 	snop  }
0x5: {  	_ = 	snop  }
0x6: {  	_ = 	snop  }
0x7: {  	_ = 	snop  }
__scs_overlays_trampoline_lowered:
0x8: {  	[smem:$0x3FAF] =	sst s0  }
0x9: {  	[smem:$0x3FB0] =	sst s1  }
0xa: {  	[smem:$0x3FB1] =	sst s2  }
0xb: {  	[smem:$0x3FB2] =	sst s3  }
0xc: {  	[smem:$0x3FB3] =	sst s4  }
0xd: {  	[smem:$0x3FB4] =	sst s5  }
0xe: {  	[smem:$0x3FB5] =	sst s6  }
0xf: {  	[smem:$0x3FB6] =	sst s7  }
0x10: {  	[smem:$0x3FB7] =	sst s8  }
0x11: {  	[smem:$0x3FB8] =	sst s9;
	s0 =	simm.s32 @!p0 $0x0  }
0x12: {  	s1 =	sld [smem:$0x3F9E];
	s0 =	simm.s32 @p0 $0x1  }
0x13: {  	[smem:$0x3FB9] =	sst s0;
	s0 =	simm.s32 @!p1 $0x0  }
0x14: {  	s2 =	sld [smem:$0x3F9D];
	s0 =	simm.s32 @p1 $0x1  }
0x15: {  	[smem:$0x3FBA] =	sst s0;
	s0 =	simm.s32 @!p2 $0x0  }
0x16: {  	s3 =	sld [smem:$0x3FDB];
	s0 =	simm.s32 @p2 $0x1  }
0x17: {  	s4 =	simm.s32 $0x1BF5;
	[smem:$0x3FBC] =	sst s0  }
0x18: {  	s0 =	sld [smem:$0x3F9F];
	_ =	swait.ge [sflag:s4], $0x0  }
0x19: {  	s7 =	sld [smem:$0x3FA0]  }
0x1a: {  	s8 =	sadd.s32 $0xFFFFE003, lr  }
0x1b: {  	s9 =	sadd.s32 $0xFFFFFEF7, lr;
	s5 =	simm.s32 $0xFFFFFFFF;
	p2 =	slt.u32 s8, $0xFFFFF086  }
0x1c: {  	p1 =	slt.u32 s9, $0xF7A;
	s5 =	simm.s32 @!p2 $0x0  }
0x1d: {  	s5 =	simm.s32 @p1 $0x1;
	p0 =	seq.s32 s7, s2  }
0x1e: {  	s7 =	smul.u32 @!p0 $0xF7A, s2;
	p2 =	seq.s32 @!p0 s5, $0x0  }
0x1f: {  	s9 =	smul.u32 $0xF7A, s1;
	s8 =	simm.s32 @!p0 $0x1BF5;
	p2 =	por !p2, p0  }
0x20: {  	[sflag:s8] =	ssyncset.s32 @!p0 $0xFFFFF086;
	s6 =	sadd.s32 @!p0 s3, s7;
	s7 =	simm.s32 @!p0 $0x108  }
0x21: {  	s3 =	sadd.s32 s3, s9;
	s6 =	sadd.s32 @!p0 $0x88, s6;
	s7 =	simm.s32 @p2 $0x1082  }
0x22: {  	[simem:s7], [sflag:s8] =	dma.local @!p0 [hbm:s6], $0xF7A  }
0x23: {  	s9 =	sor.u32 $0xD0000000, s2;
	s6 =	simm.s32 $0x108;
	_ =	swait.ge @!p0 [sflag:s8], $0x0  }
0x24: {  	s3 =	sadd.s32 $0x88, s3;
	s6 =	simm.s32 @!p1 $0x1082;
	[sflag:s4] =	ssyncset.s32 $0xFFFFF086  }
0x25: {  	[simem:s6], [sflag:s4] =	dma.local [hbm:s3], $0xF7A  }
0x26: {  	[smem:$0x3FA0] =	sst s1;
	(tag) =	ssettag s2;
	_ =	strace s9  }
0x27: {  	s1 =	sld [smem:$0x3FB0]  }
0x28: {  	s2 =	sld [smem:$0x3FB1]  }
0x29: {  	s4 =	sld [smem:$0x3FB3]  }
0x2a: {  	p0 =	seq.s32 s5, $0x0;
	s5 =	sld [smem:$0x3FB4]  }
0x2b: {  	s6 =	sld [smem:$0x3FB5]  }
0x2c: {  	s7 =	sld [smem:$0x3FB6]  }
0x2d: {  	s3 =	simm.s32 $0x108;
	s8 =	sld [smem:$0x3FB7]  }
0x2e: {  	s3 =	simm.s32 @!p0 $0x1082;
	s9 =	sld [smem:$0x3FB8]  }
0x2f: {  	lr =	sadd.s32 s0, s3;
	s0 =	sld [smem:$0x3FAF]  }
0x30: {  	s3 =	sld [smem:$0x3FB2]  }
0x31: {  	[smem:$0x3FBB] =	sst s10  }
0x32: {  	s10 =	sld [smem:$0x3FB9];
	_ =	sdelay $0x3  }
0x33: {  	p0 =	seq.s32 s10, $0x1;
	s10 =	sld [smem:$0x3FBB];
	_ =	sdelay $0x3  }
0x34: {  	[smem:$0x3FBB] =	sst s10  }
0x35: {  	s10 =	sld [smem:$0x3FBA];
	_ =	sdelay $0x3  }
0x36: {  	p1 =	seq.s32 s10, $0x1;
	s10 =	sld [smem:$0x3FBB];
	_ =	sdelay $0x3  }
0x37: {  	[smem:$0x3FBB] =	sst s10  }
0x38: {  	s10 =	sld [smem:$0x3FBC]  }
0x39: {  	_ = 	snop;
	(pc) =	sbr.ind lr, $3  }
0x3a: {  	_ = 	snop  }
0x3b: {  	_ = 	snop  }
0x3c: {  	p2 =	seq.s32 s10, $0x1;
	s10 =	sld [smem:$0x3FBB]  }
0x3d: {  	_ =	shalt  }
0x3e: {  	_ =	shalt  }
0x3f: {  	_ =	shalt  }
0x40: {  	_ =	shalt  }
0x41: {  	_ =	shalt  }
0x42: {  	_ =	shalt  }
0x43: {  	_ =	shalt  }
0x44: {  	_ =	shalt  }
0x45: {  	_ =	shalt  }
0x46: {  	_ =	shalt  }
0x47: {  	_ =	shalt  }
0x48: {  	_ =	shalt  }
0x49: {  	_ =	shalt  }
0x4a: {  	_ =	shalt  }
0x4b: {  	_ =	shalt  }
0x4c: {  	_ =	shalt  }
0x4d: {  	_ =	shalt  }
0x4e: {  	_ =	shalt  }
0x4f: {  	_ =	shalt  }
0x50: {  	_ =	shalt  }
0x51: {  	_ =	shalt  }
0x52: {  	_ =	shalt  }
0x53: {  	_ =	shalt  }
0x54: {  	_ =	shalt  }
0x55: {  	_ =	shalt  }
0x56: {  	_ =	shalt  }
0x57: {  	_ =	shalt  }
0x58: {  	_ =	shalt  }
0x59: {  	_ =	shalt  }
0x5a: {  	_ =	shalt  }
0x5b: {  	_ =	shalt  }
0x5c: {  	_ =	shalt  }
0x5d: {  	_ =	shalt  }
0x5e: {  	_ =	shalt  }
0x5f: {  	_ =	shalt  }
0x60: {  	_ =	shalt  }
0x61: {  	_ =	shalt  }
0x62: {  	_ =	shalt  }
0x63: {  	_ =	shalt  }
0x64: {  	_ =	shalt  }
0x65: {  	_ =	shalt  }
0x66: {  	_ =	shalt  }
0x67: {  	_ =	shalt  }
0x68: {  	_ =	shalt  }
0x69: {  	_ =	shalt  }
0x6a: {  	_ =	shalt  }
0x6b: {  	_ =	shalt  }
0x6c: {  	_ =	shalt  }
0x6d: {  	_ =	shalt  }
0x6e: {  	_ =	shalt  }
0x6f: {  	_ =	shalt  }
0x70: {  	_ =	shalt  }
0x71: {  	_ =	shalt  }
0x72: {  	_ =	shalt  }
0x73: {  	_ =	shalt  }
0x74: {  	_ =	shalt  }
0x75: {  	_ =	shalt  }
0x76: {  	_ =	shalt  }
0x77: {  	_ =	shalt  }
0x78: {  	_ =	shalt  }
0x79: {  	_ =	shalt  }
0x7a: {  	_ =	shalt  }
0x7b: {  	_ =	shalt  }
0x7c: {  	_ =	shalt  }
0x7d: {  	_ =	shalt  }
0x7e: {  	_ =	shalt  }
0x7f: {  	_ =	shalt  }
0x80: {  	_ =	shalt  }
0x81: {  	_ =	shalt  }
0x82: {  	_ =	shalt  }
0x83: {  	_ =	shalt  }
0x84: {  	_ =	shalt  }
0x85: {  	_ =	shalt  }
0x86: {  	_ =	shalt  }
0x87: {  	_ =	shalt  }
.Lfunc_end0:
.L_simem_size_0:
called_computation_lowered:
.L_overlay_start_0:
0x88: {  	s2 =	sld [smem:$0x3FD9]  }
0x89: {  	s3 =	sld [smem:$0x3FFE];
	_ =	sdelay $0x1  }
0x8a: {  	s1 =	srdreg.scid  }
0x8b: {  	s0 =	sand.u32 $0x1, s1  }
0x8c: {  	s18 =	sshll.u32 s0, $0xA;
	s2 =	sadd.s32 s3, s2  }
0x8d: {  	s2 =	sadd.s32 s2, s18  }
0x8e: {  	[smem:$0x3FC7] =	sst s2  }
0x8f: {  	_ = 	snop  }
0x90: {  	s2 =	sld [smem:$0x3FC9]  }
0x91: {  	s19 =	sld [smem:$0x3FD0];
	(tm) =	ssettm $0x1  }
0x92: {  	s4 =	sld [smem:$0x3FFB];
	_ =	sdelay $0x3  }
0x93: {  	_ =	strace s4  }
0x94: {  	s4 =	sld [smem:$0x3FFC];
	_ =	sdelay $0x3  }
0x95: {  	_ =	strace s4  }
0x96: {  	s4 =	sld [smem:$0x3FFD];
	_ =	sdelay $0x3  }
0x97: {  	_ =	strace s4  }
0x98: {  	_ =	strace $0x8FFFFFFF  }
0x99: {  	s20 =	sld [smem:$0x3FDB];
	_ =	sdelay $0x1  }
0x9a: {  	s5 =	simm.s32 $_scs_section_size  }
0x9b: {  	s6 =	simm.s32 $_size__tile_overlayer_lowered;
	s7 =	simm.s32 $_tile_overlayer_lowered  }
0x9c: {  	s23 =	simm.s32 $0x1BFF;
	s22 =	sshll.u32 s7, $0x1;
	s4 =	sadd.s32 s5, s20  }
0x9d: {  	s8 =	simm.s32 $0x0;
	s21 =	sshll.u32 s6, $0x1;
	s6 =	sadd.s32 s22, s4  }
0x9e: {  	[timem:s8], [sflag:s23] =	dma.local [hbm:s6], s21  }
0x9f: {  	_ =	swait.ge [sflag:s23], s21  }
0xa0: {  	s5 =	ssub.s32 $0x0, s21;
	[sflag:s23] =	ssyncset.done $0x0  }
0xa1: {  	[sflag:s23] =	ssyncadd.s32 s5;
	_ =	sdelay $0x1  }
0xa2: {  	s24 =	simm.s32 $0x1B8B  }
0xa3: {  	_ =	swait.ge [sflag:s24], $0x1  }
0xa4: {  	[sflag:s24] =	ssyncset.done $0x0  }
0xa5: {  	s25 =	simm.s32 $0x1B8E;
	[sflag:s24] =	ssyncadd.s32 $0xFFFFFFFF  }
0xa6: {  	s26 =	simm.s32 $execute0_lowered;
	[smem:$0x3FD2] =	sst s25  }
0xa7: {  	s5 =	sshll.u32 s26, $0x1;
	_ =	strace $0x80000046;
	[dreg:$0x1] =	wrdreg $0xFFFFFFFF  }
0xa8: {  	s28 =	simm.s32 $_size_execute0_lowered;
	s4 =	sadd.s32 s4, s5;
	[dreg:$0x0] =	wrdreg $0x0  }
0xa9: {  	s5 =	sshll.u32 s28, $0x1;
	[dreg:$0x2] =	wrdreg s4  }
0xaa: {  	[dreg:$0x3] =	wrdreg s5  }
0xab: {  	[dreg:$0x4] =	wrdreg $0xC0  }
0xac: {  	_ =	task [dreg:s8], $0x5FFFF  }
0xad: {  	[dreg:$0x1] =	wrdreg $0xFFFFFFFF  }
0xae: {  	[dreg:$0x0] =	wrdreg $0x60  }
0xaf: {  	[dreg:$0x2] =	wrdreg s2  }
0xb0: {  	[dreg:$0x3] =	wrdreg s19  }
0xb1: {  	[dreg:$0x4] =	wrdreg $0x9  }
0xb2: {  	_ =	task.clear_ibuf [dreg:s8], $0x5FFFF;
	_ =	strace $0x90000046  }
0xb3: {  	s29 =	simm.s32 $0x9;
	_ =	strace $0x80000048  }
0xb4: {  	_ =	swait.ge [sflag:s29], $0x1  }
0xb5: {  	[sflag:s29] =	ssyncadd.s32 $0xFFFFFFFF  }
0xb6: {  	_ =	strace $0x90000048  }
0xb7: {  	_ =	sfence  }
0xb8: {  	s30 =	sld [smem:$0x0];
	_ =	sdelay $0x2  }
0xb9: {  	s31 =	sshll.u32 s1, $0xD;
	s1 =	sshrl.u32 s1, $0x2  }
0xba: {  	s3 =	sand.u32 $0x4000, s31;
	s1 =	sadd.s32 s1, s30  }
0xbb: {  	s0 =	sor.u32 s3, s0;
	s1 =	sshll.u32 s1, $0x11  }
0xbc: {  	s0 =	sor.u32 s1, s0  }
0xbd: {  	s0 =	sadd.s32 $0x8F2B, s0  }
0xbe: {  	[sflag:s0] =	ssyncadd.remote.s32 $0x1  }
0xbf: {  	_ =	sfence.sel $0xFFFF  }
0xc0: {  	[dreg:$0x0] =	wrdreg $0xFFFFFFFF;
	(pc) =	sbr.abs _section_cstart, $3  }
0xc1: {  	[dreg:$0x1] =	wrdreg $0xFFFFFFFF  }
0xc2: {  	_ =	task.clear_ibuf [dreg:s8], $0x2FFFF;
	_ =	strace $0x9FFFFFFF  }
0xc3: {  	(tm) =	ssettm $0x7FFFFFFF  }
tec
execute0_lowered:
.L_overlay_start_1:
0x0: {  	(tag) =	ssettag $0x1  }
0x1: {  	s0 =	rddreg [dreg:$0x0]  }
0x2: {  	s1 =	rddreg [dreg:$0x1]  }
0x3: {  	s2 =	simm.s32 $0x0;
	s3 =	srdreg.scid;
	s6 =	stileid.u32  }
0x4: {  	s8 =	simm.s32 $0x80;
	s9 =	simm.s32 $0x400;
	s10 =	simm.s32 $0x2000  }
0x5: {  	s12 =	simm.s32 $0x8000;
	s13 =	simm.s32 $0x9000;
	s14 =	simm.s32 $0x4000  }
0x6: {  	s15 =	simm.s32 $0xB000;
	s3 =	sand.u32 $0x1, s3;
	s4 =	sshll.u32 s6, $0x6  }
0x7: {  	s6 =	sshll.u32 s6, $0xC;
	s5 =	sshll.u32 s3, $0x5;
	s4 =	sand.u32 $0x40, s4  }
0x8: {  	s3 =	ssub.s32 $0x2, s3;
	s6 =	sand.u32 $0xE000, s6;
	s4 =	sor.u32 s5, s4  }
0x9: {  	[smem:$0x7FF] =	sst s2;
	s25 =	sshrl.u32 s3, $0x1;
	s4 =	sor.u32 s6, s4  }
0xa: {  	_ =	strace $0x80000047;
	s3 =	ssub.s32 s3, s25;
	s26 =	sadd.s32 s0, s4  }
.Ltmp0:
0xb: {  	s29 =	sadd.s32 s1, s4;
	[dreg:$0x3] =	wrdreg s26;
	(pc) =	sbr.rel .LBB2_1-.Ltmp0, $4  }
0xc: {  	s28 =	sor.u32 $0x10, s4;
	s31 =	smax.u32 s3, $0x1;
	[dreg:$0x5] =	wrdreg s29  }
0xd: {  	s16 =	simm.s32 $0xD000;
	s0 =	sadd.s32 s0, s28;
	[dreg:$0x7] =	wrdreg s31  }
0xe: {  	v0 =	vlaneseq.u32;
	s18 =	simm.s32 $0x6000;
	s30 =	sadd.s32 s1, s28;
	[dreg:$0x4] =	wrdreg s0  }
0xf: {  	v1 =	vimm.s32 $0x0;
	v3 =	vimm.s32 $0x1;
	s20 =	simm.s32 $0x4;
	s21 =	simm.s32 $0x0;
	v2 =	vor.u32 $0x800, v0;
	[dreg:$0x6] =	wrdreg s30  }
.LBB2_120:
0x10: {  	s4 =	simm.s32 $0x0;
	s1 =	simm.s32 $0xD000  }
.LBB2_128:
0x11: {  	s4 =	sadd.s32 @p0 $0x10, s4  }
0x12: {  	s3 =	smov.u32 @p0 s4  }
0x13: {  	v9 =	vor.u32 s3, v0  }
0x14: {  	vm1 =	veq.s32 v7, v4;
	vm0 =	vlt.s32 v9, v6  }
0x15: {  	vm1 =	vmand vm0, vm1  }
0x16: {  	v62 =	vsel vm1, $0x1, v1  }
0x17: {  	(xrf0) =	vadd.scan.msk.s32 $0xffff, v62;
	_ =	sdelay $0x5  }
0x18: {  	s1 =	sadd.s32 @p0 $0x10, s1;
	v6, _, _ =	vpop (xrf0)  }
0x19: {  	s0 =	smov.u32 @p0 s1;
	v6 =	vadd.s32 v8, v6  }
0x1a: {  	vm3 =	vgt.s32 v7, v4;
	v63 =	vld [tilespmem:s0+$0x0];
	vm2 =	vle.s32 v6, v5  }
0x1b: {  	vm0 =	vmand vm0, vm3;
	vm1 =	vmand vm1, vm2  }
0x1c: {  	vm0 =	vmor vm0, vm1;
	_ =	sdelay $0x3  }
0x1d: {  	vm15 =	vgt.s32 v7, $0x0  }
0x1e: {  	v4 =	vnsel vm15, $0x0, v7  }
0x1f: {  	[tilespmem:v63+s18+$0x0] =	vst.idx.msk vm0, v4  }
.LBB2_129:
0x20: {  	s0 =	simm.s32 $0x3  }
0x21: {  	_ =	swait.ge [sflag:s0], $0x2000  }
0x22: {  	[sflag:s0] =	ssyncset.done $0x0  }
0x23: {  	s30 =	rddreg [dreg:$0x6];
	[sflag:s0] =	ssyncadd.s32 $0xFFFFE000  }
0x24: {  	[hbm4b:s30+s8] =	stream.strided.scatter [tilespmem:s18], [sflag:$0x4], $0x2000, s9, s8, $0x38;
	[tilespmem:$0xF000] =	vst v63  }
0x25: {  	_ =	swait.ge [sflag:s20], $0x2000  }
0x26: {  	s21 =	sadd.s32 $0x1, s21;
	s31 =	rddreg [dreg:$0x7]  }
0x27: {  	p0 =	sne.s32 s21, s31  }
.Ltmp1:
0x28: {  	_ = 	snop;
	(pc) =	sbr.rel @!p0 .LBB2_130-.Ltmp1, $3  }
0x29: {  	_ =	sdelay $0x1  }
0x2a: {  	[sflag:s20] =	ssyncset.done $0x0  }
0x2b: {  	[sflag:s20] =	ssyncadd.s32 $0xFFFFE000  }
.LBB2_1:
0x2c: {  	s0 =	rddreg [dreg:$0x3]  }
0x2d: {  	[tilespmem:s2], [sflag:$0x1] =	stream.strided.gather [hbm4b:s0+s8], $0x2000, s9, s8, $0x38;
	[tilespmem:$0xF000] =	vst v63  }
0x2e: {  	s30 =	rddreg [dreg:$0x4];
	s31 =	simm.s32 $0x1  }
0x2f: {  	[tilespmem:s10], [sflag:$0x2] =	stream.strided.gather [hbm4b:s30+s8], $0x2000, s9, s8, $0x38;
	[tilespmem:$0xF000] =	vst v63  }
0x30: {  	_ =	swait.ge [sflag:s31], $0x2000  }
0x31: {  	[sflag:s31] =	ssyncset.done $0x0  }
0x32: {  	s0 =	simm.s32 $0x8040;
	[sflag:s31] =	ssyncadd.s32 $0xFFFFE000  }
0x33: {  	[tilespmem:s0+$0xFFFFFFC0] =	vst v1  }
0x34: {  	[tilespmem:s0+$0x30] =	vst v1  }
0x35: {  	[tilespmem:s0+$0x20] =	vst v1  }
0x36: {  	[tilespmem:s0+$0x10] =	vst v1  }
0x37: {  	[tilespmem:s0+$0x0] =	vst v1  }
0x38: {  	[tilespmem:s0+$0xFFFFFFF0] =	vst v1  }
0x39: {  	s1 =	simm.s32 $0x0;
	[tilespmem:s0+$0xFFFFFFE0] =	vst v1  }
.LBB2_2:
0x3a: {  	s1 =	sadd.s32 $0x8, s1;
	[tilespmem:s0+$0xFFFFFFD0] =	vst v1;
	s0 =	sadd.s32 $0x80, s0;
	s23 =	simm.s32 $0x40  }
0x3b: {  	[tilespmem:s0+$0xFFFFFFC0] =	vst v1;
	p0 =	slt.u32 s1, $0xF8  }
0x3c: {  	[tilespmem:s0+$0x30] =	vst v1  }
.Ltmp2:
0x3d: {  	[tilespmem:s0+$0x20] =	vst v1;
	(pc) =	sbr.rel @p0 .LBB2_2-.Ltmp2, $4  }
0x3e: {  	[tilespmem:s0+$0x10] =	vst v1  }
0x3f: {  	[tilespmem:s0+$0x0] =	vst v1  }
0x40: {  	[tilespmem:s0+$0xFFFFFFF0] =	vst v1  }
0x41: {  	[tilespmem:s0+$0xFFFFFFE0] =	vst v1  }
0x42: {  	[tilespmem:s0+$0xFFFFFFD0] =	vst v1  }
0x43: {  	v4 =	vld [tilespmem:s23+$0x10]  }
0x44: {  	v5 =	vld [tilespmem:s23+$0xFFFFFFE0]  }
0x45: {  	v7 =	vld [tilespmem:s23+$0xFFFFFFC0];
	_ =	sdelay $0x1  }
0x46: {  	v9 =	vld [tilespmem:s23+$0x0]  }
0x47: {  	v8 =	vshra.s32 v4, $0x1F  }
0x48: {  	v10 =	vshra.s32 v5, $0x1F;
	v8 =	vand.u32 $0x7FFFFFFF, v8  }
0x49: {  	v14 =	vld [tilespmem:s23+$0xFFFFFFD0];
	v10 =	vand.u32 $0x7FFFFFFF, v10;
	v13 =	vxor.u32 v4, v8;
	v8 =	vshra.s32 v7, $0x1F  }
0x4a: {  	v6 =	vld [tilespmem:s23+$0xFFFFFFF0];
	v4 =	vxor.u32 v5, v10;
	v10 =	vand.u32 $0x7FFFFFFF, v8  }
0x4b: {  	v11 =	vxor.u32 v7, v10;
	v7 =	vshra.s32 v9, $0x1F  }
0x4c: {  	v5 =	vshra.s32 v13, $0x14;
	v17 =	vand.u32 $0x7FFFFFFF, v7  }
0x4d: {  	[tilespmem:s23+$0x10] =	vst v13;
	v5 =	vand.u32 $0xFFFFFFF0, v5;
	v13 =	vxor.u32 v9, v17;
	v9 =	vld [tilespmem:s23+$0x20]  }
0x4e: {  	v10 =	vshra.s32 v11, $0x14;
	v12 =	vadd.s32 v2, v5  }
0x4f: {  	v15 =	vshra.s32 v14, $0x1F;
	v16 =	vshra.s32 v6, $0x1F;
	v7 =	vld [tilespmem:s23+$0x30];
	v5 =	vand.u32 $0xFFFFFFF0, v10  }
0x50: {  	v8 =	vshra.s32 v4, $0x14;
	v10 =	vadd.s32 v2, v5;
	v5 =	vand.u32 $0x7FFFFFFF, v15  }
0x51: {  	s0 =	simm.s32 $0x0;
	s1 =	simm.s32 $0xC0;
	s25 =	simm.s32 $0x8FF0;
	v15 =	vshra.s32 v13, $0x14;
	v5 =	vxor.u32 v14, v5;
	v14 =	vand.u32 $0x7FFFFFFF, v16  }
.LBB2_4:
0x52: {  	v16 =	vld [tilespmem:s1+$0x10];
	s0 =	sadd.s32 $0x8, s0;
	[tilespmem:s23+$0xFFFFFFC0] =	vst v11;
	v8 =	vand.u32 $0xFFFFFFF0, v8;
	v11 =	vand.u32 $0xFFFFFFF0, v15;
	v15 =	vshra.s32 v9, $0x1F;
	s22 =	simm.s32 $0xF  }
0x53: {  	p0 =	slt.u32 s0, $0x1F8;
	v8 =	vadd.s32 v2, v8;
	v17 =	vadd.s32 v2, v11;
	[tilespmem:v12+s12+$0x0] =	vst.idx.add.s32.msk $0xffff, v3;
	v11 =	vand.u32 $0x7FFFFFFF, v15  }
0x54: {  	v14 =	vxor.u32 v6, v14;
	v12 =	vld [tilespmem:s1+$0xFFFFFFE0];
	[tilespmem:s23+$0x0] =	vst v13;
	v6 =	vxor.u32 v9, v11;
	v9 =	vshra.s32 v7, $0x1F  }
0x55: {  	[tilespmem:v10+s12+$0x0] =	vst.idx.add.s32.msk $0xffff, v3;
	v10 =	vshra.s32 v14, $0x14;
	v11 =	vshra.s32 v6, $0x14;
	v9 =	vand.u32 $0x7FFFFFFF, v9  }
0x56: {  	v15 =	vshra.s32 v5, $0x14;
	v13 =	vld [tilespmem:s1+$0xFFFFFFC0];
	v10 =	vand.u32 $0xFFFFFFF0, v10;
	[tilespmem:s23+$0x20] =	vst v6;
	v7 =	vxor.u32 v7, v9  }
0x57: {  	v6 =	vld [tilespmem:s1+$0xFFFFFFF0];
	v9 =	vshra.s32 v16, $0x1F;
	v10 =	vadd.s32 v2, v10;
	[tilespmem:s23+$0x30] =	vst v7;
	v7 =	vshra.s32 v7, $0x14  }
0x58: {  	v15 =	vand.u32 $0xFFFFFFF0, v15;
	v18 =	vld [tilespmem:s1+$0x0];
	v9 =	vand.u32 $0x7FFFFFFF, v9;
	[tilespmem:s23+$0xFFFFFFE0] =	vst v4;
	v19 =	vand.u32 $0xFFFFFFF0, v7  }
0x59: {  	v20 =	vld [tilespmem:s1+$0xFFFFFFD0];
	v4 =	vshra.s32 v12, $0x1F;
	v7 =	vxor.u32 v16, v9;
	[tilespmem:s23+$0xFFFFFFF0] =	vst v14;
	v9 =	vand.u32 $0xFFFFFFF0, v11  }
0x5a: {  	v4 =	vand.u32 $0x7FFFFFFF, v4;
	[tilespmem:s1+$0x10] =	vst v7;
	v14 =	vshra.s32 v7, $0x14;
	v7 =	vld [tilespmem:s1+$0x30];
	v16 =	vadd.s32 v2, v9  }
0x5b: {  	v15 =	vadd.s32 v2, v15;
	v9 =	vshra.s32 v13, $0x1F;
	v4 =	vxor.u32 v12, v4;
	[tilespmem:v8+s12+$0x0] =	vst.idx.add.s32.msk $0xffff, v3  }
0x5c: {  	v19 =	vadd.s32 v2, v19;
	v9 =	vand.u32 $0x7FFFFFFF, v9;
	v8 =	vshra.s32 v4, $0x14;
	[tilespmem:v10+s12+$0x0] =	vst.idx.add.s32.msk $0xffff, v3  }
.Ltmp3:
0x5d: {  	v12 =	vand.u32 $0xFFFFFFF0, v14;
	v11 =	vxor.u32 v13, v9;
	v10 =	vshra.s32 v18, $0x1F;
	v9 =	vld [tilespmem:s1+$0x20];
	[tilespmem:s23+$0xFFFFFFD0] =	vst v5;
	s23 =	smov.u32 s1;
	(pc) =	sbr.rel @p0 .LBB2_4-.Ltmp3, $4  }
0x5e: {  	v12 =	vadd.s32 v2, v12;
	v5 =	vshra.s32 v11, $0x14;
	v13 =	vshra.s32 v20, $0x1F;
	[tilespmem:v17+s12+$0x0] =	vst.idx.add.s32.msk $0xffff, v3  }
0x5f: {  	v14 =	vshra.s32 v6, $0x1F;
	v17 =	vand.u32 $0x7FFFFFFF, v10;
	v5 =	vand.u32 $0xFFFFFFF0, v5;
	[tilespmem:v16+s12+$0x0] =	vst.idx.add.s32.msk $0xffff, v3  }
0x60: {  	v10 =	vadd.s32 v2, v5;
	v5 =	vand.u32 $0x7FFFFFFF, v13;
	v13 =	vxor.u32 v18, v17;
	[tilespmem:v15+s12+$0x0] =	vst.idx.add.s32.msk $0xffff, v3  }
0x61: {  	v14 =	vand.u32 $0x7FFFFFFF, v14;
	s1 =	sadd.s32 $0x80, s1;
	v5 =	vxor.u32 v20, v5;
	v15 =	vshra.s32 v13, $0x14;
	[tilespmem:v19+s12+$0x0] =	vst.idx.add.s32.msk $0xffff, v3  }
0x62: {  	_ =	sdelay $0x2  }
0x63: {  	[tilespmem:s23+$0xFFFFFFC0] =	vst v11  }
0x64: {  	v8 =	vand.u32 $0xFFFFFFF0, v8;
	v11 =	vshra.s32 v9, $0x1F;
	[tilespmem:v12+s12+$0x0] =	vst.idx.add.s32.msk $0xffff, v3  }
0x65: {  	v6 =	vxor.u32 v6, v14;
	[tilespmem:s23+$0x0] =	vst v13;
	v54 =	vshra.s32 v7, $0x1F;
	v8 =	vadd.s32 v2, v8  }
0x66: {  	v11 =	vand.u32 $0x7FFFFFFF, v11;
	v55 =	vshra.s32 v6, $0x14;
	[tilespmem:v10+s12+$0x0] =	vst.idx.add.s32.msk $0xffff, v3;
	v10 =	vand.u32 $0x7FFFFFFF, v54  }
0x67: {  	[tilespmem:s23+$0xFFFFFFE0] =	vst v4;
	v9 =	vxor.u32 v9, v11;
	v11 =	vand.u32 $0xFFFFFFF0, v55;
	v7 =	vxor.u32 v7, v10  }
0x68: {  	[tilespmem:s23+$0x20] =	vst v9;
	v10 =	vadd.s32 v2, v11;
	v11 =	vand.u32 $0xFFFFFFF0, v15;
	v9 =	vshra.s32 v9, $0x14  }
0x69: {  	v56 =	vshra.s32 v5, $0x14;
	[tilespmem:s23+$0xFFFFFFD0] =	vst v5;
	v11 =	vadd.s32 v2, v11;
	v4 =	vand.u32 $0xFFFFFFF0, v9  }
0x6a: {  	[tilespmem:s23+$0x30] =	vst v7;
	v7 =	vshra.s32 v7, $0x14;
	v9 =	vand.u32 $0xFFFFFFF0, v56;
	v4 =	vadd.s32 v2, v4  }
0x6b: {  	[tilespmem:s23+$0xFFFFFFF0] =	vst v6;
	v6 =	vand.u32 $0xFFFFFFF0, v7;
	v7 =	vadd.s32 v2, v9  }
0x6c: {  	v6 =	vadd.s32 v2, v6;
	[tilespmem:v8+s12+$0x0] =	vst.idx.add.s32.msk $0xffff, v3  }
0x6d: {  	[tilespmem:v10+s12+$0x0] =	vst.idx.add.s32.msk $0xffff, v3  }
0x6e: {  	[tilespmem:v11+s12+$0x0] =	vst.idx.add.s32.msk $0xffff, v3  }
0x6f: {  	[tilespmem:v4+s12+$0x0] =	vst.idx.add.s32.msk $0xffff, v3  }
0x70: {  	[tilespmem:v7+s12+$0x0] =	vst.idx.add.s32.msk $0xffff, v3  }
0x71: {  	[tilespmem:v6+s12+$0x0] =	vst.idx.add.s32.msk $0xffff, v3  }
0x72: {  	v4 =	vld [tilespmem:s25+$0xFFFFFF10]  }
0x73: {  	v5 =	vld [tilespmem:s25+$0xFFFFFF20]  }
0x74: {  	v6 =	vld [tilespmem:s25+$0xFFFFFF30]  }
0x75: {  	v7 =	vld [tilespmem:s25+$0xFFFFFF40]  }
0x76: {  	v8 =	vld [tilespmem:s25+$0xFFFFFF50]  }
0x77: {  	s0 =	simm.s32 $0x8EF0;
	v9 =	vld [tilespmem:s25+$0xFFFFFF60]  }
0x78: {  	v10 =	vld [tilespmem:s0+$0xFFFFFF10]  }
0x79: {  	v11 =	vld [tilespmem:s0+$0xFFFFFF80]  }
0x7a: {  	v4 =	vadd.s32 v4, v5;
	v5 =	vld [tilespmem:s25+$0xFFFFFF70]  }
0x7b: {  	v4 =	vadd.s32 v6, v4;
	v6 =	vld [tilespmem:s25+$0xFFFFFF80]  }
0x7c: {  	v4 =	vadd.s32 v7, v4;
	v7 =	vld [tilespmem:s25+$0xFFFFFF90]  }
0x7d: {  	v4 =	vadd.s32 v8, v4;
	v8 =	vld [tilespmem:s25+$0xFFFFFFA0]  }
0x7e: {  	v4 =	vadd.s32 v9, v4;
	v9 =	vld [tilespmem:s25+$0xFFFFFFB0]  }
0x7f: {  	v4 =	vadd.s32 v5, v4;
	v5 =	vld [tilespmem:s25+$0xFFFFFFC0]  }
0x80: {  	v4 =	vadd.s32 v6, v4;
	v6 =	vld [tilespmem:s25+$0xFFFFFFD0]  }
0x81: {  	v4 =	vadd.s32 v7, v4;
	v7 =	vld [tilespmem:s25+$0xFFFFFFE0]  }
0x82: {  	v4 =	vadd.s32 v8, v4;
	v8 =	vld [tilespmem:s25+$0xFFFFFFF0]  }
0x83: {  	v4 =	vadd.s32 v9, v4;
	v9 =	vld [tilespmem:s25+$0x0]  }
0x84: {  	v57 =	vld [tilespmem:s0+$0xFFFFFF90];
	v4 =	vadd.s32 v5, v4  }
0x85: {  	v5 =	vld [tilespmem:s0+$0xFFFFFF20];
	v4 =	vadd.s32 v6, v4  }
0x86: {  	v6 =	vld [tilespmem:s0+$0xFFFFFF30];
	v4 =	vadd.s32 v7, v4  }
0x87: {  	v7 =	vld [tilespmem:s0+$0xFFFFFF40];
	v4 =	vadd.s32 v8, v4  }
0x88: {  	v8 =	vld [tilespmem:s0+$0xFFFFFF50];
	v4 =	vadd.s32 v9, v4  }
0x89: {  	v9 =	vld [tilespmem:s0+$0xFFFFFF60];
	(xrf0) =	vadd.scan.msk.s32 $0xffff, v4  }
0x8a: {  	v4 =	vld [tilespmem:s0+$0xFFFFFF70];
	v5 =	vadd.s32 v10, v5  }
0x8b: {  	v58 =	vld [tilespmem:s0+$0xFFFFFFA0];
	v5 =	vadd.s32 v6, v5  }
0x8c: {  	v59 =	vld [tilespmem:s0+$0xFFFFFFB0];
	v5 =	vadd.s32 v7, v5  }
0x8d: {  	v10 =	vld [tilespmem:s0+$0xFFFFFFC0];
	v5 =	vadd.s32 v8, v5  }
0x8e: {  	v6 =	vld [tilespmem:s0+$0xFFFFFFD0];
	v5 =	vadd.s32 v9, v5  }
0x8f: {  	v7 =	vld [tilespmem:s0+$0xFFFFFFE0];
	v4 =	vadd.s32 v4, v5;
	v60, _, _ =	vpop (xrf0)  }
0x90: {  	v8 =	vld [tilespmem:s0+$0xFFFFFFF0];
	v4 =	vadd.s32 v11, v4;
	(v2sf) =	vpush v60, $0xF  }
0x91: {  	s1 =	simm.s32 $0x8DF0;
	v9 =	vld [tilespmem:s0+$0x0];
	v4 =	vadd.s32 v57, v4  }
0x92: {  	v5 =	vld [tilespmem:s1+$0xFFFFFF10];
	v4 =	vadd.s32 v58, v4  }
0x93: {  	v11 =	vld [tilespmem:s1+$0xFFFFFF20];
	v4 =	vadd.s32 v59, v4  }
0x94: {  	v61 =	vld [tilespmem:s1+$0xFFFFFF30];
	v4 =	vadd.s32 v10, v4  }
0x95: {  	v62 =	vld [tilespmem:s1+$0xFFFFFF40];
	v4 =	vadd.s32 v6, v4  }
0x96: {  	v63 =	vld [tilespmem:s1+$0xFFFFFF50];
	v4 =	vadd.s32 v7, v4  }
0x97: {  	v10 =	vld [tilespmem:s1+$0xFFFFFF60];
	v4 =	vadd.s32 v8, v4  }
0x98: {  	v5 =	vadd.s32 v5, v11;
	v6 =	vld [tilespmem:s1+$0xFFFFFF70];
	v4 =	vadd.s32 v9, v4  }
0x99: {  	v5 =	vadd.s32 v61, v5;
	v7 =	vld [tilespmem:s1+$0xFFFFFF80];
	(xrf0) =	vadd.scan.msk.s32 $0xffff, v4  }
0x9a: {  	v5 =	vadd.s32 v62, v5;
	v8 =	vld [tilespmem:s1+$0xFFFFFF90]  }
0x9b: {  	v5 =	vadd.s32 v63, v5  }
0x9c: {  	v4 =	vadd.s32 v10, v5  }
0x9d: {  	v9 =	vld [tilespmem:s1+$0xFFFFFFA0];
	v4 =	vadd.s32 v6, v4  }
0x9e: {  	v5 =	vld [tilespmem:s1+$0xFFFFFFB0];
	v4 =	vadd.s32 v7, v4  }
0x9f: {  	v10 =	vld [tilespmem:s1+$0xFFFFFFC0];
	v6 =	vadd.s32 v8, v4;
	v8, _, _ =	vpop (xrf0);
	s6 =	spop (v2sf)  }
0xa0: {  	s24 =	simm.s32 $0x0;
	s3 =	simm.s32 $0xD;
	v11 =	vld [tilespmem:s1+$0xFFFFFFD0];
	(v2sf) =	vpush v8, $0xF;
	s31 =	sadd.s32 $0x0, s6  }
0xa1: {  	p0 =	por $0x1, $0x1;
	s5 =	simm.s32 $0x8CF0;
	v4 =	vld [tilespmem:s1+$0xFFFFFFE0];
	p1 =	sgt.s32 s31, $0xFF  }
0xa2: {  	s4 =	simm.s32 $0x0;
	s7 =	simm.s32 $0xB;
	v7 =	vadd.s32 v9, v6;
	v6 =	vld [tilespmem:s1+$0xFFFFFFF0];
	p0 =	por !p0, !p1  }
0xa3: {  	s23 =	simm.s32 $0x0;
	s25 =	simm.s32 $0xE;
	v7 =	vadd.s32 v5, v7;
	v5 =	vld [tilespmem:s1+$0x0];
	p0 =	por !p0, !p0  }
0xa4: {  	s0 =	simm.s32 $0xC;
	s1 =	simm.s32 $0x0;
	v9 =	vadd.s32 v10, v7;
	v7 =	vld [tilespmem:s5+$0xFFFFFF10];
	s4 =	simm.s32 @p0 $0x1  }
0xa5: {  	v8 =	vld [tilespmem:s5+$0xFFFFFF20];
	v9 =	vadd.s32 v11, v9;
	s1 =	smov.u32 @p0 s22;
	s23 =	smov.u32 @p0 s23;
	p1 =	seq.s32 s4, $0x0  }
.LBB2_6:
0xa6: {  	p0 =	seq.s32 s7, $0x0;
	v10 =	vld [tilespmem:s5+$0xFFFFFF30];
	v4 =	vadd.s32 v4, v9;
	s6 =	simm.s32 @!p1 $0x0;
	s11 =	smov.u32 s3  }
0xa7: {  	s3 =	smov.u32 s0;
	s0 =	smov.u32 s7;
	v9 =	vld [tilespmem:s5+$0xFFFFFF40];
	v4 =	vadd.s32 v6, v4;
	s24 =	sadd.s32 s24, s6  }
0xa8: {  	v6 =	vld [tilespmem:s5+$0xFFFFFF50];
	v4 =	vadd.s32 v5, v4  }
0xa9: {  	v5 =	vld [tilespmem:s5+$0xFFFFFF60];
	(xrf0) =	vadd.scan.msk.s32 $0xffff, v4  }
0xaa: {  	v4 =	vadd.s32 v7, v8;
	v7 =	vld [tilespmem:s5+$0xFFFFFF70]  }
0xab: {  	v4 =	vadd.s32 v10, v4;
	v8 =	vld [tilespmem:s5+$0xFFFFFF80]  }
0xac: {  	v4 =	vadd.s32 v9, v4;
	v9 =	vld [tilespmem:s5+$0xFFFFFF90]  }
0xad: {  	v4 =	vadd.s32 v6, v4;
	v6 =	vld [tilespmem:s5+$0xFFFFFFA0]  }
0xae: {  	v4 =	vadd.s32 v5, v4;
	v5 =	vld [tilespmem:s5+$0xFFFFFFB0]  }
0xaf: {  	v4 =	vadd.s32 v7, v4;
	v10 =	vld [tilespmem:s5+$0xFFFFFFC0];
	v7, _, _ =	vpop (xrf0);
	s6 =	spop (v2sf)  }
0xb0: {  	v4 =	vadd.s32 v8, v4;
	v11 =	vld [tilespmem:s5+$0xFFFFFFD0];
	(v2sf) =	vpush v7, $0xF;
	s22 =	sadd.s32 s24, s6  }
.Ltmp4:
0xb1: {  	p1 =	seq.s32 s4, $0x0;
	v7 =	vadd.s32 v9, v4;
	v4 =	vld [tilespmem:s5+$0xFFFFFFE0];
	p2 =	sgt.s32 s22, $0xFF;
	(pc) =	sbr.rel @!p0 .LBB2_6-.Ltmp4, $4  }
0xb2: {  	v7 =	vadd.s32 v6, v7;
	v6 =	vld [tilespmem:s5+$0xFFFFFFF0];
	p1 =	por !p1, !p2  }
0xb3: {  	v8 =	vadd.s32 v5, v7;
	v5 =	vld [tilespmem:s5+$0x0];
	s5 =	sadd.s32 $0xFFFFFF00, s5;
	p1 =	por !p1, !p1  }
0xb4: {  	v7 =	vld [tilespmem:s5+$0xFFFFFF10];
	v9 =	vadd.s32 v10, v8;
	s1 =	smov.u32 @p1 s25;
	s4 =	simm.s32 @p1 $0x1;
	s25 =	smov.u32 s11  }
0xb5: {  	s7 =	sadd.s32 $0xFFFFFFFF, s7;
	s23 =	smov.u32 @p1 s24;
	v8 =	vld [tilespmem:s5+$0xFFFFFF20];
	v9 =	vadd.s32 v11, v9;
	p1 =	seq.s32 s4, $0x0  }
0xb6: {  	v10 =	vld [tilespmem:s5+$0xFFFFFF30]  }
0xb7: {  	v11 =	vld [tilespmem:s5+$0xFFFFFF40]  }
0xb8: {  	v12 =	vld [tilespmem:s5+$0xFFFFFF50]  }
0xb9: {  	v13 =	vld [tilespmem:s5+$0xFFFFFF60]  }
0xba: {  	v57 =	vld [tilespmem:s5+$0xFFFFFF70];
	v7 =	vadd.s32 v7, v8  }
0xbb: {  	v58 =	vld [tilespmem:s5+$0xFFFFFF80];
	v7 =	vadd.s32 v10, v7  }
0xbc: {  	v59 =	vld [tilespmem:s5+$0xFFFFFF90];
	v7 =	vadd.s32 v11, v7  }
0xbd: {  	v60 =	vld [tilespmem:s5+$0xFFFFFFA0];
	v7 =	vadd.s32 v12, v7  }
0xbe: {  	v4 =	vadd.s32 v4, v9;
	v61 =	vld [tilespmem:s5+$0xFFFFFFB0];
	v7 =	vadd.s32 v13, v7  }
0xbf: {  	v4 =	vadd.s32 v6, v4;
	v6 =	vadd.s32 v57, v7;
	v7 =	vld [tilespmem:s5+$0xFFFFFFC0]  }
0xc0: {  	v4 =	vadd.s32 v5, v4;
	v5 =	vadd.s32 v58, v6;
	v6 =	vld [tilespmem:s5+$0xFFFFFFD0]  }
0xc1: {  	(xrf0) =	vadd.scan.msk.s32 $0xffff, v4;
	v4 =	vadd.s32 v59, v5;
	v5 =	vld [tilespmem:s5+$0xFFFFFFE0]  }
0xc2: {  	v62 =	vld [tilespmem:s5+$0xFFFFFFF0];
	v4 =	vadd.s32 v60, v4  }
0xc3: {  	v63 =	vld [tilespmem:s5+$0x0];
	v4 =	vadd.s32 v61, v4  }
0xc4: {  	v4 =	vadd.s32 v7, v4  }
0xc5: {  	v4 =	vadd.s32 v6, v4  }
0xc6: {  	v4 =	vadd.s32 v5, v4  }
0xc7: {  	v5, _, _ =	vpop (xrf0);
	v4 =	vadd.s32 v62, v4  }
0xc8: {  	(v2sf) =	vpush v5, $0xF;
	v4 =	vadd.s32 v63, v4  }
0xc9: {  	(xrf0) =	vadd.scan.msk.s32 $0xffff, v4;
	_ =	sdelay $0x4  }
0xca: {  	s6 =	simm.s32 @!p1 $0x0  }
0xcb: {  	s5 =	sadd.s32 s24, s6;
	s6 =	spop (v2sf);
	v4, _, _ =	vpop (xrf0)  }
0xcc: {  	s7 =	sadd.s32 s5, s6;
	(v2sf) =	vpush v4, $0xF  }
0xcd: {  	p0 =	sgt.s32 s7, $0xFF  }
0xce: {  	p0 =	por !p1, !p0  }
0xcf: {  	p0 =	por !p0, !p0  }
0xd0: {  	s4 =	simm.s32 @p0 $0x1  }
0xd1: {  	p1 =	seq.s32 s4, $0x0  }
0xd2: {  	s6 =	simm.s32 @!p1 $0x0  }
0xd3: {  	s6 =	sadd.s32 s5, s6;
	s7 =	spop (v2sf)  }
0xd4: {  	s11 =	sadd.s32 s6, s7  }
0xd5: {  	p2 =	sgt.s32 s11, $0xFF  }
0xd6: {  	p1 =	por !p1, !p2  }
0xd7: {  	p1 =	por !p1, !p1  }
0xd8: {  	s4 =	simm.s32 @p1 $0x1  }
0xd9: {  	p2 =	seq.s32 s4, $0x0  }
0xda: {  	s7 =	simm.s32 @!p2 $0x0  }
0xdb: {  	s4 =	sadd.s32 s6, s7;
	s31 =	spop (v2sf)  }
0xdc: {  	s7 =	sadd.s32 s4, s31  }
0xdd: {  	p3 =	sgt.s32 s7, $0xFF  }
0xde: {  	s1 =	smov.u32 @p0 s25;
	p6 =	por !p2, !p3  }
0xdf: {  	s23 =	smov.u32 @p0 s5;
	s1 =	smov.u32 @p1 s3;
	p0 =	por !p6, !p6  }
0xe0: {  	s1 =	smov.u32 @p0 s0  }
0xe1: {  	s0 =	sshll.u32 s1, $0xA  }
0xe2: {  	s0 =	sshra.s32 s0, $0x2  }
0xe3: {  	p4 =	por $0x0, $0x0;
	s0 =	sadd.s32 $0x8000, s0  }
.Ltmp5:
0xe4: {  	v4 =	vmov s0;
	(pc) =	sbr.rel @p4 .LBB2_8-.Ltmp5, $4  }
0xe5: {  	_ = 	snop  }
0xe6: {  	s22 =	simm.s32 $0x0;
	s23 =	smov.u32 @p1 s6;
	s3 =	simm.s32 $0xF0  }
0xe7: {  	p1 =	por $0x0, $0x0;
	p2 =	por $0x0, $0x0;
	p3 =	por $0x0, $0x0  }
0xe8: {  	s23 =	smov.u32 @p0 s4;
	p0 =	por $0x0, $0x0;
	s24 =	sshllo.u32 s1, $0x4  }
0xe9: {  	_ =	sdelay $0x3  }
0xea: {  	v5 =	vld.idx.msk [tilespmem:v4+s3+$0x0 ss:$0x1], $0xffff;
	p4 =	por $0x0, $0x0  }
.Ltmp6:
0xeb: {  	_ = 	snop;
	(pc) =	sbr.rel @p4 .LBB2_10-.Ltmp6, $2  }
0xec: {  	_ =	sdelay $0x2  }
0xed: {  	s3 =	simm.s32 $0xE0;
	p0 =	por $0x1, $0x1;
	(xrf0) =	vadd.scan.msk.s32 $0xffff, v5  }
0xee: {  	_ =	sdelay $0x3  }
0xef: {  	v5 =	vld.idx.msk [tilespmem:v4+s3+$0x0 ss:$0x1], $0xffff;
	p4 =	por $0x0, $0x0  }
.Ltmp7:
0xf0: {  	_ = 	snop;
	(pc) =	sbr.rel @p4 .LBB2_12-.Ltmp7, $3  }
0xf1: {  	_ =	sdelay $0x1  }
0xf2: {  	v6, _, _ =	vpop (xrf0)  }
0xf3: {  	s3 =	simm.s32 $0xD0;
	p1 =	por $0x1, $0x1;
	(xrf0) =	vadd.scan.msk.s32 $0xffff, v5;
	(v2sf) =	vpush v6, $0xF  }
0xf4: {  	_ =	sdelay $0x3  }
0xf5: {  	v5 =	vld.idx.msk [tilespmem:v4+s3+$0x0 ss:$0x1], $0xffff;
	p4 =	por $0x0, $0x0  }
.Ltmp8:
0xf6: {  	_ = 	snop;
	(pc) =	sbr.rel @p4 .LBB2_14-.Ltmp8, $3  }
0xf7: {  	_ =	sdelay $0x1  }
0xf8: {  	v6, _, _ =	vpop (xrf0)  }
0xf9: {  	s3 =	simm.s32 $0xC0;
	p2 =	por $0x1, $0x1;
	(xrf0) =	vadd.scan.msk.s32 $0xffff, v5;
	(v2sf) =	vpush v6, $0xF  }
0xfa: {  	_ =	sdelay $0x4  }
0xfb: {  	v6, _, _ =	vpop (xrf0)  }
0xfc: {  	s4 =	spop (v2sf);
	(v2sf) =	vpush v6, $0xF;
	_ =	sdelay $0x4  }
0xfd: {  	v5 =	vld.idx.msk [tilespmem:v4+s3+$0x0 ss:$0x1], $0xffff;
	p4 =	por $0x0, $0x0;
	s0 =	sadd.s32 s23, s4  }
.Ltmp9:
0xfe: {  	p3 =	por $0x1, $0x1;
	p5 =	sgt.s32 s0, $0xFF;
	(pc) =	sbr.rel @p4 .LBB2_16-.Ltmp9, $4  }
0xff: {  	p6 =	por !p3, !p5  }
0x100: {  	s0 =	simm.s32 @!p6 $0x0  }
0x101: {  	s0 =	simm.s32 @p6 $0x1  }
0x102: {  	s3 =	simm.s32 $0xB0;
	(xrf0) =	vadd.scan.msk.s32 $0xffff, v5;
	p3 =	por $0x1, $0x1;
	[smem:$0x7FC] =	sst s0  }
0x103: {  	_ =	sdelay $0x2  }
0x104: {  	p6 =	por !p6, !p6;
	s5 =	simm.s32 $0x0  }
0x105: {  	s5 =	simm.s32 @p6 $0x1  }
0x106: {  	s0 =	smov.u32 s4;
	p4 =	seq.s32 s5, $0x0;
	v6, _, _ =	vpop (xrf0)  }
0x107: {  	s0 =	simm.s32 @!p4 $0x0;
	(v2sf) =	vpush v6, $0xF  }
0x108: {  	v5 =	vld.idx.msk [tilespmem:v4+s3+$0x0 ss:$0x1], $0xffff;
	s6 =	spop (v2sf);
	s7 =	sadd.s32 s23, s0  }
0x109: {  	p5 =	por $0x0, $0x0;
	s0 =	simm.s32 $0x0;
	s1 =	sadd.s32 s7, s6  }
.Ltmp10:
0x10a: {  	s0 =	smov.u32 @p6 s24;
	p6 =	sgt.s32 s1, $0xFF;
	(pc) =	sbr.rel @p5 .LBB2_18-.Ltmp10, $4  }
0x10b: {  	p6 =	por !p4, !p6;
	p4 =	por $0x1, $0x1  }
0x10c: {  	s1 =	simm.s32 @!p4 $0x0  }
0x10d: {  	s3 =	simm.s32 $0xA0;
	(xrf0) =	vadd.scan.msk.s32 $0xffff, v5;
	s1 =	simm.s32 @p4 $0x1  }
0x10e: {  	s11 =	simm.s32 $0x240;
	[smem:$0x7FD] =	sst s1;
	s1 =	smov.u32 s24  }
.LBB2_19:
0x10f: {  	p4 =	seq.s32 s11, $0x0;
	v5 =	vld.idx.msk [tilespmem:v4+s3+$0x0 ss:$0x1], $0xffff;
	p5 =	por !p6, !p6;
	s1 =	sadd.s32 $0xFFFFFFFF, s1  }
0x110: {  	s0 =	smov.u32 @p5 s1;
	s5 =	simm.s32 @p5 $0x1  }
0x111: {  	s3 =	smov.u32 s6;
	p6 =	seq.s32 s5, $0x0  }
.Ltmp11:
0x112: {  	s3 =	simm.s32 @!p6 $0x0;
	(pc) =	sbr.rel @!p4 .LBB2_19-.Ltmp11, $4  }
0x113: {  	v6, _, _ =	vpop (xrf0);
	s6 =	spop (v2sf);
	s7 =	sadd.s32 s7, s3  }
0x114: {  	(v2sf) =	vpush v6, $0xF;
	s3 =	sadd.s32 s7, s6  }
0x115: {  	(xrf0) =	vadd.scan.msk.s32 $0xffff, v5;
	p5 =	sgt.s32 s3, $0xFF  }
0x116: {  	s3 =	sshra.s32 s11, $0x2;
	s11 =	sadd.s32 $0xFFFFFFC0, s11;
	p6 =	por !p6, !p5  }
.LBB2_20:
0x117: {  	p4 =	por @p3 !p6, !p6  }
0x118: {  	p4 =	por !p4, !p3  }
0x119: {  	s11 =	simm.s32 @!p4 $0x0;
	s5 =	simm.s32 @!p4 $0x1  }
0x11a: {  	s11 =	simm.s32 @p4 $0x1;
	p4 =	seq.s32 @p3 s5, $0x0  }
0x11b: {  	p4 =	por !p4, !p3  }
0x11c: {  	s28 =	sld [smem:$0x7FC];
	s6 =	simm.s32 @p4 $0x0  }
0x11d: {  	[smem:$0x7FA] =	sst s11;
	s6 =	sadd.s32 @p3 s7, s6;
	s7 =	smov.u32 s23  }
0x11e: {  	s11 =	spop @p2 (v2sf);
	s7 =	smov.u32 @p3 s6;
	s6 =	simm.s32 $0x0  }
0x11f: {  	s6 =	smov.u32 @p3 s5;
	s5 =	sadd.s32 @p2 s7, s11  }
0x120: {  	p4 =	seq.s32 @p2 s6, $0x0;
	p5 =	sgt.s32 @p2 s5, $0xFF  }
0x121: {  	p4 =	por @p2 !p4, !p5;
	p5 =	seq.s32 s28, $0x1  }
0x122: {  	p4 =	por @!p2 p5, p5  }
0x123: {  	p4 =	por @p2 !p4, !p4  }
0x124: {  	p4 =	por !p4, !p2  }
0x125: {  	s5 =	simm.s32 @!p4 $0x0;
	s6 =	simm.s32 @!p4 $0x1  }
0x126: {  	v5, _, _ =	vpop @p0 (xrf0);
	s5 =	simm.s32 @p4 $0x1;
	p4 =	seq.s32 @p2 s6, $0x0  }
0x127: {  	(v2sf) =	vpush @p0 v5, $0xF;
	s4 =	smov.u32 @p2 s11;
	p4 =	por !p4, !p2  }
0x128: {  	s4 =	simm.s32 @p4 $0x0  }
0x129: {  	v4 =	vld.idx.msk [tilespmem:v4+s3+$0x0 ss:$0x1], $0xffff;
	[smem:$0x7FB] =	sst s5;
	s3 =	sadd.s32 @p2 s7, s4;
	s4 =	smov.u32 s23  }
0x12a: {  	s5 =	spop @p1 (v2sf);
	s4 =	smov.u32 @p2 s3;
	s3 =	simm.s32 $0x0  }
0x12b: {  	s7 =	sadd.s32 @p1 s4, s5;
	s3 =	smov.u32 @p2 s6  }
0x12c: {  	p4 =	seq.s32 @p1 s3, $0x0;
	p6 =	sgt.s32 @p1 s7, $0xFF  }
0x12d: {  	p4 =	por @p1 !p4, !p6  }
0x12e: {  	(xrf0) =	vadd.scan.msk.s32 $0xffff, v4;
	p4 =	por @!p1 p0, p0  }
0x12f: {  	p4 =	por @p1 !p4, !p4  }
0x130: {  	p4 =	por !p4, !p1  }
0x131: {  	s3 =	simm.s32 @!p4 $0x1  }
0x132: {  	p6 =	seq.s32 @p1 s3, $0x0  }
0x133: {  	s5 =	smov.u32 @p1 s5;
	p6 =	por !p6, !p1  }
0x134: {  	v4, _, _ =	vpop (xrf0);
	s5 =	simm.s32 @p6 $0x0  }
0x135: {  	s29 =	sld [smem:$0x7FD];
	(v2sf) =	vpush v4, $0xF;
	s4 =	sadd.s32 @p1 s4, s5;
	s5 =	smov.u32 s23  }
0x136: {  	s6 =	spop @p0 (v2sf);
	s5 =	smov.u32 @p1 s4;
	s4 =	simm.s32 $0x0  }
0x137: {  	s7 =	sadd.s32 @p0 s5, s6;
	s4 =	smov.u32 @p1 s3  }
0x138: {  	p6 =	seq.s32 @p0 s4, $0x0;
	p5 =	sgt.s32 @p0 s7, $0xFF  }
0x139: {  	s30 =	sld [smem:$0x7FA];
	p5 =	por @p0 !p6, !p5;
	p6 =	seq.s32 s29, $0x1  }
0x13a: {  	s3 =	smov.u32 s24;
	s1 =	sadd.s32 @p6 $0xFFFFFFFF, s1  }
0x13b: {  	s7 =	simm.s32 $0x0;
	p5 =	por @!p0 p0, p0;
	s3 =	smov.u32 @p6 s1  }
0x13c: {  	p5 =	por @p0 !p5, !p5;
	p6 =	seq.s32 s30, $0x1;
	s1 =	smov.u32 s3  }
0x13d: {  	s1 =	smov.u32 @p6 s0;
	s0 =	sadd.s32 @p3 $0xFFFFFFFF, s3;
	s3 =	smov.u32 s24  }
0x13e: {  	p6 =	por !p5, !p0;
	s7 =	smov.u32 @p3 s1;
	s1 =	sld [smem:$0x7FB]  }
0x13f: {  	s3 =	smov.u32 @p3 s0;
	s4 =	simm.s32 @!p6 $0x1  }
0x140: {  	s0 =	smov.u32 s3;
	p3 =	seq.s32 @p0 s4, $0x0  }
0x141: {  	s3 =	sadd.s32 @p2 $0xFFFFFFFF, s3;
	p3 =	por !p3, !p0;
	p5 =	seq.s32 s1, $0x1  }
0x142: {  	s1 =	smov.u32 @p0 s6;
	s6 =	simm.s32 $0x0;
	s0 =	smov.u32 @p5 s7  }
0x143: {  	s7 =	smov.u32 s24;
	s1 =	simm.s32 @p3 $0x0;
	s6 =	smov.u32 @p2 s0  }
0x144: {  	s7 =	smov.u32 @p2 s3;
	s0 =	sadd.s32 @p0 s5, s1;
	s3 =	spop (v2sf)  }
0x145: {  	s5 =	simm.s32 $0x0;
	s23 =	smov.u32 @p0 s0;
	s0 =	simm.s32 $0x0  }
0x146: {  	s1 =	smov.u32 s7;
	s31 =	sadd.s32 s23, s3;
	s0 =	smov.u32 @p0 s4  }
0x147: {  	s1 =	smov.u32 @p4 s6;
	p4 =	seq.s32 s0, $0x0;
	p5 =	sgt.s32 s31, $0xFF  }
0x148: {  	s4 =	sadd.s32 @p1 $0xFFFFFFFF, s7;
	s6 =	smov.u32 s24;
	p2 =	por !p4, !p5  }
0x149: {  	s6 =	smov.u32 @p1 s4;
	s5 =	smov.u32 @p1 s1;
	p1 =	por !p2, !p2  }
0x14a: {  	s0 =	simm.s32 @p1 $0x1  }
0x14b: {  	p2 =	seq.s32 s0, $0x0;
	s0 =	simm.s32 $0x8040  }
0x14c: {  	[tilespmem:s0+$0xFFFFFFC0] =	vst v1  }
0x14d: {  	[tilespmem:s0+$0x30] =	vst v1  }
0x14e: {  	s1 =	smov.u32 s6;
	[tilespmem:s0+$0x20] =	vst v1  }
0x14f: {  	s1 =	smov.u32 @p6 s5;
	[tilespmem:s0+$0x10] =	vst v1  }
0x150: {  	s22 =	smov.u32 @p0 s1;
	s1 =	sadd.s32 @p0 $0xFFFFFFFF, s6;
	[tilespmem:s0+$0x0] =	vst v1  }
0x151: {  	s24 =	smov.u32 @p0 s1;
	s3 =	simm.s32 @!p2 $0x0;
	[tilespmem:s0+$0xFFFFFFF0] =	vst v1  }
0x152: {  	s1 =	simm.s32 $0x0;
	s22 =	smov.u32 @p1 s24;
	[tilespmem:s0+$0xFFFFFFE0] =	vst v1;
	s26 =	sadd.s32 s23, s3  }
.LBB2_21:
0x153: {  	s1 =	sadd.s32 $0x8, s1;
	[tilespmem:s0+$0xFFFFFFD0] =	vst v1;
	s0 =	sadd.s32 $0x80, s0  }
0x154: {  	[tilespmem:s0+$0xFFFFFFC0] =	vst v1;
	p0 =	slt.u32 s1, $0xF8  }
0x155: {  	[tilespmem:s0+$0x30] =	vst v1  }
.Ltmp12:
0x156: {  	[tilespmem:s0+$0x20] =	vst v1;
	(pc) =	sbr.rel @p0 .LBB2_21-.Ltmp12, $4  }
0x157: {  	[tilespmem:s0+$0x10] =	vst v1  }
0x158: {  	[tilespmem:s0+$0x0] =	vst v1  }
0x159: {  	[tilespmem:s0+$0xFFFFFFF0] =	vst v1  }
0x15a: {  	[tilespmem:s0+$0xFFFFFFE0] =	vst v1  }
0x15b: {  	[tilespmem:s0+$0xFFFFFFD0] =	vst v1;
	s30 =	simm.s32 $0x20  }
0x15c: {  	v4 =	vld [tilespmem:s30+$0xFFFFFFE0]  }
0x15d: {  	v6 =	vld [tilespmem:s30+$0xFFFFFFF0]  }
0x15e: {  	v7 =	vld [tilespmem:s30+$0x0];
	_ =	sdelay $0x1  }
0x15f: {  	v9 =	vld [tilespmem:s30+$0x10]  }
0x160: {  	v5 =	vmov s22;
	v8 =	vimm.s32 $0x0;
	s1 =	simm.s32 $0x10  }
0x161: {  	v20 =	vor.u32 s1, v0;
	vm0 =	vgt.s32 v4, $0x0;
	v10 =	vshra.s32 v4, $0x18  }
0x162: {  	vm2 =	vgt.s32 v6, $0x0;
	v12 =	vshra.s32 v7, $0x18;
	v10 =	vadd.s32 $0x80, v10  }
0x163: {  	v11 =	vnsel vm0, $0x0, v4;
	v4 =	vshra.s32 v6, $0x18;
	vm3 =	veq.s32 v10, v5  }
0x164: {  	v14 =	vshra.s32 v9, $0x18;
	v13 =	vadd.s32 $0x80, v4;
	v4 =	vmpcnt.ones.xlane vm3  }
0x165: {  	vm4 =	vgt.s32 v7, $0x0;
	vm8 =	vgt.s32 v9, $0x0;
	v12 =	vadd.s32 $0x80, v12  }
0x166: {  	vm5 =	veq.s32 v13, v5;
	v16 =	vadd.s32 v8, v4;
	v4 =	vsel vm3, $0x1, v1  }
0x167: {  	v14 =	vadd.s32 $0x80, v14;
	v6 =	vnsel vm2, $0x0, v6;
	v18 =	vsel vm5, $0x1, v1;
	(xrf0) =	vadd.scan.msk.s32 $0xffff, v4  }
0x168: {  	s0 =	simm.s32 $0x60;
	v7 =	vnsel vm4, $0x0, v7;
	v9 =	vnsel vm8, $0x0, v9;
	vm0 =	veq.s32 v12, v5;
	(xrf0) =	vadd.scan.msk.s32 $0xffff, v18  }
0x169: {  	vm1 =	veq.s32 v14, v5;
	vm6 =	vgt.s32 v10, v5;
	v10 =	vld [tilespmem:s0+$0xFFFFFFE0];
	v19 =	vsel vm0, $0x1, v1  }
0x16a: {  	vm2 =	vgt.s32 v12, v5;
	vm9 =	vgt.s32 v14, v5;
	v17 =	vmpcnt.ones.xlane vm0;
	(xrf0) =	vadd.scan.msk.s32 $0xffff, v19  }
0x16b: {  	vm7 =	vgt.s32 v13, v5;
	v11 =	vnsel vm6, $0x0, v11;
	v15 =	vmpcnt.ones.xlane vm5  }
0x16c: {  	v14 =	vnsel vm2, $0x0, v7;
	v9 =	vnsel vm9, $0x0, v9;
	v18 =	vsel vm1, $0x1, v1  }
0x16d: {  	v13 =	vnsel vm7, $0x0, v6;
	v6 =	vld [tilespmem:s0+$0xFFFFFFF0];
	v15 =	vadd.s32 v16, v15;
	v4 =	vmpcnt.ones.xlane vm1;
	(xrf0) =	vadd.scan.msk.s32 $0xffff, v18;
	v12, _, _ =	vpop (xrf0)  }
0x16e: {  	s24 =	simm.s32 $0x4020;
	v7 =	vld [tilespmem:s0+$0x0];
	v17 =	vadd.s32 v15, v17;
	vm2 =	vgt.s32 v10, $0x0;
	v12 =	vadd.s32 v12, v8;
	v19, _, _ =	vpop (xrf0)  }
0x16f: {  	[tilespmem:s24+$0x0] =	vst v14;
	v14 =	vshra.s32 v10, $0x18;
	v21 =	vadd.s32 $0xFFFFFFFF, v12;
	v12 =	vadd.s32 v19, v16  }
0x170: {  	s23 =	simm.s32 $0x0;
	[tilespmem:s24+$0xFFFFFFE0] =	vst v11;
	v4 =	vadd.s32 v17, v4;
	v10 =	vnsel vm2, $0x0, v10;
	v8 =	vld [tilespmem:s0+$0x10];
	v16, _, _ =	vpop (xrf0);
	v19 =	vadd.s32 $0xFFFFFFFF, v12  }
0x171: {  	[tilespmem:s24+$0x10] =	vst v9;
	v14 =	vadd.s32 $0x80, v14;
	v18 =	vor.u32 s23, v0;
	v11 =	vadd.s32 v16, v15  }
0x172: {  	s31 =	simm.s32 $0x20;
	[tilespmem:s24+$0xFFFFFFF0] =	vst v13;
	vm4 =	vgt.s32 v6, $0x0;
	v9 =	vshra.s32 v6, $0x18;
	v13 =	vadd.s32 $0xFFFFFFFF, v11  }
0x173: {  	vm2 =	veq.s32 v14, v5;
	v12 =	vor.u32 s31, v0;
	v15, _, _ =	vpop (xrf0);
	v16 =	vshra.s32 v7, $0x18  }
0x174: {  	v11 =	vadd.s32 v15, v17;
	v15 =	vadd.s32 $0x80, v9;
	v16 =	vadd.s32 $0x80, v16;
	[tilespmem:v21+s13+$0x0] =	vst.idx.msk vm3, v18  }
0x175: {  	s3 =	simm.s32 $0x4;
	s1 =	simm.s32 $0x0;
	v9 =	vmovc v4;
	v17 =	vshra.s32 v8, $0x18;
	v18 =	vmpcnt.ones.xlane vm2;
	vm3 =	veq.s32 v15, v5;
	[tilespmem:v19+s13+$0x0] =	vst.idx.msk vm5, v20  }
.LBB2_23:
0x176: {  	v19 =	vmpcnt.ones.xlane vm3  }
0x177: {  	s3 =	sadd.s32 $0x4, s3;
	v17 =	vadd.s32 $0x80, v17;
	[tilespmem:v13+s13+$0x0] =	vst.idx.msk vm0, v12;
	vm0 =	veq.s32 v16, v5;
	vm5 =	vmmov vm1  }
0x178: {  	p0 =	slt.u32 s3, $0x1FC;
	v12 =	vadd.s32 v4, v18;
	v4 =	vmpcnt.ones.xlane vm0;
	vm1 =	veq.s32 v17, v5  }
0x179: {  	v13 =	vsel vm2, $0x1, v1;
	v18 =	vadd.s32 v12, v19;
	v19 =	vmpcnt.ones.xlane vm1  }
0x17a: {  	v20 =	vsel vm3, $0x1, v1;
	v21 =	vsel vm0, $0x1, v1;
	v22 =	vadd.s32 v18, v4;
	(xrf0) =	vadd.scan.msk.s32 $0xffff, v13  }
0x17b: {  	vm6 =	vgt.s32 v7, $0x0;
	v13 =	vsel vm1, $0x1, v1;
	v4 =	vadd.s32 v22, v19;
	(xrf0) =	vadd.scan.msk.s32 $0xffff, v20  }
0x17c: {  	vm7 =	vgt.s32 v14, v5;
	vm8 =	vgt.s32 v15, v5;
	vm9 =	vgt.s32 v8, $0x0;
	(xrf0) =	vadd.scan.msk.s32 $0xffff, v21  }
0x17d: {  	v6 =	vnsel vm4, $0x0, v6;
	vm4 =	vgt.s32 v16, v5;
	vm10 =	vgt.s32 v17, v5;
	(xrf0) =	vadd.scan.msk.s32 $0xffff, v13  }
0x17e: {  	s0 =	sadd.s32 $0x40, s0;
	v11 =	vadd.s32 $0xFFFFFFFF, v11;
	v7 =	vnsel vm6, $0x0, v7;
	v16 =	vnsel vm9, $0x0, v8  }
0x17f: {  	s23 =	sadd.s32 $0x40, s23;
	s24 =	sadd.s32 $0x40, s24;
	v10 =	vnsel vm7, $0x0, v10;
	v17 =	vnsel vm8, $0x0, v6;
	v15 =	vnsel vm4, $0x0, v7;
	v14 =	vld [tilespmem:s0+$0xFFFFFFE0]  }
0x180: {  	s4 =	sadd.s32 $0x10, s23;
	v6 =	vld [tilespmem:s0+$0xFFFFFFF0];
	[tilespmem:s24+$0xFFFFFFE0] =	vst v10;
	v10 =	vnsel vm10, $0x0, v16;
	v8, _, _ =	vpop (xrf0)  }
0x181: {  	v19 =	vor.u32 s4, v0;
	s4 =	sadd.s32 $0x30, s1;
	s1 =	smov.u32 s23;
	v16 =	vor.u32 s23, v0;
	v7 =	vld [tilespmem:s0+$0x0];
	v9 =	vadd.s32 v8, v9;
	[tilespmem:s24+$0xFFFFFFF0] =	vst v17;
	v13, _, _ =	vpop (xrf0)  }
0x182: {  	s5 =	sadd.s32 $0x20, s23;
	v8 =	vld [tilespmem:s0+$0x10];
	v20 =	vadd.s32 $0xFFFFFFFF, v9;
	v23 =	vadd.s32 v13, v12;
	[tilespmem:s24+$0x0] =	vst v15;
	v12, _, _ =	vpop (xrf0);
	v13 =	vor.u32 s4, v0  }
0x183: {  	v21 =	vadd.s32 $0xFFFFFFFF, v23;
	v17 =	vadd.s32 v12, v18;
	v12 =	vor.u32 s5, v0;
	v15, _, _ =	vpop (xrf0);
	[tilespmem:v11+s13+$0x0] =	vst.idx.msk vm5, v13  }
.Ltmp13:
0x184: {  	vm4 =	vgt.s32 v14, $0x0;
	v13 =	vadd.s32 $0xFFFFFFFF, v17;
	[tilespmem:s24+$0x10] =	vst v10;
	v11 =	vadd.s32 v15, v22;
	v9 =	vmovc v4;
	(pc) =	sbr.rel @p0 .LBB2_23-.Ltmp13, $4  }
0x185: {  	v15 =	vshra.s32 v14, $0x18;
	v10 =	vnsel vm4, $0x0, v14;
	vm4 =	vgt.s32 v6, $0x0  }
0x186: {  	v14 =	vadd.s32 $0x80, v15;
	v15 =	vshra.s32 v6, $0x18;
	v22 =	vshra.s32 v7, $0x18  }
0x187: {  	v15 =	vadd.s32 $0x80, v15;
	v17 =	vshra.s32 v8, $0x18;
	[tilespmem:v20+s13+$0x0] =	vst.idx.msk vm2, v16;
	vm2 =	veq.s32 v14, v5  }
0x188: {  	v16 =	vadd.s32 $0x80, v22;
	v18 =	vmpcnt.ones.xlane vm2;
	[tilespmem:v21+s13+$0x0] =	vst.idx.msk vm3, v19;
	vm3 =	veq.s32 v15, v5  }
0x189: {  	v19 =	vmpcnt.ones.xlane vm3  }
0x18a: {  	vm5 =	veq.s32 v16, v5;
	v17 =	vadd.s32 $0x80, v17;
	v20 =	vsel vm2, $0x1, v1  }
0x18b: {  	v18 =	vadd.s32 v4, v18;
	v4 =	vmpcnt.ones.xlane vm5;
	vm6 =	veq.s32 v17, v5  }
0x18c: {  	v22 =	vsel vm3, $0x1, v1;
	(xrf0) =	vadd.scan.msk.s32 $0xffff, v20;
	v19 =	vadd.s32 v18, v19;
	v21 =	vmpcnt.ones.xlane vm6  }
0x18d: {  	v51 =	vsel vm5, $0x1, v1;
	(xrf0) =	vadd.scan.msk.s32 $0xffff, v22;
	v23 =	vadd.s32 v19, v4  }
0x18e: {  	v52 =	vsel vm6, $0x1, v1;
	(xrf0) =	vadd.scan.msk.s32 $0xffff, v51;
	v4 =	vadd.s32 v23, v21  }
0x18f: {  	(xrf0) =	vadd.scan.msk.s32 $0xffff, v52;
	v53 =	vxor.u32 $0x80000000, v4  }
0x190: {  	(xrf0) =	vmax.scan.msk.u32 $0xffff, v53;
	_ =	sdelay $0x1  }
0x191: {  	v54, _, _ =	vpop (xrf0)  }
0x192: {  	v55, _, _ =	vpop (xrf0)  }
0x193: {  	v56, _, _ =	vpop (xrf0)  }
0x194: {  	v24, _, _ =	vpop (xrf0)  }
0x195: {  	v25, _, _ =	vpop (xrf0)  }
0x196: {  	(v2sf) =	vpush v25, $0xF;
	_ =	sdelay $0xe  }
0x197: {  	s0 =	spop (v2sf)  }
0x198: {  	s0 =	sadd.s32 $0x8000000F, s0  }
0x199: {  	s1 =	sadd.s32 $0x30, s1;
	s25 =	sand.u32 $0xF, s0  }
0x19a: {  	vm7 =	vgt.s32 v14, v5;
	s28 =	sshra.s32 s0, $0x1F;
	p1 =	slt.s32 s0, $0x1;
	p0 =	sne.s32 s25, $0x0  }
0x19b: {  	vm8 =	vgt.s32 v15, v5;
	vm9 =	vgt.s32 v16, v5;
	v57 =	vor.u32 s1, v0;
	s1 =	sshrl.u32 s28, $0x1C;
	p0 =	por !p1, !p0  }
0x19c: {  	v6 =	vnsel vm4, $0x0, v6;
	vm13 =	vgt.s32 v7, $0x0;
	vm1 =	vmmov vm1;
	s0 =	sadd.s32 s1, s0;
	s1 =	simm.s32 $0x1;
	p0 =	por !p0, !p0  }
0x19d: {  	vm14 =	vgt.s32 v8, $0x0;
	vm10 =	vgt.s32 v17, v5;
	v5 =	vadd.s32 $0xFFFFFFFF, v11;
	s0 =	sshra.s32 s0, $0x4;
	s1 =	simm.s32 @!p0 $0x0  }
0x19e: {  	s3 =	sadd.s32 $0x40, s24;
	[tilespmem:v13+s13+$0x0] =	vst.idx.msk vm0, v12;
	s4 =	sadd.s32 $0x40, s23;
	v7 =	vnsel vm13, $0x0, v7;
	v10 =	vnsel vm7, $0x0, v10;
	v9 =	vadd.s32 v54, v9;
	s23 =	ssub.s32 s0, s1  }
0x19f: {  	v6 =	vnsel vm8, $0x0, v6;
	[tilespmem:s3+$0xFFFFFFE0] =	vst v10;
	v9 =	vadd.s32 $0xFFFFFFFF, v9;
	v58 =	vadd.s32 v55, v18;
	s1 =	sshrl.u32 s23, $0x1E  }
0x1a0: {  	v7 =	vnsel vm9, $0x0, v7;
	[tilespmem:s3+$0xFFFFFFF0] =	vst v6;
	v6 =	vadd.s32 $0xFFFFFFFF, v58;
	v59 =	vadd.s32 v56, v19;
	s1 =	sadd.s32 s1, s23  }
0x1a1: {  	v8 =	vnsel vm14, $0x0, v8;
	[tilespmem:s3+$0x0] =	vst v7;
	v7 =	vadd.s32 $0xFFFFFFFF, v59;
	v60 =	vadd.s32 v24, v23;
	s24 =	sand.u32 $0xFFFFFFFC, s1  }
0x1a2: {  	v8 =	vnsel vm10, $0x0, v8;
	[tilespmem:v5+s13+$0x0] =	vst.idx.msk vm1, v57;
	v5 =	vadd.s32 $0xFFFFFFFF, v60;
	p0 =	slt.s32 s24, $0x1  }
.Ltmp14:
0x1a3: {  	s29 =	sadd.s32 $0x10, s4;
	v61 =	vor.u32 s4, v0;
	[tilespmem:s3+$0x10] =	vst v8;
	(pc) =	sbr.rel @p0 .LBB2_27-.Ltmp14, $4  }
0x1a4: {  	s30 =	sadd.s32 $0x20, s4;
	v62 =	vor.u32 s29, v0;
	[tilespmem:v9+s13+$0x0] =	vst.idx.msk vm2, v61  }
0x1a5: {  	s31 =	sadd.s32 $0x30, s4;
	v63 =	vor.u32 s30, v0;
	[tilespmem:v6+s13+$0x0] =	vst.idx.msk vm3, v62  }
0x1a6: {  	v6 =	vor.u32 s31, v0;
	[tilespmem:v7+s13+$0x0] =	vst.idx.msk vm5, v63  }
0x1a7: {  	vm15 =	vmmov vm6;
	[tilespmem:v5+s13+$0x0] =	vst.idx.msk vm6, v6  }
0x1a8: {  	s0 =	simm.s32 $0x9020  }
0x1a9: {  	s3 =	simm.s32 $0x30;
	v5 =	vld [tilespmem:s0+$0x10]  }
0x1aa: {  	s30 =	simm.s32 $0x10;
	v6 =	vor.u32 s3, v0;
	v7 =	vld [tilespmem:s0+$0xFFFFFFF0]  }
0x1ab: {  	s1 =	simm.s32 $0x0;
	v8 =	vor.u32 s30, v0;
	vm1 =	vlt.s32 v6, v4;
	v6 =	vld [tilespmem:s0+$0xFFFFFFE0]  }
0x1ac: {  	v9 =	vor.u32 s1, v0;
	vm0 =	vlt.s32 v8, v4  }
0x1ad: {  	vm4 =	vlt.s32 v9, v4  }
0x1ae: {  	p2 =	sgt.s32 s24, $0x4  }
.Ltmp15:
0x1af: {  	_ = 	snop;
	(pc) =	sbr.rel @!p2 .LBB2_26-.Ltmp15, $4  }
0x1b0: {  	s31 =	simm.s32 $0x20;
	v10 =	vld [tilespmem:s0+$0x0]  }
0x1b1: {  	v9 =	vor.u32 s31, v0;
	v8 =	vld.idx.msk [tilespmem:v5+s2+$0x0], vm1  }
0x1b2: {  	vm5 =	vlt.s32 v9, v4;
	vm3 =	vmmov vm4;
	v7 =	vld.idx.msk [tilespmem:v7+s2+$0x0], vm0  }
0x1b3: {  	p1 =	por $0x0, $0x0;
	s1 =	simm.s32 $0x40;
	s0 =	simm.s32 $0x9060;
	vm2 =	vmmov vm0;
	vm0 =	vmmov vm5;
	vm1 =	vmmov vm1;
	v9 =	vld.idx.msk [tilespmem:v6+s2+$0x0], vm4  }
0x1b4: {  	s3 =	simm.s32 $0x70;
	v6 =	vld [tilespmem:s0+$0x10]  }
0x1b5: {  	v12 =	vld [tilespmem:s0+$0xFFFFFFE0];
	v5 =	vor.u32 s3, v0  }
0x1b6: {  	s30 =	simm.s32 $0x50;
	v11 =	vld [tilespmem:s0+$0xFFFFFFF0];
	v13 =	vor.u32 s1, v0;
	vm7 =	vlt.s32 v5, v4  }
0x1b7: {  	vm9 =	vlt.s32 v13, v4;
	v5 =	vshrl.u32 v8, $0xC;
	v8 =	vor.u32 s30, v0  }
0x1b8: {  	vm8 =	vlt.s32 v8, v4  }
0x1b9: {  	s31 =	simm.s32 $0x60;
	v63 =	vld.idx.msk [tilespmem:v10+s2+$0x0], vm0;
	v5 =	vand.u32 $0xFF0, v5  }
0x1ba: {  	vm4 =	vmmov vm3;
	p2 =	sgt.s32 s24, $0x8;
	v14 =	vor.u32 v0, v5;
	v5 =	vor.u32 s31, v0  }
.Ltmp16:
0x1bb: {  	vm5 =	vmmov vm2;
	v10 =	vld [tilespmem:s0+$0x0];
	vm10 =	vlt.s32 v5, v4;
	v5 =	vshrl.u32 v9, $0xC;
	(pc) =	sbr.rel @!p2 .LBB2_42-.Ltmp16, $4  }
0x1bc: {  	vm6 =	vmmov vm0;
	v7 =	vshrl.u32 v7, $0xC;
	v9 =	vand.u32 $0xFF0, v5;
	v8 =	vld.idx.msk [tilespmem:v6+s2+$0x0], vm7  }
0x1bd: {  	vm3 =	vmmov vm9;
	v7 =	vand.u32 $0xFF0, v7;
	v6 =	vor.u32 v0, v9;
	v9 =	vld.idx.msk [tilespmem:v12+s2+$0x0], vm9  }
0x1be: {  	s1 =	simm.s32 $0x80;
	v5 =	vor.u32 v0, v7;
	vm0 =	vmmov vm10;
	v7 =	vld.idx.msk [tilespmem:v11+s2+$0x0], vm8;
	v11 =	vshrl.u32 v63, $0xC  }
0x1bf: {  	p1 =	por $0x1, $0x1;
	s0 =	simm.s32 $0x8;
	s3 =	simm.s32 $0x90A0;
	vm2 =	vmmov vm8;
	[tilespmem:v14+s12+$0x0] =	vst.idx.add.s32.msk vm1, v3;
	vm1 =	vmmov vm7;
	v11 =	vand.u32 $0xFF0, v11  }
.LBB2_41:
0x1c0: {  	v12 =	vor.u32 s1, v0;
	s4 =	sadd.s32 $0x10, s1;
	s5 =	sadd.s32 $0x30, s1;
	v13 =	vld [tilespmem:s3+$0x10];
	s0 =	sadd.s32 $0x4, s0;
	v11 =	vor.u32 v0, v11  }
0x1c1: {  	vm7 =	vlt.s32 v12, v4;
	v12 =	vld [tilespmem:s3+$0xFFFFFFF0];
	v14 =	vor.u32 s4, v0;
	s4 =	sadd.s32 $0x20, s1;
	v15 =	vor.u32 s5, v0;
	p2 =	slt.s32 s0, s24  }
0x1c2: {  	v8 =	vshrl.u32 v8, $0xC;
	v16 =	vld [tilespmem:s3+$0x0];
	v17 =	vor.u32 s4, v0;
	vm8 =	vlt.s32 v15, v4  }
0x1c3: {  	vm9 =	vlt.s32 v14, v4;
	v8 =	vand.u32 $0xFF0, v8;
	v15 =	vld [tilespmem:s3+$0xFFFFFFE0];
	vm10 =	vlt.s32 v17, v4  }
0x1c4: {  	v7 =	vshrl.u32 v7, $0xC;
	v17 =	vor.u32 v0, v8;
	v14 =	vld.idx.msk [tilespmem:v10+s2+$0x0], vm0  }
0x1c5: {  	v8 =	vshrl.u32 v9, $0xC;
	v7 =	vand.u32 $0xFF0, v7;
	[tilespmem:v6+s12+$0x0] =	vst.idx.add.s32.msk vm4, v3;
	vm4 =	vmmov vm3  }
0x1c6: {  	v6 =	vand.u32 $0xFF0, v8;
	vm3 =	vmmov vm7;
	[tilespmem:v5+s12+$0x0] =	vst.idx.add.s32.msk vm5, v3;
	v5 =	vor.u32 v0, v7  }
.Ltmp17:
0x1c7: {  	v6 =	vor.u32 v0, v6;
	vm5 =	vmmov vm2;
	vm2 =	vmmov vm9;
	[tilespmem:v11+s12+$0x0] =	vst.idx.add.s32.msk vm6, v3;
	v10 =	vmovc v16;
	(pc) =	sbr.rel @p2 .LBB2_41-.Ltmp17, $4  }
0x1c8: {  	vm6 =	vmmov vm0;
	vm0 =	vmmov vm10;
	v8 =	vld.idx.msk [tilespmem:v13+s2+$0x0], vm8  }
0x1c9: {  	[tilespmem:v17+s12+$0x0] =	vst.idx.add.s32.msk vm1, v3;
	vm1 =	vmmov vm8  }
0x1ca: {  	v11 =	vshrl.u32 v14, $0xC;
	v7 =	vld.idx.msk [tilespmem:v12+s2+$0x0], vm9  }
0x1cb: {  	s1 =	sadd.s32 $0x40, s1;
	s3 =	sadd.s32 $0x40, s3;
	v11 =	vand.u32 $0xFF0, v11;
	v9 =	vld.idx.msk [tilespmem:v15+s2+$0x0], vm7  }
.LBB2_42:
0x1cc: {  	_ =	sdelay $0x4  }
0x1cd: {  	v10 =	vld.idx.msk [tilespmem:v10+s2+$0x0], vm0;
	_ =	sdelay $0x1  }
0x1ce: {  	v11 =	vor.u32 @p1 v0, v11;
	vm3 =	vmmov vm3;
	v8 =	vshrl.u32 v8, $0xC  }
0x1cf: {  	vm2 =	vmmov vm2;
	v8 =	vand.u32 $0xFF0, v8;
	v7 =	vshrl.u32 v7, $0xC  }
0x1d0: {  	v8 =	vor.u32 v0, v8;
	v9 =	vshrl.u32 v9, $0xC;
	v7 =	vand.u32 $0xFF0, v7  }
0x1d1: {  	[tilespmem:v6+s12+$0x0] =	vst.idx.add.s32.msk @p1 vm4, v3;
	v9 =	vand.u32 $0xFF0, v9;
	v10 =	vshrl.u32 v10, $0xC;
	v6 =	vor.u32 v0, v7  }
0x1d2: {  	vm15 =	vmmov vm0;
	v9 =	vor.u32 v0, v9;
	v7 =	vand.u32 $0xFF0, v10  }
0x1d3: {  	[tilespmem:v5+s12+$0x0] =	vst.idx.add.s32.msk @p1 vm5, v3;
	v5 =	vor.u32 v0, v7  }
0x1d4: {  	[tilespmem:v11+s12+$0x0] =	vst.idx.add.s32.msk @p1 vm6, v3  }
0x1d5: {  	[tilespmem:v8+s12+$0x0] =	vst.idx.add.s32.msk vm1, v3  }
0x1d6: {  	[tilespmem:v6+s12+$0x0] =	vst.idx.add.s32.msk vm2, v3  }
0x1d7: {  	[tilespmem:v9+s12+$0x0] =	vst.idx.add.s32.msk vm3, v3  }
0x1d8: {  	[tilespmem:v5+s12+$0x0] =	vst.idx.add.s32.msk vm15, v3  }
.LBB2_27:
0x1d9: {  	s28 =	ssub.s32 s23, s24  }
0x1da: {  	p1 =	sgt.s32 s28, $0x0  }
.Ltmp18:
0x1db: {  	_ = 	snop;
	(pc) =	sbr.rel @!p1 .LBB2_28-.Ltmp18, $3  }
0x1dc: {  	_ =	sdelay $0x1  }
0x1dd: {  	s0 =	sshll.u32 s24, $0x6  }
0x1de: {  	s25 =	sshll.u32 s24, $0x4;
	s29 =	sshra.s32 s0, $0x2  }
0x1df: {  	s0 =	sadd.s32 $0x9000, s29;
	s1 =	sshll.u32 s24, $0x4;
	s3 =	smov.u32 s24  }
.LBB2_44:
0x1e0: {  	v5 =	vld [tilespmem:s0+$0x0]  }
0x1e1: {  	v6 =	vor.u32 s1, v0  }
0x1e2: {  	vm0 =	vlt.s32 v6, v4;
	_ =	sdelay $0x5  }
0x1e3: {  	v5 =	vld.idx.msk [tilespmem:v5+s2+$0x0], vm0;
	_ =	sdelay $0x4  }
0x1e4: {  	v5 =	vshrl.u32 v5, $0xC  }
0x1e5: {  	s3 =	sadd.s32 $0x1, s3;
	v5 =	vand.u32 $0xFF0, v5  }
0x1e6: {  	p1 =	slt.s32 s3, s23;
	v5 =	vor.u32 v0, v5  }
.Ltmp19:
0x1e7: {  	_ = 	snop;
	(pc) =	sbr.rel @p1 .LBB2_44-.Ltmp19, $2  }
0x1e8: {  	_ =	sdelay $0x2  }
0x1e9: {  	s0 =	sadd.s32 $0x10, s0;
	s1 =	sadd.s32 $0x10, s1;
	[tilespmem:v5+s12+$0x0] =	vst.idx.add.s32.msk vm0, v3  }
.LBB2_28:
0x1ea: {  	s0 =	simm.s32 $0x8FF0  }
0x1eb: {  	v5 =	vld [tilespmem:s0+$0xFFFFFF10]  }
0x1ec: {  	v6 =	vld [tilespmem:s0+$0xFFFFFF20]  }
0x1ed: {  	v7 =	vld [tilespmem:s0+$0xFFFFFF30]  }
0x1ee: {  	v8 =	vld [tilespmem:s0+$0xFFFFFF40]  }
0x1ef: {  	v9 =	vld [tilespmem:s0+$0xFFFFFF50]  }
0x1f0: {  	s19 =	simm.s32 $0x8EF0;
	v10 =	vld [tilespmem:s0+$0xFFFFFF60]  }
0x1f1: {  	v11 =	vld [tilespmem:s19+$0xFFFFFF10]  }
0x1f2: {  	v12 =	vld [tilespmem:s19+$0xFFFFFF80]  }
0x1f3: {  	v5 =	vadd.s32 v5, v6;
	v6 =	vld [tilespmem:s0+$0xFFFFFF70]  }
0x1f4: {  	v5 =	vadd.s32 v7, v5;
	v7 =	vld [tilespmem:s0+$0xFFFFFF80]  }
0x1f5: {  	v5 =	vadd.s32 v8, v5;
	v8 =	vld [tilespmem:s0+$0xFFFFFF90]  }
0x1f6: {  	v5 =	vadd.s32 v9, v5;
	v9 =	vld [tilespmem:s0+$0xFFFFFFA0]  }
0x1f7: {  	v5 =	vadd.s32 v10, v5;
	v10 =	vld [tilespmem:s0+$0xFFFFFFB0]  }
0x1f8: {  	v5 =	vadd.s32 v6, v5;
	v6 =	vld [tilespmem:s0+$0xFFFFFFC0]  }
0x1f9: {  	v5 =	vadd.s32 v7, v5;
	v7 =	vld [tilespmem:s0+$0xFFFFFFD0]  }
0x1fa: {  	v5 =	vadd.s32 v8, v5;
	v8 =	vld [tilespmem:s0+$0xFFFFFFE0]  }
0x1fb: {  	v5 =	vadd.s32 v9, v5;
	v9 =	vld [tilespmem:s0+$0xFFFFFFF0]  }
0x1fc: {  	v5 =	vadd.s32 v10, v5;
	v10 =	vld [tilespmem:s0+$0x0]  }
0x1fd: {  	v13 =	vld [tilespmem:s19+$0xFFFFFF90];
	v5 =	vadd.s32 v6, v5  }
0x1fe: {  	v6 =	vld [tilespmem:s19+$0xFFFFFF20];
	v5 =	vadd.s32 v7, v5  }
0x1ff: {  	v7 =	vld [tilespmem:s19+$0xFFFFFF30];
	v5 =	vadd.s32 v8, v5  }
0x200: {  	v8 =	vld [tilespmem:s19+$0xFFFFFF40];
	v5 =	vadd.s32 v9, v5  }
0x201: {  	v9 =	vld [tilespmem:s19+$0xFFFFFF50];
	v5 =	vadd.s32 v10, v5  }
0x202: {  	v10 =	vld [tilespmem:s19+$0xFFFFFF60];
	(xrf0) =	vadd.scan.msk.s32 $0xffff, v5  }
0x203: {  	v5 =	vld [tilespmem:s19+$0xFFFFFF70];
	v6 =	vadd.s32 v11, v6  }
0x204: {  	v14 =	vld [tilespmem:s19+$0xFFFFFFA0];
	v6 =	vadd.s32 v7, v6  }
0x205: {  	s3 =	simm.s32 $0x8DF0;
	v15 =	vld [tilespmem:s19+$0xFFFFFFB0];
	v6 =	vadd.s32 v8, v6  }
0x206: {  	v59 =	vld [tilespmem:s3+$0xFFFFFF20];
	v6 =	vadd.s32 v9, v6  }
0x207: {  	v11 =	vld [tilespmem:s19+$0xFFFFFFC0];
	v6 =	vadd.s32 v10, v6  }
0x208: {  	v7 =	vld [tilespmem:s19+$0xFFFFFFD0];
	v5 =	vadd.s32 v5, v6;
	v16, _, _ =	vpop (xrf0)  }
0x209: {  	v8 =	vld [tilespmem:s19+$0xFFFFFFE0];
	v5 =	vadd.s32 v12, v5;
	(v2sf) =	vpush v16, $0xF  }
0x20a: {  	v9 =	vld [tilespmem:s19+$0xFFFFFFF0];
	v5 =	vadd.s32 v13, v5  }
0x20b: {  	v10 =	vld [tilespmem:s19+$0x0];
	v5 =	vadd.s32 v14, v5  }
0x20c: {  	v6 =	vld [tilespmem:s3+$0xFFFFFF10];
	v5 =	vadd.s32 v15, v5  }
0x20d: {  	v60 =	vld [tilespmem:s3+$0xFFFFFF30];
	v5 =	vadd.s32 v11, v5  }
0x20e: {  	v61 =	vld [tilespmem:s3+$0xFFFFFF40];
	v5 =	vadd.s32 v7, v5  }
0x20f: {  	v62 =	vld [tilespmem:s3+$0xFFFFFF50];
	v5 =	vadd.s32 v8, v5  }
0x210: {  	v11 =	vld [tilespmem:s3+$0xFFFFFF60];
	v5 =	vadd.s32 v9, v5  }
0x211: {  	v6 =	vadd.s32 v6, v59;
	v7 =	vld [tilespmem:s3+$0xFFFFFF70];
	v5 =	vadd.s32 v10, v5  }
0x212: {  	v6 =	vadd.s32 v60, v6;
	v8 =	vld [tilespmem:s3+$0xFFFFFF80];
	(xrf0) =	vadd.scan.msk.s32 $0xffff, v5  }
0x213: {  	v6 =	vadd.s32 v61, v6;
	v9 =	vld [tilespmem:s3+$0xFFFFFF90]  }
0x214: {  	v6 =	vadd.s32 v62, v6  }
0x215: {  	v5 =	vadd.s32 v11, v6  }
0x216: {  	v10 =	vld [tilespmem:s3+$0xFFFFFFA0];
	v5 =	vadd.s32 v7, v5  }
0x217: {  	v6 =	vld [tilespmem:s3+$0xFFFFFFB0];
	v5 =	vadd.s32 v8, v5  }
0x218: {  	s26 =	ssub.s32 $0x100, s26;
	s30 =	simm.s32 $0x0;
	v11 =	vld [tilespmem:s3+$0xFFFFFFC0];
	v7 =	vadd.s32 v9, v5;
	v9, _, _ =	vpop (xrf0);
	s7 =	spop (v2sf)  }
0x219: {  	s31 =	simm.s32 $0xF;
	s4 =	simm.s32 $0xD;
	v63 =	vld [tilespmem:s3+$0xFFFFFFD0];
	(v2sf) =	vpush v9, $0xF;
	s1 =	sadd.s32 $0x0, s7  }
0x21a: {  	p1 =	por $0x1, $0x1;
	s6 =	simm.s32 $0x8CF0;
	v5 =	vld [tilespmem:s3+$0xFFFFFFE0];
	p2 =	sge.s32 s1, s26  }
0x21b: {  	s5 =	simm.s32 $0x0;
	s11 =	simm.s32 $0xB;
	v8 =	vadd.s32 v10, v7;
	v7 =	vld [tilespmem:s3+$0xFFFFFFF0];
	p1 =	por !p1, !p2  }
0x21c: {  	s0 =	simm.s32 $0xE;
	v8 =	vadd.s32 v6, v8;
	v6 =	vld [tilespmem:s3+$0x0];
	s3 =	simm.s32 $0x0;
	p1 =	por !p1, !p1  }
0x21d: {  	v10 =	vadd.s32 v11, v8;
	v8 =	vld [tilespmem:s6+$0xFFFFFF10];
	s3 =	smov.u32 @p1 s31;
	s5 =	simm.s32 @p1 $0x1;
	s31 =	simm.s32 $0x0  }
0x21e: {  	v9 =	vld [tilespmem:s6+$0xFFFFFF20];
	v10 =	vadd.s32 v63, v10;
	s1 =	simm.s32 $0xC;
	s31 =	smov.u32 @p1 s31;
	p2 =	seq.s32 s5, $0x0  }
.LBB2_29:
0x21f: {  	p1 =	seq.s32 s11, $0x0;
	v11 =	vld [tilespmem:s6+$0xFFFFFF30];
	v5 =	vadd.s32 v5, v10;
	s7 =	simm.s32 @!p2 $0x0;
	s17 =	smov.u32 s4  }
0x220: {  	s4 =	smov.u32 s1;
	s1 =	smov.u32 s11;
	v10 =	vld [tilespmem:s6+$0xFFFFFF40];
	v5 =	vadd.s32 v7, v5;
	s30 =	sadd.s32 s30, s7  }
0x221: {  	v7 =	vld [tilespmem:s6+$0xFFFFFF50];
	v5 =	vadd.s32 v6, v5  }
0x222: {  	v6 =	vld [tilespmem:s6+$0xFFFFFF60];
	(xrf0) =	vadd.scan.msk.s32 $0xffff, v5  }
0x223: {  	v5 =	vadd.s32 v8, v9;
	v8 =	vld [tilespmem:s6+$0xFFFFFF70]  }
0x224: {  	v5 =	vadd.s32 v11, v5;
	v9 =	vld [tilespmem:s6+$0xFFFFFF80]  }
0x225: {  	v5 =	vadd.s32 v10, v5;
	v10 =	vld [tilespmem:s6+$0xFFFFFF90]  }
0x226: {  	v5 =	vadd.s32 v7, v5;
	v7 =	vld [tilespmem:s6+$0xFFFFFFA0]  }
0x227: {  	v5 =	vadd.s32 v6, v5;
	v6 =	vld [tilespmem:s6+$0xFFFFFFB0]  }
0x228: {  	v5 =	vadd.s32 v8, v5;
	v11 =	vld [tilespmem:s6+$0xFFFFFFC0];
	v8, _, _ =	vpop (xrf0);
	s7 =	spop (v2sf)  }
0x229: {  	v5 =	vadd.s32 v9, v5;
	v12 =	vld [tilespmem:s6+$0xFFFFFFD0];
	(v2sf) =	vpush v8, $0xF;
	s19 =	sadd.s32 s30, s7  }
.Ltmp20:
0x22a: {  	p2 =	seq.s32 s5, $0x0;
	v8 =	vadd.s32 v10, v5;
	v5 =	vld [tilespmem:s6+$0xFFFFFFE0];
	p3 =	sge.s32 s19, s26;
	(pc) =	sbr.rel @!p1 .LBB2_29-.Ltmp20, $4  }
0x22b: {  	v8 =	vadd.s32 v7, v8;
	v7 =	vld [tilespmem:s6+$0xFFFFFFF0];
	p2 =	por !p2, !p3  }
0x22c: {  	v9 =	vadd.s32 v6, v8;
	v6 =	vld [tilespmem:s6+$0x0];
	s6 =	sadd.s32 $0xFFFFFF00, s6;
	p2 =	por !p2, !p2  }
0x22d: {  	v8 =	vld [tilespmem:s6+$0xFFFFFF10];
	v10 =	vadd.s32 v11, v9;
	s3 =	smov.u32 @p2 s0;
	s5 =	simm.s32 @p2 $0x1;
	s0 =	smov.u32 s17  }
0x22e: {  	s11 =	sadd.s32 $0xFFFFFFFF, s11;
	s31 =	smov.u32 @p2 s30;
	v9 =	vld [tilespmem:s6+$0xFFFFFF20];
	v10 =	vadd.s32 v12, v10;
	p2 =	seq.s32 s5, $0x0  }
0x22f: {  	v11 =	vld [tilespmem:s6+$0xFFFFFF30]  }
0x230: {  	v12 =	vld [tilespmem:s6+$0xFFFFFF40]  }
0x231: {  	v13 =	vld [tilespmem:s6+$0xFFFFFF50]  }
0x232: {  	v14 =	vld [tilespmem:s6+$0xFFFFFF60]  }
0x233: {  	v56 =	vld [tilespmem:s6+$0xFFFFFF70];
	v8 =	vadd.s32 v8, v9  }
0x234: {  	v57 =	vld [tilespmem:s6+$0xFFFFFF80];
	v8 =	vadd.s32 v11, v8  }
0x235: {  	v58 =	vld [tilespmem:s6+$0xFFFFFF90];
	v8 =	vadd.s32 v12, v8  }
0x236: {  	v59 =	vld [tilespmem:s6+$0xFFFFFFA0];
	v8 =	vadd.s32 v13, v8  }
0x237: {  	v5 =	vadd.s32 v5, v10;
	v60 =	vld [tilespmem:s6+$0xFFFFFFB0];
	v8 =	vadd.s32 v14, v8  }
0x238: {  	v61 =	vld [tilespmem:s6+$0xFFFFFFC0];
	v5 =	vadd.s32 v7, v5;
	v7 =	vadd.s32 v56, v8  }
0x239: {  	v5 =	vadd.s32 v6, v5;
	v6 =	vadd.s32 v57, v7;
	v7 =	vld [tilespmem:s6+$0xFFFFFFD0]  }
0x23a: {  	(xrf0) =	vadd.scan.msk.s32 $0xffff, v5;
	v5 =	vadd.s32 v58, v6;
	v6 =	vld [tilespmem:s6+$0xFFFFFFE0]  }
0x23b: {  	v62 =	vld [tilespmem:s6+$0xFFFFFFF0];
	v5 =	vadd.s32 v59, v5  }
0x23c: {  	v63 =	vld [tilespmem:s6+$0x0];
	v5 =	vadd.s32 v60, v5  }
0x23d: {  	v5 =	vadd.s32 v61, v5  }
0x23e: {  	v5 =	vadd.s32 v7, v5  }
0x23f: {  	v5 =	vadd.s32 v6, v5  }
0x240: {  	v6, _, _ =	vpop (xrf0);
	v5 =	vadd.s32 v62, v5  }
0x241: {  	(v2sf) =	vpush v6, $0xF;
	v5 =	vadd.s32 v63, v5  }
0x242: {  	(xrf0) =	vadd.scan.msk.s32 $0xffff, v5;
	_ =	sdelay $0x4  }
0x243: {  	s7 =	simm.s32 @!p2 $0x0  }
0x244: {  	s6 =	sadd.s32 s30, s7;
	s7 =	spop (v2sf);
	v5, _, _ =	vpop (xrf0)  }
0x245: {  	s11 =	sadd.s32 s6, s7;
	(v2sf) =	vpush v5, $0xF  }
0x246: {  	p1 =	sge.s32 s11, s26  }
0x247: {  	p1 =	por !p2, !p1  }
0x248: {  	p1 =	por !p1, !p1  }
0x249: {  	s5 =	simm.s32 @p1 $0x1  }
0x24a: {  	p2 =	seq.s32 s5, $0x0  }
0x24b: {  	s7 =	simm.s32 @!p2 $0x0  }
0x24c: {  	s7 =	sadd.s32 s6, s7;
	s11 =	spop (v2sf)  }
0x24d: {  	s17 =	sadd.s32 s7, s11  }
0x24e: {  	p3 =	sge.s32 s17, s26  }
0x24f: {  	p2 =	por !p2, !p3  }
0x250: {  	p2 =	por !p2, !p2  }
0x251: {  	s5 =	simm.s32 @p2 $0x1  }
0x252: {  	p3 =	seq.s32 s5, $0x0  }
0x253: {  	s11 =	simm.s32 @!p3 $0x0  }
0x254: {  	s5 =	sadd.s32 s7, s11;
	s19 =	spop (v2sf)  }
0x255: {  	s11 =	sadd.s32 s5, s19  }
0x256: {  	p4 =	sge.s32 s11, s26  }
0x257: {  	s3 =	smov.u32 @p1 s0;
	p3 =	por !p3, !p4  }
0x258: {  	s31 =	smov.u32 @p1 s6;
	s3 =	smov.u32 @p2 s4;
	p1 =	por !p3, !p3  }
0x259: {  	s3 =	smov.u32 @p1 s1  }
0x25a: {  	s17 =	sshll.u32 s3, $0xA  }
0x25b: {  	s0 =	sshra.s32 s17, $0x2  }
0x25c: {  	s19 =	sadd.s32 $0x8000, s0  }
0x25d: {  	v5 =	vmov s19;
	_ =	sdelay $0x2  }
0x25e: {  	s31 =	smov.u32 @p2 s7  }
0x25f: {  	s31 =	smov.u32 @p1 s5;
	s5 =	simm.s32 $0xF0  }
0x260: {  	v6 =	vld.idx.msk [tilespmem:v5+s5+$0x0 ss:$0x1], $0xffff;
	_ =	sdelay $0x4  }
0x261: {  	s6 =	simm.s32 $0xE0;
	(xrf0) =	vadd.scan.msk.s32 $0xffff, v6  }
0x262: {  	v6 =	vld.idx.msk [tilespmem:v5+s6+$0x0 ss:$0x1], $0xffff;
	_ =	sdelay $0x4  }
0x263: {  	v7, _, _ =	vpop (xrf0);
	(xrf0) =	vadd.scan.msk.s32 $0xffff, v6;
	_ =	sdelay $0x2  }
0x264: {  	(v2sf) =	vpush v7, $0xF;
	_ =	sdelay $0x2  }
0x265: {  	s7 =	simm.s32 $0xD0;
	v6, _, _ =	vpop (xrf0)  }
0x266: {  	(v2sf) =	vpush v6, $0xF;
	v6 =	vld.idx.msk [tilespmem:v5+s7+$0x0 ss:$0x1], $0xffff;
	_ =	sdelay $0x1  }
0x267: {  	s11 =	simm.s32 $0xC0  }
0x268: {  	v7 =	vld.idx.msk [tilespmem:v5+s11+$0x0 ss:$0x1], $0xffff;
	_ =	sdelay $0x1  }
0x269: {  	(xrf0) =	vadd.scan.msk.s32 $0xffff, v6;
	_ =	sdelay $0x2  }
0x26a: {  	(xrf0) =	vadd.scan.msk.s32 $0xffff, v7;
	_ =	sdelay $0x2  }
0x26b: {  	s1 =	sshllo.u32 s3, $0x4;
	s3 =	spop (v2sf);
	v7, _, _ =	vpop (xrf0)  }
0x26c: {  	s17 =	sadd.s32 s31, s3;
	(v2sf) =	vpush v7, $0xF  }
0x26d: {  	p4 =	por $0x1, $0x1;
	p5 =	sge.s32 s17, s26  }
0x26e: {  	s0 =	simm.s32 $0x0;
	p1 =	por !p4, !p5;
	v7, _, _ =	vpop (xrf0)  }
0x26f: {  	s19 =	simm.s32 $0xB0;
	p2 =	por !p1, !p1;
	s4 =	spop (v2sf);
	(v2sf) =	vpush v7, $0xF  }
0x270: {  	v6 =	vld.idx.msk [tilespmem:v5+s19+$0x0 ss:$0x1], $0xffff;
	s0 =	simm.s32 @p2 $0x1  }
0x271: {  	p1 =	seq.s32 s0, $0x0  }
0x272: {  	s3 =	simm.s32 @!p1 $0x0  }
0x273: {  	s3 =	sadd.s32 s31, s3  }
0x274: {  	s31 =	sadd.s32 s3, s4  }
0x275: {  	s30 =	simm.s32 $0x0;
	s5 =	simm.s32 $0x240;
	(xrf0) =	vadd.scan.msk.s32 $0xffff, v6;
	p6 =	sge.s32 s31, s26  }
0x276: {  	s6 =	simm.s32 $0xA0;
	s30 =	smov.u32 @p2 s1;
	p2 =	por !p1, !p6  }
.LBB2_31:
0x277: {  	p1 =	sne.s32 s5, $0x0;
	v6 =	vld.idx.msk [tilespmem:v5+s6+$0x0 ss:$0x1], $0xffff;
	p2 =	por !p2, !p2;
	s1 =	sadd.s32 $0xFFFFFFFF, s1  }
0x278: {  	s30 =	smov.u32 @p2 s1;
	s0 =	simm.s32 @p2 $0x1  }
0x279: {  	s6 =	smov.u32 s4;
	p2 =	seq.s32 s0, $0x0  }
.Ltmp21:
0x27a: {  	s6 =	simm.s32 @!p2 $0x0;
	(pc) =	sbr.rel @p1 .LBB2_31-.Ltmp21, $4  }
0x27b: {  	v7, _, _ =	vpop (xrf0);
	s4 =	spop (v2sf);
	s3 =	sadd.s32 s3, s6  }
0x27c: {  	(v2sf) =	vpush v7, $0xF;
	s6 =	sadd.s32 s3, s4  }
0x27d: {  	(xrf0) =	vadd.scan.msk.s32 $0xffff, v6;
	p3 =	sge.s32 s6, s26  }
0x27e: {  	s6 =	sshra.s32 s5, $0x2;
	s5 =	sadd.s32 $0xFFFFFFC0, s5;
	p2 =	por !p2, !p3  }
0x27f: {  	_ =	sdelay $0x2  }
0x280: {  	p1 =	por !p2, !p2  }
0x281: {  	v5 =	vld.idx.msk [tilespmem:v5+s6+$0x0 ss:$0x1], $0xffff;
	s0 =	simm.s32 @p1 $0x1  }
0x282: {  	p2 =	seq.s32 s0, $0x0  }
0x283: {  	s4 =	simm.s32 @!p2 $0x0  }
0x284: {  	s5 =	spop (v2sf);
	v6, _, _ =	vpop (xrf0);
	s3 =	sadd.s32 s3, s4  }
0x285: {  	(v2sf) =	vpush v6, $0xF;
	s4 =	sadd.s32 s3, s5  }
0x286: {  	(xrf0) =	vadd.scan.msk.s32 $0xffff, v5;
	p3 =	sge.s32 s4, s26  }
0x287: {  	p2 =	por !p2, !p3  }
0x288: {  	p2 =	por !p2, !p2  }
0x289: {  	s0 =	simm.s32 @p2 $0x1  }
0x28a: {  	p3 =	seq.s32 s0, $0x0  }
0x28b: {  	s5 =	simm.s32 @!p3 $0x0  }
0x28c: {  	v5, _, _ =	vpop (xrf0);
	s4 =	spop (v2sf);
	s3 =	sadd.s32 s3, s5  }
0x28d: {  	(v2sf) =	vpush v5, $0xF;
	s5 =	sadd.s32 s3, s4  }
0x28e: {  	p4 =	sge.s32 s5, s26  }
0x28f: {  	p3 =	por !p3, !p4  }
0x290: {  	p3 =	por !p3, !p3  }
0x291: {  	s0 =	simm.s32 @p3 $0x1  }
0x292: {  	p4 =	seq.s32 s0, $0x0  }
0x293: {  	s4 =	simm.s32 @!p4 $0x0  }
0x294: {  	s5 =	spop (v2sf);
	s3 =	sadd.s32 s3, s4  }
0x295: {  	s4 =	sadd.s32 s3, s5  }
0x296: {  	p5 =	sge.s32 s4, s26  }
0x297: {  	p4 =	por !p4, !p5  }
0x298: {  	p4 =	por !p4, !p4  }
0x299: {  	s0 =	simm.s32 @p4 $0x1  }
0x29a: {  	p5 =	seq.s32 s0, $0x0  }
0x29b: {  	s5 =	simm.s32 @!p5 $0x0  }
0x29c: {  	s4 =	spop (v2sf);
	s3 =	sadd.s32 s3, s5  }
0x29d: {  	s1 =	sadd.s32 $0xFFFFFFFF, s1;
	s5 =	sadd.s32 s3, s4  }
0x29e: {  	s30 =	smov.u32 @p1 s1;
	s1 =	sadd.s32 $0xFFFFFFFF, s1;
	p6 =	sge.s32 s5, s26  }
0x29f: {  	s30 =	smov.u32 @p2 s1;
	p6 =	por !p5, !p6  }
.Ltmp22:
0x2a0: {  	s1 =	sadd.s32 $0xFFFFFFFF, s1;
	p1 =	por !p6, !p6;
	(pc) =	sbr.rel @p0 .LBB2_33-.Ltmp22, $4  }
0x2a1: {  	s30 =	smov.u32 @p3 s1;
	s1 =	sadd.s32 $0xFFFFFFFF, s1;
	s0 =	simm.s32 @p1 $0x1  }
0x2a2: {  	s30 =	smov.u32 @p4 s1;
	s1 =	sadd.s32 $0xFFFFFFFF, s1;
	p2 =	seq.s32 s0, $0x0  }
0x2a3: {  	s30 =	smov.u32 @p1 s1;
	s4 =	simm.s32 @!p2 $0x0  }
0x2a4: {  	v5 =	vmov s30;
	s31 =	sadd.s32 s3, s4  }
0x2a5: {  	s0 =	simm.s32 $0x9020  }
0x2a6: {  	s3 =	simm.s32 $0x20;
	v15 =	vld [tilespmem:s0+$0x0]  }
0x2a7: {  	s1 =	simm.s32 $0x0;
	v6 =	vld [tilespmem:s0+$0xFFFFFFE0];
	v7 =	vor.u32 s3, v0  }
0x2a8: {  	s17 =	simm.s32 $0x30;
	v8 =	vor.u32 s1, v0;
	v20 =	vld [tilespmem:s0+$0x10];
	vm2 =	vlt.s32 v7, v4  }
0x2a9: {  	s19 =	simm.s32 $0x10;
	v9 =	vor.u32 s17, v0;
	vm0 =	vlt.s32 v8, v4;
	v7 =	vld [tilespmem:s0+$0xFFFFFFF0]  }
0x2aa: {  	v8 =	vor.u32 s19, v0;
	vm13 =	vlt.s32 v9, v4  }
0x2ab: {  	vm1 =	vlt.s32 v8, v4;
	_ =	sdelay $0x2  }
0x2ac: {  	v24 =	vld.idx.msk [tilespmem:v15+s2+$0x0], vm2  }
0x2ad: {  	v9 =	vld.idx.msk [tilespmem:v6+s2+$0x0], vm0  }
0x2ae: {  	v23 =	vld.idx.msk [tilespmem:v20+s2+$0x0], vm13  }
0x2af: {  	v8 =	vld.idx.msk [tilespmem:v7+s2+$0x0], vm1  }
0x2b0: {  	v27 =	vimm.s32 $0x0  }
0x2b1: {  	p1 =	sgt.s32 s24, $0x4;
	vm5 =	vmmov vm0;
	vm11 =	vmmov vm1;
	v10 =	vshrl.u32 v24, $0x10  }
.Ltmp23:
0x2b2: {  	vm6 =	vgt.s32 v24, $0x0;
	v11 =	vshrl.u32 v9, $0x10;
	v28 =	vand.u32 $0xFF, v10;
	(pc) =	sbr.rel @!p1 .LBB2_46-.Ltmp23, $4  }
0x2b3: {  	v12 =	vshrl.u32 v23, $0x10;
	v10 =	vand.u32 $0xFF, v11;
	vm1 =	veq.s32 v28, v5  }
0x2b4: {  	v11 =	vand.u32 $0xFF, v12;
	v12 =	vshrl.u32 v8, $0x10;
	vm14 =	vmand vm2, vm1  }
0x2b5: {  	v26 =	vand.u32 $0xFF, v12;
	vm1 =	veq.s32 v11, v5;
	v12 =	vsel vm14, $0x1, v1  }
0x2b6: {  	p0 =	por $0x0, $0x0;
	s1 =	simm.s32 $0x40;
	s0 =	simm.s32 $0x9060;
	vm12 =	vgt.s32 v11, v5;
	vm9 =	veq.s32 v26, v5;
	vm0 =	vmand vm13, vm1;
	(xrf0) =	vadd.scan.msk.s32 $0xffff, v12  }
0x2b7: {  	v14 =	vor.u32 s1, v0  }
0x2b8: {  	s19 =	simm.s32 $0x50;
	vm4 =	vgt.s32 v28, v5;
	vm10 =	vmand vm13, vm12;
	v18 =	vnsel vm6, $0x0, v24  }
0x2b9: {  	vm8 =	vgt.s32 v26, v5;
	vm6 =	vmmov vm5;
	v12 =	vor.u32 s19, v0  }
0x2ba: {  	s3 =	simm.s32 $0x60;
	s4 =	simm.s32 $0x70;
	vm1 =	vmand vm2, vm4;
	vm12 =	vlt.s32 v12, v4;
	v12 =	vimm.s32 $0x0  }
0x2bb: {  	v11 =	vld [tilespmem:s0+$0x0];
	v16 =	vor.u32 s3, v0;
	v17 =	vor.u32 s4, v0;
	v12 =	vsel vm1, $0xFFFFFFFF, v12  }
0x2bc: {  	v13 =	vld [tilespmem:s0+$0xFFFFFFE0];
	vm4 =	veq.s32 v10, v5;
	vm2 =	vmmov vm14;
	vm14 =	vgt.s32 v23, $0x0;
	[tilespmem:$0x1FFF0] =	vst v12  }
0x2bd: {  	vm7 =	vlt.s32 v16, v4;
	v16 =	vsel vm0, $0x1, v1;
	v28 =	vnsel vm14, $0x0, v23;
	v12 =	vld [tilespmem:s0+$0x10]  }
0x2be: {  	vm13 =	vlt.s32 v14, v4;
	vm15 =	vmand vm5, vm4;
	(xrf0) =	vadd.scan.msk.s32 $0xffff, v16;
	v14 =	vld [tilespmem:s0+$0xFFFFFFF0];
	[tilespmem:v20+s14+$0x0] =	vst.idx.msk vm10, v28  }
0x2bf: {  	vm1 =	vmmov vm0;
	vm0 =	vlt.s32 v17, v4;
	v17 =	vsel vm15, $0x1, v1;
	v28 =	vld [tilespmem:$0x1FFF0]  }
0x2c0: {  	vm3 =	vmand vm11, vm9;
	v16 =	vmpcnt.ones.xlane vm15;
	(xrf0) =	vadd.scan.msk.s32 $0xffff, v17;
	v17 =	vmpcnt.ones.xlane vm2  }
0x2c1: {  	vm9 =	vmand vm11, vm8;
	v19 =	vmpcnt.ones.xlane vm3;
	v21 =	vsel vm3, $0x1, v1  }
0x2c2: {  	vm5 =	vgt.s32 v9, $0x0;
	vm4 =	vmmov vm6;
	v26 =	vadd.s32 v27, v16  }
0x2c3: {  	v22 =	vnsel vm5, $0x0, v9;
	vm5 =	vgt.s32 v8, $0x0;
	v25, _, _ =	vpop (xrf0);
	v19 =	vadd.s32 v26, v19;
	v16 =	vld.idx.msk [tilespmem:v11+s2+$0x0], vm7  }
0x2c4: {  	v29 =	vmpcnt.ones.xlane vm1;
	(xrf0) =	vadd.scan.msk.s32 $0xffff, v21;
	v30 =	vadd.s32 v19, v17;
	v21 =	vld.idx.msk [tilespmem:v13+s2+$0x0], vm13;
	v17, _, _ =	vpop (xrf0);
	vm6 =	vnez.u8 v28  }
0x2c5: {  	vm10 =	vgt.s32 v10, v5;
	v25 =	vadd.s32 v25, v19;
	v31 =	vadd.s32 v17, v30  }
0x2c6: {  	v19 =	vadd.s32 v30, v29;
	v29 =	vnsel vm5, $0x0, v8;
	v31 =	vadd.s32 $0xFFFFFFFF, v31;
	v17 =	vld.idx.msk [tilespmem:v12+s2+$0x0], vm0  }
0x2c7: {  	vm5 =	vmmov vm13;
	vm13 =	vmmov vm2;
	v30 =	vadd.s32 $0xFFFFFFFF, v25;
	v25 =	vld.idx.msk [tilespmem:v14+s2+$0x0], vm12  }
0x2c8: {  	vm8 =	vmmov vm12;
	vm10 =	vmand vm4, vm10;
	v10, _, _ =	vpop (xrf0)  }
0x2c9: {  	[tilespmem:v7+s14+$0x0] =	vst.idx.msk vm9, v29;
	v10 =	vadd.s32 v10, v27;
	v27 =	vshrl.u32 v21, $0x10;
	v28 =	vshrl.u32 v16, $0x10  }
0x2ca: {  	p1 =	sgt.s32 s24, $0x8;
	v29 =	vadd.s32 $0xFFFFFFFF, v10;
	v28 =	vand.u32 $0xFF, v28;
	v10 =	vand.u32 $0xFF, v27;
	[tilespmem:v15+s14+$0x0] =	vst.idx.msk vm6, v18;
	v18, _, _ =	vpop (xrf0)  }
.Ltmp24:
0x2cb: {  	[tilespmem:v31+s15+$0x0] =	vst.idx.msk vm1, v23;
	vm6 =	vgt.s32 v16, $0x0;
	v18 =	vadd.s32 v18, v26;
	v26 =	vshrl.u32 v17, $0x10;
	(pc) =	sbr.rel @!p1 .LBB2_48-.Ltmp24, $4  }
0x2cc: {  	v23 =	vshrl.u32 v25, $0x10;
	[tilespmem:v30+s15+$0x0] =	vst.idx.msk vm2, v24;
	vm2 =	veq.s32 v28, v5;
	v24 =	vand.u32 $0xFF, v26  }
0x2cd: {  	vm14 =	vmand vm7, vm2;
	v26 =	vand.u32 $0xFF, v23;
	[tilespmem:v30+s16+$0x0] =	vst.idx.msk vm13, v15;
	vm13 =	vmmov vm0  }
0x2ce: {  	s1 =	simm.s32 $0x80;
	[tilespmem:v31+s16+$0x0] =	vst.idx.msk vm1, v20;
	v30 =	vadd.s32 $0xFFFFFFFF, v18;
	vm11 =	veq.s32 v24, v5;
	v20 =	vsel vm14, $0x1, v1  }
0x2cf: {  	p0 =	por $0x1, $0x1;
	s3 =	simm.s32 $0x90A0;
	s0 =	simm.s32 $0x8;
	vm12 =	vgt.s32 v24, v5;
	vm9 =	veq.s32 v26, v5;
	vm0 =	vmand vm0, vm11;
	(xrf0) =	vadd.scan.msk.s32 $0xffff, v20;
	v18 =	vmovc v19  }
.LBB2_49:
0x2d0: {  	v20 =	vor.u32 s1, v0;
	s4 =	sadd.s32 $0x10, s1;
	s5 =	sadd.s32 $0x20, s1;
	vm11 =	vgt.s32 v28, v5;
	vm12 =	vmand vm13, vm12  }
0x2d1: {  	v15 =	vld [tilespmem:s3+$0xFFFFFFE0];
	s6 =	sadd.s32 $0x30, s1;
	[tilespmem:v6+s14+$0x0] =	vst.idx.msk vm10, v22;
	vm2 =	vmmov vm0;
	v22 =	vor.u32 s4, v0;
	v24 =	vor.u32 s5, v0  }
0x2d2: {  	s0 =	sadd.s32 $0x4, s0;
	v23 =	vld [tilespmem:s3+$0x0];
	v27 =	vor.u32 s6, v0;
	vm1 =	vmand vm7, vm11;
	vm11 =	vlt.s32 v20, v4  }
0x2d3: {  	p1 =	slt.s32 s0, s24;
	vm7 =	vmmov vm14;
	vm10 =	vlt.s32 v22, v4;
	v31 =	vld [tilespmem:s3+$0x10];
	vm4 =	vlt.s32 v24, v4;
	[tilespmem:v29+s15+$0x0] =	vst.idx.msk vm15, v9  }
0x2d4: {  	vm14 =	vgt.s32 v17, $0x0;
	vm13 =	vlt.s32 v27, v4;
	v22 =	vnsel vm6, $0x0, v16;
	v20 =	vld [tilespmem:s3+$0xFFFFFFF0];
	[tilespmem:v29+s16+$0x0] =	vst.idx.msk vm15, v6  }
0x2d5: {  	vm6 =	vgt.s32 v26, v5;
	v9 =	vsel vm0, $0x1, v1;
	vm0 =	vgt.s32 v21, $0x0;
	v6 =	vmovc v13;
	[tilespmem:v30+s15+$0x0] =	vst.idx.msk vm3, v8  }
0x2d6: {  	vm15 =	veq.s32 v10, v5;
	vm6 =	vmand vm8, vm6;
	v24, _, _ =	vpop (xrf0);
	(xrf0) =	vadd.scan.msk.s32 $0xffff, v9;
	[tilespmem:v30+s16+$0x0] =	vst.idx.msk vm3, v7  }
0x2d7: {  	v27 =	vnsel vm14, $0x0, v17;
	v32 =	vmpcnt.ones.xlane vm7;
	vm15 =	vmand vm5, vm15;
	v13 =	vmovc v15;
	v7 =	vmovc v14  }
0x2d8: {  	v8 =	vmovc v25;
	v28 =	vsel vm15, $0x1, v1;
	v26 =	vmpcnt.ones.xlane vm15;
	vm3 =	vmand vm8, vm9;
	v9 =	vmovc v21;
	[tilespmem:v12+s14+$0x0] =	vst.idx.msk vm12, v27  }
0x2d9: {  	v21 =	vsel vm3, $0x1, v1;
	v25 =	vmpcnt.ones.xlane vm3;
	[tilespmem:v11+s14+$0x0] =	vst.idx.msk vm1, v22;
	(xrf0) =	vadd.scan.msk.s32 $0xffff, v28;
	v14 =	vmovc v20  }
0x2da: {  	vm8 =	vmmov vm10;
	v26 =	vadd.s32 v19, v26;
	v22 =	vnsel vm0, $0x0, v9;
	v27 =	vld.idx.msk [tilespmem:v23+s2+$0x0], vm4;
	(xrf0) =	vadd.scan.msk.s32 $0xffff, v21  }
0x2db: {  	vm0 =	vgt.s32 v8, $0x0;
	v28 =	vmpcnt.ones.xlane vm2;
	v21 =	vld.idx.msk [tilespmem:v15+s2+$0x0], vm11;
	v15 =	vadd.s32 v26, v25  }
0x2dc: {  	v29 =	vnsel vm0, $0x0, v8;
	v30 =	vld.idx.msk [tilespmem:v31+s2+$0x0], vm13;
	v24 =	vadd.s32 v24, v15;
	v15 =	vadd.s32 v15, v32;
	v19, _, _ =	vpop (xrf0)  }
0x2dd: {  	v25 =	vld.idx.msk [tilespmem:v20+s2+$0x0], vm10;
	v20 =	vadd.s32 $0xFFFFFFFF, v24;
	v24 =	vadd.s32 v19, v15;
	v19 =	vadd.s32 v15, v28  }
0x2de: {  	vm0 =	vmmov vm5;
	vm10 =	vgt.s32 v10, v5;
	[tilespmem:v7+s14+$0x0] =	vst.idx.msk vm6, v29;
	v15 =	vadd.s32 $0xFFFFFFFF, v24  }
0x2df: {  	vm9 =	vmmov vm7;
	vm5 =	vmmov vm11;
	vm10 =	vmand vm0, vm10;
	v10, _, _ =	vpop (xrf0)  }
0x2e0: {  	vm6 =	vgt.s32 v27, $0x0;
	v28 =	vshrl.u32 v27, $0x10;
	v10 =	vadd.s32 v10, v18;
	v18, _, _ =	vpop (xrf0)  }
0x2e1: {  	v24 =	vshrl.u32 v21, $0x10;
	v28 =	vand.u32 $0xFF, v28;
	v32 =	vadd.s32 v18, v26;
	v18 =	vmovc v19  }
.Ltmp25:
0x2e2: {  	v26 =	vshrl.u32 v30, $0x10;
	v29 =	vadd.s32 $0xFFFFFFFF, v10;
	[tilespmem:v20+s15+$0x0] =	vst.idx.msk vm7, v16;
	vm7 =	vmmov vm4;
	v16 =	vmovc v27;
	(pc) =	sbr.rel @p1 .LBB2_49-.Ltmp25, $4  }
0x2e3: {  	v10 =	vand.u32 $0xFF, v24;
	vm0 =	veq.s32 v28, v5;
	v24 =	vand.u32 $0xFF, v26;
	[tilespmem:v15+s15+$0x0] =	vst.idx.msk vm2, v17;
	v17 =	vmovc v30  }
0x2e4: {  	v26 =	vshrl.u32 v25, $0x10;
	vm14 =	vmand vm4, vm0;
	vm0 =	veq.s32 v24, v5;
	[tilespmem:v15+s16+$0x0] =	vst.idx.msk vm2, v12;
	v12 =	vmovc v31  }
0x2e5: {  	v26 =	vand.u32 $0xFF, v26;
	vm12 =	vgt.s32 v24, v5;
	v15 =	vsel vm14, $0x1, v1;
	[tilespmem:v20+s16+$0x0] =	vst.idx.msk vm9, v11;
	v11 =	vmovc v23  }
0x2e6: {  	s1 =	sadd.s32 $0x40, s1;
	s3 =	sadd.s32 $0x40, s3;
	v30 =	vadd.s32 $0xFFFFFFFF, v32;
	vm0 =	vmand vm13, vm0;
	vm9 =	veq.s32 v26, v5;
	(xrf0) =	vadd.scan.msk.s32 $0xffff, v15  }
0x2e7: {  	v33 =	vmov v6  }
0x2e8: {  	v34 =	vmovc v9;
	v31 =	vmovc v8;
	v32 =	vmov v7;
	vm2 =	vmmov vm7;
	v24 =	vmov v16  }
0x2e9: {  	v23 =	vmovc v17;
	v6 =	vmovc v13;
	v9 =	vmov v21;
	v7 =	vmov v14;
	v20 =	vmov v12  }
0x2ea: {  	v8 =	vmovc v25;
	v15 =	vmovc v11;
	v27 =	vmov v19;
	vm11 =	vmmov vm8;
	vm4 =	vmmov vm3  }
.LBB2_51:
0x2eb: {  	_ =	sdelay $0x2  }
0x2ec: {  	v11 =	vsel vm0, $0x1, v1  }
0x2ed: {  	vm1 =	vmmov vm0;
	vm8 =	veq.s32 v10, v5;
	vm12 =	vmand vm13, vm12  }
0x2ee: {  	vm13 =	vgt.s32 v28, v5;
	[tilespmem:v33+s14+$0x0] =	vst.idx.msk @p0 vm10, v22;
	vm7 =	vmand vm11, vm9;
	v55 =	vmpcnt.ones.xlane vm14  }
0x2ef: {  	(xrf0) =	vadd.scan.msk.s32 $0xffff, v11;
	vm3 =	vmand vm5, vm8;
	vm0 =	vmand vm2, vm13;
	v13 =	vmpcnt.ones.xlane vm7  }
0x2f0: {  	[tilespmem:v29+s15+$0x0] =	vst.idx.msk @p0 vm15, v34;
	vm2 =	vgt.s32 v26, v5;
	v54 =	vmpcnt.ones.xlane vm3;
	v12 =	vsel vm3, $0x1, v1  }
0x2f1: {  	v16 =	vsel vm7, $0x1, v1;
	vm13 =	vgt.s32 v8, $0x0;
	vm8 =	vgt.s32 v10, v5;
	(xrf0) =	vadd.scan.msk.s32 $0xffff, v12  }
0x2f2: {  	[tilespmem:v29+s16+$0x0] =	vst.idx.msk @p0 vm15, v33;
	vm2 =	vmand vm11, vm2;
	vm15 =	vmmov vm5;
	v11 =	vadd.s32 v27, v54  }
0x2f3: {  	v14, _, _ =	vpop (xrf0);
	v58 =	vnsel vm13, $0x0, v8;
	vm13 =	vmand vm15, vm8;
	(xrf0) =	vadd.scan.msk.s32 $0xffff, v16;
	v13 =	vadd.s32 v11, v13  }
0x2f4: {  	[tilespmem:v30+s15+$0x0] =	vst.idx.msk @p0 vm4, v31;
	vm11 =	vgt.s32 v23, $0x0;
	v14 =	vadd.s32 v14, v13  }
0x2f5: {  	[tilespmem:v30+s16+$0x0] =	vst.idx.msk @p0 vm4, v32;
	v57 =	vnsel vm11, $0x0, v23;
	v12 =	vadd.s32 v13, v55;
	v56, _, _ =	vpop (xrf0);
	v14 =	vadd.s32 $0xFFFFFFFF, v14  }
0x2f6: {  	v17 =	vnsel vm6, $0x0, v24;
	[tilespmem:v20+s14+$0x0] =	vst.idx.msk vm12, v57;
	v13 =	vadd.s32 v56, v12  }
0x2f7: {  	vm15 =	vgt.s32 v9, $0x0;
	[tilespmem:v15+s14+$0x0] =	vst.idx.msk vm0, v17;
	v13 =	vadd.s32 $0xFFFFFFFF, v13;
	v59, _, _ =	vpop (xrf0)  }
0x2f8: {  	v62 =	vnsel vm15, $0x0, v9;
	[tilespmem:v7+s14+$0x0] =	vst.idx.msk vm2, v58;
	v60 =	vadd.s32 v59, v18  }
0x2f9: {  	[tilespmem:v6+s14+$0x0] =	vst.idx.msk vm13, v62;
	v61, _, _ =	vpop (xrf0);
	v10 =	vadd.s32 $0xFFFFFFFF, v60  }
0x2fa: {  	v11 =	vadd.s32 v61, v11;
	[tilespmem:v14+s15+$0x0] =	vst.idx.msk vm14, v24  }
0x2fb: {  	v11 =	vadd.s32 $0xFFFFFFFF, v11;
	[tilespmem:v14+s16+$0x0] =	vst.idx.msk vm14, v15  }
0x2fc: {  	[tilespmem:v13+s15+$0x0] =	vst.idx.msk vm1, v23  }
.Ltmp26:
0x2fd: {  	[tilespmem:v13+s16+$0x0] =	vst.idx.msk vm1, v20;
	(pc) =	sbr.rel .LBB2_34-.Ltmp26, $4  }
0x2fe: {  	[tilespmem:v10+s15+$0x0] =	vst.idx.msk vm3, v9  }
0x2ff: {  	v63 =	vmpcnt.ones.xlane vm1;
	[tilespmem:v10+s16+$0x0] =	vst.idx.msk vm3, v6  }
0x300: {  	[tilespmem:v11+s15+$0x0] =	vst.idx.msk vm7, v8  }
0x301: {  	vm12 =	vmmov vm14;
	v6 =	vadd.s32 v12, v63;
	[tilespmem:v11+s16+$0x0] =	vst.idx.msk vm7, v7  }
.LBB2_33:
0x302: {  	v6 =	vimm.s32 $0x0  }
.LBB2_34:
0x303: {  	p0 =	slt.s32 s28, $0x1  }
.Ltmp27:
0x304: {  	_ = 	snop;
	(pc) =	sbr.rel @p0 .LBB2_37-.Ltmp27, $1  }
0x305: {  	_ =	sdelay $0x3  }
0x306: {  	s0 =	sadd.s32 $0x9000, s29  }
.LBB2_36:
0x307: {  	v7 =	vld [tilespmem:s0+$0x0]  }
0x308: {  	v8 =	vor.u32 s25, v0  }
0x309: {  	vm0 =	vlt.s32 v8, v4;
	_ =	sdelay $0x5  }
0x30a: {  	v8 =	vld.idx.msk [tilespmem:v7+s2+$0x0], vm0;
	_ =	sdelay $0x4  }
0x30b: {  	v9 =	vshrl.u32 v8, $0x10  }
0x30c: {  	v9 =	vand.u32 $0xFF, v9  }
0x30d: {  	vm1 =	veq.s32 v9, v5  }
0x30e: {  	vm1 =	vmand vm0, vm1  }
0x30f: {  	v10 =	vsel vm1, $0x1, v1  }
0x310: {  	(xrf0) =	vadd.scan.msk.s32 $0xffff, v10;
	_ =	sdelay $0x4  }
0x311: {  	vm2 =	vgt.s32 v9, v5  }
0x312: {  	vm0 =	vmand vm0, vm2;
	v61, _, _ =	vpop (xrf0)  }
0x313: {  	v9 =	vadd.s32 v61, v6  }
0x314: {  	s24 =	sadd.s32 $0x1, s24;
	v9 =	vadd.s32 $0xFFFFFFFF, v9  }
0x315: {  	p0 =	slt.s32 s24, s23  }
.Ltmp28:
0x316: {  	vm15 =	vgt.s32 v8, $0x0;
	(pc) =	sbr.rel @p0 .LBB2_36-.Ltmp28, $4  }
0x317: {  	v62 =	vnsel vm15, $0x0, v8  }
0x318: {  	v63 =	vmpcnt.ones.xlane vm1;
	[tilespmem:v7+s14+$0x0] =	vst.idx.msk vm0, v62  }
0x319: {  	[tilespmem:v9+s15+$0x0] =	vst.idx.msk vm1, v8  }
0x31a: {  	s0 =	sadd.s32 $0x10, s0;
	s25 =	sadd.s32 $0x10, s25;
	v6 =	vadd.s32 v6, v63;
	[tilespmem:v9+s16+$0x0] =	vst.idx.msk vm1, v7  }
.LBB2_37:
0x31b: {  	v4 =	vxor.u32 $0x80000000, v6  }
0x31c: {  	(xrf0) =	vmax.scan.msk.u32 $0xffff, v4;
	_ =	sdelay $0x5  }
0x31d: {  	v4, _, _ =	vpop (xrf0)  }
0x31e: {  	(v2sf) =	vpush v4, $0xF;
	_ =	sdelay $0xe  }
0x31f: {  	s0 =	spop (v2sf)  }
0x320: {  	s1 =	sadd.s32 $0x8000000F, s0  }
0x321: {  	s4 =	sshll.u32 s22, $0x18;
	s0 =	sand.u32 $0xF, s1  }
0x322: {  	s3 =	sshra.s32 s1, $0x1F;
	p1 =	slt.s32 s1, $0x1;
	p0 =	sne.s32 s0, $0x0  }
.Ltmp29:
0x323: {  	s3 =	sshrl.u32 s3, $0x1C;
	p0 =	por !p1, !p0;
	(pc) =	sbr.rel .LBB2_38-.Ltmp29, $4  }
0x324: {  	s1 =	sadd.s32 s3, s1;
	s3 =	simm.s32 $0x1;
	p0 =	por !p0, !p0  }
0x325: {  	s29 =	sxor.u32 $0x80000000, s4;
	s1 =	sshra.s32 s1, $0x4;
	s3 =	simm.s32 @!p0 $0x0  }
0x326: {  	s0 =	ssub.s32 s26, s31;
	s31 =	sshll.u32 s30, $0x10;
	s1 =	ssub.s32 s1, s3  }
0x327: {  	s5 =	sor.u32 s29, s31;
	s3 =	simm.s32 $0x0;
	p0 =	slt.s32 s1, $0x1  }
.LBB2_39:
0x328: {  	v4 =	vimm.s32 $0x0  }
.LBB2_60:
0x329: {  	(xrf0) =	vadd.scan.msk.s32 $0xffff, v4;
	_ =	sdelay $0x5  }
0x32a: {  	v4, _, _ =	vpop (xrf0)  }
0x32b: {  	(v2sf) =	vpush v4, $0xF;
	_ =	sdelay $0xe  }
0x32c: {  	s6 =	spop (v2sf)  }
0x32d: {  	s3 =	sadd.s32 $0x1, s3;
	p1 =	slt.s32 s6, s0  }
0x32e: {  	s4 =	smov.u32 @p1 s5;
	p1 =	seq.s32 s3, $0x10  }
.Ltmp30:
0x32f: {  	_ = 	snop;
	(pc) =	sbr.rel @p1 .LBB2_52-.Ltmp30, $2  }
0x330: {  	_ =	sdelay $0x2  }
0x331: {  	s5 =	smov.u32 s4  }
.LBB2_38:
.Ltmp31:
0x332: {  	(pc) =	sbr.rel @p0 .LBB2_39-.Ltmp31, $3  }
0x333: {  	_ =	sdelay $0x1  }
0x334: {  	s4 =	sshrl.u32 s12, s3  }
0x335: {  	s4 =	sor.u32 s4, s5  }
0x336: {  	s6 =	simm.s32 $0xB000  }
0x337: {  	p1 =	sne.s32 s1, $0x1;
	v7 =	vld [tilespmem:s6+$0x0]  }
.Ltmp32:
0x338: {  	_ = 	snop;
	(pc) =	sbr.rel @!p1 .LBB2_59-.Ltmp32, $4  }
0x339: {  	_ = 	snop  }
0x33a: {  	s6 =	simm.s32 $0x0  }
0x33b: {  	v5 =	vmov s4;
	v8 =	vor.u32 s6, v0  }
0x33c: {  	v4 =	vimm.s32 $0x0;
	s7 =	sadd.s32 $0xFFFFFFFF, s1;
	s11 =	simm.s32 $0xB010;
	vm0 =	vlt.s32 v8, v6;
	vm1 =	vge.s32 v7, v5  }
.LBB2_58:
0x33d: {  	v7 =	vld [tilespmem:s11+$0x0];
	p1 =	sne.s32 s7, $0x1;
	s7 =	sadd.s32 $0xFFFFFFFF, s7;
	vm0 =	vmand vm0, vm1  }
.Ltmp33:
0x33e: {  	v8 =	vsel vm0, $0x1, v1;
	(pc) =	sbr.rel @p1 .LBB2_58-.Ltmp33, $4  }
0x33f: {  	v4 =	vadd.s32 v8, v4  }
0x340: {  	s6 =	sadd.s32 $0x10, s6  }
0x341: {  	v8 =	vor.u32 s6, v0  }
0x342: {  	s11 =	sadd.s32 $0x10, s11;
	vm0 =	vlt.s32 v8, v6;
	vm1 =	vge.s32 v7, v5  }
.LBB2_59:
.Ltmp34:
0x343: {  	(pc) =	sbr.rel .LBB2_60-.Ltmp34, $4  }
0x344: {  	_ = 	snop  }
0x345: {  	vm0 =	vmand vm0, vm1  }
0x346: {  	v5 =	vsel vm0, $0x1, v1  }
0x347: {  	v4 =	vadd.s32 v5, v4  }
.LBB2_52:
.Ltmp35:
0x348: {  	(pc) =	sbr.rel @p0 .LBB2_65-.Ltmp35, $1  }
0x349: {  	_ =	sdelay $0x3  }
0x34a: {  	s31 =	simm.s32 $0xB000  }
0x34b: {  	p1 =	sne.s32 s1, $0x1;
	v7 =	vld [tilespmem:s31+$0x0]  }
.Ltmp36:
0x34c: {  	_ = 	snop;
	(pc) =	sbr.rel @!p1 .LBB2_55-.Ltmp36, $4  }
0x34d: {  	_ = 	snop  }
0x34e: {  	s3 =	simm.s32 $0x0  }
0x34f: {  	v4 =	vmov s4;
	v8 =	vor.u32 s3, v0  }
0x350: {  	v5 =	vimm.s32 $0x0;
	s4 =	sadd.s32 $0xFFFFFFFF, s1;
	s5 =	simm.s32 $0xB010;
	vm0 =	vlt.s32 v8, v6;
	vm1 =	vgt.s32 v7, v4  }
.LBB2_54:
0x351: {  	v7 =	vld [tilespmem:s5+$0x0];
	p0 =	sne.s32 s4, $0x1;
	s4 =	sadd.s32 $0xFFFFFFFF, s4;
	vm0 =	vmand vm0, vm1  }
.Ltmp37:
0x352: {  	v8 =	vsel vm0, $0x1, v1;
	(pc) =	sbr.rel @p0 .LBB2_54-.Ltmp37, $4  }
0x353: {  	v5 =	vadd.s32 v8, v5  }
0x354: {  	s3 =	sadd.s32 $0x10, s3  }
0x355: {  	v8 =	vor.u32 s3, v0  }
0x356: {  	s5 =	sadd.s32 $0x10, s5;
	vm0 =	vlt.s32 v8, v6;
	vm1 =	vgt.s32 v7, v4  }
.LBB2_55:
0x357: {  	vm0 =	vmand vm0, vm1  }
0x358: {  	v7 =	vsel vm0, $0x1, v1  }
0x359: {  	v5 =	vadd.s32 v7, v5  }
0x35a: {  	(xrf0) =	vadd.scan.msk.s32 $0xffff, v5;
	_ =	sdelay $0x5  }
0x35b: {  	v5, _, _ =	vpop (xrf0)  }
0x35c: {  	(v2sf) =	vpush v5, $0xF;
	_ =	sdelay $0xc  }
.Ltmp38:
0x35d: {  	_ = 	snop;
	(pc) =	sbr.rel @!p1 .LBB2_56-.Ltmp38, $4  }
0x35e: {  	_ = 	snop  }
0x35f: {  	s3 =	spop (v2sf)  }
0x360: {  	s4 =	simm.s32 $0xB000;
	s1 =	sadd.s32 $0xFFFFFFFF, s1;
	s3 =	ssub.s32 s0, s3  }
0x361: {  	v8 =	vimm.s32 $0x0;
	p0 =	por $0x0, $0x0;
	v7 =	vld [tilespmem:s4+$0x0];
	s0 =	simm.s32 $0xD000;
	v5 =	vmov s3;
	s3 =	simm.s32 $0x0  }
0x362: {  	_ =	sdelay $0x2  }
0x363: {  	v9 =	vor.u32 s3, v0  }
0x364: {  	vm0 =	vlt.s32 v9, v6;
	vm1 =	veq.s32 v7, v4  }
0x365: {  	vm1 =	vmand vm0, vm1  }
0x366: {  	v9 =	vsel vm1, $0x1, v1  }
0x367: {  	(xrf0) =	vadd.scan.msk.s32 $0xffff, v9;
	_ =	sdelay $0x5  }
0x368: {  	v9, _, _ =	vpop (xrf0)  }
0x369: {  	v9 =	vadd.s32 v8, v9  }
0x36a: {  	v10 =	vld [tilespmem:s0+$0x0];
	vm3 =	vgt.s32 v7, v4;
	vm2 =	vle.s32 v9, v5  }
0x36b: {  	vm0 =	vmand vm0, vm3;
	vm2 =	vmand vm1, vm2  }
0x36c: {  	vm0 =	vmor vm0, vm2;
	_ =	sdelay $0x1  }
0x36d: {  	p1 =	sne.s32 s1, $0x1  }
.Ltmp39:
0x36e: {  	v9 =	vmpcnt.ones.xlane vm1;
	(pc) =	sbr.rel @!p1 .LBB2_62-.Ltmp39, $4  }
0x36f: {  	vm15 =	vgt.s32 v7, $0x0  }
0x370: {  	v7 =	vnsel vm15, $0x0, v7  }
0x371: {  	s5 =	simm.s32 $0xB010;
	s6 =	sadd.s32 $0xFFFFFFFF, s1;
	v8 =	vadd.s32 v8, v9;
	[tilespmem:v10+s14+$0x0] =	vst.idx.msk vm0, v7  }
0x372: {  	p0 =	por $0x1, $0x1;
	s4 =	simm.s32 $0x0;
	s1 =	simm.s32 $0xD000;
	v9 =	vmov v8;
	v7 =	vld [tilespmem:s5+$0x0]  }
.LBB2_63:
0x373: {  	p1 =	sne.s32 s6, $0x1;
	_ =	sdelay $0x1  }
0x374: {  	s4 =	sadd.s32 $0x10, s4  }
0x375: {  	v10 =	vor.u32 s4, v0  }
0x376: {  	vm0 =	vlt.s32 v10, v6;
	vm1 =	veq.s32 v7, v4  }
0x377: {  	vm1 =	vmand vm0, vm1  }
0x378: {  	v10 =	vsel vm1, $0x1, v1;
	v11 =	vmpcnt.ones.xlane vm1  }
0x379: {  	(xrf0) =	vadd.scan.msk.s32 $0xffff, v10  }
0x37a: {  	v9 =	vadd.s32 v9, v11;
	_ =	sdelay $0x4  }
0x37b: {  	v10, _, _ =	vpop (xrf0)  }
0x37c: {  	s1 =	sadd.s32 $0x10, s1;
	v10 =	vadd.s32 v8, v10;
	v8 =	vmov v9  }
0x37d: {  	vm3 =	vgt.s32 v7, v4;
	v11 =	vld [tilespmem:s1+$0x0];
	vm2 =	vle.s32 v10, v5  }
0x37e: {  	vm0 =	vmand vm0, vm3;
	vm1 =	vmand vm1, vm2  }
0x37f: {  	vm0 =	vmor vm0, vm1;
	_ =	sdelay $0x2  }
.Ltmp40:
0x380: {  	(pc) =	sbr.rel @p1 .LBB2_63-.Ltmp40, $4  }
0x381: {  	vm1 =	vgt.s32 v7, $0x0  }
0x382: {  	v7 =	vnsel vm1, $0x0, v7  }
0x383: {  	s5 =	sadd.s32 $0x10, s5;
	[tilespmem:v11+s14+$0x0] =	vst.idx.msk vm0, v7  }
0x384: {  	s6 =	sadd.s32 $0xFFFFFFFF, s6;
	v7 =	vld [tilespmem:s5+$0x0]  }
.LBB2_64:
0x385: {  	_ = 	snop  }
0x386: {  	s4 =	sadd.s32 @p0 $0x10, s4  }
0x387: {  	s3 =	smov.u32 @p0 s4  }
0x388: {  	v9 =	vor.u32 s3, v0  }
0x389: {  	vm0 =	vlt.s32 v9, v6;
	vm1 =	veq.s32 v7, v4  }
0x38a: {  	vm1 =	vmand vm0, vm1  }
0x38b: {  	v62 =	vsel vm1, $0x1, v1  }
0x38c: {  	(xrf0) =	vadd.scan.msk.s32 $0xffff, v62;
	_ =	sdelay $0x5  }
0x38d: {  	s1 =	sadd.s32 @p0 $0x10, s1;
	v6, _, _ =	vpop (xrf0)  }
0x38e: {  	s0 =	smov.u32 @p0 s1;
	v6 =	vadd.s32 v8, v6  }
0x38f: {  	v63 =	vld [tilespmem:s0+$0x0];
	vm3 =	vgt.s32 v7, v4;
	vm2 =	vle.s32 v6, v5  }
0x390: {  	vm0 =	vmand vm0, vm3;
	vm1 =	vmand vm1, vm2  }
0x391: {  	vm0 =	vmor vm0, vm1;
	_ =	sdelay $0x3  }
0x392: {  	vm15 =	vgt.s32 v7, $0x0  }
0x393: {  	v4 =	vnsel vm15, $0x0, v7  }
0x394: {  	[tilespmem:v63+s14+$0x0] =	vst.idx.msk vm0, v4  }
.LBB2_65:
0x395: {  	s0 =	rddreg [dreg:$0x5];
	s31 =	simm.s32 $0x2  }
0x396: {  	[hbm4b:s0+s8] =	stream.strided.scatter [tilespmem:s14], [sflag:$0x3], $0x2000, s9, s8, $0x38;
	[tilespmem:$0xF000] =	vst v63  }
0x397: {  	_ =	swait.ge [sflag:s31], $0x2000  }
0x398: {  	[sflag:s31] =	ssyncset.done $0x0  }
0x399: {  	s0 =	simm.s32 $0x8040;
	[sflag:s31] =	ssyncadd.s32 $0xFFFFE000  }
0x39a: {  	[tilespmem:s0+$0xFFFFFFC0] =	vst v1  }
0x39b: {  	[tilespmem:s0+$0x30] =	vst v1  }
0x39c: {  	[tilespmem:s0+$0x20] =	vst v1  }
0x39d: {  	[tilespmem:s0+$0x10] =	vst v1  }
0x39e: {  	[tilespmem:s0+$0x0] =	vst v1  }
0x39f: {  	[tilespmem:s0+$0xFFFFFFF0] =	vst v1  }
0x3a0: {  	s1 =	simm.s32 $0x0;
	[tilespmem:s0+$0xFFFFFFE0] =	vst v1  }
.LBB2_66:
0x3a1: {  	s1 =	sadd.s32 $0x8, s1;
	[tilespmem:s0+$0xFFFFFFD0] =	vst v1;
	s0 =	sadd.s32 $0x80, s0;
	s22 =	simm.s32 $0x2040  }
0x3a2: {  	[tilespmem:s0+$0xFFFFFFC0] =	vst v1;
	p0 =	slt.u32 s1, $0xF8  }
0x3a3: {  	[tilespmem:s0+$0x30] =	vst v1  }
.Ltmp41:
0x3a4: {  	[tilespmem:s0+$0x20] =	vst v1;
	(pc) =	sbr.rel @p0 .LBB2_66-.Ltmp41, $4  }
0x3a5: {  	[tilespmem:s0+$0x10] =	vst v1  }
0x3a6: {  	[tilespmem:s0+$0x0] =	vst v1  }
0x3a7: {  	[tilespmem:s0+$0xFFFFFFF0] =	vst v1  }
0x3a8: {  	[tilespmem:s0+$0xFFFFFFE0] =	vst v1  }
0x3a9: {  	[tilespmem:s0+$0xFFFFFFD0] =	vst v1  }
0x3aa: {  	v4 =	vld [tilespmem:s22+$0x10]  }
0x3ab: {  	v5 =	vld [tilespmem:s22+$0xFFFFFFE0]  }
0x3ac: {  	v7 =	vld [tilespmem:s22+$0xFFFFFFC0];
	_ =	sdelay $0x1  }
0x3ad: {  	v14 =	vld [tilespmem:s22+$0xFFFFFFD0]  }
0x3ae: {  	v9 =	vld [tilespmem:s22+$0x0];
	v8 =	vshra.s32 v4, $0x1F  }
0x3af: {  	v10 =	vshra.s32 v5, $0x1F;
	v8 =	vand.u32 $0x7FFFFFFF, v8  }
0x3b0: {  	v10 =	vand.u32 $0x7FFFFFFF, v10;
	v15 =	vxor.u32 v4, v8;
	v8 =	vshra.s32 v7, $0x1F  }
0x3b1: {  	v4 =	vxor.u32 v5, v10;
	v10 =	vand.u32 $0x7FFFFFFF, v8  }
0x3b2: {  	v13 =	vshra.s32 v14, $0x1F;
	v5 =	vshra.s32 v15, $0x14;
	v11 =	vxor.u32 v7, v10  }
0x3b3: {  	v6 =	vld [tilespmem:s22+$0xFFFFFFF0];
	v7 =	vshra.s32 v9, $0x1F;
	v5 =	vand.u32 $0xFFFFFFF0, v5;
	v10 =	vshra.s32 v11, $0x14  }
0x3b4: {  	v12 =	vadd.s32 v2, v5;
	v17 =	vand.u32 $0x7FFFFFFF, v7;
	v5 =	vand.u32 $0xFFFFFFF0, v10  }
0x3b5: {  	v10 =	vadd.s32 v2, v5;
	v5 =	vand.u32 $0x7FFFFFFF, v13;
	v13 =	vxor.u32 v9, v17;
	v9 =	vld [tilespmem:s22+$0x20];
	_ =	sdelay $0x1  }
0x3b6: {  	v7 =	vld [tilespmem:s22+$0x30]  }
0x3b7: {  	v16 =	vshra.s32 v6, $0x1F;
	v8 =	vshra.s32 v4, $0x14  }
0x3b8: {  	s0 =	simm.s32 $0x0;
	s1 =	simm.s32 $0x20C0;
	[tilespmem:s22+$0x10] =	vst v15;
	v15 =	vand.u32 $0x7FFFFFFF, v16;
	v5 =	vxor.u32 v14, v5;
	v14 =	vshra.s32 v13, $0x14  }
.LBB2_68:
0x3b9: {  	v16 =	vld [tilespmem:s1+$0x10];
	s0 =	sadd.s32 $0x8, s0;
	[tilespmem:s22+$0xFFFFFFC0] =	vst v11;
	v8 =	vand.u32 $0xFFFFFFF0, v8;
	v11 =	vand.u32 $0xFFFFFFF0, v14;
	v14 =	vshra.s32 v9, $0x1F  }
0x3ba: {  	p0 =	slt.u32 s0, $0x1F8;
	v8 =	vadd.s32 v2, v8;
	v17 =	vadd.s32 v2, v11;
	[tilespmem:v12+s12+$0x0] =	vst.idx.add.s32.msk $0xffff, v3;
	v11 =	vand.u32 $0x7FFFFFFF, v14  }
0x3bb: {  	v14 =	vxor.u32 v6, v15;
	v12 =	vld [tilespmem:s1+$0xFFFFFFE0];
	[tilespmem:s22+$0x0] =	vst v13;
	v6 =	vxor.u32 v9, v11;
	v9 =	vshra.s32 v7, $0x1F  }
0x3bc: {  	[tilespmem:v10+s12+$0x0] =	vst.idx.add.s32.msk $0xffff, v3;
	v10 =	vshra.s32 v14, $0x14;
	v11 =	vshra.s32 v6, $0x14;
	v9 =	vand.u32 $0x7FFFFFFF, v9  }
0x3bd: {  	v15 =	vshra.s32 v5, $0x14;
	v13 =	vld [tilespmem:s1+$0xFFFFFFC0];
	v10 =	vand.u32 $0xFFFFFFF0, v10;
	[tilespmem:s22+$0x20] =	vst v6;
	v7 =	vxor.u32 v7, v9  }
0x3be: {  	v6 =	vld [tilespmem:s1+$0xFFFFFFF0];
	v9 =	vshra.s32 v16, $0x1F;
	v10 =	vadd.s32 v2, v10;
	[tilespmem:s22+$0x30] =	vst v7;
	v7 =	vshra.s32 v7, $0x14  }
0x3bf: {  	v15 =	vand.u32 $0xFFFFFFF0, v15;
	v18 =	vld [tilespmem:s1+$0x0];
	v9 =	vand.u32 $0x7FFFFFFF, v9;
	[tilespmem:s22+$0xFFFFFFE0] =	vst v4;
	v19 =	vand.u32 $0xFFFFFFF0, v7  }
0x3c0: {  	v20 =	vld [tilespmem:s1+$0xFFFFFFD0];
	v4 =	vshra.s32 v12, $0x1F;
	v7 =	vxor.u32 v16, v9;
	[tilespmem:s22+$0xFFFFFFF0] =	vst v14;
	v9 =	vand.u32 $0xFFFFFFF0, v11  }
0x3c1: {  	v4 =	vand.u32 $0x7FFFFFFF, v4;
	[tilespmem:s1+$0x10] =	vst v7;
	v14 =	vshra.s32 v7, $0x14;
	v7 =	vld [tilespmem:s1+$0x30];
	v16 =	vadd.s32 v2, v9  }
0x3c2: {  	v15 =	vadd.s32 v2, v15;
	v9 =	vshra.s32 v13, $0x1F;
	v4 =	vxor.u32 v12, v4;
	[tilespmem:v8+s12+$0x0] =	vst.idx.add.s32.msk $0xffff, v3  }
0x3c3: {  	v19 =	vadd.s32 v2, v19;
	v9 =	vand.u32 $0x7FFFFFFF, v9;
	v8 =	vshra.s32 v4, $0x14;
	[tilespmem:v10+s12+$0x0] =	vst.idx.add.s32.msk $0xffff, v3  }
.Ltmp42:
0x3c4: {  	v12 =	vand.u32 $0xFFFFFFF0, v14;
	v11 =	vxor.u32 v13, v9;
	v10 =	vshra.s32 v18, $0x1F;
	v9 =	vld [tilespmem:s1+$0x20];
	[tilespmem:s22+$0xFFFFFFD0] =	vst v5;
	s22 =	smov.u32 s1;
	(pc) =	sbr.rel @p0 .LBB2_68-.Ltmp42, $4  }
0x3c5: {  	v12 =	vadd.s32 v2, v12;
	v5 =	vshra.s32 v11, $0x14;
	v13 =	vshra.s32 v20, $0x1F;
	[tilespmem:v17+s12+$0x0] =	vst.idx.add.s32.msk $0xffff, v3  }
0x3c6: {  	v14 =	vshra.s32 v6, $0x1F;
	v17 =	vand.u32 $0x7FFFFFFF, v10;
	v5 =	vand.u32 $0xFFFFFFF0, v5;
	[tilespmem:v16+s12+$0x0] =	vst.idx.add.s32.msk $0xffff, v3  }
0x3c7: {  	v10 =	vadd.s32 v2, v5;
	v5 =	vand.u32 $0x7FFFFFFF, v13;
	v13 =	vxor.u32 v18, v17;
	[tilespmem:v15+s12+$0x0] =	vst.idx.add.s32.msk $0xffff, v3  }
0x3c8: {  	s3 =	simm.s32 $0x8FF0;
	s1 =	sadd.s32 $0x80, s1;
	v15 =	vand.u32 $0x7FFFFFFF, v14;
	v5 =	vxor.u32 v20, v5;
	v14 =	vshra.s32 v13, $0x14;
	[tilespmem:v19+s12+$0x0] =	vst.idx.add.s32.msk $0xffff, v3  }
0x3c9: {  	_ =	sdelay $0x2  }
0x3ca: {  	[tilespmem:s22+$0xFFFFFFC0] =	vst v11  }
0x3cb: {  	v8 =	vand.u32 $0xFFFFFFF0, v8;
	v11 =	vshra.s32 v9, $0x1F;
	[tilespmem:v12+s12+$0x0] =	vst.idx.add.s32.msk $0xffff, v3  }
0x3cc: {  	v6 =	vxor.u32 v6, v15;
	[tilespmem:s22+$0x0] =	vst v13;
	v54 =	vshra.s32 v7, $0x1F;
	v8 =	vadd.s32 v2, v8  }
0x3cd: {  	v11 =	vand.u32 $0x7FFFFFFF, v11;
	v55 =	vshra.s32 v6, $0x14;
	[tilespmem:v10+s12+$0x0] =	vst.idx.add.s32.msk $0xffff, v3;
	v10 =	vand.u32 $0x7FFFFFFF, v54  }
0x3ce: {  	[tilespmem:s22+$0xFFFFFFE0] =	vst v4;
	v9 =	vxor.u32 v9, v11;
	v11 =	vand.u32 $0xFFFFFFF0, v55;
	v7 =	vxor.u32 v7, v10  }
0x3cf: {  	[tilespmem:s22+$0x20] =	vst v9;
	v10 =	vadd.s32 v2, v11;
	v11 =	vand.u32 $0xFFFFFFF0, v14;
	v9 =	vshra.s32 v9, $0x14  }
0x3d0: {  	v56 =	vshra.s32 v5, $0x14;
	[tilespmem:s22+$0xFFFFFFD0] =	vst v5;
	v11 =	vadd.s32 v2, v11;
	v4 =	vand.u32 $0xFFFFFFF0, v9  }
0x3d1: {  	[tilespmem:s22+$0x30] =	vst v7;
	v7 =	vshra.s32 v7, $0x14;
	v9 =	vand.u32 $0xFFFFFFF0, v56;
	v4 =	vadd.s32 v2, v4  }
0x3d2: {  	[tilespmem:s22+$0xFFFFFFF0] =	vst v6;
	v6 =	vand.u32 $0xFFFFFFF0, v7;
	v7 =	vadd.s32 v2, v9  }
0x3d3: {  	v6 =	vadd.s32 v2, v6;
	[tilespmem:v8+s12+$0x0] =	vst.idx.add.s32.msk $0xffff, v3  }
0x3d4: {  	[tilespmem:v10+s12+$0x0] =	vst.idx.add.s32.msk $0xffff, v3  }
0x3d5: {  	[tilespmem:v11+s12+$0x0] =	vst.idx.add.s32.msk $0xffff, v3  }
0x3d6: {  	[tilespmem:v4+s12+$0x0] =	vst.idx.add.s32.msk $0xffff, v3  }
0x3d7: {  	[tilespmem:v7+s12+$0x0] =	vst.idx.add.s32.msk $0xffff, v3  }
0x3d8: {  	[tilespmem:v6+s12+$0x0] =	vst.idx.add.s32.msk $0xffff, v3  }
0x3d9: {  	v4 =	vld [tilespmem:s3+$0xFFFFFF10]  }
0x3da: {  	v5 =	vld [tilespmem:s3+$0xFFFFFF20]  }
0x3db: {  	v6 =	vld [tilespmem:s3+$0xFFFFFF30]  }
0x3dc: {  	v7 =	vld [tilespmem:s3+$0xFFFFFF40]  }
0x3dd: {  	v8 =	vld [tilespmem:s3+$0xFFFFFF50]  }
0x3de: {  	s0 =	simm.s32 $0x8EF0;
	v9 =	vld [tilespmem:s3+$0xFFFFFF60]  }
0x3df: {  	v10 =	vld [tilespmem:s0+$0xFFFFFF10]  }
0x3e0: {  	v11 =	vld [tilespmem:s0+$0xFFFFFF80]  }
0x3e1: {  	v4 =	vadd.s32 v4, v5;
	v5 =	vld [tilespmem:s3+$0xFFFFFF70]  }
0x3e2: {  	v4 =	vadd.s32 v6, v4;
	v6 =	vld [tilespmem:s3+$0xFFFFFF80]  }
0x3e3: {  	v4 =	vadd.s32 v7, v4;
	v7 =	vld [tilespmem:s3+$0xFFFFFF90]  }
0x3e4: {  	v4 =	vadd.s32 v8, v4;
	v8 =	vld [tilespmem:s3+$0xFFFFFFA0]  }
0x3e5: {  	v4 =	vadd.s32 v9, v4;
	v9 =	vld [tilespmem:s3+$0xFFFFFFB0]  }
0x3e6: {  	v4 =	vadd.s32 v5, v4;
	v5 =	vld [tilespmem:s3+$0xFFFFFFC0]  }
0x3e7: {  	v4 =	vadd.s32 v6, v4;
	v6 =	vld [tilespmem:s3+$0xFFFFFFD0]  }
0x3e8: {  	v4 =	vadd.s32 v7, v4;
	v7 =	vld [tilespmem:s3+$0xFFFFFFE0]  }
0x3e9: {  	v4 =	vadd.s32 v8, v4;
	v8 =	vld [tilespmem:s3+$0xFFFFFFF0]  }
0x3ea: {  	v4 =	vadd.s32 v9, v4;
	v9 =	vld [tilespmem:s3+$0x0]  }
0x3eb: {  	v57 =	vld [tilespmem:s0+$0xFFFFFF90];
	v4 =	vadd.s32 v5, v4  }
0x3ec: {  	v5 =	vld [tilespmem:s0+$0xFFFFFF20];
	v4 =	vadd.s32 v6, v4  }
0x3ed: {  	v6 =	vld [tilespmem:s0+$0xFFFFFF30];
	v4 =	vadd.s32 v7, v4  }
0x3ee: {  	v7 =	vld [tilespmem:s0+$0xFFFFFF40];
	v4 =	vadd.s32 v8, v4  }
0x3ef: {  	v8 =	vld [tilespmem:s0+$0xFFFFFF50];
	v4 =	vadd.s32 v9, v4  }
0x3f0: {  	v9 =	vld [tilespmem:s0+$0xFFFFFF60];
	(xrf0) =	vadd.scan.msk.s32 $0xffff, v4  }
0x3f1: {  	v4 =	vld [tilespmem:s0+$0xFFFFFF70];
	v5 =	vadd.s32 v10, v5  }
0x3f2: {  	v58 =	vld [tilespmem:s0+$0xFFFFFFA0];
	v5 =	vadd.s32 v6, v5  }
0x3f3: {  	v59 =	vld [tilespmem:s0+$0xFFFFFFB0];
	v5 =	vadd.s32 v7, v5  }
0x3f4: {  	v10 =	vld [tilespmem:s0+$0xFFFFFFC0];
	v5 =	vadd.s32 v8, v5  }
0x3f5: {  	v6 =	vld [tilespmem:s0+$0xFFFFFFD0];
	v5 =	vadd.s32 v9, v5  }
0x3f6: {  	v7 =	vld [tilespmem:s0+$0xFFFFFFE0];
	v4 =	vadd.s32 v4, v5;
	v60, _, _ =	vpop (xrf0)  }
0x3f7: {  	v8 =	vld [tilespmem:s0+$0xFFFFFFF0];
	v4 =	vadd.s32 v11, v4;
	(v2sf) =	vpush v60, $0xF  }
0x3f8: {  	s31 =	simm.s32 $0x8DF0;
	v9 =	vld [tilespmem:s0+$0x0];
	v4 =	vadd.s32 v57, v4  }
0x3f9: {  	v5 =	vld [tilespmem:s31+$0xFFFFFF10];
	v4 =	vadd.s32 v58, v4  }
0x3fa: {  	v11 =	vld [tilespmem:s31+$0xFFFFFF20];
	v4 =	vadd.s32 v59, v4  }
0x3fb: {  	v61 =	vld [tilespmem:s31+$0xFFFFFF30];
	v4 =	vadd.s32 v10, v4  }
0x3fc: {  	v62 =	vld [tilespmem:s31+$0xFFFFFF40];
	v4 =	vadd.s32 v6, v4  }
0x3fd: {  	v63 =	vld [tilespmem:s31+$0xFFFFFF50];
	v4 =	vadd.s32 v7, v4  }
0x3fe: {  	v10 =	vld [tilespmem:s31+$0xFFFFFF60];
	v4 =	vadd.s32 v8, v4  }
0x3ff: {  	v5 =	vadd.s32 v5, v11;
	v6 =	vld [tilespmem:s31+$0xFFFFFF70];
	v4 =	vadd.s32 v9, v4  }
0x400: {  	v5 =	vadd.s32 v61, v5;
	v7 =	vld [tilespmem:s31+$0xFFFFFF80];
	(xrf0) =	vadd.scan.msk.s32 $0xffff, v4  }
0x401: {  	v5 =	vadd.s32 v62, v5;
	v8 =	vld [tilespmem:s31+$0xFFFFFF90]  }
0x402: {  	v5 =	vadd.s32 v63, v5  }
0x403: {  	v4 =	vadd.s32 v10, v5  }
0x404: {  	v9 =	vld [tilespmem:s31+$0xFFFFFFA0];
	v4 =	vadd.s32 v6, v4  }
0x405: {  	v5 =	vld [tilespmem:s31+$0xFFFFFFB0];
	v4 =	vadd.s32 v7, v4  }
0x406: {  	s23 =	simm.s32 $0xF;
	v10 =	vld [tilespmem:s31+$0xFFFFFFC0];
	v6 =	vadd.s32 v8, v4;
	v8, _, _ =	vpop (xrf0);
	s7 =	spop (v2sf)  }
0x407: {  	s4 =	simm.s32 $0xD;
	p0 =	por $0x1, $0x1;
	v11 =	vld [tilespmem:s31+$0xFFFFFFD0];
	(v2sf) =	vpush v8, $0xF;
	s1 =	sadd.s32 $0x0, s7  }
0x408: {  	s6 =	simm.s32 $0x8CF0;
	s5 =	simm.s32 $0x0;
	v4 =	vld [tilespmem:s31+$0xFFFFFFE0];
	p1 =	sgt.s32 s1, $0xFF  }
0x409: {  	s11 =	simm.s32 $0xB;
	s22 =	simm.s32 $0x0;
	v7 =	vadd.s32 v9, v6;
	v6 =	vld [tilespmem:s31+$0xFFFFFFF0];
	p0 =	por !p0, !p1  }
0x40a: {  	s3 =	simm.s32 $0x0;
	s0 =	simm.s32 $0xE;
	v7 =	vadd.s32 v5, v7;
	v5 =	vld [tilespmem:s31+$0x0];
	p0 =	por !p0, !p0  }
0x40b: {  	v9 =	vadd.s32 v10, v7;
	v7 =	vld [tilespmem:s6+$0xFFFFFF10];
	s3 =	smov.u32 @p0 s23;
	s5 =	simm.s32 @p0 $0x1;
	s23 =	simm.s32 $0x0  }
0x40c: {  	v8 =	vld [tilespmem:s6+$0xFFFFFF20];
	v9 =	vadd.s32 v11, v9;
	s1 =	simm.s32 $0xC;
	s23 =	smov.u32 @p0 s23;
	p1 =	seq.s32 s5, $0x0  }
.LBB2_70:
0x40d: {  	p0 =	seq.s32 s11, $0x0;
	v10 =	vld [tilespmem:s6+$0xFFFFFF30];
	v4 =	vadd.s32 v4, v9;
	s7 =	simm.s32 @!p1 $0x0;
	s17 =	smov.u32 s4  }
0x40e: {  	s4 =	smov.u32 s1;
	s1 =	smov.u32 s11;
	v9 =	vld [tilespmem:s6+$0xFFFFFF40];
	v4 =	vadd.s32 v6, v4;
	s22 =	sadd.s32 s22, s7  }
0x40f: {  	v6 =	vld [tilespmem:s6+$0xFFFFFF50];
	v4 =	vadd.s32 v5, v4  }
0x410: {  	v5 =	vld [tilespmem:s6+$0xFFFFFF60];
	(xrf0) =	vadd.scan.msk.s32 $0xffff, v4  }
0x411: {  	v4 =	vadd.s32 v7, v8;
	v7 =	vld [tilespmem:s6+$0xFFFFFF70]  }
0x412: {  	v4 =	vadd.s32 v10, v4;
	v8 =	vld [tilespmem:s6+$0xFFFFFF80]  }
0x413: {  	v4 =	vadd.s32 v9, v4;
	v9 =	vld [tilespmem:s6+$0xFFFFFF90]  }
0x414: {  	v4 =	vadd.s32 v6, v4;
	v6 =	vld [tilespmem:s6+$0xFFFFFFA0]  }
0x415: {  	v4 =	vadd.s32 v5, v4;
	v5 =	vld [tilespmem:s6+$0xFFFFFFB0]  }
0x416: {  	v4 =	vadd.s32 v7, v4;
	v10 =	vld [tilespmem:s6+$0xFFFFFFC0];
	v7, _, _ =	vpop (xrf0);
	s7 =	spop (v2sf)  }
0x417: {  	v4 =	vadd.s32 v8, v4;
	v11 =	vld [tilespmem:s6+$0xFFFFFFD0];
	(v2sf) =	vpush v7, $0xF;
	s19 =	sadd.s32 s22, s7  }
.Ltmp43:
0x418: {  	p1 =	seq.s32 s5, $0x0;
	v7 =	vadd.s32 v9, v4;
	v4 =	vld [tilespmem:s6+$0xFFFFFFE0];
	p2 =	sgt.s32 s19, $0xFF;
	(pc) =	sbr.rel @!p0 .LBB2_70-.Ltmp43, $4  }
0x419: {  	v7 =	vadd.s32 v6, v7;
	v6 =	vld [tilespmem:s6+$0xFFFFFFF0];
	p1 =	por !p1, !p2  }
0x41a: {  	v8 =	vadd.s32 v5, v7;
	v5 =	vld [tilespmem:s6+$0x0];
	s6 =	sadd.s32 $0xFFFFFF00, s6;
	p1 =	por !p1, !p1  }
0x41b: {  	v7 =	vld [tilespmem:s6+$0xFFFFFF10];
	v9 =	vadd.s32 v10, v8;
	s3 =	smov.u32 @p1 s0;
	s5 =	simm.s32 @p1 $0x1;
	s0 =	smov.u32 s17  }
0x41c: {  	s11 =	sadd.s32 $0xFFFFFFFF, s11;
	s23 =	smov.u32 @p1 s22;
	v8 =	vld [tilespmem:s6+$0xFFFFFF20];
	v9 =	vadd.s32 v11, v9;
	p1 =	seq.s32 s5, $0x0  }
0x41d: {  	v10 =	vld [tilespmem:s6+$0xFFFFFF30]  }
0x41e: {  	v11 =	vld [tilespmem:s6+$0xFFFFFF40]  }
0x41f: {  	v12 =	vld [tilespmem:s6+$0xFFFFFF50]  }
0x420: {  	v13 =	vld [tilespmem:s6+$0xFFFFFF60]  }
0x421: {  	v57 =	vld [tilespmem:s6+$0xFFFFFF70];
	v7 =	vadd.s32 v7, v8  }
0x422: {  	v58 =	vld [tilespmem:s6+$0xFFFFFF80];
	v7 =	vadd.s32 v10, v7  }
0x423: {  	v59 =	vld [tilespmem:s6+$0xFFFFFF90];
	v7 =	vadd.s32 v11, v7  }
0x424: {  	v60 =	vld [tilespmem:s6+$0xFFFFFFA0];
	v7 =	vadd.s32 v12, v7  }
0x425: {  	v4 =	vadd.s32 v4, v9;
	v61 =	vld [tilespmem:s6+$0xFFFFFFB0];
	v7 =	vadd.s32 v13, v7  }
0x426: {  	v4 =	vadd.s32 v6, v4;
	v6 =	vadd.s32 v57, v7;
	v7 =	vld [tilespmem:s6+$0xFFFFFFC0]  }
0x427: {  	v4 =	vadd.s32 v5, v4;
	v5 =	vadd.s32 v58, v6;
	v6 =	vld [tilespmem:s6+$0xFFFFFFD0]  }
0x428: {  	(xrf0) =	vadd.scan.msk.s32 $0xffff, v4;
	v4 =	vadd.s32 v59, v5;
	v5 =	vld [tilespmem:s6+$0xFFFFFFE0]  }
0x429: {  	v62 =	vld [tilespmem:s6+$0xFFFFFFF0];
	v4 =	vadd.s32 v60, v4  }
0x42a: {  	v63 =	vld [tilespmem:s6+$0x0];
	v4 =	vadd.s32 v61, v4  }
0x42b: {  	v4 =	vadd.s32 v7, v4  }
0x42c: {  	v4 =	vadd.s32 v6, v4  }
0x42d: {  	v4 =	vadd.s32 v5, v4  }
0x42e: {  	v5, _, _ =	vpop (xrf0);
	v4 =	vadd.s32 v62, v4  }
0x42f: {  	(v2sf) =	vpush v5, $0xF;
	v4 =	vadd.s32 v63, v4  }
0x430: {  	(xrf0) =	vadd.scan.msk.s32 $0xffff, v4;
	_ =	sdelay $0x4  }
0x431: {  	s7 =	simm.s32 @!p1 $0x0  }
0x432: {  	s6 =	sadd.s32 s22, s7;
	s7 =	spop (v2sf);
	v4, _, _ =	vpop (xrf0)  }
0x433: {  	s11 =	sadd.s32 s6, s7;
	(v2sf) =	vpush v4, $0xF  }
0x434: {  	p0 =	sgt.s32 s11, $0xFF  }
0x435: {  	p0 =	por !p1, !p0  }
0x436: {  	p0 =	por !p0, !p0  }
0x437: {  	s5 =	simm.s32 @p0 $0x1  }
0x438: {  	p1 =	seq.s32 s5, $0x0  }
0x439: {  	s7 =	simm.s32 @!p1 $0x0  }
0x43a: {  	s7 =	sadd.s32 s6, s7;
	s11 =	spop (v2sf)  }
0x43b: {  	s17 =	sadd.s32 s7, s11  }
0x43c: {  	p2 =	sgt.s32 s17, $0xFF  }
0x43d: {  	p1 =	por !p1, !p2  }
0x43e: {  	p1 =	por !p1, !p1  }
0x43f: {  	s5 =	simm.s32 @p1 $0x1  }
0x440: {  	p2 =	seq.s32 s5, $0x0  }
0x441: {  	s11 =	simm.s32 @!p2 $0x0  }
0x442: {  	s5 =	sadd.s32 s7, s11;
	s30 =	spop (v2sf)  }
0x443: {  	s11 =	sadd.s32 s5, s30  }
0x444: {  	p3 =	sgt.s32 s11, $0xFF  }
0x445: {  	s3 =	smov.u32 @p0 s0;
	p6 =	por !p2, !p3  }
0x446: {  	s23 =	smov.u32 @p0 s6;
	s3 =	smov.u32 @p1 s4;
	p0 =	por !p6, !p6  }
0x447: {  	s3 =	smov.u32 @p0 s1  }
0x448: {  	s31 =	sshll.u32 s3, $0xA  }
0x449: {  	s0 =	sshra.s32 s31, $0x2  }
0x44a: {  	p4 =	por $0x0, $0x0;
	s0 =	sadd.s32 $0x8000, s0  }
.Ltmp44:
0x44b: {  	v4 =	vmov s0;
	(pc) =	sbr.rel @p4 .LBB2_72-.Ltmp44, $4  }
0x44c: {  	_ = 	snop  }
0x44d: {  	s22 =	simm.s32 $0x0;
	s23 =	smov.u32 @p1 s7;
	p1 =	por $0x0, $0x0  }
0x44e: {  	p2 =	por $0x0, $0x0;
	p3 =	por $0x0, $0x0;
	s23 =	smov.u32 @p0 s5  }
0x44f: {  	p0 =	por $0x0, $0x0;
	s24 =	sshllo.u32 s3, $0x4;
	s3 =	simm.s32 $0xF0  }
0x450: {  	_ =	sdelay $0x3  }
0x451: {  	v5 =	vld.idx.msk [tilespmem:v4+s3+$0x0 ss:$0x1], $0xffff;
	p4 =	por $0x0, $0x0  }
.Ltmp45:
0x452: {  	_ = 	snop;
	(pc) =	sbr.rel @p4 .LBB2_74-.Ltmp45, $2  }
0x453: {  	_ =	sdelay $0x2  }
0x454: {  	s3 =	simm.s32 $0xE0;
	p0 =	por $0x1, $0x1;
	(xrf0) =	vadd.scan.msk.s32 $0xffff, v5  }
0x455: {  	_ =	sdelay $0x3  }
0x456: {  	v5 =	vld.idx.msk [tilespmem:v4+s3+$0x0 ss:$0x1], $0xffff;
	p4 =	por $0x0, $0x0  }
.Ltmp46:
0x457: {  	_ = 	snop;
	(pc) =	sbr.rel @p4 .LBB2_76-.Ltmp46, $3  }
0x458: {  	_ =	sdelay $0x1  }
0x459: {  	v6, _, _ =	vpop (xrf0)  }
0x45a: {  	s3 =	simm.s32 $0xD0;
	p1 =	por $0x1, $0x1;
	(xrf0) =	vadd.scan.msk.s32 $0xffff, v5;
	(v2sf) =	vpush v6, $0xF  }
0x45b: {  	_ =	sdelay $0x3  }
0x45c: {  	v5 =	vld.idx.msk [tilespmem:v4+s3+$0x0 ss:$0x1], $0xffff;
	p4 =	por $0x0, $0x0  }
.Ltmp47:
0x45d: {  	_ = 	snop;
	(pc) =	sbr.rel @p4 .LBB2_78-.Ltmp47, $3  }
0x45e: {  	_ =	sdelay $0x1  }
0x45f: {  	v6, _, _ =	vpop (xrf0)  }
0x460: {  	s3 =	simm.s32 $0xC0;
	p2 =	por $0x1, $0x1;
	(xrf0) =	vadd.scan.msk.s32 $0xffff, v5;
	(v2sf) =	vpush v6, $0xF  }
0x461: {  	_ =	sdelay $0x4  }
0x462: {  	v6, _, _ =	vpop (xrf0)  }
0x463: {  	s4 =	spop (v2sf);
	(v2sf) =	vpush v6, $0xF;
	_ =	sdelay $0x4  }
0x464: {  	v5 =	vld.idx.msk [tilespmem:v4+s3+$0x0 ss:$0x1], $0xffff;
	p4 =	por $0x0, $0x0;
	s0 =	sadd.s32 s23, s4  }
.Ltmp48:
0x465: {  	p3 =	por $0x1, $0x1;
	p5 =	sgt.s32 s0, $0xFF;
	(pc) =	sbr.rel @p4 .LBB2_80-.Ltmp48, $4  }
0x466: {  	p6 =	por !p3, !p5  }
0x467: {  	s0 =	simm.s32 @!p6 $0x0  }
0x468: {  	s0 =	simm.s32 @p6 $0x1  }
0x469: {  	s3 =	simm.s32 $0xB0;
	(xrf0) =	vadd.scan.msk.s32 $0xffff, v5;
	p3 =	por $0x1, $0x1;
	[smem:$0x7F8] =	sst s0  }
0x46a: {  	_ =	sdelay $0x2  }
0x46b: {  	p6 =	por !p6, !p6;
	s5 =	simm.s32 $0x0  }
0x46c: {  	s5 =	simm.s32 @p6 $0x1  }
0x46d: {  	s0 =	smov.u32 s4;
	p4 =	seq.s32 s5, $0x0;
	v6, _, _ =	vpop (xrf0)  }
0x46e: {  	s0 =	simm.s32 @!p4 $0x0;
	(v2sf) =	vpush v6, $0xF  }
0x46f: {  	v5 =	vld.idx.msk [tilespmem:v4+s3+$0x0 ss:$0x1], $0xffff;
	s6 =	spop (v2sf);
	s7 =	sadd.s32 s23, s0  }
0x470: {  	p5 =	por $0x0, $0x0;
	s0 =	simm.s32 $0x0;
	s1 =	sadd.s32 s7, s6  }
.Ltmp49:
0x471: {  	s0 =	smov.u32 @p6 s24;
	p6 =	sgt.s32 s1, $0xFF;
	(pc) =	sbr.rel @p5 .LBB2_82-.Ltmp49, $4  }
0x472: {  	p6 =	por !p4, !p6;
	p4 =	por $0x1, $0x1  }
0x473: {  	s1 =	simm.s32 @!p4 $0x0  }
0x474: {  	s3 =	simm.s32 $0xA0;
	(xrf0) =	vadd.scan.msk.s32 $0xffff, v5;
	s1 =	simm.s32 @p4 $0x1  }
0x475: {  	s11 =	simm.s32 $0x240;
	[smem:$0x7F9] =	sst s1;
	s1 =	smov.u32 s24  }
.LBB2_83:
0x476: {  	p4 =	seq.s32 s11, $0x0;
	v5 =	vld.idx.msk [tilespmem:v4+s3+$0x0 ss:$0x1], $0xffff;
	p5 =	por !p6, !p6;
	s1 =	sadd.s32 $0xFFFFFFFF, s1  }
0x477: {  	s0 =	smov.u32 @p5 s1;
	s5 =	simm.s32 @p5 $0x1  }
0x478: {  	s3 =	smov.u32 s6;
	p6 =	seq.s32 s5, $0x0  }
.Ltmp50:
0x479: {  	s3 =	simm.s32 @!p6 $0x0;
	(pc) =	sbr.rel @!p4 .LBB2_83-.Ltmp50, $4  }
0x47a: {  	v6, _, _ =	vpop (xrf0);
	s6 =	spop (v2sf);
	s7 =	sadd.s32 s7, s3  }
0x47b: {  	(v2sf) =	vpush v6, $0xF;
	s3 =	sadd.s32 s7, s6  }
0x47c: {  	(xrf0) =	vadd.scan.msk.s32 $0xffff, v5;
	p5 =	sgt.s32 s3, $0xFF  }
0x47d: {  	s3 =	sshra.s32 s11, $0x2;
	s11 =	sadd.s32 $0xFFFFFFC0, s11;
	p6 =	por !p6, !p5  }
.LBB2_84:
0x47e: {  	p4 =	por @p3 !p6, !p6  }
0x47f: {  	p4 =	por !p4, !p3  }
0x480: {  	s11 =	simm.s32 @!p4 $0x0;
	s5 =	simm.s32 @!p4 $0x1  }
0x481: {  	s11 =	simm.s32 @p4 $0x1;
	p4 =	seq.s32 @p3 s5, $0x0  }
0x482: {  	p4 =	por !p4, !p3  }
0x483: {  	s28 =	sld [smem:$0x7F8];
	s6 =	simm.s32 @p4 $0x0  }
0x484: {  	[smem:$0x7F6] =	sst s11;
	s6 =	sadd.s32 @p3 s7, s6;
	s7 =	smov.u32 s23  }
0x485: {  	s11 =	spop @p2 (v2sf);
	s7 =	smov.u32 @p3 s6;
	s6 =	simm.s32 $0x0  }
0x486: {  	s6 =	smov.u32 @p3 s5;
	s5 =	sadd.s32 @p2 s7, s11  }
0x487: {  	p4 =	seq.s32 @p2 s6, $0x0;
	p5 =	sgt.s32 @p2 s5, $0xFF  }
0x488: {  	p4 =	por @p2 !p4, !p5;
	p5 =	seq.s32 s28, $0x1  }
0x489: {  	p4 =	por @!p2 p5, p5  }
0x48a: {  	p4 =	por @p2 !p4, !p4  }
0x48b: {  	p4 =	por !p4, !p2  }
0x48c: {  	s5 =	simm.s32 @!p4 $0x0;
	s6 =	simm.s32 @!p4 $0x1  }
0x48d: {  	v5, _, _ =	vpop @p0 (xrf0);
	s5 =	simm.s32 @p4 $0x1;
	p4 =	seq.s32 @p2 s6, $0x0  }
0x48e: {  	(v2sf) =	vpush @p0 v5, $0xF;
	s4 =	smov.u32 @p2 s11;
	p4 =	por !p4, !p2  }
0x48f: {  	s4 =	simm.s32 @p4 $0x0  }
0x490: {  	v4 =	vld.idx.msk [tilespmem:v4+s3+$0x0 ss:$0x1], $0xffff;
	[smem:$0x7F7] =	sst s5;
	s3 =	sadd.s32 @p2 s7, s4;
	s4 =	smov.u32 s23  }
0x491: {  	s5 =	spop @p1 (v2sf);
	s4 =	smov.u32 @p2 s3;
	s3 =	simm.s32 $0x0  }
0x492: {  	s7 =	sadd.s32 @p1 s4, s5;
	s3 =	smov.u32 @p2 s6  }
0x493: {  	p4 =	seq.s32 @p1 s3, $0x0;
	p6 =	sgt.s32 @p1 s7, $0xFF  }
0x494: {  	p4 =	por @p1 !p4, !p6  }
0x495: {  	(xrf0) =	vadd.scan.msk.s32 $0xffff, v4;
	p4 =	por @!p1 p0, p0  }
0x496: {  	p4 =	por @p1 !p4, !p4  }
0x497: {  	p4 =	por !p4, !p1  }
0x498: {  	s3 =	simm.s32 @!p4 $0x1  }
0x499: {  	p6 =	seq.s32 @p1 s3, $0x0  }
0x49a: {  	s5 =	smov.u32 @p1 s5;
	p6 =	por !p6, !p1  }
0x49b: {  	v4, _, _ =	vpop (xrf0);
	s5 =	simm.s32 @p6 $0x0  }
0x49c: {  	s29 =	sld [smem:$0x7F9];
	(v2sf) =	vpush v4, $0xF;
	s4 =	sadd.s32 @p1 s4, s5;
	s5 =	smov.u32 s23  }
0x49d: {  	s6 =	spop @p0 (v2sf);
	s5 =	smov.u32 @p1 s4;
	s4 =	simm.s32 $0x0  }
0x49e: {  	s7 =	sadd.s32 @p0 s5, s6;
	s4 =	smov.u32 @p1 s3  }
0x49f: {  	p6 =	seq.s32 @p0 s4, $0x0;
	p5 =	sgt.s32 @p0 s7, $0xFF  }
0x4a0: {  	s30 =	sld [smem:$0x7F6];
	p5 =	por @p0 !p6, !p5;
	p6 =	seq.s32 s29, $0x1  }
0x4a1: {  	s3 =	smov.u32 s24;
	s1 =	sadd.s32 @p6 $0xFFFFFFFF, s1  }
0x4a2: {  	s7 =	simm.s32 $0x0;
	p5 =	por @!p0 p0, p0;
	s3 =	smov.u32 @p6 s1  }
0x4a3: {  	p5 =	por @p0 !p5, !p5;
	p6 =	seq.s32 s30, $0x1;
	s1 =	smov.u32 s3  }
0x4a4: {  	s1 =	smov.u32 @p6 s0;
	s0 =	sadd.s32 @p3 $0xFFFFFFFF, s3;
	s3 =	smov.u32 s24  }
0x4a5: {  	p6 =	por !p5, !p0;
	s7 =	smov.u32 @p3 s1;
	s1 =	sld [smem:$0x7F7]  }
0x4a6: {  	s3 =	smov.u32 @p3 s0;
	s4 =	simm.s32 @!p6 $0x1  }
0x4a7: {  	s0 =	smov.u32 s3;
	p3 =	seq.s32 @p0 s4, $0x0  }
0x4a8: {  	s3 =	sadd.s32 @p2 $0xFFFFFFFF, s3;
	p3 =	por !p3, !p0;
	p5 =	seq.s32 s1, $0x1  }
0x4a9: {  	s1 =	smov.u32 @p0 s6;
	s6 =	simm.s32 $0x0;
	s0 =	smov.u32 @p5 s7  }
0x4aa: {  	s7 =	smov.u32 s24;
	s1 =	simm.s32 @p3 $0x0;
	s6 =	smov.u32 @p2 s0  }
0x4ab: {  	s7 =	smov.u32 @p2 s3;
	s0 =	sadd.s32 @p0 s5, s1;
	s3 =	spop (v2sf)  }
0x4ac: {  	s5 =	simm.s32 $0x0;
	s23 =	smov.u32 @p0 s0;
	s0 =	simm.s32 $0x0  }
0x4ad: {  	s1 =	smov.u32 s7;
	s31 =	sadd.s32 s23, s3;
	s0 =	smov.u32 @p0 s4  }
0x4ae: {  	s1 =	smov.u32 @p4 s6;
	p4 =	seq.s32 s0, $0x0;
	p5 =	sgt.s32 s31, $0xFF  }
0x4af: {  	s4 =	sadd.s32 @p1 $0xFFFFFFFF, s7;
	s6 =	smov.u32 s24;
	p2 =	por !p4, !p5  }
0x4b0: {  	s6 =	smov.u32 @p1 s4;
	s5 =	smov.u32 @p1 s1;
	p1 =	por !p2, !p2  }
0x4b1: {  	s0 =	simm.s32 @p1 $0x1  }
0x4b2: {  	p2 =	seq.s32 s0, $0x0;
	s0 =	simm.s32 $0x8040  }
0x4b3: {  	[tilespmem:s0+$0xFFFFFFC0] =	vst v1  }
0x4b4: {  	[tilespmem:s0+$0x30] =	vst v1  }
0x4b5: {  	s1 =	smov.u32 s6;
	[tilespmem:s0+$0x20] =	vst v1  }
0x4b6: {  	s1 =	smov.u32 @p6 s5;
	[tilespmem:s0+$0x10] =	vst v1  }
0x4b7: {  	s22 =	smov.u32 @p0 s1;
	s1 =	sadd.s32 @p0 $0xFFFFFFFF, s6;
	[tilespmem:s0+$0x0] =	vst v1  }
0x4b8: {  	s24 =	smov.u32 @p0 s1;
	s3 =	simm.s32 @!p2 $0x0;
	[tilespmem:s0+$0xFFFFFFF0] =	vst v1  }
0x4b9: {  	s1 =	simm.s32 $0x0;
	s22 =	smov.u32 @p1 s24;
	[tilespmem:s0+$0xFFFFFFE0] =	vst v1;
	s26 =	sadd.s32 s23, s3  }
.LBB2_85:
0x4ba: {  	s1 =	sadd.s32 $0x8, s1;
	[tilespmem:s0+$0xFFFFFFD0] =	vst v1;
	s0 =	sadd.s32 $0x80, s0  }
0x4bb: {  	[tilespmem:s0+$0xFFFFFFC0] =	vst v1;
	p0 =	slt.u32 s1, $0xF8  }
0x4bc: {  	[tilespmem:s0+$0x30] =	vst v1  }
.Ltmp51:
0x4bd: {  	[tilespmem:s0+$0x20] =	vst v1;
	(pc) =	sbr.rel @p0 .LBB2_85-.Ltmp51, $4  }
0x4be: {  	[tilespmem:s0+$0x10] =	vst v1  }
0x4bf: {  	[tilespmem:s0+$0x0] =	vst v1  }
0x4c0: {  	[tilespmem:s0+$0xFFFFFFF0] =	vst v1  }
0x4c1: {  	[tilespmem:s0+$0xFFFFFFE0] =	vst v1  }
0x4c2: {  	[tilespmem:s0+$0xFFFFFFD0] =	vst v1;
	s30 =	simm.s32 $0x2020  }
0x4c3: {  	v4 =	vld [tilespmem:s30+$0xFFFFFFE0]  }
0x4c4: {  	v6 =	vld [tilespmem:s30+$0xFFFFFFF0]  }
0x4c5: {  	v7 =	vld [tilespmem:s30+$0x0];
	_ =	sdelay $0x1  }
0x4c6: {  	v9 =	vld [tilespmem:s30+$0x10]  }
0x4c7: {  	v5 =	vmov s22;
	v8 =	vimm.s32 $0x0;
	s1 =	simm.s32 $0x10  }
0x4c8: {  	v20 =	vor.u32 s1, v0;
	vm0 =	vgt.s32 v4, $0x0;
	v10 =	vshra.s32 v4, $0x18  }
0x4c9: {  	vm2 =	vgt.s32 v6, $0x0;
	v12 =	vshra.s32 v7, $0x18;
	v10 =	vadd.s32 $0x80, v10  }
0x4ca: {  	v11 =	vnsel vm0, $0x0, v4;
	v4 =	vshra.s32 v6, $0x18;
	vm3 =	veq.s32 v10, v5  }
0x4cb: {  	v14 =	vshra.s32 v9, $0x18;
	v13 =	vadd.s32 $0x80, v4;
	v4 =	vmpcnt.ones.xlane vm3  }
0x4cc: {  	vm4 =	vgt.s32 v7, $0x0;
	vm8 =	vgt.s32 v9, $0x0;
	v12 =	vadd.s32 $0x80, v12  }
0x4cd: {  	vm5 =	veq.s32 v13, v5;
	v16 =	vadd.s32 v8, v4;
	v4 =	vsel vm3, $0x1, v1  }
0x4ce: {  	v14 =	vadd.s32 $0x80, v14;
	v6 =	vnsel vm2, $0x0, v6;
	v18 =	vsel vm5, $0x1, v1;
	(xrf0) =	vadd.scan.msk.s32 $0xffff, v4  }
0x4cf: {  	s0 =	simm.s32 $0x2060;
	v7 =	vnsel vm4, $0x0, v7;
	v9 =	vnsel vm8, $0x0, v9;
	vm0 =	veq.s32 v12, v5;
	(xrf0) =	vadd.scan.msk.s32 $0xffff, v18  }
0x4d0: {  	vm1 =	veq.s32 v14, v5;
	vm6 =	vgt.s32 v10, v5;
	v10 =	vld [tilespmem:s0+$0xFFFFFFE0];
	v19 =	vsel vm0, $0x1, v1  }
0x4d1: {  	vm2 =	vgt.s32 v12, v5;
	vm9 =	vgt.s32 v14, v5;
	v17 =	vmpcnt.ones.xlane vm0;
	(xrf0) =	vadd.scan.msk.s32 $0xffff, v19  }
0x4d2: {  	vm7 =	vgt.s32 v13, v5;
	v11 =	vnsel vm6, $0x0, v11;
	v15 =	vmpcnt.ones.xlane vm5  }
0x4d3: {  	v14 =	vnsel vm2, $0x0, v7;
	v9 =	vnsel vm9, $0x0, v9;
	v18 =	vsel vm1, $0x1, v1  }
0x4d4: {  	v13 =	vnsel vm7, $0x0, v6;
	v6 =	vld [tilespmem:s0+$0xFFFFFFF0];
	v15 =	vadd.s32 v16, v15;
	v4 =	vmpcnt.ones.xlane vm1;
	(xrf0) =	vadd.scan.msk.s32 $0xffff, v18;
	v12, _, _ =	vpop (xrf0)  }
0x4d5: {  	s24 =	simm.s32 $0x6020;
	v7 =	vld [tilespmem:s0+$0x0];
	v17 =	vadd.s32 v15, v17;
	vm2 =	vgt.s32 v10, $0x0;
	v12 =	vadd.s32 v12, v8;
	v19, _, _ =	vpop (xrf0)  }
0x4d6: {  	[tilespmem:s24+$0x0] =	vst v14;
	v14 =	vshra.s32 v10, $0x18;
	v21 =	vadd.s32 $0xFFFFFFFF, v12;
	v12 =	vadd.s32 v19, v16  }
0x4d7: {  	s23 =	simm.s32 $0x0;
	[tilespmem:s24+$0xFFFFFFE0] =	vst v11;
	v4 =	vadd.s32 v17, v4;
	v10 =	vnsel vm2, $0x0, v10;
	v8 =	vld [tilespmem:s0+$0x10];
	v16, _, _ =	vpop (xrf0);
	v19 =	vadd.s32 $0xFFFFFFFF, v12  }
0x4d8: {  	[tilespmem:s24+$0x10] =	vst v9;
	v14 =	vadd.s32 $0x80, v14;
	v18 =	vor.u32 s23, v0;
	v11 =	vadd.s32 v16, v15  }
0x4d9: {  	s31 =	simm.s32 $0x20;
	[tilespmem:s24+$0xFFFFFFF0] =	vst v13;
	vm4 =	vgt.s32 v6, $0x0;
	v9 =	vshra.s32 v6, $0x18;
	v13 =	vadd.s32 $0xFFFFFFFF, v11  }
0x4da: {  	vm2 =	veq.s32 v14, v5;
	v12 =	vor.u32 s31, v0;
	v15, _, _ =	vpop (xrf0);
	v16 =	vshra.s32 v7, $0x18  }
0x4db: {  	v11 =	vadd.s32 v15, v17;
	v15 =	vadd.s32 $0x80, v9;
	v16 =	vadd.s32 $0x80, v16;
	[tilespmem:v21+s13+$0x0] =	vst.idx.msk vm3, v18  }
0x4dc: {  	s3 =	simm.s32 $0x4;
	s1 =	simm.s32 $0x0;
	v9 =	vmovc v4;
	v17 =	vshra.s32 v8, $0x18;
	v18 =	vmpcnt.ones.xlane vm2;
	vm3 =	veq.s32 v15, v5;
	[tilespmem:v19+s13+$0x0] =	vst.idx.msk vm5, v20  }
.LBB2_87:
0x4dd: {  	v19 =	vmpcnt.ones.xlane vm3  }
0x4de: {  	s3 =	sadd.s32 $0x4, s3;
	v17 =	vadd.s32 $0x80, v17;
	[tilespmem:v13+s13+$0x0] =	vst.idx.msk vm0, v12;
	vm0 =	veq.s32 v16, v5;
	vm5 =	vmmov vm1  }
0x4df: {  	p0 =	slt.u32 s3, $0x1FC;
	v12 =	vadd.s32 v4, v18;
	v4 =	vmpcnt.ones.xlane vm0;
	vm1 =	veq.s32 v17, v5  }
0x4e0: {  	v13 =	vsel vm2, $0x1, v1;
	v18 =	vadd.s32 v12, v19;
	v19 =	vmpcnt.ones.xlane vm1  }
0x4e1: {  	v20 =	vsel vm3, $0x1, v1;
	v21 =	vsel vm0, $0x1, v1;
	v22 =	vadd.s32 v18, v4;
	(xrf0) =	vadd.scan.msk.s32 $0xffff, v13  }
0x4e2: {  	vm6 =	vgt.s32 v7, $0x0;
	v13 =	vsel vm1, $0x1, v1;
	v4 =	vadd.s32 v22, v19;
	(xrf0) =	vadd.scan.msk.s32 $0xffff, v20  }
0x4e3: {  	vm7 =	vgt.s32 v14, v5;
	vm8 =	vgt.s32 v15, v5;
	vm9 =	vgt.s32 v8, $0x0;
	(xrf0) =	vadd.scan.msk.s32 $0xffff, v21  }
0x4e4: {  	v6 =	vnsel vm4, $0x0, v6;
	vm4 =	vgt.s32 v16, v5;
	vm10 =	vgt.s32 v17, v5;
	(xrf0) =	vadd.scan.msk.s32 $0xffff, v13  }
0x4e5: {  	s0 =	sadd.s32 $0x40, s0;
	v11 =	vadd.s32 $0xFFFFFFFF, v11;
	v7 =	vnsel vm6, $0x0, v7;
	v16 =	vnsel vm9, $0x0, v8  }
0x4e6: {  	s23 =	sadd.s32 $0x40, s23;
	s24 =	sadd.s32 $0x40, s24;
	v10 =	vnsel vm7, $0x0, v10;
	v17 =	vnsel vm8, $0x0, v6;
	v15 =	vnsel vm4, $0x0, v7;
	v14 =	vld [tilespmem:s0+$0xFFFFFFE0]  }
0x4e7: {  	s4 =	sadd.s32 $0x10, s23;
	v6 =	vld [tilespmem:s0+$0xFFFFFFF0];
	[tilespmem:s24+$0xFFFFFFE0] =	vst v10;
	v10 =	vnsel vm10, $0x0, v16;
	v8, _, _ =	vpop (xrf0)  }
0x4e8: {  	v19 =	vor.u32 s4, v0;
	s4 =	sadd.s32 $0x30, s1;
	s1 =	smov.u32 s23;
	v16 =	vor.u32 s23, v0;
	v7 =	vld [tilespmem:s0+$0x0];
	v9 =	vadd.s32 v8, v9;
	[tilespmem:s24+$0xFFFFFFF0] =	vst v17;
	v13, _, _ =	vpop (xrf0)  }
0x4e9: {  	s5 =	sadd.s32 $0x20, s23;
	v8 =	vld [tilespmem:s0+$0x10];
	v20 =	vadd.s32 $0xFFFFFFFF, v9;
	v23 =	vadd.s32 v13, v12;
	[tilespmem:s24+$0x0] =	vst v15;
	v12, _, _ =	vpop (xrf0);
	v13 =	vor.u32 s4, v0  }
0x4ea: {  	v21 =	vadd.s32 $0xFFFFFFFF, v23;
	v17 =	vadd.s32 v12, v18;
	v12 =	vor.u32 s5, v0;
	v15, _, _ =	vpop (xrf0);
	[tilespmem:v11+s13+$0x0] =	vst.idx.msk vm5, v13  }
.Ltmp52:
0x4eb: {  	vm4 =	vgt.s32 v14, $0x0;
	v13 =	vadd.s32 $0xFFFFFFFF, v17;
	[tilespmem:s24+$0x10] =	vst v10;
	v11 =	vadd.s32 v15, v22;
	v9 =	vmovc v4;
	(pc) =	sbr.rel @p0 .LBB2_87-.Ltmp52, $4  }
0x4ec: {  	v15 =	vshra.s32 v14, $0x18;
	v10 =	vnsel vm4, $0x0, v14;
	vm4 =	vgt.s32 v6, $0x0  }
0x4ed: {  	v14 =	vadd.s32 $0x80, v15;
	v15 =	vshra.s32 v6, $0x18;
	v22 =	vshra.s32 v7, $0x18  }
0x4ee: {  	v15 =	vadd.s32 $0x80, v15;
	v17 =	vshra.s32 v8, $0x18;
	[tilespmem:v20+s13+$0x0] =	vst.idx.msk vm2, v16;
	vm2 =	veq.s32 v14, v5  }
0x4ef: {  	v16 =	vadd.s32 $0x80, v22;
	v18 =	vmpcnt.ones.xlane vm2;
	[tilespmem:v21+s13+$0x0] =	vst.idx.msk vm3, v19;
	vm3 =	veq.s32 v15, v5  }
0x4f0: {  	v19 =	vmpcnt.ones.xlane vm3  }
0x4f1: {  	vm5 =	veq.s32 v16, v5;
	v17 =	vadd.s32 $0x80, v17;
	v20 =	vsel vm2, $0x1, v1  }
0x4f2: {  	v18 =	vadd.s32 v4, v18;
	v4 =	vmpcnt.ones.xlane vm5;
	vm6 =	veq.s32 v17, v5  }
0x4f3: {  	v22 =	vsel vm3, $0x1, v1;
	(xrf0) =	vadd.scan.msk.s32 $0xffff, v20;
	v19 =	vadd.s32 v18, v19;
	v21 =	vmpcnt.ones.xlane vm6  }
0x4f4: {  	v51 =	vsel vm5, $0x1, v1;
	(xrf0) =	vadd.scan.msk.s32 $0xffff, v22;
	v23 =	vadd.s32 v19, v4  }
0x4f5: {  	v52 =	vsel vm6, $0x1, v1;
	(xrf0) =	vadd.scan.msk.s32 $0xffff, v51;
	v4 =	vadd.s32 v23, v21  }
0x4f6: {  	(xrf0) =	vadd.scan.msk.s32 $0xffff, v52;
	v53 =	vxor.u32 $0x80000000, v4  }
0x4f7: {  	(xrf0) =	vmax.scan.msk.u32 $0xffff, v53;
	_ =	sdelay $0x1  }
0x4f8: {  	v54, _, _ =	vpop (xrf0)  }
0x4f9: {  	v55, _, _ =	vpop (xrf0)  }
0x4fa: {  	v56, _, _ =	vpop (xrf0)  }
0x4fb: {  	v24, _, _ =	vpop (xrf0)  }
0x4fc: {  	v25, _, _ =	vpop (xrf0)  }
0x4fd: {  	(v2sf) =	vpush v25, $0xF;
	_ =	sdelay $0xe  }
0x4fe: {  	s0 =	spop (v2sf)  }
0x4ff: {  	s0 =	sadd.s32 $0x8000000F, s0  }
0x500: {  	s1 =	sadd.s32 $0x30, s1;
	s25 =	sand.u32 $0xF, s0  }
0x501: {  	vm7 =	vgt.s32 v14, v5;
	s28 =	sshra.s32 s0, $0x1F;
	p1 =	slt.s32 s0, $0x1;
	p0 =	sne.s32 s25, $0x0  }
0x502: {  	vm8 =	vgt.s32 v15, v5;
	vm9 =	vgt.s32 v16, v5;
	v57 =	vor.u32 s1, v0;
	s1 =	sshrl.u32 s28, $0x1C;
	p0 =	por !p1, !p0  }
0x503: {  	v6 =	vnsel vm4, $0x0, v6;
	vm13 =	vgt.s32 v7, $0x0;
	vm1 =	vmmov vm1;
	s0 =	sadd.s32 s1, s0;
	s1 =	simm.s32 $0x1;
	p0 =	por !p0, !p0  }
0x504: {  	vm14 =	vgt.s32 v8, $0x0;
	vm10 =	vgt.s32 v17, v5;
	v5 =	vadd.s32 $0xFFFFFFFF, v11;
	s0 =	sshra.s32 s0, $0x4;
	s1 =	simm.s32 @!p0 $0x0  }
0x505: {  	s3 =	sadd.s32 $0x40, s24;
	[tilespmem:v13+s13+$0x0] =	vst.idx.msk vm0, v12;
	s4 =	sadd.s32 $0x40, s23;
	v7 =	vnsel vm13, $0x0, v7;
	v10 =	vnsel vm7, $0x0, v10;
	v9 =	vadd.s32 v54, v9;
	s23 =	ssub.s32 s0, s1  }
0x506: {  	v6 =	vnsel vm8, $0x0, v6;
	[tilespmem:s3+$0xFFFFFFE0] =	vst v10;
	v9 =	vadd.s32 $0xFFFFFFFF, v9;
	v58 =	vadd.s32 v55, v18;
	s1 =	sshrl.u32 s23, $0x1E  }
0x507: {  	v7 =	vnsel vm9, $0x0, v7;
	[tilespmem:s3+$0xFFFFFFF0] =	vst v6;
	v6 =	vadd.s32 $0xFFFFFFFF, v58;
	v59 =	vadd.s32 v56, v19;
	s1 =	sadd.s32 s1, s23  }
0x508: {  	v8 =	vnsel vm14, $0x0, v8;
	[tilespmem:s3+$0x0] =	vst v7;
	v7 =	vadd.s32 $0xFFFFFFFF, v59;
	v60 =	vadd.s32 v24, v23;
	s24 =	sand.u32 $0xFFFFFFFC, s1  }
0x509: {  	v8 =	vnsel vm10, $0x0, v8;
	[tilespmem:v5+s13+$0x0] =	vst.idx.msk vm1, v57;
	v5 =	vadd.s32 $0xFFFFFFFF, v60;
	p0 =	slt.s32 s24, $0x1  }
.Ltmp53:
0x50a: {  	s29 =	sadd.s32 $0x10, s4;
	v61 =	vor.u32 s4, v0;
	[tilespmem:s3+$0x10] =	vst v8;
	(pc) =	sbr.rel @p0 .LBB2_91-.Ltmp53, $4  }
0x50b: {  	s30 =	sadd.s32 $0x20, s4;
	v62 =	vor.u32 s29, v0;
	[tilespmem:v9+s13+$0x0] =	vst.idx.msk vm2, v61  }
0x50c: {  	s31 =	sadd.s32 $0x30, s4;
	v63 =	vor.u32 s30, v0;
	[tilespmem:v6+s13+$0x0] =	vst.idx.msk vm3, v62  }
0x50d: {  	v6 =	vor.u32 s31, v0;
	[tilespmem:v7+s13+$0x0] =	vst.idx.msk vm5, v63  }
0x50e: {  	vm15 =	vmmov vm6;
	[tilespmem:v5+s13+$0x0] =	vst.idx.msk vm6, v6  }
0x50f: {  	s0 =	simm.s32 $0x9020  }
0x510: {  	s3 =	simm.s32 $0x30;
	v5 =	vld [tilespmem:s0+$0x10]  }
0x511: {  	s30 =	simm.s32 $0x10;
	v6 =	vor.u32 s3, v0;
	v7 =	vld [tilespmem:s0+$0xFFFFFFF0]  }
0x512: {  	s1 =	simm.s32 $0x0;
	v8 =	vor.u32 s30, v0;
	vm1 =	vlt.s32 v6, v4;
	v6 =	vld [tilespmem:s0+$0xFFFFFFE0]  }
0x513: {  	v9 =	vor.u32 s1, v0;
	vm0 =	vlt.s32 v8, v4  }
0x514: {  	vm4 =	vlt.s32 v9, v4  }
0x515: {  	p2 =	sgt.s32 s24, $0x4  }
.Ltmp54:
0x516: {  	_ = 	snop;
	(pc) =	sbr.rel @!p2 .LBB2_90-.Ltmp54, $4  }
0x517: {  	s31 =	simm.s32 $0x20;
	v10 =	vld [tilespmem:s0+$0x0]  }
0x518: {  	v9 =	vor.u32 s31, v0;
	v8 =	vld.idx.msk [tilespmem:v5+s10+$0x0], vm1  }
0x519: {  	vm5 =	vlt.s32 v9, v4;
	vm3 =	vmmov vm4;
	v7 =	vld.idx.msk [tilespmem:v7+s10+$0x0], vm0  }
0x51a: {  	p1 =	por $0x0, $0x0;
	s1 =	simm.s32 $0x40;
	s0 =	simm.s32 $0x9060;
	vm2 =	vmmov vm0;
	vm0 =	vmmov vm5;
	vm1 =	vmmov vm1;
	v9 =	vld.idx.msk [tilespmem:v6+s10+$0x0], vm4  }
0x51b: {  	s3 =	simm.s32 $0x70;
	v6 =	vld [tilespmem:s0+$0x10]  }
0x51c: {  	v12 =	vld [tilespmem:s0+$0xFFFFFFE0];
	v5 =	vor.u32 s3, v0  }
0x51d: {  	s30 =	simm.s32 $0x50;
	v11 =	vld [tilespmem:s0+$0xFFFFFFF0];
	v13 =	vor.u32 s1, v0;
	vm7 =	vlt.s32 v5, v4  }
0x51e: {  	vm9 =	vlt.s32 v13, v4;
	v5 =	vshrl.u32 v8, $0xC;
	v8 =	vor.u32 s30, v0  }
0x51f: {  	vm8 =	vlt.s32 v8, v4  }
0x520: {  	s31 =	simm.s32 $0x60;
	v63 =	vld.idx.msk [tilespmem:v10+s10+$0x0], vm0;
	v5 =	vand.u32 $0xFF0, v5  }
0x521: {  	vm4 =	vmmov vm3;
	p2 =	sgt.s32 s24, $0x8;
	v14 =	vor.u32 v0, v5;
	v5 =	vor.u32 s31, v0  }
.Ltmp55:
0x522: {  	vm5 =	vmmov vm2;
	v10 =	vld [tilespmem:s0+$0x0];
	vm10 =	vlt.s32 v5, v4;
	v5 =	vshrl.u32 v9, $0xC;
	(pc) =	sbr.rel @!p2 .LBB2_106-.Ltmp55, $4  }
0x523: {  	vm6 =	vmmov vm0;
	v7 =	vshrl.u32 v7, $0xC;
	v9 =	vand.u32 $0xFF0, v5;
	v8 =	vld.idx.msk [tilespmem:v6+s10+$0x0], vm7  }
0x524: {  	vm3 =	vmmov vm9;
	v7 =	vand.u32 $0xFF0, v7;
	v6 =	vor.u32 v0, v9;
	v9 =	vld.idx.msk [tilespmem:v12+s10+$0x0], vm9  }
0x525: {  	s1 =	simm.s32 $0x80;
	v5 =	vor.u32 v0, v7;
	vm0 =	vmmov vm10;
	v7 =	vld.idx.msk [tilespmem:v11+s10+$0x0], vm8;
	v11 =	vshrl.u32 v63, $0xC  }
0x526: {  	p1 =	por $0x1, $0x1;
	s0 =	simm.s32 $0x8;
	s3 =	simm.s32 $0x90A0;
	vm2 =	vmmov vm8;
	[tilespmem:v14+s12+$0x0] =	vst.idx.add.s32.msk vm1, v3;
	vm1 =	vmmov vm7;
	v11 =	vand.u32 $0xFF0, v11  }
.LBB2_105:
0x527: {  	v12 =	vor.u32 s1, v0;
	s4 =	sadd.s32 $0x10, s1;
	s5 =	sadd.s32 $0x30, s1;
	v13 =	vld [tilespmem:s3+$0x10];
	s0 =	sadd.s32 $0x4, s0;
	v11 =	vor.u32 v0, v11  }
0x528: {  	vm7 =	vlt.s32 v12, v4;
	v12 =	vld [tilespmem:s3+$0xFFFFFFF0];
	v14 =	vor.u32 s4, v0;
	s4 =	sadd.s32 $0x20, s1;
	v15 =	vor.u32 s5, v0;
	p2 =	slt.s32 s0, s24  }
0x529: {  	v8 =	vshrl.u32 v8, $0xC;
	v16 =	vld [tilespmem:s3+$0x0];
	v17 =	vor.u32 s4, v0;
	vm8 =	vlt.s32 v15, v4  }
0x52a: {  	vm9 =	vlt.s32 v14, v4;
	v8 =	vand.u32 $0xFF0, v8;
	v15 =	vld [tilespmem:s3+$0xFFFFFFE0];
	vm10 =	vlt.s32 v17, v4  }
0x52b: {  	v7 =	vshrl.u32 v7, $0xC;
	v17 =	vor.u32 v0, v8;
	v14 =	vld.idx.msk [tilespmem:v10+s10+$0x0], vm0  }
0x52c: {  	v8 =	vshrl.u32 v9, $0xC;
	v7 =	vand.u32 $0xFF0, v7;
	[tilespmem:v6+s12+$0x0] =	vst.idx.add.s32.msk vm4, v3;
	vm4 =	vmmov vm3  }
0x52d: {  	v6 =	vand.u32 $0xFF0, v8;
	vm3 =	vmmov vm7;
	[tilespmem:v5+s12+$0x0] =	vst.idx.add.s32.msk vm5, v3;
	v5 =	vor.u32 v0, v7  }
.Ltmp56:
0x52e: {  	v6 =	vor.u32 v0, v6;
	vm5 =	vmmov vm2;
	vm2 =	vmmov vm9;
	[tilespmem:v11+s12+$0x0] =	vst.idx.add.s32.msk vm6, v3;
	v10 =	vmovc v16;
	(pc) =	sbr.rel @p2 .LBB2_105-.Ltmp56, $4  }
0x52f: {  	vm6 =	vmmov vm0;
	vm0 =	vmmov vm10;
	v8 =	vld.idx.msk [tilespmem:v13+s10+$0x0], vm8  }
0x530: {  	[tilespmem:v17+s12+$0x0] =	vst.idx.add.s32.msk vm1, v3;
	vm1 =	vmmov vm8  }
0x531: {  	v11 =	vshrl.u32 v14, $0xC;
	v7 =	vld.idx.msk [tilespmem:v12+s10+$0x0], vm9  }
0x532: {  	s1 =	sadd.s32 $0x40, s1;
	s3 =	sadd.s32 $0x40, s3;
	v11 =	vand.u32 $0xFF0, v11;
	v9 =	vld.idx.msk [tilespmem:v15+s10+$0x0], vm7  }
.LBB2_106:
0x533: {  	_ =	sdelay $0x4  }
0x534: {  	v10 =	vld.idx.msk [tilespmem:v10+s10+$0x0], vm0;
	_ =	sdelay $0x1  }
0x535: {  	v11 =	vor.u32 @p1 v0, v11;
	vm3 =	vmmov vm3;
	v8 =	vshrl.u32 v8, $0xC  }
0x536: {  	vm2 =	vmmov vm2;
	v8 =	vand.u32 $0xFF0, v8;
	v7 =	vshrl.u32 v7, $0xC  }
0x537: {  	v8 =	vor.u32 v0, v8;
	v9 =	vshrl.u32 v9, $0xC;
	v7 =	vand.u32 $0xFF0, v7  }
0x538: {  	[tilespmem:v6+s12+$0x0] =	vst.idx.add.s32.msk @p1 vm4, v3;
	v9 =	vand.u32 $0xFF0, v9;
	v10 =	vshrl.u32 v10, $0xC;
	v6 =	vor.u32 v0, v7  }
0x539: {  	vm15 =	vmmov vm0;
	v9 =	vor.u32 v0, v9;
	v7 =	vand.u32 $0xFF0, v10  }
0x53a: {  	[tilespmem:v5+s12+$0x0] =	vst.idx.add.s32.msk @p1 vm5, v3;
	v5 =	vor.u32 v0, v7  }
0x53b: {  	[tilespmem:v11+s12+$0x0] =	vst.idx.add.s32.msk @p1 vm6, v3  }
0x53c: {  	[tilespmem:v8+s12+$0x0] =	vst.idx.add.s32.msk vm1, v3  }
0x53d: {  	[tilespmem:v6+s12+$0x0] =	vst.idx.add.s32.msk vm2, v3  }
0x53e: {  	[tilespmem:v9+s12+$0x0] =	vst.idx.add.s32.msk vm3, v3  }
0x53f: {  	[tilespmem:v5+s12+$0x0] =	vst.idx.add.s32.msk vm15, v3  }
.LBB2_91:
0x540: {  	s28 =	ssub.s32 s23, s24  }
0x541: {  	p1 =	sgt.s32 s28, $0x0  }
.Ltmp57:
0x542: {  	_ = 	snop;
	(pc) =	sbr.rel @!p1 .LBB2_92-.Ltmp57, $3  }
0x543: {  	_ =	sdelay $0x1  }
0x544: {  	s0 =	sshll.u32 s24, $0x6  }
0x545: {  	s25 =	sshll.u32 s24, $0x4;
	s29 =	sshra.s32 s0, $0x2  }
0x546: {  	s0 =	sadd.s32 $0x9000, s29;
	s1 =	sshll.u32 s24, $0x4;
	s3 =	smov.u32 s24  }
.LBB2_108:
0x547: {  	v5 =	vld [tilespmem:s0+$0x0]  }
0x548: {  	v6 =	vor.u32 s1, v0  }
0x549: {  	vm0 =	vlt.s32 v6, v4;
	_ =	sdelay $0x5  }
0x54a: {  	v5 =	vld.idx.msk [tilespmem:v5+s10+$0x0], vm0;
	_ =	sdelay $0x4  }
0x54b: {  	v5 =	vshrl.u32 v5, $0xC  }
0x54c: {  	s3 =	sadd.s32 $0x1, s3;
	v5 =	vand.u32 $0xFF0, v5  }
0x54d: {  	p1 =	slt.s32 s3, s23;
	v5 =	vor.u32 v0, v5  }
.Ltmp58:
0x54e: {  	_ = 	snop;
	(pc) =	sbr.rel @p1 .LBB2_108-.Ltmp58, $2  }
0x54f: {  	_ =	sdelay $0x2  }
0x550: {  	s0 =	sadd.s32 $0x10, s0;
	s1 =	sadd.s32 $0x10, s1;
	[tilespmem:v5+s12+$0x0] =	vst.idx.add.s32.msk vm0, v3  }
.LBB2_92:
0x551: {  	s0 =	simm.s32 $0x8FF0  }
0x552: {  	v5 =	vld [tilespmem:s0+$0xFFFFFF10]  }
0x553: {  	v6 =	vld [tilespmem:s0+$0xFFFFFF20]  }
0x554: {  	v7 =	vld [tilespmem:s0+$0xFFFFFF30]  }
0x555: {  	v8 =	vld [tilespmem:s0+$0xFFFFFF40]  }
0x556: {  	v9 =	vld [tilespmem:s0+$0xFFFFFF50]  }
0x557: {  	s19 =	simm.s32 $0x8EF0;
	v10 =	vld [tilespmem:s0+$0xFFFFFF60]  }
0x558: {  	v11 =	vld [tilespmem:s19+$0xFFFFFF10]  }
0x559: {  	v12 =	vld [tilespmem:s19+$0xFFFFFF80]  }
0x55a: {  	v5 =	vadd.s32 v5, v6;
	v6 =	vld [tilespmem:s0+$0xFFFFFF70]  }
0x55b: {  	v5 =	vadd.s32 v7, v5;
	v7 =	vld [tilespmem:s0+$0xFFFFFF80]  }
0x55c: {  	v5 =	vadd.s32 v8, v5;
	v8 =	vld [tilespmem:s0+$0xFFFFFF90]  }
0x55d: {  	v5 =	vadd.s32 v9, v5;
	v9 =	vld [tilespmem:s0+$0xFFFFFFA0]  }
0x55e: {  	v5 =	vadd.s32 v10, v5;
	v10 =	vld [tilespmem:s0+$0xFFFFFFB0]  }
0x55f: {  	v5 =	vadd.s32 v6, v5;
	v6 =	vld [tilespmem:s0+$0xFFFFFFC0]  }
0x560: {  	v5 =	vadd.s32 v7, v5;
	v7 =	vld [tilespmem:s0+$0xFFFFFFD0]  }
0x561: {  	v5 =	vadd.s32 v8, v5;
	v8 =	vld [tilespmem:s0+$0xFFFFFFE0]  }
0x562: {  	v5 =	vadd.s32 v9, v5;
	v9 =	vld [tilespmem:s0+$0xFFFFFFF0]  }
0x563: {  	v5 =	vadd.s32 v10, v5;
	v10 =	vld [tilespmem:s0+$0x0]  }
0x564: {  	v13 =	vld [tilespmem:s19+$0xFFFFFF90];
	v5 =	vadd.s32 v6, v5  }
0x565: {  	v6 =	vld [tilespmem:s19+$0xFFFFFF20];
	v5 =	vadd.s32 v7, v5  }
0x566: {  	v7 =	vld [tilespmem:s19+$0xFFFFFF30];
	v5 =	vadd.s32 v8, v5  }
0x567: {  	v8 =	vld [tilespmem:s19+$0xFFFFFF40];
	v5 =	vadd.s32 v9, v5  }
0x568: {  	v9 =	vld [tilespmem:s19+$0xFFFFFF50];
	v5 =	vadd.s32 v10, v5  }
0x569: {  	v10 =	vld [tilespmem:s19+$0xFFFFFF60];
	(xrf0) =	vadd.scan.msk.s32 $0xffff, v5  }
0x56a: {  	v5 =	vld [tilespmem:s19+$0xFFFFFF70];
	v6 =	vadd.s32 v11, v6  }
0x56b: {  	v14 =	vld [tilespmem:s19+$0xFFFFFFA0];
	v6 =	vadd.s32 v7, v6  }
0x56c: {  	s3 =	simm.s32 $0x8DF0;
	v15 =	vld [tilespmem:s19+$0xFFFFFFB0];
	v6 =	vadd.s32 v8, v6  }
0x56d: {  	v59 =	vld [tilespmem:s3+$0xFFFFFF20];
	v6 =	vadd.s32 v9, v6  }
0x56e: {  	v11 =	vld [tilespmem:s19+$0xFFFFFFC0];
	v6 =	vadd.s32 v10, v6  }
0x56f: {  	v7 =	vld [tilespmem:s19+$0xFFFFFFD0];
	v5 =	vadd.s32 v5, v6;
	v16, _, _ =	vpop (xrf0)  }
0x570: {  	v8 =	vld [tilespmem:s19+$0xFFFFFFE0];
	v5 =	vadd.s32 v12, v5;
	(v2sf) =	vpush v16, $0xF  }
0x571: {  	v9 =	vld [tilespmem:s19+$0xFFFFFFF0];
	v5 =	vadd.s32 v13, v5  }
0x572: {  	v10 =	vld [tilespmem:s19+$0x0];
	v5 =	vadd.s32 v14, v5  }
0x573: {  	v6 =	vld [tilespmem:s3+$0xFFFFFF10];
	v5 =	vadd.s32 v15, v5  }
0x574: {  	v60 =	vld [tilespmem:s3+$0xFFFFFF30];
	v5 =	vadd.s32 v11, v5  }
0x575: {  	v61 =	vld [tilespmem:s3+$0xFFFFFF40];
	v5 =	vadd.s32 v7, v5  }
0x576: {  	v62 =	vld [tilespmem:s3+$0xFFFFFF50];
	v5 =	vadd.s32 v8, v5  }
0x577: {  	v11 =	vld [tilespmem:s3+$0xFFFFFF60];
	v5 =	vadd.s32 v9, v5  }
0x578: {  	v6 =	vadd.s32 v6, v59;
	v7 =	vld [tilespmem:s3+$0xFFFFFF70];
	v5 =	vadd.s32 v10, v5  }
0x579: {  	v6 =	vadd.s32 v60, v6;
	v8 =	vld [tilespmem:s3+$0xFFFFFF80];
	(xrf0) =	vadd.scan.msk.s32 $0xffff, v5  }
0x57a: {  	v6 =	vadd.s32 v61, v6;
	v9 =	vld [tilespmem:s3+$0xFFFFFF90]  }
0x57b: {  	v6 =	vadd.s32 v62, v6  }
0x57c: {  	v5 =	vadd.s32 v11, v6  }
0x57d: {  	v10 =	vld [tilespmem:s3+$0xFFFFFFA0];
	v5 =	vadd.s32 v7, v5  }
0x57e: {  	v6 =	vld [tilespmem:s3+$0xFFFFFFB0];
	v5 =	vadd.s32 v8, v5  }
0x57f: {  	s26 =	ssub.s32 $0x100, s26;
	s30 =	simm.s32 $0x0;
	v11 =	vld [tilespmem:s3+$0xFFFFFFC0];
	v7 =	vadd.s32 v9, v5;
	v9, _, _ =	vpop (xrf0);
	s7 =	spop (v2sf)  }
0x580: {  	s31 =	simm.s32 $0xF;
	s4 =	simm.s32 $0xD;
	v63 =	vld [tilespmem:s3+$0xFFFFFFD0];
	(v2sf) =	vpush v9, $0xF;
	s1 =	sadd.s32 $0x0, s7  }
0x581: {  	p1 =	por $0x1, $0x1;
	s6 =	simm.s32 $0x8CF0;
	v5 =	vld [tilespmem:s3+$0xFFFFFFE0];
	p2 =	sge.s32 s1, s26  }
0x582: {  	s5 =	simm.s32 $0x0;
	s11 =	simm.s32 $0xB;
	v8 =	vadd.s32 v10, v7;
	v7 =	vld [tilespmem:s3+$0xFFFFFFF0];
	p1 =	por !p1, !p2  }
0x583: {  	s0 =	simm.s32 $0xE;
	v8 =	vadd.s32 v6, v8;
	v6 =	vld [tilespmem:s3+$0x0];
	s3 =	simm.s32 $0x0;
	p1 =	por !p1, !p1  }
0x584: {  	v10 =	vadd.s32 v11, v8;
	v8 =	vld [tilespmem:s6+$0xFFFFFF10];
	s3 =	smov.u32 @p1 s31;
	s5 =	simm.s32 @p1 $0x1;
	s31 =	simm.s32 $0x0  }
0x585: {  	v9 =	vld [tilespmem:s6+$0xFFFFFF20];
	v10 =	vadd.s32 v63, v10;
	s1 =	simm.s32 $0xC;
	s31 =	smov.u32 @p1 s31;
	p2 =	seq.s32 s5, $0x0  }
.LBB2_93:
0x586: {  	p1 =	seq.s32 s11, $0x0;
	v11 =	vld [tilespmem:s6+$0xFFFFFF30];
	v5 =	vadd.s32 v5, v10;
	s7 =	simm.s32 @!p2 $0x0;
	s17 =	smov.u32 s4  }
0x587: {  	s4 =	smov.u32 s1;
	s1 =	smov.u32 s11;
	v10 =	vld [tilespmem:s6+$0xFFFFFF40];
	v5 =	vadd.s32 v7, v5;
	s30 =	sadd.s32 s30, s7  }
0x588: {  	v7 =	vld [tilespmem:s6+$0xFFFFFF50];
	v5 =	vadd.s32 v6, v5  }
0x589: {  	v6 =	vld [tilespmem:s6+$0xFFFFFF60];
	(xrf0) =	vadd.scan.msk.s32 $0xffff, v5  }
0x58a: {  	v5 =	vadd.s32 v8, v9;
	v8 =	vld [tilespmem:s6+$0xFFFFFF70]  }
0x58b: {  	v5 =	vadd.s32 v11, v5;
	v9 =	vld [tilespmem:s6+$0xFFFFFF80]  }
0x58c: {  	v5 =	vadd.s32 v10, v5;
	v10 =	vld [tilespmem:s6+$0xFFFFFF90]  }
0x58d: {  	v5 =	vadd.s32 v7, v5;
	v7 =	vld [tilespmem:s6+$0xFFFFFFA0]  }
0x58e: {  	v5 =	vadd.s32 v6, v5;
	v6 =	vld [tilespmem:s6+$0xFFFFFFB0]  }
0x58f: {  	v5 =	vadd.s32 v8, v5;
	v11 =	vld [tilespmem:s6+$0xFFFFFFC0];
	v8, _, _ =	vpop (xrf0);
	s7 =	spop (v2sf)  }
0x590: {  	v5 =	vadd.s32 v9, v5;
	v12 =	vld [tilespmem:s6+$0xFFFFFFD0];
	(v2sf) =	vpush v8, $0xF;
	s19 =	sadd.s32 s30, s7  }
.Ltmp59:
0x591: {  	p2 =	seq.s32 s5, $0x0;
	v8 =	vadd.s32 v10, v5;
	v5 =	vld [tilespmem:s6+$0xFFFFFFE0];
	p3 =	sge.s32 s19, s26;
	(pc) =	sbr.rel @!p1 .LBB2_93-.Ltmp59, $4  }
0x592: {  	v8 =	vadd.s32 v7, v8;
	v7 =	vld [tilespmem:s6+$0xFFFFFFF0];
	p2 =	por !p2, !p3  }
0x593: {  	v9 =	vadd.s32 v6, v8;
	v6 =	vld [tilespmem:s6+$0x0];
	s6 =	sadd.s32 $0xFFFFFF00, s6;
	p2 =	por !p2, !p2  }
0x594: {  	v8 =	vld [tilespmem:s6+$0xFFFFFF10];
	v10 =	vadd.s32 v11, v9;
	s3 =	smov.u32 @p2 s0;
	s5 =	simm.s32 @p2 $0x1;
	s0 =	smov.u32 s17  }
0x595: {  	s11 =	sadd.s32 $0xFFFFFFFF, s11;
	s31 =	smov.u32 @p2 s30;
	v9 =	vld [tilespmem:s6+$0xFFFFFF20];
	v10 =	vadd.s32 v12, v10;
	p2 =	seq.s32 s5, $0x0  }
0x596: {  	v11 =	vld [tilespmem:s6+$0xFFFFFF30]  }
0x597: {  	v12 =	vld [tilespmem:s6+$0xFFFFFF40]  }
0x598: {  	v13 =	vld [tilespmem:s6+$0xFFFFFF50]  }
0x599: {  	v14 =	vld [tilespmem:s6+$0xFFFFFF60]  }
0x59a: {  	v56 =	vld [tilespmem:s6+$0xFFFFFF70];
	v8 =	vadd.s32 v8, v9  }
0x59b: {  	v57 =	vld [tilespmem:s6+$0xFFFFFF80];
	v8 =	vadd.s32 v11, v8  }
0x59c: {  	v58 =	vld [tilespmem:s6+$0xFFFFFF90];
	v8 =	vadd.s32 v12, v8  }
0x59d: {  	v59 =	vld [tilespmem:s6+$0xFFFFFFA0];
	v8 =	vadd.s32 v13, v8  }
0x59e: {  	v5 =	vadd.s32 v5, v10;
	v60 =	vld [tilespmem:s6+$0xFFFFFFB0];
	v8 =	vadd.s32 v14, v8  }
0x59f: {  	v61 =	vld [tilespmem:s6+$0xFFFFFFC0];
	v5 =	vadd.s32 v7, v5;
	v7 =	vadd.s32 v56, v8  }
0x5a0: {  	v5 =	vadd.s32 v6, v5;
	v6 =	vadd.s32 v57, v7;
	v7 =	vld [tilespmem:s6+$0xFFFFFFD0]  }
0x5a1: {  	(xrf0) =	vadd.scan.msk.s32 $0xffff, v5;
	v5 =	vadd.s32 v58, v6;
	v6 =	vld [tilespmem:s6+$0xFFFFFFE0]  }
0x5a2: {  	v62 =	vld [tilespmem:s6+$0xFFFFFFF0];
	v5 =	vadd.s32 v59, v5  }
0x5a3: {  	v63 =	vld [tilespmem:s6+$0x0];
	v5 =	vadd.s32 v60, v5  }
0x5a4: {  	v5 =	vadd.s32 v61, v5  }
0x5a5: {  	v5 =	vadd.s32 v7, v5  }
0x5a6: {  	v5 =	vadd.s32 v6, v5  }
0x5a7: {  	v6, _, _ =	vpop (xrf0);
	v5 =	vadd.s32 v62, v5  }
0x5a8: {  	(v2sf) =	vpush v6, $0xF;
	v5 =	vadd.s32 v63, v5  }
0x5a9: {  	(xrf0) =	vadd.scan.msk.s32 $0xffff, v5;
	_ =	sdelay $0x4  }
0x5aa: {  	s7 =	simm.s32 @!p2 $0x0  }
0x5ab: {  	s6 =	sadd.s32 s30, s7;
	s7 =	spop (v2sf);
	v5, _, _ =	vpop (xrf0)  }
0x5ac: {  	s11 =	sadd.s32 s6, s7;
	(v2sf) =	vpush v5, $0xF  }
0x5ad: {  	p1 =	sge.s32 s11, s26  }
0x5ae: {  	p1 =	por !p2, !p1  }
0x5af: {  	p1 =	por !p1, !p1  }
0x5b0: {  	s5 =	simm.s32 @p1 $0x1  }
0x5b1: {  	p2 =	seq.s32 s5, $0x0  }
0x5b2: {  	s7 =	simm.s32 @!p2 $0x0  }
0x5b3: {  	s7 =	sadd.s32 s6, s7;
	s11 =	spop (v2sf)  }
0x5b4: {  	s17 =	sadd.s32 s7, s11  }
0x5b5: {  	p3 =	sge.s32 s17, s26  }
0x5b6: {  	p2 =	por !p2, !p3  }
0x5b7: {  	p2 =	por !p2, !p2  }
0x5b8: {  	s5 =	simm.s32 @p2 $0x1  }
0x5b9: {  	p3 =	seq.s32 s5, $0x0  }
0x5ba: {  	s11 =	simm.s32 @!p3 $0x0  }
0x5bb: {  	s5 =	sadd.s32 s7, s11;
	s19 =	spop (v2sf)  }
0x5bc: {  	s11 =	sadd.s32 s5, s19  }
0x5bd: {  	p4 =	sge.s32 s11, s26  }
0x5be: {  	s3 =	smov.u32 @p1 s0;
	p3 =	por !p3, !p4  }
0x5bf: {  	s31 =	smov.u32 @p1 s6;
	s3 =	smov.u32 @p2 s4;
	p1 =	por !p3, !p3  }
0x5c0: {  	s3 =	smov.u32 @p1 s1  }
0x5c1: {  	s17 =	sshll.u32 s3, $0xA  }
0x5c2: {  	s0 =	sshra.s32 s17, $0x2  }
0x5c3: {  	s19 =	sadd.s32 $0x8000, s0  }
0x5c4: {  	v5 =	vmov s19;
	_ =	sdelay $0x2  }
0x5c5: {  	s31 =	smov.u32 @p2 s7  }
0x5c6: {  	s31 =	smov.u32 @p1 s5;
	s5 =	simm.s32 $0xF0  }
0x5c7: {  	v6 =	vld.idx.msk [tilespmem:v5+s5+$0x0 ss:$0x1], $0xffff;
	_ =	sdelay $0x4  }
0x5c8: {  	s6 =	simm.s32 $0xE0;
	(xrf0) =	vadd.scan.msk.s32 $0xffff, v6  }
0x5c9: {  	v6 =	vld.idx.msk [tilespmem:v5+s6+$0x0 ss:$0x1], $0xffff;
	_ =	sdelay $0x4  }
0x5ca: {  	v7, _, _ =	vpop (xrf0);
	(xrf0) =	vadd.scan.msk.s32 $0xffff, v6;
	_ =	sdelay $0x2  }
0x5cb: {  	(v2sf) =	vpush v7, $0xF;
	_ =	sdelay $0x2  }
0x5cc: {  	s7 =	simm.s32 $0xD0;
	v6, _, _ =	vpop (xrf0)  }
0x5cd: {  	(v2sf) =	vpush v6, $0xF;
	v6 =	vld.idx.msk [tilespmem:v5+s7+$0x0 ss:$0x1], $0xffff;
	_ =	sdelay $0x1  }
0x5ce: {  	s11 =	simm.s32 $0xC0  }
0x5cf: {  	v7 =	vld.idx.msk [tilespmem:v5+s11+$0x0 ss:$0x1], $0xffff;
	_ =	sdelay $0x1  }
0x5d0: {  	(xrf0) =	vadd.scan.msk.s32 $0xffff, v6;
	_ =	sdelay $0x2  }
0x5d1: {  	(xrf0) =	vadd.scan.msk.s32 $0xffff, v7;
	_ =	sdelay $0x2  }
0x5d2: {  	s1 =	sshllo.u32 s3, $0x4;
	s3 =	spop (v2sf);
	v7, _, _ =	vpop (xrf0)  }
0x5d3: {  	s17 =	sadd.s32 s31, s3;
	(v2sf) =	vpush v7, $0xF  }
0x5d4: {  	p4 =	por $0x1, $0x1;
	p5 =	sge.s32 s17, s26  }
0x5d5: {  	s0 =	simm.s32 $0x0;
	p1 =	por !p4, !p5;
	v7, _, _ =	vpop (xrf0)  }
0x5d6: {  	s19 =	simm.s32 $0xB0;
	p2 =	por !p1, !p1;
	s4 =	spop (v2sf);
	(v2sf) =	vpush v7, $0xF  }
0x5d7: {  	v6 =	vld.idx.msk [tilespmem:v5+s19+$0x0 ss:$0x1], $0xffff;
	s0 =	simm.s32 @p2 $0x1  }
0x5d8: {  	p1 =	seq.s32 s0, $0x0  }
0x5d9: {  	s3 =	simm.s32 @!p1 $0x0  }
0x5da: {  	s3 =	sadd.s32 s31, s3  }
0x5db: {  	s31 =	sadd.s32 s3, s4  }
0x5dc: {  	s30 =	simm.s32 $0x0;
	s5 =	simm.s32 $0x240;
	(xrf0) =	vadd.scan.msk.s32 $0xffff, v6;
	p6 =	sge.s32 s31, s26  }
0x5dd: {  	s6 =	simm.s32 $0xA0;
	s30 =	smov.u32 @p2 s1;
	p2 =	por !p1, !p6  }
.LBB2_95:
0x5de: {  	p1 =	sne.s32 s5, $0x0;
	v6 =	vld.idx.msk [tilespmem:v5+s6+$0x0 ss:$0x1], $0xffff;
	p2 =	por !p2, !p2;
	s1 =	sadd.s32 $0xFFFFFFFF, s1  }
0x5df: {  	s30 =	smov.u32 @p2 s1;
	s0 =	simm.s32 @p2 $0x1  }
0x5e0: {  	s6 =	smov.u32 s4;
	p2 =	seq.s32 s0, $0x0  }
.Ltmp60:
0x5e1: {  	s6 =	simm.s32 @!p2 $0x0;
	(pc) =	sbr.rel @p1 .LBB2_95-.Ltmp60, $4  }
0x5e2: {  	v7, _, _ =	vpop (xrf0);
	s4 =	spop (v2sf);
	s3 =	sadd.s32 s3, s6  }
0x5e3: {  	(v2sf) =	vpush v7, $0xF;
	s6 =	sadd.s32 s3, s4  }
0x5e4: {  	(xrf0) =	vadd.scan.msk.s32 $0xffff, v6;
	p3 =	sge.s32 s6, s26  }
0x5e5: {  	s6 =	sshra.s32 s5, $0x2;
	s5 =	sadd.s32 $0xFFFFFFC0, s5;
	p2 =	por !p2, !p3  }
0x5e6: {  	_ =	sdelay $0x2  }
0x5e7: {  	p1 =	por !p2, !p2  }
0x5e8: {  	v5 =	vld.idx.msk [tilespmem:v5+s6+$0x0 ss:$0x1], $0xffff;
	s0 =	simm.s32 @p1 $0x1  }
0x5e9: {  	p2 =	seq.s32 s0, $0x0  }
0x5ea: {  	s4 =	simm.s32 @!p2 $0x0  }
0x5eb: {  	s5 =	spop (v2sf);
	v6, _, _ =	vpop (xrf0);
	s3 =	sadd.s32 s3, s4  }
0x5ec: {  	(v2sf) =	vpush v6, $0xF;
	s4 =	sadd.s32 s3, s5  }
0x5ed: {  	(xrf0) =	vadd.scan.msk.s32 $0xffff, v5;
	p3 =	sge.s32 s4, s26  }
0x5ee: {  	p2 =	por !p2, !p3  }
0x5ef: {  	p2 =	por !p2, !p2  }
0x5f0: {  	s0 =	simm.s32 @p2 $0x1  }
0x5f1: {  	p3 =	seq.s32 s0, $0x0  }
0x5f2: {  	s5 =	simm.s32 @!p3 $0x0  }
0x5f3: {  	v5, _, _ =	vpop (xrf0);
	s4 =	spop (v2sf);
	s3 =	sadd.s32 s3, s5  }
0x5f4: {  	(v2sf) =	vpush v5, $0xF;
	s5 =	sadd.s32 s3, s4  }
0x5f5: {  	p4 =	sge.s32 s5, s26  }
0x5f6: {  	p3 =	por !p3, !p4  }
0x5f7: {  	p3 =	por !p3, !p3  }
0x5f8: {  	s0 =	simm.s32 @p3 $0x1  }
0x5f9: {  	p4 =	seq.s32 s0, $0x0  }
0x5fa: {  	s4 =	simm.s32 @!p4 $0x0  }
0x5fb: {  	s5 =	spop (v2sf);
	s3 =	sadd.s32 s3, s4  }
0x5fc: {  	s4 =	sadd.s32 s3, s5  }
0x5fd: {  	p5 =	sge.s32 s4, s26  }
0x5fe: {  	p4 =	por !p4, !p5  }
0x5ff: {  	p4 =	por !p4, !p4  }
0x600: {  	s0 =	simm.s32 @p4 $0x1  }
0x601: {  	p5 =	seq.s32 s0, $0x0  }
0x602: {  	s5 =	simm.s32 @!p5 $0x0  }
0x603: {  	s4 =	spop (v2sf);
	s3 =	sadd.s32 s3, s5  }
0x604: {  	s1 =	sadd.s32 $0xFFFFFFFF, s1;
	s5 =	sadd.s32 s3, s4  }
0x605: {  	s30 =	smov.u32 @p1 s1;
	s1 =	sadd.s32 $0xFFFFFFFF, s1;
	p6 =	sge.s32 s5, s26  }
0x606: {  	s30 =	smov.u32 @p2 s1;
	p6 =	por !p5, !p6  }
.Ltmp61:
0x607: {  	s1 =	sadd.s32 $0xFFFFFFFF, s1;
	p1 =	por !p6, !p6;
	(pc) =	sbr.rel @p0 .LBB2_97-.Ltmp61, $4  }
0x608: {  	s30 =	smov.u32 @p3 s1;
	s1 =	sadd.s32 $0xFFFFFFFF, s1;
	s0 =	simm.s32 @p1 $0x1  }
0x609: {  	s30 =	smov.u32 @p4 s1;
	s1 =	sadd.s32 $0xFFFFFFFF, s1;
	p2 =	seq.s32 s0, $0x0  }
0x60a: {  	s30 =	smov.u32 @p1 s1;
	s4 =	simm.s32 @!p2 $0x0  }
0x60b: {  	v5 =	vmov s30;
	s31 =	sadd.s32 s3, s4  }
0x60c: {  	s0 =	simm.s32 $0x9020  }
0x60d: {  	s3 =	simm.s32 $0x20;
	v15 =	vld [tilespmem:s0+$0x0]  }
0x60e: {  	s1 =	simm.s32 $0x0;
	v6 =	vld [tilespmem:s0+$0xFFFFFFE0];
	v7 =	vor.u32 s3, v0  }
0x60f: {  	s17 =	simm.s32 $0x30;
	v8 =	vor.u32 s1, v0;
	v20 =	vld [tilespmem:s0+$0x10];
	vm2 =	vlt.s32 v7, v4  }
0x610: {  	s19 =	simm.s32 $0x10;
	v9 =	vor.u32 s17, v0;
	vm0 =	vlt.s32 v8, v4;
	v7 =	vld [tilespmem:s0+$0xFFFFFFF0]  }
0x611: {  	v8 =	vor.u32 s19, v0;
	vm13 =	vlt.s32 v9, v4  }
0x612: {  	vm1 =	vlt.s32 v8, v4;
	_ =	sdelay $0x2  }
0x613: {  	v24 =	vld.idx.msk [tilespmem:v15+s10+$0x0], vm2  }
0x614: {  	v9 =	vld.idx.msk [tilespmem:v6+s10+$0x0], vm0  }
0x615: {  	v23 =	vld.idx.msk [tilespmem:v20+s10+$0x0], vm13  }
0x616: {  	v8 =	vld.idx.msk [tilespmem:v7+s10+$0x0], vm1  }
0x617: {  	v27 =	vimm.s32 $0x0  }
0x618: {  	p1 =	sgt.s32 s24, $0x4;
	vm5 =	vmmov vm0;
	vm11 =	vmmov vm1;
	v10 =	vshrl.u32 v24, $0x10  }
.Ltmp62:
0x619: {  	vm6 =	vgt.s32 v24, $0x0;
	v11 =	vshrl.u32 v9, $0x10;
	v28 =	vand.u32 $0xFF, v10;
	(pc) =	sbr.rel @!p1 .LBB2_110-.Ltmp62, $4  }
0x61a: {  	v12 =	vshrl.u32 v23, $0x10;
	v10 =	vand.u32 $0xFF, v11;
	vm1 =	veq.s32 v28, v5  }
0x61b: {  	v11 =	vand.u32 $0xFF, v12;
	v12 =	vshrl.u32 v8, $0x10;
	vm14 =	vmand vm2, vm1  }
0x61c: {  	v26 =	vand.u32 $0xFF, v12;
	vm1 =	veq.s32 v11, v5;
	v12 =	vsel vm14, $0x1, v1  }
0x61d: {  	p0 =	por $0x0, $0x0;
	s1 =	simm.s32 $0x40;
	s0 =	simm.s32 $0x9060;
	vm12 =	vgt.s32 v11, v5;
	vm9 =	veq.s32 v26, v5;
	vm0 =	vmand vm13, vm1;
	(xrf0) =	vadd.scan.msk.s32 $0xffff, v12  }
0x61e: {  	v14 =	vor.u32 s1, v0  }
0x61f: {  	s19 =	simm.s32 $0x50;
	vm4 =	vgt.s32 v28, v5;
	vm10 =	vmand vm13, vm12;
	v18 =	vnsel vm6, $0x0, v24  }
0x620: {  	vm8 =	vgt.s32 v26, v5;
	vm6 =	vmmov vm5;
	v12 =	vor.u32 s19, v0  }
0x621: {  	s3 =	simm.s32 $0x60;
	s4 =	simm.s32 $0x70;
	vm1 =	vmand vm2, vm4;
	vm12 =	vlt.s32 v12, v4;
	v12 =	vimm.s32 $0x0  }
0x622: {  	v11 =	vld [tilespmem:s0+$0x0];
	v16 =	vor.u32 s3, v0;
	v17 =	vor.u32 s4, v0;
	v12 =	vsel vm1, $0xFFFFFFFF, v12  }
0x623: {  	v13 =	vld [tilespmem:s0+$0xFFFFFFE0];
	vm4 =	veq.s32 v10, v5;
	vm2 =	vmmov vm14;
	vm14 =	vgt.s32 v23, $0x0;
	[tilespmem:$0x1FFE0] =	vst v12  }
0x624: {  	vm7 =	vlt.s32 v16, v4;
	v16 =	vsel vm0, $0x1, v1;
	v28 =	vnsel vm14, $0x0, v23;
	v12 =	vld [tilespmem:s0+$0x10]  }
0x625: {  	vm13 =	vlt.s32 v14, v4;
	vm15 =	vmand vm5, vm4;
	(xrf0) =	vadd.scan.msk.s32 $0xffff, v16;
	v14 =	vld [tilespmem:s0+$0xFFFFFFF0];
	[tilespmem:v20+s18+$0x0] =	vst.idx.msk vm10, v28  }
0x626: {  	vm1 =	vmmov vm0;
	vm0 =	vlt.s32 v17, v4;
	v17 =	vsel vm15, $0x1, v1;
	v28 =	vld [tilespmem:$0x1FFE0]  }
0x627: {  	vm3 =	vmand vm11, vm9;
	v16 =	vmpcnt.ones.xlane vm15;
	(xrf0) =	vadd.scan.msk.s32 $0xffff, v17;
	v17 =	vmpcnt.ones.xlane vm2  }
0x628: {  	vm9 =	vmand vm11, vm8;
	v19 =	vmpcnt.ones.xlane vm3;
	v21 =	vsel vm3, $0x1, v1  }
0x629: {  	vm5 =	vgt.s32 v9, $0x0;
	vm4 =	vmmov vm6;
	v26 =	vadd.s32 v27, v16  }
0x62a: {  	v22 =	vnsel vm5, $0x0, v9;
	vm5 =	vgt.s32 v8, $0x0;
	v25, _, _ =	vpop (xrf0);
	v19 =	vadd.s32 v26, v19;
	v16 =	vld.idx.msk [tilespmem:v11+s10+$0x0], vm7  }
0x62b: {  	v29 =	vmpcnt.ones.xlane vm1;
	(xrf0) =	vadd.scan.msk.s32 $0xffff, v21;
	v30 =	vadd.s32 v19, v17;
	v21 =	vld.idx.msk [tilespmem:v13+s10+$0x0], vm13;
	v17, _, _ =	vpop (xrf0);
	vm6 =	vnez.u8 v28  }
0x62c: {  	vm10 =	vgt.s32 v10, v5;
	v25 =	vadd.s32 v25, v19;
	v31 =	vadd.s32 v17, v30  }
0x62d: {  	v19 =	vadd.s32 v30, v29;
	v29 =	vnsel vm5, $0x0, v8;
	v31 =	vadd.s32 $0xFFFFFFFF, v31;
	v17 =	vld.idx.msk [tilespmem:v12+s10+$0x0], vm0  }
0x62e: {  	vm5 =	vmmov vm13;
	vm13 =	vmmov vm2;
	v30 =	vadd.s32 $0xFFFFFFFF, v25;
	v25 =	vld.idx.msk [tilespmem:v14+s10+$0x0], vm12  }
0x62f: {  	vm8 =	vmmov vm12;
	vm10 =	vmand vm4, vm10;
	v10, _, _ =	vpop (xrf0)  }
0x630: {  	[tilespmem:v7+s18+$0x0] =	vst.idx.msk vm9, v29;
	v10 =	vadd.s32 v10, v27;
	v27 =	vshrl.u32 v21, $0x10;
	v28 =	vshrl.u32 v16, $0x10  }
0x631: {  	p1 =	sgt.s32 s24, $0x8;
	v29 =	vadd.s32 $0xFFFFFFFF, v10;
	v28 =	vand.u32 $0xFF, v28;
	v10 =	vand.u32 $0xFF, v27;
	[tilespmem:v15+s18+$0x0] =	vst.idx.msk vm6, v18;
	v18, _, _ =	vpop (xrf0)  }
.Ltmp63:
0x632: {  	[tilespmem:v31+s15+$0x0] =	vst.idx.msk vm1, v23;
	vm6 =	vgt.s32 v16, $0x0;
	v18 =	vadd.s32 v18, v26;
	v26 =	vshrl.u32 v17, $0x10;
	(pc) =	sbr.rel @!p1 .LBB2_112-.Ltmp63, $4  }
0x633: {  	v23 =	vshrl.u32 v25, $0x10;
	[tilespmem:v30+s15+$0x0] =	vst.idx.msk vm2, v24;
	vm2 =	veq.s32 v28, v5;
	v24 =	vand.u32 $0xFF, v26  }
0x634: {  	vm14 =	vmand vm7, vm2;
	v26 =	vand.u32 $0xFF, v23;
	[tilespmem:v30+s16+$0x0] =	vst.idx.msk vm13, v15;
	vm13 =	vmmov vm0  }
0x635: {  	s1 =	simm.s32 $0x80;
	[tilespmem:v31+s16+$0x0] =	vst.idx.msk vm1, v20;
	v30 =	vadd.s32 $0xFFFFFFFF, v18;
	vm11 =	veq.s32 v24, v5;
	v20 =	vsel vm14, $0x1, v1  }
0x636: {  	p0 =	por $0x1, $0x1;
	s3 =	simm.s32 $0x90A0;
	s0 =	simm.s32 $0x8;
	vm12 =	vgt.s32 v24, v5;
	vm9 =	veq.s32 v26, v5;
	vm0 =	vmand vm0, vm11;
	(xrf0) =	vadd.scan.msk.s32 $0xffff, v20;
	v18 =	vmovc v19  }
.LBB2_113:
0x637: {  	v20 =	vor.u32 s1, v0;
	s4 =	sadd.s32 $0x10, s1;
	s5 =	sadd.s32 $0x20, s1;
	vm11 =	vgt.s32 v28, v5;
	vm12 =	vmand vm13, vm12  }
0x638: {  	v15 =	vld [tilespmem:s3+$0xFFFFFFE0];
	s6 =	sadd.s32 $0x30, s1;
	[tilespmem:v6+s18+$0x0] =	vst.idx.msk vm10, v22;
	vm2 =	vmmov vm0;
	v22 =	vor.u32 s4, v0;
	v24 =	vor.u32 s5, v0  }
0x639: {  	s0 =	sadd.s32 $0x4, s0;
	v23 =	vld [tilespmem:s3+$0x0];
	v27 =	vor.u32 s6, v0;
	vm1 =	vmand vm7, vm11;
	vm11 =	vlt.s32 v20, v4  }
0x63a: {  	p1 =	slt.s32 s0, s24;
	vm7 =	vmmov vm14;
	vm10 =	vlt.s32 v22, v4;
	v31 =	vld [tilespmem:s3+$0x10];
	vm4 =	vlt.s32 v24, v4;
	[tilespmem:v29+s15+$0x0] =	vst.idx.msk vm15, v9  }
0x63b: {  	vm14 =	vgt.s32 v17, $0x0;
	vm13 =	vlt.s32 v27, v4;
	v22 =	vnsel vm6, $0x0, v16;
	v20 =	vld [tilespmem:s3+$0xFFFFFFF0];
	[tilespmem:v29+s16+$0x0] =	vst.idx.msk vm15, v6  }
0x63c: {  	vm6 =	vgt.s32 v26, v5;
	v9 =	vsel vm0, $0x1, v1;
	vm0 =	vgt.s32 v21, $0x0;
	v6 =	vmovc v13;
	[tilespmem:v30+s15+$0x0] =	vst.idx.msk vm3, v8  }
0x63d: {  	vm15 =	veq.s32 v10, v5;
	vm6 =	vmand vm8, vm6;
	v24, _, _ =	vpop (xrf0);
	(xrf0) =	vadd.scan.msk.s32 $0xffff, v9;
	[tilespmem:v30+s16+$0x0] =	vst.idx.msk vm3, v7  }
0x63e: {  	v27 =	vnsel vm14, $0x0, v17;
	v32 =	vmpcnt.ones.xlane vm7;
	vm15 =	vmand vm5, vm15;
	v13 =	vmovc v15;
	v7 =	vmovc v14  }
0x63f: {  	v8 =	vmovc v25;
	v28 =	vsel vm15, $0x1, v1;
	v26 =	vmpcnt.ones.xlane vm15;
	vm3 =	vmand vm8, vm9;
	v9 =	vmovc v21;
	[tilespmem:v12+s18+$0x0] =	vst.idx.msk vm12, v27  }
0x640: {  	v21 =	vsel vm3, $0x1, v1;
	v25 =	vmpcnt.ones.xlane vm3;
	[tilespmem:v11+s18+$0x0] =	vst.idx.msk vm1, v22;
	(xrf0) =	vadd.scan.msk.s32 $0xffff, v28;
	v14 =	vmovc v20  }
0x641: {  	vm8 =	vmmov vm10;
	v26 =	vadd.s32 v19, v26;
	v22 =	vnsel vm0, $0x0, v9;
	v27 =	vld.idx.msk [tilespmem:v23+s10+$0x0], vm4;
	(xrf0) =	vadd.scan.msk.s32 $0xffff, v21  }
0x642: {  	vm0 =	vgt.s32 v8, $0x0;
	v28 =	vmpcnt.ones.xlane vm2;
	v21 =	vld.idx.msk [tilespmem:v15+s10+$0x0], vm11;
	v15 =	vadd.s32 v26, v25  }
0x643: {  	v29 =	vnsel vm0, $0x0, v8;
	v30 =	vld.idx.msk [tilespmem:v31+s10+$0x0], vm13;
	v24 =	vadd.s32 v24, v15;
	v15 =	vadd.s32 v15, v32;
	v19, _, _ =	vpop (xrf0)  }
0x644: {  	v25 =	vld.idx.msk [tilespmem:v20+s10+$0x0], vm10;
	v20 =	vadd.s32 $0xFFFFFFFF, v24;
	v24 =	vadd.s32 v19, v15;
	v19 =	vadd.s32 v15, v28  }
0x645: {  	vm0 =	vmmov vm5;
	vm10 =	vgt.s32 v10, v5;
	[tilespmem:v7+s18+$0x0] =	vst.idx.msk vm6, v29;
	v15 =	vadd.s32 $0xFFFFFFFF, v24  }
0x646: {  	vm9 =	vmmov vm7;
	vm5 =	vmmov vm11;
	vm10 =	vmand vm0, vm10;
	v10, _, _ =	vpop (xrf0)  }
0x647: {  	vm6 =	vgt.s32 v27, $0x0;
	v28 =	vshrl.u32 v27, $0x10;
	v10 =	vadd.s32 v10, v18;
	v18, _, _ =	vpop (xrf0)  }
0x648: {  	v24 =	vshrl.u32 v21, $0x10;
	v28 =	vand.u32 $0xFF, v28;
	v32 =	vadd.s32 v18, v26;
	v18 =	vmovc v19  }
.Ltmp64:
0x649: {  	v26 =	vshrl.u32 v30, $0x10;
	v29 =	vadd.s32 $0xFFFFFFFF, v10;
	[tilespmem:v20+s15+$0x0] =	vst.idx.msk vm7, v16;
	vm7 =	vmmov vm4;
	v16 =	vmovc v27;
	(pc) =	sbr.rel @p1 .LBB2_113-.Ltmp64, $4  }
0x64a: {  	v10 =	vand.u32 $0xFF, v24;
	vm0 =	veq.s32 v28, v5;
	v24 =	vand.u32 $0xFF, v26;
	[tilespmem:v15+s15+$0x0] =	vst.idx.msk vm2, v17;
	v17 =	vmovc v30  }
0x64b: {  	v26 =	vshrl.u32 v25, $0x10;
	vm14 =	vmand vm4, vm0;
	vm0 =	veq.s32 v24, v5;
	[tilespmem:v15+s16+$0x0] =	vst.idx.msk vm2, v12;
	v12 =	vmovc v31  }
0x64c: {  	v26 =	vand.u32 $0xFF, v26;
	vm12 =	vgt.s32 v24, v5;
	v15 =	vsel vm14, $0x1, v1;
	[tilespmem:v20+s16+$0x0] =	vst.idx.msk vm9, v11;
	v11 =	vmovc v23  }
0x64d: {  	s1 =	sadd.s32 $0x40, s1;
	s3 =	sadd.s32 $0x40, s3;
	v30 =	vadd.s32 $0xFFFFFFFF, v32;
	vm0 =	vmand vm13, vm0;
	vm9 =	veq.s32 v26, v5;
	(xrf0) =	vadd.scan.msk.s32 $0xffff, v15  }
0x64e: {  	v33 =	vmov v6  }
0x64f: {  	v34 =	vmovc v9;
	v31 =	vmovc v8;
	v32 =	vmov v7;
	vm2 =	vmmov vm7;
	v24 =	vmov v16  }
0x650: {  	v23 =	vmovc v17;
	v6 =	vmovc v13;
	v9 =	vmov v21;
	v7 =	vmov v14;
	v20 =	vmov v12  }
0x651: {  	v8 =	vmovc v25;
	v15 =	vmovc v11;
	v27 =	vmov v19;
	vm11 =	vmmov vm8;
	vm4 =	vmmov vm3  }
.LBB2_115:
0x652: {  	_ =	sdelay $0x2  }
0x653: {  	v11 =	vsel vm0, $0x1, v1  }
0x654: {  	vm1 =	vmmov vm0;
	vm8 =	veq.s32 v10, v5;
	vm12 =	vmand vm13, vm12  }
0x655: {  	vm13 =	vgt.s32 v28, v5;
	[tilespmem:v33+s18+$0x0] =	vst.idx.msk @p0 vm10, v22;
	vm7 =	vmand vm11, vm9;
	v55 =	vmpcnt.ones.xlane vm14  }
0x656: {  	(xrf0) =	vadd.scan.msk.s32 $0xffff, v11;
	vm3 =	vmand vm5, vm8;
	vm0 =	vmand vm2, vm13;
	v13 =	vmpcnt.ones.xlane vm7  }
0x657: {  	[tilespmem:v29+s15+$0x0] =	vst.idx.msk @p0 vm15, v34;
	vm2 =	vgt.s32 v26, v5;
	v54 =	vmpcnt.ones.xlane vm3;
	v12 =	vsel vm3, $0x1, v1  }
0x658: {  	v16 =	vsel vm7, $0x1, v1;
	vm13 =	vgt.s32 v8, $0x0;
	vm8 =	vgt.s32 v10, v5;
	(xrf0) =	vadd.scan.msk.s32 $0xffff, v12  }
0x659: {  	[tilespmem:v29+s16+$0x0] =	vst.idx.msk @p0 vm15, v33;
	vm2 =	vmand vm11, vm2;
	vm15 =	vmmov vm5;
	v11 =	vadd.s32 v27, v54  }
0x65a: {  	v14, _, _ =	vpop (xrf0);
	v58 =	vnsel vm13, $0x0, v8;
	vm13 =	vmand vm15, vm8;
	(xrf0) =	vadd.scan.msk.s32 $0xffff, v16;
	v13 =	vadd.s32 v11, v13  }
0x65b: {  	[tilespmem:v30+s15+$0x0] =	vst.idx.msk @p0 vm4, v31;
	vm11 =	vgt.s32 v23, $0x0;
	v14 =	vadd.s32 v14, v13  }
0x65c: {  	[tilespmem:v30+s16+$0x0] =	vst.idx.msk @p0 vm4, v32;
	v57 =	vnsel vm11, $0x0, v23;
	v12 =	vadd.s32 v13, v55;
	v56, _, _ =	vpop (xrf0);
	v14 =	vadd.s32 $0xFFFFFFFF, v14  }
0x65d: {  	v17 =	vnsel vm6, $0x0, v24;
	[tilespmem:v20+s18+$0x0] =	vst.idx.msk vm12, v57;
	v13 =	vadd.s32 v56, v12  }
0x65e: {  	vm15 =	vgt.s32 v9, $0x0;
	[tilespmem:v15+s18+$0x0] =	vst.idx.msk vm0, v17;
	v13 =	vadd.s32 $0xFFFFFFFF, v13;
	v59, _, _ =	vpop (xrf0)  }
0x65f: {  	v62 =	vnsel vm15, $0x0, v9;
	[tilespmem:v7+s18+$0x0] =	vst.idx.msk vm2, v58;
	v60 =	vadd.s32 v59, v18  }
0x660: {  	[tilespmem:v6+s18+$0x0] =	vst.idx.msk vm13, v62;
	v61, _, _ =	vpop (xrf0);
	v10 =	vadd.s32 $0xFFFFFFFF, v60  }
0x661: {  	v11 =	vadd.s32 v61, v11;
	[tilespmem:v14+s15+$0x0] =	vst.idx.msk vm14, v24  }
0x662: {  	v11 =	vadd.s32 $0xFFFFFFFF, v11;
	[tilespmem:v14+s16+$0x0] =	vst.idx.msk vm14, v15  }
0x663: {  	[tilespmem:v13+s15+$0x0] =	vst.idx.msk vm1, v23  }
.Ltmp65:
0x664: {  	[tilespmem:v13+s16+$0x0] =	vst.idx.msk vm1, v20;
	(pc) =	sbr.rel .LBB2_98-.Ltmp65, $4  }
0x665: {  	[tilespmem:v10+s15+$0x0] =	vst.idx.msk vm3, v9  }
0x666: {  	v63 =	vmpcnt.ones.xlane vm1;
	[tilespmem:v10+s16+$0x0] =	vst.idx.msk vm3, v6  }
0x667: {  	[tilespmem:v11+s15+$0x0] =	vst.idx.msk vm7, v8  }
0x668: {  	vm12 =	vmmov vm14;
	v6 =	vadd.s32 v12, v63;
	[tilespmem:v11+s16+$0x0] =	vst.idx.msk vm7, v7  }
.LBB2_97:
0x669: {  	v6 =	vimm.s32 $0x0  }
.LBB2_98:
0x66a: {  	p0 =	slt.s32 s28, $0x1  }
.Ltmp66:
0x66b: {  	_ = 	snop;
	(pc) =	sbr.rel @p0 .LBB2_101-.Ltmp66, $1  }
0x66c: {  	_ =	sdelay $0x3  }
0x66d: {  	s0 =	sadd.s32 $0x9000, s29  }
.LBB2_100:
0x66e: {  	v7 =	vld [tilespmem:s0+$0x0]  }
0x66f: {  	v8 =	vor.u32 s25, v0  }
0x670: {  	vm0 =	vlt.s32 v8, v4;
	_ =	sdelay $0x5  }
0x671: {  	v8 =	vld.idx.msk [tilespmem:v7+s10+$0x0], vm0;
	_ =	sdelay $0x4  }
0x672: {  	v9 =	vshrl.u32 v8, $0x10  }
0x673: {  	v9 =	vand.u32 $0xFF, v9  }
0x674: {  	vm1 =	veq.s32 v9, v5  }
0x675: {  	vm1 =	vmand vm0, vm1  }
0x676: {  	v10 =	vsel vm1, $0x1, v1  }
0x677: {  	(xrf0) =	vadd.scan.msk.s32 $0xffff, v10;
	_ =	sdelay $0x4  }
0x678: {  	vm2 =	vgt.s32 v9, v5  }
0x679: {  	vm0 =	vmand vm0, vm2;
	v61, _, _ =	vpop (xrf0)  }
0x67a: {  	v9 =	vadd.s32 v61, v6  }
0x67b: {  	s24 =	sadd.s32 $0x1, s24;
	v9 =	vadd.s32 $0xFFFFFFFF, v9  }
0x67c: {  	p0 =	slt.s32 s24, s23  }
.Ltmp67:
0x67d: {  	vm15 =	vgt.s32 v8, $0x0;
	(pc) =	sbr.rel @p0 .LBB2_100-.Ltmp67, $4  }
0x67e: {  	v62 =	vnsel vm15, $0x0, v8  }
0x67f: {  	v63 =	vmpcnt.ones.xlane vm1;
	[tilespmem:v7+s18+$0x0] =	vst.idx.msk vm0, v62  }
0x680: {  	[tilespmem:v9+s15+$0x0] =	vst.idx.msk vm1, v8  }
0x681: {  	s0 =	sadd.s32 $0x10, s0;
	s25 =	sadd.s32 $0x10, s25;
	v6 =	vadd.s32 v6, v63;
	[tilespmem:v9+s16+$0x0] =	vst.idx.msk vm1, v7  }
.LBB2_101:
0x682: {  	v4 =	vxor.u32 $0x80000000, v6  }
0x683: {  	(xrf0) =	vmax.scan.msk.u32 $0xffff, v4;
	_ =	sdelay $0x5  }
0x684: {  	v4, _, _ =	vpop (xrf0)  }
0x685: {  	(v2sf) =	vpush v4, $0xF;
	_ =	sdelay $0xe  }
0x686: {  	s0 =	spop (v2sf)  }
0x687: {  	s1 =	sadd.s32 $0x8000000F, s0  }
0x688: {  	s4 =	sshll.u32 s22, $0x18;
	s0 =	sand.u32 $0xF, s1  }
0x689: {  	s3 =	sshra.s32 s1, $0x1F;
	p1 =	slt.s32 s1, $0x1;
	p0 =	sne.s32 s0, $0x0  }
.Ltmp68:
0x68a: {  	s3 =	sshrl.u32 s3, $0x1C;
	p0 =	por !p1, !p0;
	(pc) =	sbr.rel .LBB2_102-.Ltmp68, $4  }
0x68b: {  	s1 =	sadd.s32 s3, s1;
	s3 =	simm.s32 $0x1;
	p0 =	por !p0, !p0  }
0x68c: {  	s29 =	sxor.u32 $0x80000000, s4;
	s1 =	sshra.s32 s1, $0x4;
	s3 =	simm.s32 @!p0 $0x0  }
0x68d: {  	s0 =	ssub.s32 s26, s31;
	s31 =	sshll.u32 s30, $0x10;
	s1 =	ssub.s32 s1, s3  }
0x68e: {  	s5 =	sor.u32 s29, s31;
	s3 =	simm.s32 $0x0;
	p0 =	slt.s32 s1, $0x1  }
.LBB2_103:
0x68f: {  	v4 =	vimm.s32 $0x0  }
.LBB2_124:
0x690: {  	(xrf0) =	vadd.scan.msk.s32 $0xffff, v4;
	_ =	sdelay $0x5  }
0x691: {  	v4, _, _ =	vpop (xrf0)  }
0x692: {  	(v2sf) =	vpush v4, $0xF;
	_ =	sdelay $0xe  }
0x693: {  	s6 =	spop (v2sf)  }
0x694: {  	s3 =	sadd.s32 $0x1, s3;
	p1 =	slt.s32 s6, s0  }
0x695: {  	s4 =	smov.u32 @p1 s5;
	p1 =	seq.s32 s3, $0x10  }
.Ltmp69:
0x696: {  	_ = 	snop;
	(pc) =	sbr.rel @p1 .LBB2_116-.Ltmp69, $2  }
0x697: {  	_ =	sdelay $0x2  }
0x698: {  	s5 =	smov.u32 s4  }
.LBB2_102:
.Ltmp70:
0x699: {  	(pc) =	sbr.rel @p0 .LBB2_103-.Ltmp70, $3  }
0x69a: {  	_ =	sdelay $0x1  }
0x69b: {  	s4 =	sshrl.u32 s12, s3  }
0x69c: {  	s4 =	sor.u32 s4, s5  }
0x69d: {  	s6 =	simm.s32 $0xB000  }
0x69e: {  	p1 =	sne.s32 s1, $0x1;
	v7 =	vld [tilespmem:s6+$0x0]  }
.Ltmp71:
0x69f: {  	_ = 	snop;
	(pc) =	sbr.rel @!p1 .LBB2_123-.Ltmp71, $4  }
0x6a0: {  	_ = 	snop  }
0x6a1: {  	s6 =	simm.s32 $0x0  }
0x6a2: {  	v5 =	vmov s4;
	v8 =	vor.u32 s6, v0  }
0x6a3: {  	v4 =	vimm.s32 $0x0;
	s7 =	sadd.s32 $0xFFFFFFFF, s1;
	s11 =	simm.s32 $0xB010;
	vm0 =	vlt.s32 v8, v6;
	vm1 =	vge.s32 v7, v5  }
.LBB2_122:
0x6a4: {  	v7 =	vld [tilespmem:s11+$0x0];
	p1 =	sne.s32 s7, $0x1;
	s7 =	sadd.s32 $0xFFFFFFFF, s7;
	vm0 =	vmand vm0, vm1  }
.Ltmp72:
0x6a5: {  	v8 =	vsel vm0, $0x1, v1;
	(pc) =	sbr.rel @p1 .LBB2_122-.Ltmp72, $4  }
0x6a6: {  	v4 =	vadd.s32 v8, v4  }
0x6a7: {  	s6 =	sadd.s32 $0x10, s6  }
0x6a8: {  	v8 =	vor.u32 s6, v0  }
0x6a9: {  	s11 =	sadd.s32 $0x10, s11;
	vm0 =	vlt.s32 v8, v6;
	vm1 =	vge.s32 v7, v5  }
.LBB2_123:
.Ltmp73:
0x6aa: {  	(pc) =	sbr.rel .LBB2_124-.Ltmp73, $4  }
0x6ab: {  	_ = 	snop  }
0x6ac: {  	vm0 =	vmand vm0, vm1  }
0x6ad: {  	v5 =	vsel vm0, $0x1, v1  }
0x6ae: {  	v4 =	vadd.s32 v5, v4  }
.LBB2_116:
.Ltmp74:
0x6af: {  	(pc) =	sbr.rel @p0 .LBB2_129-.Ltmp74, $1  }
0x6b0: {  	_ =	sdelay $0x3  }
0x6b1: {  	s31 =	simm.s32 $0xB000  }
0x6b2: {  	p1 =	sne.s32 s1, $0x1;
	v7 =	vld [tilespmem:s31+$0x0]  }
.Ltmp75:
0x6b3: {  	_ = 	snop;
	(pc) =	sbr.rel @!p1 .LBB2_119-.Ltmp75, $4  }
0x6b4: {  	_ = 	snop  }
0x6b5: {  	s3 =	simm.s32 $0x0  }
0x6b6: {  	v4 =	vmov s4;
	v8 =	vor.u32 s3, v0  }
0x6b7: {  	v5 =	vimm.s32 $0x0;
	s4 =	sadd.s32 $0xFFFFFFFF, s1;
	s5 =	simm.s32 $0xB010;
	vm0 =	vlt.s32 v8, v6;
	vm1 =	vgt.s32 v7, v4  }
.LBB2_118:
0x6b8: {  	v7 =	vld [tilespmem:s5+$0x0];
	p0 =	sne.s32 s4, $0x1;
	s4 =	sadd.s32 $0xFFFFFFFF, s4;
	vm0 =	vmand vm0, vm1  }
.Ltmp76:
0x6b9: {  	v8 =	vsel vm0, $0x1, v1;
	(pc) =	sbr.rel @p0 .LBB2_118-.Ltmp76, $4  }
0x6ba: {  	v5 =	vadd.s32 v8, v5  }
0x6bb: {  	s3 =	sadd.s32 $0x10, s3  }
0x6bc: {  	v8 =	vor.u32 s3, v0  }
0x6bd: {  	s5 =	sadd.s32 $0x10, s5;
	vm0 =	vlt.s32 v8, v6;
	vm1 =	vgt.s32 v7, v4  }
.LBB2_119:
0x6be: {  	vm0 =	vmand vm0, vm1  }
0x6bf: {  	v7 =	vsel vm0, $0x1, v1  }
0x6c0: {  	v5 =	vadd.s32 v7, v5  }
0x6c1: {  	(xrf0) =	vadd.scan.msk.s32 $0xffff, v5;
	_ =	sdelay $0x5  }
0x6c2: {  	v5, _, _ =	vpop (xrf0)  }
0x6c3: {  	(v2sf) =	vpush v5, $0xF;
	_ =	sdelay $0xc  }
.Ltmp77:
0x6c4: {  	_ = 	snop;
	(pc) =	sbr.rel @!p1 .LBB2_120-.Ltmp77, $4  }
0x6c5: {  	_ = 	snop  }
0x6c6: {  	s4 =	simm.s32 $0xB000;
	s3 =	spop (v2sf)  }
0x6c7: {  	s1 =	sadd.s32 $0xFFFFFFFF, s1;
	v7 =	vld [tilespmem:s4+$0x0];
	s3 =	ssub.s32 s0, s3  }
0x6c8: {  	v8 =	vimm.s32 $0x0;
	p0 =	por $0x0, $0x0;
	s0 =	simm.s32 $0xD000;
	v5 =	vmov s3;
	s3 =	simm.s32 $0x0  }
0x6c9: {  	_ =	sdelay $0x1  }
0x6ca: {  	v9 =	vor.u32 s3, v0  }
0x6cb: {  	vm0 =	vlt.s32 v9, v6;
	vm1 =	veq.s32 v7, v4  }
0x6cc: {  	vm1 =	vmand vm0, vm1  }
0x6cd: {  	v9 =	vsel vm1, $0x1, v1  }
0x6ce: {  	(xrf0) =	vadd.scan.msk.s32 $0xffff, v9;
	_ =	sdelay $0x5  }
0x6cf: {  	v9, _, _ =	vpop (xrf0)  }
0x6d0: {  	v9 =	vadd.s32 v8, v9  }
0x6d1: {  	v10 =	vld [tilespmem:s0+$0x0];
	vm3 =	vgt.s32 v7, v4;
	vm2 =	vle.s32 v9, v5  }
0x6d2: {  	vm0 =	vmand vm0, vm3;
	vm2 =	vmand vm1, vm2  }
0x6d3: {  	vm0 =	vmor vm0, vm2;
	_ =	sdelay $0x2  }
0x6d4: {  	p1 =	sne.s32 s1, $0x1  }
.Ltmp78:
0x6d5: {  	vm15 =	vgt.s32 v7, $0x0;
	v9 =	vmpcnt.ones.xlane vm1;
	(pc) =	sbr.rel @!p1 .LBB2_126-.Ltmp78, $4  }
0x6d6: {  	v7 =	vnsel vm15, $0x0, v7  }
0x6d7: {  	s5 =	simm.s32 $0xB010;
	[tilespmem:v10+s18+$0x0] =	vst.idx.msk vm0, v7  }
0x6d8: {  	s6 =	sadd.s32 $0xFFFFFFFF, s1;
	v8 =	vadd.s32 v8, v9;
	v7 =	vld [tilespmem:s5+$0x0]  }
0x6d9: {  	p0 =	por $0x1, $0x1;
	s4 =	simm.s32 $0x0;
	s1 =	simm.s32 $0xD000;
	v9 =	vmov v8  }
.LBB2_127:
0x6da: {  	p1 =	sne.s32 s6, $0x1;
	_ =	sdelay $0x1  }
0x6db: {  	s4 =	sadd.s32 $0x10, s4  }
0x6dc: {  	v10 =	vor.u32 s4, v0  }
0x6dd: {  	vm1 =	veq.s32 v7, v4;
	vm0 =	vlt.s32 v10, v6  }
0x6de: {  	vm1 =	vmand vm0, vm1  }
0x6df: {  	v10 =	vsel vm1, $0x1, v1;
	v11 =	vmpcnt.ones.xlane vm1  }
0x6e0: {  	(xrf0) =	vadd.scan.msk.s32 $0xffff, v10  }
0x6e1: {  	v9 =	vadd.s32 v9, v11;
	_ =	sdelay $0x4  }
0x6e2: {  	v10, _, _ =	vpop (xrf0)  }
0x6e3: {  	s1 =	sadd.s32 $0x10, s1;
	v10 =	vadd.s32 v8, v10;
	v8 =	vmov v9  }
0x6e4: {  	vm3 =	vgt.s32 v7, v4;
	v11 =	vld [tilespmem:s1+$0x0];
	vm2 =	vle.s32 v10, v5  }
0x6e5: {  	vm0 =	vmand vm0, vm3;
	vm1 =	vmand vm1, vm2  }
0x6e6: {  	vm0 =	vmor vm0, vm1;
	_ =	sdelay $0x2  }
.Ltmp79:
0x6e7: {  	(pc) =	sbr.rel @p1 .LBB2_127-.Ltmp79, $4  }
0x6e8: {  	vm1 =	vgt.s32 v7, $0x0  }
0x6e9: {  	v7 =	vnsel vm1, $0x0, v7  }
0x6ea: {  	s5 =	sadd.s32 $0x10, s5;
	[tilespmem:v11+s18+$0x0] =	vst.idx.msk vm0, v7  }
0x6eb: {  	s6 =	sadd.s32 $0xFFFFFFFF, s6;
	v7 =	vld [tilespmem:s5+$0x0]  }
.Ltmp80:
0x6ec: {  	_ = 	snop;
	(pc) =	sbr.rel .LBB2_128-.Ltmp80, $1  }
0x6ed: {  	_ =	sdelay $0x3  }
.LBB2_8:
.Ltmp81:
0x6ee: {  	(pc) =	sbr.rel .LBB2_20-.Ltmp81, $4  }
0x6ef: {  	p4 =	por $0x0, $0x0  }
0x6f0: {  	s0 =	simm.s32 @!p4 $0x0  }
0x6f1: {  	s1 =	smov.u32 s24;
	s5 =	simm.s32 $0x0;
	s0 =	simm.s32 @p4 $0x1  }
0x6f2: {  	s7 =	smov.u32 s23;
	[smem:$0x7FD] =	sst s0;
	s0 =	simm.s32 $0x0  }
.LBB2_72:
.Ltmp82:
0x6f3: {  	(pc) =	sbr.rel .LBB2_84-.Ltmp82, $4  }
0x6f4: {  	p4 =	por $0x0, $0x0  }
0x6f5: {  	s0 =	simm.s32 @!p4 $0x0  }
0x6f6: {  	s1 =	smov.u32 s24;
	s5 =	simm.s32 $0x0;
	s0 =	simm.s32 @p4 $0x1  }
0x6f7: {  	s7 =	smov.u32 s23;
	[smem:$0x7F9] =	sst s0;
	s0 =	simm.s32 $0x0  }
.LBB2_10:
.Ltmp83:
0x6f8: {  	(pc) =	sbr.rel .LBB2_20-.Ltmp83, $4  }
0x6f9: {  	p4 =	por $0x0, $0x0  }
0x6fa: {  	s0 =	simm.s32 @!p4 $0x0  }
0x6fb: {  	s1 =	smov.u32 s24;
	s5 =	simm.s32 $0x0;
	s0 =	simm.s32 @p4 $0x1  }
0x6fc: {  	s7 =	smov.u32 s23;
	[smem:$0x7FD] =	sst s0;
	s0 =	simm.s32 $0x0  }
.LBB2_74:
.Ltmp84:
0x6fd: {  	(pc) =	sbr.rel .LBB2_84-.Ltmp84, $4  }
0x6fe: {  	p4 =	por $0x0, $0x0  }
0x6ff: {  	s0 =	simm.s32 @!p4 $0x0  }
0x700: {  	s1 =	smov.u32 s24;
	s5 =	simm.s32 $0x0;
	s0 =	simm.s32 @p4 $0x1  }
0x701: {  	s7 =	smov.u32 s23;
	[smem:$0x7F9] =	sst s0;
	s0 =	simm.s32 $0x0  }
.LBB2_12:
.Ltmp85:
0x702: {  	(pc) =	sbr.rel .LBB2_20-.Ltmp85, $4  }
0x703: {  	p4 =	por $0x0, $0x0  }
0x704: {  	s0 =	simm.s32 @!p4 $0x0  }
0x705: {  	s1 =	smov.u32 s24;
	s5 =	simm.s32 $0x0;
	s0 =	simm.s32 @p4 $0x1  }
0x706: {  	s7 =	smov.u32 s23;
	[smem:$0x7FD] =	sst s0;
	s0 =	simm.s32 $0x0  }
.LBB2_76:
.Ltmp86:
0x707: {  	(pc) =	sbr.rel .LBB2_84-.Ltmp86, $4  }
0x708: {  	p4 =	por $0x0, $0x0  }
0x709: {  	s0 =	simm.s32 @!p4 $0x0  }
0x70a: {  	s1 =	smov.u32 s24;
	s5 =	simm.s32 $0x0;
	s0 =	simm.s32 @p4 $0x1  }
0x70b: {  	s7 =	smov.u32 s23;
	[smem:$0x7F9] =	sst s0;
	s0 =	simm.s32 $0x0  }
.LBB2_14:
.Ltmp87:
0x70c: {  	(pc) =	sbr.rel .LBB2_20-.Ltmp87, $4  }
0x70d: {  	p4 =	por $0x0, $0x0  }
0x70e: {  	s0 =	simm.s32 @!p4 $0x0  }
0x70f: {  	s1 =	smov.u32 s24;
	s5 =	simm.s32 $0x0;
	s0 =	simm.s32 @p4 $0x1  }
0x710: {  	s7 =	smov.u32 s23;
	[smem:$0x7FD] =	sst s0;
	s0 =	simm.s32 $0x0  }
.LBB2_78:
.Ltmp88:
0x711: {  	(pc) =	sbr.rel .LBB2_84-.Ltmp88, $4  }
0x712: {  	p4 =	por $0x0, $0x0  }
0x713: {  	s0 =	simm.s32 @!p4 $0x0  }
0x714: {  	s1 =	smov.u32 s24;
	s5 =	simm.s32 $0x0;
	s0 =	simm.s32 @p4 $0x1  }
0x715: {  	s7 =	smov.u32 s23;
	[smem:$0x7F9] =	sst s0;
	s0 =	simm.s32 $0x0  }
.LBB2_16:
.Ltmp89:
0x716: {  	(pc) =	sbr.rel .LBB2_20-.Ltmp89, $4  }
0x717: {  	p4 =	por $0x0, $0x0  }
0x718: {  	s1 =	smov.u32 s24;
	s0 =	simm.s32 @!p4 $0x0  }
0x719: {  	s5 =	simm.s32 $0x0;
	s6 =	smov.u32 s4;
	s0 =	simm.s32 @p4 $0x1  }
0x71a: {  	s7 =	smov.u32 s23;
	[smem:$0x7FD] =	sst s0;
	s0 =	simm.s32 $0x0  }
0x71b: {  	_ = 	snop  }
.LBB2_80:
.Ltmp90:
0x71c: {  	(pc) =	sbr.rel .LBB2_84-.Ltmp90, $4  }
0x71d: {  	p4 =	por $0x0, $0x0  }
0x71e: {  	s1 =	smov.u32 s24;
	s0 =	simm.s32 @!p4 $0x0  }
0x71f: {  	s5 =	simm.s32 $0x0;
	s6 =	smov.u32 s4;
	s0 =	simm.s32 @p4 $0x1  }
0x720: {  	s7 =	smov.u32 s23;
	[smem:$0x7F9] =	sst s0;
	s0 =	simm.s32 $0x0  }
0x721: {  	_ = 	snop  }
.LBB2_18:
.Ltmp91:
0x722: {  	(pc) =	sbr.rel .LBB2_20-.Ltmp91, $2  }
0x723: {  	_ =	sdelay $0x2  }
0x724: {  	s1 =	smov.u32 s24  }
.LBB2_82:
.Ltmp92:
0x725: {  	(pc) =	sbr.rel .LBB2_84-.Ltmp92, $2  }
0x726: {  	_ =	sdelay $0x2  }
0x727: {  	s1 =	smov.u32 s24  }
.LBB2_26:
.Ltmp93:
0x728: {  	(pc) =	sbr.rel .LBB2_42-.Ltmp93, $2  }
0x729: {  	_ =	sdelay $0x2  }
0x72a: {  	_ = 	snop  }
.LBB2_46:
.Ltmp94:
0x72b: {  	(pc) =	sbr.rel .LBB2_51-.Ltmp94, $2  }
0x72c: {  	_ =	sdelay $0x2  }
0x72d: {  	v18 =	vimm.s32 $0x0  }
.LBB2_56:
.Ltmp95:
0x72e: {  	(pc) =	sbr.rel .LBB2_64-.Ltmp95, $2  }
0x72f: {  	_ =	sdelay $0x2  }
0x730: {  	s4 =	simm.s32 $0x0;
	s1 =	simm.s32 $0xD000  }
.LBB2_90:
.Ltmp96:
0x731: {  	(pc) =	sbr.rel .LBB2_106-.Ltmp96, $2  }
0x732: {  	_ =	sdelay $0x2  }
0x733: {  	_ = 	snop  }
.LBB2_110:
.Ltmp97:
0x734: {  	(pc) =	sbr.rel .LBB2_115-.Ltmp97, $2  }
0x735: {  	_ =	sdelay $0x2  }
0x736: {  	v18 =	vimm.s32 $0x0  }
.LBB2_48:
.Ltmp98:
0x737: {  	(pc) =	sbr.rel .LBB2_51-.Ltmp98, $4  }
0x738: {  	v33 =	vmov v6;
	v34 =	vmov v9  }
0x739: {  	v31 =	vmovc v8;
	v32 =	vmovc v7;
	vm2 =	vmmov vm7;
	v24 =	vmov v16;
	v23 =	vmov v17  }
0x73a: {  	v6 =	vmovc v13;
	v9 =	vmovc v21;
	v7 =	vmov v14;
	v20 =	vmov v12;
	v8 =	vmov v25  }
0x73b: {  	v15 =	vmovc v11;
	v27 =	vmovc v19;
	v18 =	vmov v19;
	vm11 =	vmmov vm8;
	vm4 =	vmmov vm3  }
.LBB2_62:
.Ltmp99:
0x73c: {  	(pc) =	sbr.rel .LBB2_64-.Ltmp99, $2  }
0x73d: {  	_ =	sdelay $0x2  }
0x73e: {  	s4 =	simm.s32 $0x0;
	s1 =	simm.s32 $0xD000  }
.LBB2_112:
.Ltmp100:
0x73f: {  	(pc) =	sbr.rel .LBB2_115-.Ltmp100, $4  }
0x740: {  	v33 =	vmov v6;
	v34 =	vmov v9  }
0x741: {  	v31 =	vmovc v8;
	v32 =	vmovc v7;
	vm2 =	vmmov vm7;
	v24 =	vmov v16;
	v23 =	vmov v17  }
0x742: {  	v6 =	vmovc v13;
	v9 =	vmovc v21;
	v7 =	vmov v14;
	v20 =	vmov v12;
	v8 =	vmov v25  }
0x743: {  	v15 =	vmovc v11;
	v27 =	vmovc v19;
	v18 =	vmov v19;
	vm11 =	vmmov vm8;
	vm4 =	vmmov vm3  }
.LBB2_126:
.Ltmp101:
0x744: {  	(pc) =	sbr.rel .LBB2_128-.Ltmp101, $2  }
0x745: {  	_ =	sdelay $0x2  }
0x746: {  	s4 =	simm.s32 $0x0;
	s1 =	simm.s32 $0xD000  }
.LBB2_130:
0x747: {  	_ =	sfence.sel $0x180000  }
0x748: {  	[bflag:$0x0] =	sbarrier.arrive $0xFFFF  }
0x749: {  	_ =	strace $0x90000047  }
0x74a: {  	s0 =	stileid.u32;
	[bflag:$0x2] =	sbarrier.arrive $0xFFFF  }
0x74b: {  	p0 =	sne.s32 s0, $0x0;
	s0 =	rddreg [dreg:$0x2]  }
0x74c: {  	s0 =	sadd.s32 @!p0 $0x100000, s0  }
0x74d: {  	[sflag:s0] =	ssyncadd.tile.s32 @!p0 $0x1;
	_ =	shalt  }
.Lfunc_end2:
_tile_overlayer_lowered:
.L_overlay_start_2:
0x74e: {  	(tag) =	ssettag $0x2  }
0x74f: {  	s0 =	rddreg [dreg:$0x0];
	s2 =	stileid.u32  }
0x750: {  	s1 =	rddreg [dreg:$0x1];
	p0 =	sne.s32 s2, $0x0  }
0x751: {  	s3 =	rddreg [dreg:$0x2];
	[bflag:$0x3] =	sbarrier.arrive $0xFFFF;
	s2 =	simm.s32 @!p0 $0x1C04  }
0x752: {  	[timem:s3], [sflag:s2] =	dma.local @!p0 [hbm:s0], s1  }
0x753: {  	s0 =	simm.s32 @!p0 $0x4  }
0x754: {  	_ =	swait.ge @!p0 [sflag:s0], s1  }
0x755: {  	s1 =	ssub.s32 @!p0 $0x0, s1;
	[sflag:s0] =	ssyncset.done @!p0 $0x0  }
0x756: {  	[sflag:s0] =	ssyncadd.s32 @!p0 s1  }
0x757: {  	[bflag:$0x3] =	sbarrier.arrive $0xFFFF  }
0x758: {  	_ =	shalt  }

</sc_bundles>
